<compile_context>
chip_gen: v7x
topology: tpu7x:2x2x1
jax: 0.10.2.dev20260603
libtpu: 0.0.44.dev20260713+nightly
codegen_flags: <defaults>
</compile_context>

<pallas_src>
import dataclasses

import jax
import jax.numpy as jnp
from jax import lax
from jax.experimental import pallas as pl
from jax.experimental.pallas import tpu as pltpu
from jax.experimental.pallas import tpu_sc as plsc

_VOCAB = 1000
_VPAD = 1024
_DIM = 128
_HIST = 200
_NC = 2
_NS = 16
_L = 16
_NW = _NC * _NS
_G = 16
_MB = 1024


def _hist_body(idx_hbm, counts_hbm, idx_bufs, bins_bufs, sems_in, sems_out):
    n_groups = idx_hbm.shape[0] // _NW
    wid = lax.axis_index("s") * _NC + lax.axis_index("c")
    gbase = wid * n_groups
    ones = jnp.ones((_L,), jnp.float32)
    zeros = jnp.zeros((_L,), jnp.float32)

    def row0(g):
        return (gbase + g) * _G

    def out_dma(g, bins_v, sem_out, wait):
        for r in range(_G):
            cp = pltpu.make_async_copy(
                bins_v.at[pl.ds(r * _VPAD, _VPAD)],
                counts_hbm.at[row0(g) + r],
                sem_out,
            )
            cp.wait() if wait else cp.start()

    for bb in range(2):
        @pl.loop(0, _G * _VPAD, step=_L, unroll=8)
        def _zero(i, _bins=bins_bufs[bb]):
            _bins[pl.ds(i, _L)] = zeros

    pltpu.async_copy(idx_hbm.at[gbase], idx_bufs[0], sems_in[0])
    pltpu.async_copy(idx_hbm.at[gbase + 1], idx_bufs[1], sems_in[1])

    def body(g, ib, bb):
        idx_v, sem_in = idx_bufs[ib], sems_in[ib]
        idx_prev = idx_bufs[(ib + 2) % 4]
        bins_v, sem_out = bins_bufs[bb], sems_out[bb]
        ib_next = (ib + 2) % 4

        @pl.when(g >= 2)
        def _retire():
            out_dma(g - 2, bins_v, sem_out, wait=True)

            @pl.loop(0, _HIST, unroll=8)
            def _scatter_zero(t):
                idxs = idx_prev[pl.ds(t * _G, _G)]
                plsc.store_scatter(bins_v, [idxs], zeros)

        @pl.when(g + 2 < n_groups)
        def _prefetch():
            pltpu.async_copy(
                idx_hbm.at[gbase + g + 2],
                idx_bufs[ib_next],
                sems_in[ib_next],
            )

        pltpu.make_async_copy(idx_hbm.at[gbase + g], idx_v, sem_in).wait()

        @pl.loop(0, _HIST, unroll=8)
        def _scatter(t):
            idxs = idx_v[pl.ds(t * _G, _G)]
            plsc.addupdate_scatter(bins_v, [idxs], ones)

        out_dma(g, bins_v, sem_out, wait=False)

    @pl.loop(0, n_groups, step=4)
    def _group(g):
        body(g, 0, 0)
        body(g + 1, 1, 1)
        body(g + 2, 2, 0)
        body(g + 3, 3, 1)

    out_dma(n_groups - 2, bins_bufs[0], sems_out[0], wait=True)
    out_dma(n_groups - 1, bins_bufs[1], sems_out[1], wait=True)


def _mm_body(cnt_ref, ehi_ref, elo_ref, out_ref):
    cb = cnt_ref[...].astype(jnp.bfloat16)
    r = jnp.dot(cb, ehi_ref[...], preferred_element_type=jnp.float32)
    r = r + jnp.dot(cb, elo_ref[...], preferred_element_type=jnp.float32)
    out_ref[...] = jnp.maximum(r * (1.0 / _HIST), 0.0)


def kernel(artists_batch, embedding_weight):
    batch = artists_batch.shape[0]

    lane_bias = (jnp.arange(_G, dtype=jnp.int32) * _VPAD)[None, :, None]
    idx_t = (
        (artists_batch.reshape(batch // _G, _G, _HIST) + lane_bias)
        .transpose(0, 2, 1)
        .reshape(batch // _G, _HIST * _G)
    )

    sc_params = pltpu.CompilerParams()
    if "needs_layout_passes" in pltpu.CompilerParams.__dataclass_fields__:
        sc_params = dataclasses.replace(sc_params, needs_layout_passes=False)
    mesh = plsc.VectorSubcoreMesh(core_axis_name="c", subcore_axis_name="s")
    counts = pl.kernel(
        _hist_body,
        out_type=jax.ShapeDtypeStruct((batch, _VPAD), jnp.float32),
        mesh=mesh,
        scratch_types=[
            [pltpu.VMEM((_HIST * _G,), jnp.int32) for _ in range(4)],
            [pltpu.VMEM((_G * _VPAD,), jnp.float32) for _ in range(2)],
            [pltpu.SemaphoreType.DMA for _ in range(4)],
            [pltpu.SemaphoreType.DMA for _ in range(2)],
        ],
        compiler_params=sc_params,
    )(idx_t)

    ew = jnp.pad(embedding_weight, ((0, _VPAD - _VOCAB), (0, 0)))
    ehi = ew.astype(jnp.bfloat16)
    elo = (ew - ehi.astype(jnp.float32)).astype(jnp.bfloat16)
    return pl.pallas_call(
        _mm_body,
        grid=(batch // _MB,),
        in_specs=[
            pl.BlockSpec((_MB, _VPAD), lambda i: (i, 0)),
            pl.BlockSpec((_VPAD, _DIM), lambda i: (0, 0)),
            pl.BlockSpec((_VPAD, _DIM), lambda i: (0, 0)),
        ],
        out_specs=pl.BlockSpec((_MB, _DIM), lambda i: (i, 0)),
        out_shape=jax.ShapeDtypeStruct((batch, _DIM), jnp.float32),
    )(counts, ehi, elo)

# --- scband reference (transcript-rebuilt; emitter-appended) ---
"""Pipeline reference for scband-artist-encoder-17248588661400 (READ-ONLY COPY).

The authoritative reference and input builder live on the scoring server;
editing this copy changes nothing except your own understanding.
"""

import jax, jax.numpy as jnp
import numpy as np

VOCAB = 1000
EMBED_DIM = 128
BATCH = 16384
HIST = 200

def setup_inputs(seed: int = 0) -> dict:
    key = jax.random.key(seed)
    k1, k2 = jax.random.split(key)
    artists_batch = jax.random.randint(k1, (BATCH, HIST), 0, VOCAB, dtype=jnp.int32)
    embedding_weight = jax.random.normal(k2, (VOCAB, EMBED_DIM), dtype=jnp.float32)
    return {"artists_batch": artists_batch, "embedding_weight": embedding_weight}

def reference(artists_batch, embedding_weight):
    # Faithful translation of ArtistEncoder.forward: embedding lookup over the
    # (already-padded) index matrix, mean-pool over the history axis, ReLU.
    emb = jnp.take(embedding_weight, artists_batch, axis=0)  # [B, L, D] gather
    emb_mean = emb.mean(axis=1)                              # [B, D]
    return jax.nn.relu(emb_mean)

if __name__ == "__main__":
    import jax
    _d = setup_inputs()
    print(jax.jit(kernel)(*tuple(_d.values())))

</pallas_src>

<mosaic_0001>
#map = affine_map<(d0, d1) -> (0, 0)>
module attributes {stable_mosaic.version = 14 : i64} {
  func.func @_hist_body(%arg0: i32, %arg1: i32, %arg2: memref<1024x3200xi32, #tpu.memory_space<hbm>>, %arg3: memref<16384x1024xf32, #tpu.memory_space<hbm>>, %arg4: memref<3200xi32, #tpu.memory_space<vmem>>, %arg5: memref<3200xi32, #tpu.memory_space<vmem>>, %arg6: memref<3200xi32, #tpu.memory_space<vmem>>, %arg7: memref<3200xi32, #tpu.memory_space<vmem>>, %arg8: memref<16384xf32, #tpu.memory_space<vmem>>, %arg9: memref<16384xf32, #tpu.memory_space<vmem>>, %arg10: memref<!tpu.dma_semaphore, #tpu.memory_space<semaphore_mem>>, %arg11: memref<!tpu.dma_semaphore, #tpu.memory_space<semaphore_mem>>, %arg12: memref<!tpu.dma_semaphore, #tpu.memory_space<semaphore_mem>>, %arg13: memref<!tpu.dma_semaphore, #tpu.memory_space<semaphore_mem>>, %arg14: memref<!tpu.dma_semaphore, #tpu.memory_space<semaphore_mem>>, %arg15: memref<!tpu.dma_semaphore, #tpu.memory_space<semaphore_mem>>) attributes {dimension_semantics = [#tpu.dimension_semantics<core_parallel>, #tpu.dimension_semantics<subcore_parallel>], iteration_bounds = array<i64: 2, 16>, scalar_prefetch = 0 : i64, scratch_operands = 12 : i64, tpu.core_type = #tpu.core_type<sc_vector_subcore>, window_params = [{transform_indices = #map}, {transform_indices = #map}]} {
    %mul3A = arith.constant 2 : i32
    %mul3A_0 = arith.muli %arg1, %mul3A : i32
    %add3A = arith.addi %mul3A_0, %arg0 : i32
    %mul3A_1 = arith.constant 32 : i32
    %mul3A_2 = arith.muli %add3A, %mul3A_1 : i32
    %broadcast_in_dim3A = arith.constant 1.000000e+00 : f32
    %broadcast_in_dim3A_3 = vector.broadcast %broadcast_in_dim3A : f32 to vector<16xf32>
    %broadcast_in_dim3A_4 = arith.constant 0.000000e+00 : f32
    %broadcast_in_dim3A_5 = vector.broadcast %broadcast_in_dim3A_4 : f32 to vector<16xf32>
    %scan3A = arith.constant 0 : i32
    %scan3A_6 = arith.constant 1024 : i32
    %scan3A_7 = arith.addi %scan3A, %scan3A_6 : i32
    %scan3A_8 = arith.constant 8 : i32
    scf.for %scan3A_544 = %scan3A to %scan3A_7 step %scan3A_8  : i32 {
      %mul3A_545 = arith.constant 16 : i32
      %mul3A_546 = arith.muli %scan3A_544, %mul3A_545 : i32
      %add3A_547 = arith.constant 0 : i32
      %add3A_548 = arith.addi %add3A_547, %mul3A_546 : i32
      %swap3A = arith.index_cast %add3A_548 : i32 to index
      %swap3A_549 = tpu.vector_load %arg8[%swap3A] {strides = array<i32>} : memref<16384xf32, #tpu.memory_space<vmem>>, vector<16xf32>,
      tpu.vector_store %arg8[%swap3A], %broadcast_in_dim3A_5 {strides = array<i32>} : memref<16384xf32, #tpu.memory_space<vmem>>, vector<16xf32>,
      %scan3A_550 = arith.constant 1 : i32
      %scan3A_551 = arith.addi %scan3A_544, %scan3A_550 : i32
      %mul3A_552 = arith.constant 16 : i32
      %mul3A_553 = arith.muli %scan3A_551, %mul3A_552 : i32
      %add3A_554 = arith.constant 0 : i32
      %add3A_555 = arith.addi %add3A_554, %mul3A_553 : i32
      %swap3A_556 = arith.index_cast %add3A_555 : i32 to index
      %swap3A_557 = tpu.vector_load %arg8[%swap3A_556] {strides = array<i32>} : memref<16384xf32, #tpu.memory_space<vmem>>, vector<16xf32>,
      tpu.vector_store %arg8[%swap3A_556], %broadcast_in_dim3A_5 {strides = array<i32>} : memref<16384xf32, #tpu.memory_space<vmem>>, vector<16xf32>,
      %scan3A_558 = arith.constant 2 : i32
      %scan3A_559 = arith.addi %scan3A_544, %scan3A_558 : i32
      %mul3A_560 = arith.constant 16 : i32
      %mul3A_561 = arith.muli %scan3A_559, %mul3A_560 : i32
      %add3A_562 = arith.constant 0 : i32
      %add3A_563 = arith.addi %add3A_562, %mul3A_561 : i32
      %swap3A_564 = arith.index_cast %add3A_563 : i32 to index
      %swap3A_565 = tpu.vector_load %arg8[%swap3A_564] {strides = array<i32>} : memref<16384xf32, #tpu.memory_space<vmem>>, vector<16xf32>,
      tpu.vector_store %arg8[%swap3A_564], %broadcast_in_dim3A_5 {strides = array<i32>} : memref<16384xf32, #tpu.memory_space<vmem>>, vector<16xf32>,
      %scan3A_566 = arith.constant 3 : i32
      %scan3A_567 = arith.addi %scan3A_544, %scan3A_566 : i32
      %mul3A_568 = arith.constant 16 : i32
      %mul3A_569 = arith.muli %scan3A_567, %mul3A_568 : i32
      %add3A_570 = arith.constant 0 : i32
      %add3A_571 = arith.addi %add3A_570, %mul3A_569 : i32
      %swap3A_572 = arith.index_cast %add3A_571 : i32 to index
      %swap3A_573 = tpu.vector_load %arg8[%swap3A_572] {strides = array<i32>} : memref<16384xf32, #tpu.memory_space<vmem>>, vector<16xf32>,
      tpu.vector_store %arg8[%swap3A_572], %broadcast_in_dim3A_5 {strides = array<i32>} : memref<16384xf32, #tpu.memory_space<vmem>>, vector<16xf32>,
      %scan3A_574 = arith.constant 4 : i32
      %scan3A_575 = arith.addi %scan3A_544, %scan3A_574 : i32
      %mul3A_576 = arith.constant 16 : i32
      %mul3A_577 = arith.muli %scan3A_575, %mul3A_576 : i32
      %add3A_578 = arith.constant 0 : i32
      %add3A_579 = arith.addi %add3A_578, %mul3A_577 : i32
      %swap3A_580 = arith.index_cast %add3A_579 : i32 to index
      %swap3A_581 = tpu.vector_load %arg8[%swap3A_580] {strides = array<i32>} : memref<16384xf32, #tpu.memory_space<vmem>>, vector<16xf32>,
      tpu.vector_store %arg8[%swap3A_580], %broadcast_in_dim3A_5 {strides = array<i32>} : memref<16384xf32, #tpu.memory_space<vmem>>, vector<16xf32>,
      %scan3A_582 = arith.constant 5 : i32
      %scan3A_583 = arith.addi %scan3A_544, %scan3A_582 : i32
      %mul3A_584 = arith.constant 16 : i32
      %mul3A_585 = arith.muli %scan3A_583, %mul3A_584 : i32
      %add3A_586 = arith.constant 0 : i32
      %add3A_587 = arith.addi %add3A_586, %mul3A_585 : i32
      %swap3A_588 = arith.index_cast %add3A_587 : i32 to index
      %swap3A_589 = tpu.vector_load %arg8[%swap3A_588] {strides = array<i32>} : memref<16384xf32, #tpu.memory_space<vmem>>, vector<16xf32>,
      tpu.vector_store %arg8[%swap3A_588], %broadcast_in_dim3A_5 {strides = array<i32>} : memref<16384xf32, #tpu.memory_space<vmem>>, vector<16xf32>,
      %scan3A_590 = arith.constant 6 : i32
      %scan3A_591 = arith.addi %scan3A_544, %scan3A_590 : i32
      %mul3A_592 = arith.constant 16 : i32
      %mul3A_593 = arith.muli %scan3A_591, %mul3A_592 : i32
      %add3A_594 = arith.constant 0 : i32
      %add3A_595 = arith.addi %add3A_594, %mul3A_593 : i32
      %swap3A_596 = arith.index_cast %add3A_595 : i32 to index
      %swap3A_597 = tpu.vector_load %arg8[%swap3A_596] {strides = array<i32>} : memref<16384xf32, #tpu.memory_space<vmem>>, vector<16xf32>,
      tpu.vector_store %arg8[%swap3A_596], %broadcast_in_dim3A_5 {strides = array<i32>} : memref<16384xf32, #tpu.memory_space<vmem>>, vector<16xf32>,
      %scan3A_598 = arith.constant 7 : i32
      %scan3A_599 = arith.addi %scan3A_544, %scan3A_598 : i32
      %mul3A_600 = arith.constant 16 : i32
      %mul3A_601 = arith.muli %scan3A_599, %mul3A_600 : i32
      %add3A_602 = arith.constant 0 : i32
      %add3A_603 = arith.addi %add3A_602, %mul3A_601 : i32
      %swap3A_604 = arith.index_cast %add3A_603 : i32 to index
      %swap3A_605 = tpu.vector_load %arg8[%swap3A_604] {strides = array<i32>} : memref<16384xf32, #tpu.memory_space<vmem>>, vector<16xf32>,
      tpu.vector_store %arg8[%swap3A_604], %broadcast_in_dim3A_5 {strides = array<i32>} : memref<16384xf32, #tpu.memory_space<vmem>>, vector<16xf32>,
    }
    %scan3A_9 = arith.constant 1024 : i32
    %scan3A_10 = arith.constant 0 : i32
    %scan3A_11 = arith.constant 1024 : i32
    %scan3A_12 = arith.addi %scan3A_10, %scan3A_11 : i32
    %scan3A_13 = arith.constant 8 : i32
    scf.for %scan3A_544 = %scan3A_10 to %scan3A_12 step %scan3A_13  : i32 {
      %mul3A_545 = arith.constant 16 : i32
      %mul3A_546 = arith.muli %scan3A_544, %mul3A_545 : i32
      %add3A_547 = arith.constant 0 : i32
      %add3A_548 = arith.addi %add3A_547, %mul3A_546 : i32
      %swap3A = arith.index_cast %add3A_548 : i32 to index
      %swap3A_549 = tpu.vector_load %arg9[%swap3A] {strides = array<i32>} : memref<16384xf32, #tpu.memory_space<vmem>>, vector<16xf32>,
      tpu.vector_store %arg9[%swap3A], %broadcast_in_dim3A_5 {strides = array<i32>} : memref<16384xf32, #tpu.memory_space<vmem>>, vector<16xf32>,
      %scan3A_550 = arith.constant 1 : i32
      %scan3A_551 = arith.addi %scan3A_544, %scan3A_550 : i32
      %mul3A_552 = arith.constant 16 : i32
      %mul3A_553 = arith.muli %scan3A_551, %mul3A_552 : i32
      %add3A_554 = arith.constant 0 : i32
      %add3A_555 = arith.addi %add3A_554, %mul3A_553 : i32
      %swap3A_556 = arith.index_cast %add3A_555 : i32 to index
      %swap3A_557 = tpu.vector_load %arg9[%swap3A_556] {strides = array<i32>} : memref<16384xf32, #tpu.memory_space<vmem>>, vector<16xf32>,
      tpu.vector_store %arg9[%swap3A_556], %broadcast_in_dim3A_5 {strides = array<i32>} : memref<16384xf32, #tpu.memory_space<vmem>>, vector<16xf32>,
      %scan3A_558 = arith.constant 2 : i32
      %scan3A_559 = arith.addi %scan3A_544, %scan3A_558 : i32
      %mul3A_560 = arith.constant 16 : i32
      %mul3A_561 = arith.muli %scan3A_559, %mul3A_560 : i32
      %add3A_562 = arith.constant 0 : i32
      %add3A_563 = arith.addi %add3A_562, %mul3A_561 : i32
      %swap3A_564 = arith.index_cast %add3A_563 : i32 to index
      %swap3A_565 = tpu.vector_load %arg9[%swap3A_564] {strides = array<i32>} : memref<16384xf32, #tpu.memory_space<vmem>>, vector<16xf32>,
      tpu.vector_store %arg9[%swap3A_564], %broadcast_in_dim3A_5 {strides = array<i32>} : memref<16384xf32, #tpu.memory_space<vmem>>, vector<16xf32>,
      %scan3A_566 = arith.constant 3 : i32
      %scan3A_567 = arith.addi %scan3A_544, %scan3A_566 : i32
      %mul3A_568 = arith.constant 16 : i32
      %mul3A_569 = arith.muli %scan3A_567, %mul3A_568 : i32
      %add3A_570 = arith.constant 0 : i32
      %add3A_571 = arith.addi %add3A_570, %mul3A_569 : i32
      %swap3A_572 = arith.index_cast %add3A_571 : i32 to index
      %swap3A_573 = tpu.vector_load %arg9[%swap3A_572] {strides = array<i32>} : memref<16384xf32, #tpu.memory_space<vmem>>, vector<16xf32>,
      tpu.vector_store %arg9[%swap3A_572], %broadcast_in_dim3A_5 {strides = array<i32>} : memref<16384xf32, #tpu.memory_space<vmem>>, vector<16xf32>,
      %scan3A_574 = arith.constant 4 : i32
      %scan3A_575 = arith.addi %scan3A_544, %scan3A_574 : i32
      %mul3A_576 = arith.constant 16 : i32
      %mul3A_577 = arith.muli %scan3A_575, %mul3A_576 : i32
      %add3A_578 = arith.constant 0 : i32
      %add3A_579 = arith.addi %add3A_578, %mul3A_577 : i32
      %swap3A_580 = arith.index_cast %add3A_579 : i32 to index
      %swap3A_581 = tpu.vector_load %arg9[%swap3A_580] {strides = array<i32>} : memref<16384xf32, #tpu.memory_space<vmem>>, vector<16xf32>,
      tpu.vector_store %arg9[%swap3A_580], %broadcast_in_dim3A_5 {strides = array<i32>} : memref<16384xf32, #tpu.memory_space<vmem>>, vector<16xf32>,
      %scan3A_582 = arith.constant 5 : i32
      %scan3A_583 = arith.addi %scan3A_544, %scan3A_582 : i32
      %mul3A_584 = arith.constant 16 : i32
      %mul3A_585 = arith.muli %scan3A_583, %mul3A_584 : i32
      %add3A_586 = arith.constant 0 : i32
      %add3A_587 = arith.addi %add3A_586, %mul3A_585 : i32
      %swap3A_588 = arith.index_cast %add3A_587 : i32 to index
      %swap3A_589 = tpu.vector_load %arg9[%swap3A_588] {strides = array<i32>} : memref<16384xf32, #tpu.memory_space<vmem>>, vector<16xf32>,
      tpu.vector_store %arg9[%swap3A_588], %broadcast_in_dim3A_5 {strides = array<i32>} : memref<16384xf32, #tpu.memory_space<vmem>>, vector<16xf32>,
      %scan3A_590 = arith.constant 6 : i32
      %scan3A_591 = arith.addi %scan3A_544, %scan3A_590 : i32
      %mul3A_592 = arith.constant 16 : i32
      %mul3A_593 = arith.muli %scan3A_591, %mul3A_592 : i32
      %add3A_594 = arith.constant 0 : i32
      %add3A_595 = arith.addi %add3A_594, %mul3A_593 : i32
      %swap3A_596 = arith.index_cast %add3A_595 : i32 to index
      %swap3A_597 = tpu.vector_load %arg9[%swap3A_596] {strides = array<i32>} : memref<16384xf32, #tpu.memory_space<vmem>>, vector<16xf32>,
      tpu.vector_store %arg9[%swap3A_596], %broadcast_in_dim3A_5 {strides = array<i32>} : memref<16384xf32, #tpu.memory_space<vmem>>, vector<16xf32>,
      %scan3A_598 = arith.constant 7 : i32
      %scan3A_599 = arith.addi %scan3A_544, %scan3A_598 : i32
      %mul3A_600 = arith.constant 16 : i32
      %mul3A_601 = arith.muli %scan3A_599, %mul3A_600 : i32
      %add3A_602 = arith.constant 0 : i32
      %add3A_603 = arith.addi %add3A_602, %mul3A_601 : i32
      %swap3A_604 = arith.index_cast %add3A_603 : i32 to index
      %swap3A_605 = tpu.vector_load %arg9[%swap3A_604] {strides = array<i32>} : memref<16384xf32, #tpu.memory_space<vmem>>, vector<16xf32>,
      tpu.vector_store %arg9[%swap3A_604], %broadcast_in_dim3A_5 {strides = array<i32>} : memref<16384xf32, #tpu.memory_space<vmem>>, vector<16xf32>,
    }
    %scan3A_14 = arith.constant 1024 : i32
    %dma_start3A = arith.constant 0 : i32
    %dma_start3A_15 = tpu.memref_slice %arg2[%mul3A_2, %dma_start3A] : memref<1024x3200xi32, #tpu.memory_space<hbm>> -> memref<1x3200xi32, #tpu.memory_space<hbm>>
    %dma_start3A_16 = tpu.memref_squeeze %dma_start3A_15 : memref<1x3200xi32, #tpu.memory_space<hbm>> -> memref<3200xi32, #tpu.memory_space<hbm>>
    %dma_start3A_17 = arith.constant 0 : i32
    %dma_start3A_18 = tpu.memref_slice %arg2[%mul3A_2, %dma_start3A_17] : memref<1024x3200xi32, #tpu.memory_space<hbm>> -> memref<1x3200xi32, #tpu.memory_space<hbm>>
    %dma_start3A_19 = tpu.memref_squeeze %dma_start3A_18 : memref<1x3200xi32, #tpu.memory_space<hbm>> -> memref<3200xi32, #tpu.memory_space<hbm>>
    tpu.enqueue_dma source(%dma_start3A_19 : memref<3200xi32, #tpu.memory_space<hbm>>) target(%arg4 : memref<3200xi32, #tpu.memory_space<vmem>>) target_semaphore(%arg10 : memref<!tpu.dma_semaphore, #tpu.memory_space<semaphore_mem>>)
    %add3A_20 = arith.constant 1 : i32
    %add3A_21 = arith.addi %mul3A_2, %add3A_20 : i32
    %dma_start3A_22 = arith.constant 0 : i32
    %dma_start3A_23 = tpu.memref_slice %arg2[%add3A_21, %dma_start3A_22] : memref<1024x3200xi32, #tpu.memory_space<hbm>> -> memref<1x3200xi32, #tpu.memory_space<hbm>>
    %dma_start3A_24 = tpu.memref_squeeze %dma_start3A_23 : memref<1x3200xi32, #tpu.memory_space<hbm>> -> memref<3200xi32, #tpu.memory_space<hbm>>
    %dma_start3A_25 = arith.constant 0 : i32
    %dma_start3A_26 = tpu.memref_slice %arg2[%add3A_21, %dma_start3A_25] : memref<1024x3200xi32, #tpu.memory_space<hbm>> -> memref<1x3200xi32, #tpu.memory_space<hbm>>
    %dma_start3A_27 = tpu.memref_squeeze %dma_start3A_26 : memref<1x3200xi32, #tpu.memory_space<hbm>> -> memref<3200xi32, #tpu.memory_space<hbm>>
    tpu.enqueue_dma source(%dma_start3A_27 : memref<3200xi32, #tpu.memory_space<hbm>>) target(%arg5 : memref<3200xi32, #tpu.memory_space<vmem>>) target_semaphore(%arg11 : memref<!tpu.dma_semaphore, #tpu.memory_space<semaphore_mem>>)
    %scan3A_28 = arith.constant 0 : i32
    %scan3A_29 = arith.constant 8 : i32
    %scan3A_30 = arith.addi %scan3A_28, %scan3A_29 : i32
    %scan3A_31 = arith.constant 1 : i32
    scf.for %scan3A_544 = %scan3A_28 to %scan3A_30 step %scan3A_31  : i32 {
      %mul3A_545 = arith.constant 4 : i32
      %mul3A_546 = arith.muli %scan3A_544, %mul3A_545 : i32
      %add3A_547 = arith.constant 0 : i32
      %add3A_548 = arith.addi %add3A_547, %mul3A_546 : i32
      %ge3A = arith.constant 2 : i32
      %ge3A_549 = arith.cmpi sge, %add3A_548, %ge3A : i32
      %convert_element_type3A = arith.extui %ge3A_549 : i1 to i32
      %cond3A = arith.constant 0 : i32
      %cond3A_550 = arith.cmpi ne, %convert_element_type3A, %cond3A : i32
      scf.if %cond3A_550 {
        %sub3A = arith.constant 2 : i32
        %sub3A_1607 = arith.subi %add3A_548, %sub3A : i32
        %add3A_1608 = arith.addi %mul3A_2, %sub3A_1607 : i32
        %mul3A_1609 = arith.constant 16 : i32
        %mul3A_1610 = arith.muli %add3A_1608, %mul3A_1609 : i32
        %add3A_1611 = arith.constant 0 : i32
        %add3A_1612 = arith.addi %mul3A_1610, %add3A_1611 : i32
        %dma_wait3A_1613 = arith.constant 0 : i32
        %dma_wait3A_1614 = tpu.memref_slice %arg8[%dma_wait3A_1613] : memref<16384xf32, #tpu.memory_space<vmem>> -> memref<1024xf32, #tpu.memory_space<vmem>>
        %dma_wait3A_1615 = arith.constant 0 : i32
        %dma_wait3A_1616 = tpu.memref_slice %arg3[%add3A_1612, %dma_wait3A_1615] : memref<16384x1024xf32, #tpu.memory_space<hbm>> -> memref<1x1024xf32, #tpu.memory_space<hbm>>
        %dma_wait3A_1617 = tpu.memref_squeeze %dma_wait3A_1616 : memref<1x1024xf32, #tpu.memory_space<hbm>> -> memref<1024xf32, #tpu.memory_space<hbm>>
        %dma_wait3A_1618 = arith.constant 0 : i32
        %dma_wait3A_1619 = tpu.memref_slice %arg3[%add3A_1612, %dma_wait3A_1618] : memref<16384x1024xf32, #tpu.memory_space<hbm>> -> memref<1x1024xf32, #tpu.memory_space<hbm>>
        %dma_wait3A_1620 = tpu.memref_squeeze %dma_wait3A_1619 : memref<1x1024xf32, #tpu.memory_space<hbm>> -> memref<1024xf32, #tpu.memory_space<hbm>>
        %dma_wait3A_1621 = arith.constant 0 : i32
        %dma_wait3A_1622 = tpu.memref_slice %arg8[%dma_wait3A_1621] : memref<16384xf32, #tpu.memory_space<vmem>> -> memref<1024xf32, #tpu.memory_space<vmem>>
        tpu.wait_dma2 semaphore(%arg14 : memref<!tpu.dma_semaphore, #tpu.memory_space<semaphore_mem>>) src(%dma_wait3A_1622 : memref<1024xf32, #tpu.memory_space<vmem>>) dst(%dma_wait3A_1620 : memref<1024xf32, #tpu.memory_space<hbm>>)
        %add3A_1623 = arith.addi %mul3A_2, %sub3A_1607 : i32
        %mul3A_1624 = arith.constant 16 : i32
        %mul3A_1625 = arith.muli %add3A_1623, %mul3A_1624 : i32
        %add3A_1626 = arith.constant 1 : i32
        %add3A_1627 = arith.addi %mul3A_1625, %add3A_1626 : i32
        %dma_wait3A_1628 = arith.constant 1024 : i32
        %dma_wait3A_1629 = tpu.memref_slice %arg8[%dma_wait3A_1628] : memref<16384xf32, #tpu.memory_space<vmem>> -> memref<1024xf32, #tpu.memory_space<vmem>>
        %dma_wait3A_1630 = arith.constant 0 : i32
        %dma_wait3A_1631 = tpu.memref_slice %arg3[%add3A_1627, %dma_wait3A_1630] : memref<16384x1024xf32, #tpu.memory_space<hbm>> -> memref<1x1024xf32, #tpu.memory_space<hbm>>
        %dma_wait3A_1632 = tpu.memref_squeeze %dma_wait3A_1631 : memref<1x1024xf32, #tpu.memory_space<hbm>> -> memref<1024xf32, #tpu.memory_space<hbm>>
        %dma_wait3A_1633 = arith.constant 0 : i32
        %dma_wait3A_1634 = tpu.memref_slice %arg3[%add3A_1627, %dma_wait3A_1633] : memref<16384x1024xf32, #tpu.memory_space<hbm>> -> memref<1x1024xf32, #tpu.memory_space<hbm>>
        %dma_wait3A_1635 = tpu.memref_squeeze %dma_wait3A_1634 : memref<1x1024xf32, #tpu.memory_space<hbm>> -> memref<1024xf32, #tpu.memory_space<hbm>>
        %dma_wait3A_1636 = arith.constant 1024 : i32
        %dma_wait3A_1637 = tpu.memref_slice %arg8[%dma_wait3A_1636] : memref<16384xf32, #tpu.memory_space<vmem>> -> memref<1024xf32, #tpu.memory_space<vmem>>
        tpu.wait_dma2 semaphore(%arg14 : memref<!tpu.dma_semaphore, #tpu.memory_space<semaphore_mem>>) src(%dma_wait3A_1637 : memref<1024xf32, #tpu.memory_space<vmem>>) dst(%dma_wait3A_1635 : memref<1024xf32, #tpu.memory_space<hbm>>)
        %add3A_1638 = arith.addi %mul3A_2, %sub3A_1607 : i32
        %mul3A_1639 = arith.constant 16 : i32
        %mul3A_1640 = arith.muli %add3A_1638, %mul3A_1639 : i32
        %add3A_1641 = arith.constant 2 : i32
        %add3A_1642 = arith.addi %mul3A_1640, %add3A_1641 : i32
        %dma_wait3A_1643 = arith.constant 2048 : i32
        %dma_wait3A_1644 = tpu.memref_slice %arg8[%dma_wait3A_1643] : memref<16384xf32, #tpu.memory_space<vmem>> -> memref<1024xf32, #tpu.memory_space<vmem>>
        %dma_wait3A_1645 = arith.constant 0 : i32
        %dma_wait3A_1646 = tpu.memref_slice %arg3[%add3A_1642, %dma_wait3A_1645] : memref<16384x1024xf32, #tpu.memory_space<hbm>> -> memref<1x1024xf32, #tpu.memory_space<hbm>>
        %dma_wait3A_1647 = tpu.memref_squeeze %dma_wait3A_1646 : memref<1x1024xf32, #tpu.memory_space<hbm>> -> memref<1024xf32, #tpu.memory_space<hbm>>
        %dma_wait3A_1648 = arith.constant 0 : i32
        %dma_wait3A_1649 = tpu.memref_slice %arg3[%add3A_1642, %dma_wait3A_1648] : memref<16384x1024xf32, #tpu.memory_space<hbm>> -> memref<1x1024xf32, #tpu.memory_space<hbm>>
        %dma_wait3A_1650 = tpu.memref_squeeze %dma_wait3A_1649 : memref<1x1024xf32, #tpu.memory_space<hbm>> -> memref<1024xf32, #tpu.memory_space<hbm>>
        %dma_wait3A_1651 = arith.constant 2048 : i32
        %dma_wait3A_1652 = tpu.memref_slice %arg8[%dma_wait3A_1651] : memref<16384xf32, #tpu.memory_space<vmem>> -> memref<1024xf32, #tpu.memory_space<vmem>>
        tpu.wait_dma2 semaphore(%arg14 : memref<!tpu.dma_semaphore, #tpu.memory_space<semaphore_mem>>) src(%dma_wait3A_1652 : memref<1024xf32, #tpu.memory_space<vmem>>) dst(%dma_wait3A_1650 : memref<1024xf32, #tpu.memory_space<hbm>>)
        %add3A_1653 = arith.addi %mul3A_2, %sub3A_1607 : i32
        %mul3A_1654 = arith.constant 16 : i32
        %mul3A_1655 = arith.muli %add3A_1653, %mul3A_1654 : i32
        %add3A_1656 = arith.constant 3 : i32
        %add3A_1657 = arith.addi %mul3A_1655, %add3A_1656 : i32
        %dma_wait3A_1658 = arith.constant 3072 : i32
        %dma_wait3A_1659 = tpu.memref_slice %arg8[%dma_wait3A_1658] : memref<16384xf32, #tpu.memory_space<vmem>> -> memref<1024xf32, #tpu.memory_space<vmem>>
        %dma_wait3A_1660 = arith.constant 0 : i32
        %dma_wait3A_1661 = tpu.memref_slice %arg3[%add3A_1657, %dma_wait3A_1660] : memref<16384x1024xf32, #tpu.memory_space<hbm>> -> memref<1x1024xf32, #tpu.memory_space<hbm>>
        %dma_wait3A_1662 = tpu.memref_squeeze %dma_wait3A_1661 : memref<1x1024xf32, #tpu.memory_space<hbm>> -> memref<1024xf32, #tpu.memory_space<hbm>>
        %dma_wait3A_1663 = arith.constant 0 : i32
        %dma_wait3A_1664 = tpu.memref_slice %arg3[%add3A_1657, %dma_wait3A_1663] : memref<16384x1024xf32, #tpu.memory_space<hbm>> -> memref<1x1024xf32, #tpu.memory_space<hbm>>
        %dma_wait3A_1665 = tpu.memref_squeeze %dma_wait3A_1664 : memref<1x1024xf32, #tpu.memory_space<hbm>> -> memref<1024xf32, #tpu.memory_space<hbm>>
        %dma_wait3A_1666 = arith.constant 3072 : i32
        %dma_wait3A_1667 = tpu.memref_slice %arg8[%dma_wait3A_1666] : memref<16384xf32, #tpu.memory_space<vmem>> -> memref<1024xf32, #tpu.memory_space<vmem>>
        tpu.wait_dma2 semaphore(%arg14 : memref<!tpu.dma_semaphore, #tpu.memory_space<semaphore_mem>>) src(%dma_wait3A_1667 : memref<1024xf32, #tpu.memory_space<vmem>>) dst(%dma_wait3A_1665 : memref<1024xf32, #tpu.memory_space<hbm>>)
        %add3A_1668 = arith.addi %mul3A_2, %sub3A_1607 : i32
        %mul3A_1669 = arith.constant 16 : i32
        %mul3A_1670 = arith.muli %add3A_1668, %mul3A_1669 : i32
        %add3A_1671 = arith.constant 4 : i32
        %add3A_1672 = arith.addi %mul3A_1670, %add3A_1671 : i32
        %dma_wait3A_1673 = arith.constant 4096 : i32
        %dma_wait3A_1674 = tpu.memref_slice %arg8[%dma_wait3A_1673] : memref<16384xf32, #tpu.memory_space<vmem>> -> memref<1024xf32, #tpu.memory_space<vmem>>
        %dma_wait3A_1675 = arith.constant 0 : i32
        %dma_wait3A_1676 = tpu.memref_slice %arg3[%add3A_1672, %dma_wait3A_1675] : memref<16384x1024xf32, #tpu.memory_space<hbm>> -> memref<1x1024xf32, #tpu.memory_space<hbm>>
        %dma_wait3A_1677 = tpu.memref_squeeze %dma_wait3A_1676 : memref<1x1024xf32, #tpu.memory_space<hbm>> -> memref<1024xf32, #tpu.memory_space<hbm>>
        %dma_wait3A_1678 = arith.constant 0 : i32
        %dma_wait3A_1679 = tpu.memref_slice %arg3[%add3A_1672, %dma_wait3A_1678] : memref<16384x1024xf32, #tpu.memory_space<hbm>> -> memref<1x1024xf32, #tpu.memory_space<hbm>>
        %dma_wait3A_1680 = tpu.memref_squeeze %dma_wait3A_1679 : memref<1x1024xf32, #tpu.memory_space<hbm>> -> memref<1024xf32, #tpu.memory_space<hbm>>
        %dma_wait3A_1681 = arith.constant 4096 : i32
        %dma_wait3A_1682 = tpu.memref_slice %arg8[%dma_wait3A_1681] : memref<16384xf32, #tpu.memory_space<vmem>> -> memref<1024xf32, #tpu.memory_space<vmem>>
        tpu.wait_dma2 semaphore(%arg14 : memref<!tpu.dma_semaphore, #tpu.memory_space<semaphore_mem>>) src(%dma_wait3A_1682 : memref<1024xf32, #tpu.memory_space<vmem>>) dst(%dma_wait3A_1680 : memref<1024xf32, #tpu.memory_space<hbm>>)
        %add3A_1683 = arith.addi %mul3A_2, %sub3A_1607 : i32
        %mul3A_1684 = arith.constant 16 : i32
        %mul3A_1685 = arith.muli %add3A_1683, %mul3A_1684 : i32
        %add3A_1686 = arith.constant 5 : i32
        %add3A_1687 = arith.addi %mul3A_1685, %add3A_1686 : i32
        %dma_wait3A_1688 = arith.constant 5120 : i32
        %dma_wait3A_1689 = tpu.memref_slice %arg8[%dma_wait3A_1688] : memref<16384xf32, #tpu.memory_space<vmem>> -> memref<1024xf32, #tpu.memory_space<vmem>>
        %dma_wait3A_1690 = arith.constant 0 : i32
        %dma_wait3A_1691 = tpu.memref_slice %arg3[%add3A_1687, %dma_wait3A_1690] : memref<16384x1024xf32, #tpu.memory_space<hbm>> -> memref<1x1024xf32, #tpu.memory_space<hbm>>
        %dma_wait3A_1692 = tpu.memref_squeeze %dma_wait3A_1691 : memref<1x1024xf32, #tpu.memory_space<hbm>> -> memref<1024xf32, #tpu.memory_space<hbm>>
        %dma_wait3A_1693 = arith.constant 0 : i32
        %dma_wait3A_1694 = tpu.memref_slice %arg3[%add3A_1687, %dma_wait3A_1693] : memref<16384x1024xf32, #tpu.memory_space<hbm>> -> memref<1x1024xf32, #tpu.memory_space<hbm>>
        %dma_wait3A_1695 = tpu.memref_squeeze %dma_wait3A_1694 : memref<1x1024xf32, #tpu.memory_space<hbm>> -> memref<1024xf32, #tpu.memory_space<hbm>>
        %dma_wait3A_1696 = arith.constant 5120 : i32
        %dma_wait3A_1697 = tpu.memref_slice %arg8[%dma_wait3A_1696] : memref<16384xf32, #tpu.memory_space<vmem>> -> memref<1024xf32, #tpu.memory_space<vmem>>
        tpu.wait_dma2 semaphore(%arg14 : memref<!tpu.dma_semaphore, #tpu.memory_space<semaphore_mem>>) src(%dma_wait3A_1697 : memref<1024xf32, #tpu.memory_space<vmem>>) dst(%dma_wait3A_1695 : memref<1024xf32, #tpu.memory_space<hbm>>)
        %add3A_1698 = arith.addi %mul3A_2, %sub3A_1607 : i32
        %mul3A_1699 = arith.constant 16 : i32
        %mul3A_1700 = arith.muli %add3A_1698, %mul3A_1699 : i32
        %add3A_1701 = arith.constant 6 : i32
        %add3A_1702 = arith.addi %mul3A_1700, %add3A_1701 : i32
        %dma_wait3A_1703 = arith.constant 6144 : i32
        %dma_wait3A_1704 = tpu.memref_slice %arg8[%dma_wait3A_1703] : memref<16384xf32, #tpu.memory_space<vmem>> -> memref<1024xf32, #tpu.memory_space<vmem>>
        %dma_wait3A_1705 = arith.constant 0 : i32
        %dma_wait3A_1706 = tpu.memref_slice %arg3[%add3A_1702, %dma_wait3A_1705] : memref<16384x1024xf32, #tpu.memory_space<hbm>> -> memref<1x1024xf32, #tpu.memory_space<hbm>>
        %dma_wait3A_1707 = tpu.memref_squeeze %dma_wait3A_1706 : memref<1x1024xf32, #tpu.memory_space<hbm>> -> memref<1024xf32, #tpu.memory_space<hbm>>
        %dma_wait3A_1708 = arith.constant 0 : i32
        %dma_wait3A_1709 = tpu.memref_slice %arg3[%add3A_1702, %dma_wait3A_1708] : memref<16384x1024xf32, #tpu.memory_space<hbm>> -> memref<1x1024xf32, #tpu.memory_space<hbm>>
        %dma_wait3A_1710 = tpu.memref_squeeze %dma_wait3A_1709 : memref<1x1024xf32, #tpu.memory_space<hbm>> -> memref<1024xf32, #tpu.memory_space<hbm>>
        %dma_wait3A_1711 = arith.constant 6144 : i32
        %dma_wait3A_1712 = tpu.memref_slice %arg8[%dma_wait3A_1711] : memref<16384xf32, #tpu.memory_space<vmem>> -> memref<1024xf32, #tpu.memory_space<vmem>>
        tpu.wait_dma2 semaphore(%arg14 : memref<!tpu.dma_semaphore, #tpu.memory_space<semaphore_mem>>) src(%dma_wait3A_1712 : memref<1024xf32, #tpu.memory_space<vmem>>) dst(%dma_wait3A_1710 : memref<1024xf32, #tpu.memory_space<hbm>>)
        %add3A_1713 = arith.addi %mul3A_2, %sub3A_1607 : i32
        %mul3A_1714 = arith.constant 16 : i32
        %mul3A_1715 = arith.muli %add3A_1713, %mul3A_1714 : i32
        %add3A_1716 = arith.constant 7 : i32
        %add3A_1717 = arith.addi %mul3A_1715, %add3A_1716 : i32
        %dma_wait3A_1718 = arith.constant 7168 : i32
        %dma_wait3A_1719 = tpu.memref_slice %arg8[%dma_wait3A_1718] : memref<16384xf32, #tpu.memory_space<vmem>> -> memref<1024xf32, #tpu.memory_space<vmem>>
        %dma_wait3A_1720 = arith.constant 0 : i32
        %dma_wait3A_1721 = tpu.memref_slice %arg3[%add3A_1717, %dma_wait3A_1720] : memref<16384x1024xf32, #tpu.memory_space<hbm>> -> memref<1x1024xf32, #tpu.memory_space<hbm>>
        %dma_wait3A_1722 = tpu.memref_squeeze %dma_wait3A_1721 : memref<1x1024xf32, #tpu.memory_space<hbm>> -> memref<1024xf32, #tpu.memory_space<hbm>>
        %dma_wait3A_1723 = arith.constant 0 : i32
        %dma_wait3A_1724 = tpu.memref_slice %arg3[%add3A_1717, %dma_wait3A_1723] : memref<16384x1024xf32, #tpu.memory_space<hbm>> -> memref<1x1024xf32, #tpu.memory_space<hbm>>
        %dma_wait3A_1725 = tpu.memref_squeeze %dma_wait3A_1724 : memref<1x1024xf32, #tpu.memory_space<hbm>> -> memref<1024xf32, #tpu.memory_space<hbm>>
        %dma_wait3A_1726 = arith.constant 7168 : i32
        %dma_wait3A_1727 = tpu.memref_slice %arg8[%dma_wait3A_1726] : memref<16384xf32, #tpu.memory_space<vmem>> -> memref<1024xf32, #tpu.memory_space<vmem>>
        tpu.wait_dma2 semaphore(%arg14 : memref<!tpu.dma_semaphore, #tpu.memory_space<semaphore_mem>>) src(%dma_wait3A_1727 : memref<1024xf32, #tpu.memory_space<vmem>>) dst(%dma_wait3A_1725 : memref<1024xf32, #tpu.memory_space<hbm>>)
        %add3A_1728 = arith.addi %mul3A_2, %sub3A_1607 : i32
        %mul3A_1729 = arith.constant 16 : i32
        %mul3A_1730 = arith.muli %add3A_1728, %mul3A_1729 : i32
        %add3A_1731 = arith.constant 8 : i32
        %add3A_1732 = arith.addi %mul3A_1730, %add3A_1731 : i32
        %dma_wait3A_1733 = arith.constant 8192 : i32
        %dma_wait3A_1734 = tpu.memref_slice %arg8[%dma_wait3A_1733] : memref<16384xf32, #tpu.memory_space<vmem>> -> memref<1024xf32, #tpu.memory_space<vmem>>
        %dma_wait3A_1735 = arith.constant 0 : i32
        %dma_wait3A_1736 = tpu.memref_slice %arg3[%add3A_1732, %dma_wait3A_1735] : memref<16384x1024xf32, #tpu.memory_space<hbm>> -> memref<1x1024xf32, #tpu.memory_space<hbm>>
        %dma_wait3A_1737 = tpu.memref_squeeze %dma_wait3A_1736 : memref<1x1024xf32, #tpu.memory_space<hbm>> -> memref<1024xf32, #tpu.memory_space<hbm>>
        %dma_wait3A_1738 = arith.constant 0 : i32
        %dma_wait3A_1739 = tpu.memref_slice %arg3[%add3A_1732, %dma_wait3A_1738] : memref<16384x1024xf32, #tpu.memory_space<hbm>> -> memref<1x1024xf32, #tpu.memory_space<hbm>>
        %dma_wait3A_1740 = tpu.memref_squeeze %dma_wait3A_1739 : memref<1x1024xf32, #tpu.memory_space<hbm>> -> memref<1024xf32, #tpu.memory_space<hbm>>
        %dma_wait3A_1741 = arith.constant 8192 : i32
        %dma_wait3A_1742 = tpu.memref_slice %arg8[%dma_wait3A_1741] : memref<16384xf32, #tpu.memory_space<vmem>> -> memref<1024xf32, #tpu.memory_space<vmem>>
        tpu.wait_dma2 semaphore(%arg14 : memref<!tpu.dma_semaphore, #tpu.memory_space<semaphore_mem>>) src(%dma_wait3A_1742 : memref<1024xf32, #tpu.memory_space<vmem>>) dst(%dma_wait3A_1740 : memref<1024xf32, #tpu.memory_space<hbm>>)
        %add3A_1743 = arith.addi %mul3A_2, %sub3A_1607 : i32
        %mul3A_1744 = arith.constant 16 : i32
        %mul3A_1745 = arith.muli %add3A_1743, %mul3A_1744 : i32
        %add3A_1746 = arith.constant 9 : i32
        %add3A_1747 = arith.addi %mul3A_1745, %add3A_1746 : i32
        %dma_wait3A_1748 = arith.constant 9216 : i32
        %dma_wait3A_1749 = tpu.memref_slice %arg8[%dma_wait3A_1748] : memref<16384xf32, #tpu.memory_space<vmem>> -> memref<1024xf32, #tpu.memory_space<vmem>>
        %dma_wait3A_1750 = arith.constant 0 : i32
        %dma_wait3A_1751 = tpu.memref_slice %arg3[%add3A_1747, %dma_wait3A_1750] : memref<16384x1024xf32, #tpu.memory_space<hbm>> -> memref<1x1024xf32, #tpu.memory_space<hbm>>
        %dma_wait3A_1752 = tpu.memref_squeeze %dma_wait3A_1751 : memref<1x1024xf32, #tpu.memory_space<hbm>> -> memref<1024xf32, #tpu.memory_space<hbm>>
        %dma_wait3A_1753 = arith.constant 0 : i32
        %dma_wait3A_1754 = tpu.memref_slice %arg3[%add3A_1747, %dma_wait3A_1753] : memref<16384x1024xf32, #tpu.memory_space<hbm>> -> memref<1x1024xf32, #tpu.memory_space<hbm>>
        %dma_wait3A_1755 = tpu.memref_squeeze %dma_wait3A_1754 : memref<1x1024xf32, #tpu.memory_space<hbm>> -> memref<1024xf32, #tpu.memory_space<hbm>>
        %dma_wait3A_1756 = arith.constant 9216 : i32
        %dma_wait3A_1757 = tpu.memref_slice %arg8[%dma_wait3A_1756] : memref<16384xf32, #tpu.memory_space<vmem>> -> memref<1024xf32, #tpu.memory_space<vmem>>
        tpu.wait_dma2 semaphore(%arg14 : memref<!tpu.dma_semaphore, #tpu.memory_space<semaphore_mem>>) src(%dma_wait3A_1757 : memref<1024xf32, #tpu.memory_space<vmem>>) dst(%dma_wait3A_1755 : memref<1024xf32, #tpu.memory_space<hbm>>)
        %add3A_1758 = arith.addi %mul3A_2, %sub3A_1607 : i32
        %mul3A_1759 = arith.constant 16 : i32
        %mul3A_1760 = arith.muli %add3A_1758, %mul3A_1759 : i32
        %add3A_1761 = arith.constant 10 : i32
        %add3A_1762 = arith.addi %mul3A_1760, %add3A_1761 : i32
        %dma_wait3A_1763 = arith.constant 10240 : i32
        %dma_wait3A_1764 = tpu.memref_slice %arg8[%dma_wait3A_1763] : memref<16384xf32, #tpu.memory_space<vmem>> -> memref<1024xf32, #tpu.memory_space<vmem>>
        %dma_wait3A_1765 = arith.constant 0 : i32
        %dma_wait3A_1766 = tpu.memref_slice %arg3[%add3A_1762, %dma_wait3A_1765] : memref<16384x1024xf32, #tpu.memory_space<hbm>> -> memref<1x1024xf32, #tpu.memory_space<hbm>>
        %dma_wait3A_1767 = tpu.memref_squeeze %dma_wait3A_1766 : memref<1x1024xf32, #tpu.memory_space<hbm>> -> memref<1024xf32, #tpu.memory_space<hbm>>
        %dma_wait3A_1768 = arith.constant 0 : i32
        %dma_wait3A_1769 = tpu.memref_slice %arg3[%add3A_1762, %dma_wait3A_1768] : memref<16384x1024xf32, #tpu.memory_space<hbm>> -> memref<1x1024xf32, #tpu.memory_space<hbm>>
        %dma_wait3A_1770 = tpu.memref_squeeze %dma_wait3A_1769 : memref<1x1024xf32, #tpu.memory_space<hbm>> -> memref<1024xf32, #tpu.memory_space<hbm>>
        %dma_wait3A_1771 = arith.constant 10240 : i32
        %dma_wait3A_1772 = tpu.memref_slice %arg8[%dma_wait3A_1771] : memref<16384xf32, #tpu.memory_space<vmem>> -> memref<1024xf32, #tpu.memory_space<vmem>>
        tpu.wait_dma2 semaphore(%arg14 : memref<!tpu.dma_semaphore, #tpu.memory_space<semaphore_mem>>) src(%dma_wait3A_1772 : memref<1024xf32, #tpu.memory_space<vmem>>) dst(%dma_wait3A_1770 : memref<1024xf32, #tpu.memory_space<hbm>>)
        %add3A_1773 = arith.addi %mul3A_2, %sub3A_1607 : i32
        %mul3A_1774 = arith.constant 16 : i32
        %mul3A_1775 = arith.muli %add3A_1773, %mul3A_1774 : i32
        %add3A_1776 = arith.constant 11 : i32
        %add3A_1777 = arith.addi %mul3A_1775, %add3A_1776 : i32
        %dma_wait3A_1778 = arith.constant 11264 : i32
        %dma_wait3A_1779 = tpu.memref_slice %arg8[%dma_wait3A_1778] : memref<16384xf32, #tpu.memory_space<vmem>> -> memref<1024xf32, #tpu.memory_space<vmem>>
        %dma_wait3A_1780 = arith.constant 0 : i32
        %dma_wait3A_1781 = tpu.memref_slice %arg3[%add3A_1777, %dma_wait3A_1780] : memref<16384x1024xf32, #tpu.memory_space<hbm>> -> memref<1x1024xf32, #tpu.memory_space<hbm>>
        %dma_wait3A_1782 = tpu.memref_squeeze %dma_wait3A_1781 : memref<1x1024xf32, #tpu.memory_space<hbm>> -> memref<1024xf32, #tpu.memory_space<hbm>>
        %dma_wait3A_1783 = arith.constant 0 : i32
        %dma_wait3A_1784 = tpu.memref_slice %arg3[%add3A_1777, %dma_wait3A_1783] : memref<16384x1024xf32, #tpu.memory_space<hbm>> -> memref<1x1024xf32, #tpu.memory_space<hbm>>
        %dma_wait3A_1785 = tpu.memref_squeeze %dma_wait3A_1784 : memref<1x1024xf32, #tpu.memory_space<hbm>> -> memref<1024xf32, #tpu.memory_space<hbm>>
        %dma_wait3A_1786 = arith.constant 11264 : i32
        %dma_wait3A_1787 = tpu.memref_slice %arg8[%dma_wait3A_1786] : memref<16384xf32, #tpu.memory_space<vmem>> -> memref<1024xf32, #tpu.memory_space<vmem>>
        tpu.wait_dma2 semaphore(%arg14 : memref<!tpu.dma_semaphore, #tpu.memory_space<semaphore_mem>>) src(%dma_wait3A_1787 : memref<1024xf32, #tpu.memory_space<vmem>>) dst(%dma_wait3A_1785 : memref<1024xf32, #tpu.memory_space<hbm>>)
        %add3A_1788 = arith.addi %mul3A_2, %sub3A_1607 : i32
        %mul3A_1789 = arith.constant 16 : i32
        %mul3A_1790 = arith.muli %add3A_1788, %mul3A_1789 : i32
        %add3A_1791 = arith.constant 12 : i32
        %add3A_1792 = arith.addi %mul3A_1790, %add3A_1791 : i32
        %dma_wait3A_1793 = arith.constant 12288 : i32
        %dma_wait3A_1794 = tpu.memref_slice %arg8[%dma_wait3A_1793] : memref<16384xf32, #tpu.memory_space<vmem>> -> memref<1024xf32, #tpu.memory_space<vmem>>
        %dma_wait3A_1795 = arith.constant 0 : i32
        %dma_wait3A_1796 = tpu.memref_slice %arg3[%add3A_1792, %dma_wait3A_1795] : memref<16384x1024xf32, #tpu.memory_space<hbm>> -> memref<1x1024xf32, #tpu.memory_space<hbm>>
        %dma_wait3A_1797 = tpu.memref_squeeze %dma_wait3A_1796 : memref<1x1024xf32, #tpu.memory_space<hbm>> -> memref<1024xf32, #tpu.memory_space<hbm>>
        %dma_wait3A_1798 = arith.constant 0 : i32
        %dma_wait3A_1799 = tpu.memref_slice %arg3[%add3A_1792, %dma_wait3A_1798] : memref<16384x1024xf32, #tpu.memory_space<hbm>> -> memref<1x1024xf32, #tpu.memory_space<hbm>>
        %dma_wait3A_1800 = tpu.memref_squeeze %dma_wait3A_1799 : memref<1x1024xf32, #tpu.memory_space<hbm>> -> memref<1024xf32, #tpu.memory_space<hbm>>
        %dma_wait3A_1801 = arith.constant 12288 : i32
        %dma_wait3A_1802 = tpu.memref_slice %arg8[%dma_wait3A_1801] : memref<16384xf32, #tpu.memory_space<vmem>> -> memref<1024xf32, #tpu.memory_space<vmem>>
        tpu.wait_dma2 semaphore(%arg14 : memref<!tpu.dma_semaphore, #tpu.memory_space<semaphore_mem>>) src(%dma_wait3A_1802 : memref<1024xf32, #tpu.memory_space<vmem>>) dst(%dma_wait3A_1800 : memref<1024xf32, #tpu.memory_space<hbm>>)
        %add3A_1803 = arith.addi %mul3A_2, %sub3A_1607 : i32
        %mul3A_1804 = arith.constant 16 : i32
        %mul3A_1805 = arith.muli %add3A_1803, %mul3A_1804 : i32
        %add3A_1806 = arith.constant 13 : i32
        %add3A_1807 = arith.addi %mul3A_1805, %add3A_1806 : i32
        %dma_wait3A_1808 = arith.constant 13312 : i32
        %dma_wait3A_1809 = tpu.memref_slice %arg8[%dma_wait3A_1808] : memref<16384xf32, #tpu.memory_space<vmem>> -> memref<1024xf32, #tpu.memory_space<vmem>>
        %dma_wait3A_1810 = arith.constant 0 : i32
        %dma_wait3A_1811 = tpu.memref_slice %arg3[%add3A_1807, %dma_wait3A_1810] : memref<16384x1024xf32, #tpu.memory_space<hbm>> -> memref<1x1024xf32, #tpu.memory_space<hbm>>
        %dma_wait3A_1812 = tpu.memref_squeeze %dma_wait3A_1811 : memref<1x1024xf32, #tpu.memory_space<hbm>> -> memref<1024xf32, #tpu.memory_space<hbm>>
        %dma_wait3A_1813 = arith.constant 0 : i32
        %dma_wait3A_1814 = tpu.memref_slice %arg3[%add3A_1807, %dma_wait3A_1813] : memref<16384x1024xf32, #tpu.memory_space<hbm>> -> memref<1x1024xf32, #tpu.memory_space<hbm>>
        %dma_wait3A_1815 = tpu.memref_squeeze %dma_wait3A_1814 : memref<1x1024xf32, #tpu.memory_space<hbm>> -> memref<1024xf32, #tpu.memory_space<hbm>>
        %dma_wait3A_1816 = arith.constant 13312 : i32
        %dma_wait3A_1817 = tpu.memref_slice %arg8[%dma_wait3A_1816] : memref<16384xf32, #tpu.memory_space<vmem>> -> memref<1024xf32, #tpu.memory_space<vmem>>
        tpu.wait_dma2 semaphore(%arg14 : memref<!tpu.dma_semaphore, #tpu.memory_space<semaphore_mem>>) src(%dma_wait3A_1817 : memref<1024xf32, #tpu.memory_space<vmem>>) dst(%dma_wait3A_1815 : memref<1024xf32, #tpu.memory_space<hbm>>)
        %add3A_1818 = arith.addi %mul3A_2, %sub3A_1607 : i32
        %mul3A_1819 = arith.constant 16 : i32
        %mul3A_1820 = arith.muli %add3A_1818, %mul3A_1819 : i32
        %add3A_1821 = arith.constant 14 : i32
        %add3A_1822 = arith.addi %mul3A_1820, %add3A_1821 : i32
        %dma_wait3A_1823 = arith.constant 14336 : i32
        %dma_wait3A_1824 = tpu.memref_slice %arg8[%dma_wait3A_1823] : memref<16384xf32, #tpu.memory_space<vmem>> -> memref<1024xf32, #tpu.memory_space<vmem>>
        %dma_wait3A_1825 = arith.constant 0 : i32
        %dma_wait3A_1826 = tpu.memref_slice %arg3[%add3A_1822, %dma_wait3A_1825] : memref<16384x1024xf32, #tpu.memory_space<hbm>> -> memref<1x1024xf32, #tpu.memory_space<hbm>>
        %dma_wait3A_1827 = tpu.memref_squeeze %dma_wait3A_1826 : memref<1x1024xf32, #tpu.memory_space<hbm>> -> memref<1024xf32, #tpu.memory_space<hbm>>
        %dma_wait3A_1828 = arith.constant 0 : i32
        %dma_wait3A_1829 = tpu.memref_slice %arg3[%add3A_1822, %dma_wait3A_1828] : memref<16384x1024xf32, #tpu.memory_space<hbm>> -> memref<1x1024xf32, #tpu.memory_space<hbm>>
        %dma_wait3A_1830 = tpu.memref_squeeze %dma_wait3A_1829 : memref<1x1024xf32, #tpu.memory_space<hbm>> -> memref<1024xf32, #tpu.memory_space<hbm>>
        %dma_wait3A_1831 = arith.constant 14336 : i32
        %dma_wait3A_1832 = tpu.memref_slice %arg8[%dma_wait3A_1831] : memref<16384xf32, #tpu.memory_space<vmem>> -> memref<1024xf32, #tpu.memory_space<vmem>>
        tpu.wait_dma2 semaphore(%arg14 : memref<!tpu.dma_semaphore, #tpu.memory_space<semaphore_mem>>) src(%dma_wait3A_1832 : memref<1024xf32, #tpu.memory_space<vmem>>) dst(%dma_wait3A_1830 : memref<1024xf32, #tpu.memory_space<hbm>>)
        %add3A_1833 = arith.addi %mul3A_2, %sub3A_1607 : i32
        %mul3A_1834 = arith.constant 16 : i32
        %mul3A_1835 = arith.muli %add3A_1833, %mul3A_1834 : i32
        %add3A_1836 = arith.constant 15 : i32
        %add3A_1837 = arith.addi %mul3A_1835, %add3A_1836 : i32
        %dma_wait3A_1838 = arith.constant 15360 : i32
        %dma_wait3A_1839 = tpu.memref_slice %arg8[%dma_wait3A_1838] : memref<16384xf32, #tpu.memory_space<vmem>> -> memref<1024xf32, #tpu.memory_space<vmem>>
        %dma_wait3A_1840 = arith.constant 0 : i32
        %dma_wait3A_1841 = tpu.memref_slice %arg3[%add3A_1837, %dma_wait3A_1840] : memref<16384x1024xf32, #tpu.memory_space<hbm>> -> memref<1x1024xf32, #tpu.memory_space<hbm>>
        %dma_wait3A_1842 = tpu.memref_squeeze %dma_wait3A_1841 : memref<1x1024xf32, #tpu.memory_space<hbm>> -> memref<1024xf32, #tpu.memory_space<hbm>>
        %dma_wait3A_1843 = arith.constant 0 : i32
        %dma_wait3A_1844 = tpu.memref_slice %arg3[%add3A_1837, %dma_wait3A_1843] : memref<16384x1024xf32, #tpu.memory_space<hbm>> -> memref<1x1024xf32, #tpu.memory_space<hbm>>
        %dma_wait3A_1845 = tpu.memref_squeeze %dma_wait3A_1844 : memref<1x1024xf32, #tpu.memory_space<hbm>> -> memref<1024xf32, #tpu.memory_space<hbm>>
        %dma_wait3A_1846 = arith.constant 15360 : i32
        %dma_wait3A_1847 = tpu.memref_slice %arg8[%dma_wait3A_1846] : memref<16384xf32, #tpu.memory_space<vmem>> -> memref<1024xf32, #tpu.memory_space<vmem>>
        tpu.wait_dma2 semaphore(%arg14 : memref<!tpu.dma_semaphore, #tpu.memory_space<semaphore_mem>>) src(%dma_wait3A_1847 : memref<1024xf32, #tpu.memory_space<vmem>>) dst(%dma_wait3A_1845 : memref<1024xf32, #tpu.memory_space<hbm>>)
        %scan3A_1848 = arith.constant 0 : i32
        %scan3A_1849 = arith.constant 200 : i32
        %scan3A_1850 = arith.addi %scan3A_1848, %scan3A_1849 : i32
        %scan3A_1851 = arith.constant 8 : i32
        scf.for %scan3A_1853 = %scan3A_1848 to %scan3A_1850 step %scan3A_1851  : i32 {
          %mul3A_1854 = arith.constant 1 : i32
          %mul3A_1855 = arith.muli %scan3A_1853, %mul3A_1854 : i32
          %add3A_1856 = arith.constant 0 : i32
          %add3A_1857 = arith.addi %add3A_1856, %mul3A_1855 : i32
          %mul3A_1858 = arith.constant 16 : i32
          %mul3A_1859 = arith.muli %add3A_1857, %mul3A_1858 : i32
          %get3A = arith.index_cast %mul3A_1859 : i32 to index
          %get3A_1860 = tpu.vector_load %arg6[%get3A] {strides = array<i32>} : memref<3200xi32, #tpu.memory_space<vmem>>, vector<16xi32>,
          tpu.vector_store_idx %arg8[%get3A_1860], %broadcast_in_dim3A_5 : memref<16384xf32, #tpu.memory_space<vmem>>[vector<16xi32>], vector<16xf32>,
          %scan3A_1861 = arith.constant 1 : i32
          %scan3A_1862 = arith.addi %scan3A_1853, %scan3A_1861 : i32
          %mul3A_1863 = arith.constant 1 : i32
          %mul3A_1864 = arith.muli %scan3A_1862, %mul3A_1863 : i32
          %add3A_1865 = arith.constant 0 : i32
          %add3A_1866 = arith.addi %add3A_1865, %mul3A_1864 : i32
          %mul3A_1867 = arith.constant 16 : i32
          %mul3A_1868 = arith.muli %add3A_1866, %mul3A_1867 : i32
          %get3A_1869 = arith.index_cast %mul3A_1868 : i32 to index
          %get3A_1870 = tpu.vector_load %arg6[%get3A_1869] {strides = array<i32>} : memref<3200xi32, #tpu.memory_space<vmem>>, vector<16xi32>,
          tpu.vector_store_idx %arg8[%get3A_1870], %broadcast_in_dim3A_5 : memref<16384xf32, #tpu.memory_space<vmem>>[vector<16xi32>], vector<16xf32>,
          %scan3A_1871 = arith.constant 2 : i32
          %scan3A_1872 = arith.addi %scan3A_1853, %scan3A_1871 : i32
          %mul3A_1873 = arith.constant 1 : i32
          %mul3A_1874 = arith.muli %scan3A_1872, %mul3A_1873 : i32
          %add3A_1875 = arith.constant 0 : i32
          %add3A_1876 = arith.addi %add3A_1875, %mul3A_1874 : i32
          %mul3A_1877 = arith.constant 16 : i32
          %mul3A_1878 = arith.muli %add3A_1876, %mul3A_1877 : i32
          %get3A_1879 = arith.index_cast %mul3A_1878 : i32 to index
          %get3A_1880 = tpu.vector_load %arg6[%get3A_1879] {strides = array<i32>} : memref<3200xi32, #tpu.memory_space<vmem>>, vector<16xi32>,
          tpu.vector_store_idx %arg8[%get3A_1880], %broadcast_in_dim3A_5 : memref<16384xf32, #tpu.memory_space<vmem>>[vector<16xi32>], vector<16xf32>,
          %scan3A_1881 = arith.constant 3 : i32
          %scan3A_1882 = arith.addi %scan3A_1853, %scan3A_1881 : i32
          %mul3A_1883 = arith.constant 1 : i32
          %mul3A_1884 = arith.muli %scan3A_1882, %mul3A_1883 : i32
          %add3A_1885 = arith.constant 0 : i32
          %add3A_1886 = arith.addi %add3A_1885, %mul3A_1884 : i32
          %mul3A_1887 = arith.constant 16 : i32
          %mul3A_1888 = arith.muli %add3A_1886, %mul3A_1887 : i32
          %get3A_1889 = arith.index_cast %mul3A_1888 : i32 to index
          %get3A_1890 = tpu.vector_load %arg6[%get3A_1889] {strides = array<i32>} : memref<3200xi32, #tpu.memory_space<vmem>>, vector<16xi32>,
          tpu.vector_store_idx %arg8[%get3A_1890], %broadcast_in_dim3A_5 : memref<16384xf32, #tpu.memory_space<vmem>>[vector<16xi32>], vector<16xf32>,
          %scan3A_1891 = arith.constant 4 : i32
          %scan3A_1892 = arith.addi %scan3A_1853, %scan3A_1891 : i32
          %mul3A_1893 = arith.constant 1 : i32
          %mul3A_1894 = arith.muli %scan3A_1892, %mul3A_1893 : i32
          %add3A_1895 = arith.constant 0 : i32
          %add3A_1896 = arith.addi %add3A_1895, %mul3A_1894 : i32
          %mul3A_1897 = arith.constant 16 : i32
          %mul3A_1898 = arith.muli %add3A_1896, %mul3A_1897 : i32
          %get3A_1899 = arith.index_cast %mul3A_1898 : i32 to index
          %get3A_1900 = tpu.vector_load %arg6[%get3A_1899] {strides = array<i32>} : memref<3200xi32, #tpu.memory_space<vmem>>, vector<16xi32>,
          tpu.vector_store_idx %arg8[%get3A_1900], %broadcast_in_dim3A_5 : memref<16384xf32, #tpu.memory_space<vmem>>[vector<16xi32>], vector<16xf32>,
          %scan3A_1901 = arith.constant 5 : i32
          %scan3A_1902 = arith.addi %scan3A_1853, %scan3A_1901 : i32
          %mul3A_1903 = arith.constant 1 : i32
          %mul3A_1904 = arith.muli %scan3A_1902, %mul3A_1903 : i32
          %add3A_1905 = arith.constant 0 : i32
          %add3A_1906 = arith.addi %add3A_1905, %mul3A_1904 : i32
          %mul3A_1907 = arith.constant 16 : i32
          %mul3A_1908 = arith.muli %add3A_1906, %mul3A_1907 : i32
          %get3A_1909 = arith.index_cast %mul3A_1908 : i32 to index
          %get3A_1910 = tpu.vector_load %arg6[%get3A_1909] {strides = array<i32>} : memref<3200xi32, #tpu.memory_space<vmem>>, vector<16xi32>,
          tpu.vector_store_idx %arg8[%get3A_1910], %broadcast_in_dim3A_5 : memref<16384xf32, #tpu.memory_space<vmem>>[vector<16xi32>], vector<16xf32>,
          %scan3A_1911 = arith.constant 6 : i32
          %scan3A_1912 = arith.addi %scan3A_1853, %scan3A_1911 : i32
          %mul3A_1913 = arith.constant 1 : i32
          %mul3A_1914 = arith.muli %scan3A_1912, %mul3A_1913 : i32
          %add3A_1915 = arith.constant 0 : i32
          %add3A_1916 = arith.addi %add3A_1915, %mul3A_1914 : i32
          %mul3A_1917 = arith.constant 16 : i32
          %mul3A_1918 = arith.muli %add3A_1916, %mul3A_1917 : i32
          %get3A_1919 = arith.index_cast %mul3A_1918 : i32 to index
          %get3A_1920 = tpu.vector_load %arg6[%get3A_1919] {strides = array<i32>} : memref<3200xi32, #tpu.memory_space<vmem>>, vector<16xi32>,
          tpu.vector_store_idx %arg8[%get3A_1920], %broadcast_in_dim3A_5 : memref<16384xf32, #tpu.memory_space<vmem>>[vector<16xi32>], vector<16xf32>,
          %scan3A_1921 = arith.constant 7 : i32
          %scan3A_1922 = arith.addi %scan3A_1853, %scan3A_1921 : i32
          %mul3A_1923 = arith.constant 1 : i32
          %mul3A_1924 = arith.muli %scan3A_1922, %mul3A_1923 : i32
          %add3A_1925 = arith.constant 0 : i32
          %add3A_1926 = arith.addi %add3A_1925, %mul3A_1924 : i32
          %mul3A_1927 = arith.constant 16 : i32
          %mul3A_1928 = arith.muli %add3A_1926, %mul3A_1927 : i32
          %get3A_1929 = arith.index_cast %mul3A_1928 : i32 to index
          %get3A_1930 = tpu.vector_load %arg6[%get3A_1929] {strides = array<i32>} : memref<3200xi32, #tpu.memory_space<vmem>>, vector<16xi32>,
          tpu.vector_store_idx %arg8[%get3A_1930], %broadcast_in_dim3A_5 : memref<16384xf32, #tpu.memory_space<vmem>>[vector<16xi32>], vector<16xf32>,
        }
        %scan3A_1852 = arith.constant 200 : i32
      } else {
      }
      %add3A_551 = arith.constant 2 : i32
      %add3A_552 = arith.addi %add3A_548, %add3A_551 : i32
      %lt3A = arith.constant 32 : i32
      %lt3A_553 = arith.cmpi slt, %add3A_552, %lt3A : i32
      %convert_element_type3A_554 = arith.extui %lt3A_553 : i1 to i32
      %cond3A_555 = arith.constant 0 : i32
      %cond3A_556 = arith.cmpi ne, %convert_element_type3A_554, %cond3A_555 : i32
      scf.if %cond3A_556 {
        %add3A_1607 = arith.addi %mul3A_2, %add3A_548 : i32
        %add3A_1608 = arith.constant 2 : i32
        %add3A_1609 = arith.addi %add3A_1607, %add3A_1608 : i32
        %dma_start3A_1610 = arith.constant 0 : i32
        %dma_start3A_1611 = tpu.memref_slice %arg2[%add3A_1609, %dma_start3A_1610] : memref<1024x3200xi32, #tpu.memory_space<hbm>> -> memref<1x3200xi32, #tpu.memory_space<hbm>>
        %dma_start3A_1612 = tpu.memref_squeeze %dma_start3A_1611 : memref<1x3200xi32, #tpu.memory_space<hbm>> -> memref<3200xi32, #tpu.memory_space<hbm>>
        %dma_start3A_1613 = arith.constant 0 : i32
        %dma_start3A_1614 = tpu.memref_slice %arg2[%add3A_1609, %dma_start3A_1613] : memref<1024x3200xi32, #tpu.memory_space<hbm>> -> memref<1x3200xi32, #tpu.memory_space<hbm>>
        %dma_start3A_1615 = tpu.memref_squeeze %dma_start3A_1614 : memref<1x3200xi32, #tpu.memory_space<hbm>> -> memref<3200xi32, #tpu.memory_space<hbm>>
        tpu.enqueue_dma source(%dma_start3A_1615 : memref<3200xi32, #tpu.memory_space<hbm>>) target(%arg6 : memref<3200xi32, #tpu.memory_space<vmem>>) target_semaphore(%arg12 : memref<!tpu.dma_semaphore, #tpu.memory_space<semaphore_mem>>)
      } else {
      }
      %add3A_557 = arith.addi %mul3A_2, %add3A_548 : i32
      %dma_wait3A_558 = arith.constant 0 : i32
      %dma_wait3A_559 = tpu.memref_slice %arg2[%add3A_557, %dma_wait3A_558] : memref<1024x3200xi32, #tpu.memory_space<hbm>> -> memref<1x3200xi32, #tpu.memory_space<hbm>>
      %dma_wait3A_560 = tpu.memref_squeeze %dma_wait3A_559 : memref<1x3200xi32, #tpu.memory_space<hbm>> -> memref<3200xi32, #tpu.memory_space<hbm>>
      %dma_wait3A_561 = arith.constant 0 : i32
      %dma_wait3A_562 = tpu.memref_slice %arg2[%add3A_557, %dma_wait3A_561] : memref<1024x3200xi32, #tpu.memory_space<hbm>> -> memref<1x3200xi32, #tpu.memory_space<hbm>>
      %dma_wait3A_563 = tpu.memref_squeeze %dma_wait3A_562 : memref<1x3200xi32, #tpu.memory_space<hbm>> -> memref<3200xi32, #tpu.memory_space<hbm>>
      tpu.wait_dma2 semaphore(%arg10 : memref<!tpu.dma_semaphore, #tpu.memory_space<semaphore_mem>>) src(%dma_wait3A_563 : memref<3200xi32, #tpu.memory_space<hbm>>) dst(%arg4 : memref<3200xi32, #tpu.memory_space<vmem>>)
      %scan3A_564 = arith.constant 0 : i32
      %scan3A_565 = arith.constant 200 : i32
      %scan3A_566 = arith.addi %scan3A_564, %scan3A_565 : i32
      %scan3A_567 = arith.constant 8 : i32
      scf.for %scan3A_1607 = %scan3A_564 to %scan3A_566 step %scan3A_567  : i32 {
        %mul3A_1608 = arith.constant 1 : i32
        %mul3A_1609 = arith.muli %scan3A_1607, %mul3A_1608 : i32
        %add3A_1610 = arith.constant 0 : i32
        %add3A_1611 = arith.addi %add3A_1610, %mul3A_1609 : i32
        %mul3A_1612 = arith.constant 16 : i32
        %mul3A_1613 = arith.muli %add3A_1611, %mul3A_1612 : i32
        %get3A = arith.index_cast %mul3A_1613 : i32 to index
        %get3A_1614 = tpu.vector_load %arg4[%get3A] {strides = array<i32>} : memref<3200xi32, #tpu.memory_space<vmem>>, vector<16xi32>,
        tpu.vector_store_idx %arg8[%get3A_1614], %broadcast_in_dim3A_3 {add = true} : memref<16384xf32, #tpu.memory_space<vmem>>[vector<16xi32>], vector<16xf32>,
        %scan3A_1615 = arith.constant 1 : i32
        %scan3A_1616 = arith.addi %scan3A_1607, %scan3A_1615 : i32
        %mul3A_1617 = arith.constant 1 : i32
        %mul3A_1618 = arith.muli %scan3A_1616, %mul3A_1617 : i32
        %add3A_1619 = arith.constant 0 : i32
        %add3A_1620 = arith.addi %add3A_1619, %mul3A_1618 : i32
        %mul3A_1621 = arith.constant 16 : i32
        %mul3A_1622 = arith.muli %add3A_1620, %mul3A_1621 : i32
        %get3A_1623 = arith.index_cast %mul3A_1622 : i32 to index
        %get3A_1624 = tpu.vector_load %arg4[%get3A_1623] {strides = array<i32>} : memref<3200xi32, #tpu.memory_space<vmem>>, vector<16xi32>,
        tpu.vector_store_idx %arg8[%get3A_1624], %broadcast_in_dim3A_3 {add = true} : memref<16384xf32, #tpu.memory_space<vmem>>[vector<16xi32>], vector<16xf32>,
        %scan3A_1625 = arith.constant 2 : i32
        %scan3A_1626 = arith.addi %scan3A_1607, %scan3A_1625 : i32
        %mul3A_1627 = arith.constant 1 : i32
        %mul3A_1628 = arith.muli %scan3A_1626, %mul3A_1627 : i32
        %add3A_1629 = arith.constant 0 : i32
        %add3A_1630 = arith.addi %add3A_1629, %mul3A_1628 : i32
        %mul3A_1631 = arith.constant 16 : i32
        %mul3A_1632 = arith.muli %add3A_1630, %mul3A_1631 : i32
        %get3A_1633 = arith.index_cast %mul3A_1632 : i32 to index
        %get3A_1634 = tpu.vector_load %arg4[%get3A_1633] {strides = array<i32>} : memref<3200xi32, #tpu.memory_space<vmem>>, vector<16xi32>,
        tpu.vector_store_idx %arg8[%get3A_1634], %broadcast_in_dim3A_3 {add = true} : memref<16384xf32, #tpu.memory_space<vmem>>[vector<16xi32>], vector<16xf32>,
        %scan3A_1635 = arith.constant 3 : i32
        %scan3A_1636 = arith.addi %scan3A_1607, %scan3A_1635 : i32
        %mul3A_1637 = arith.constant 1 : i32
        %mul3A_1638 = arith.muli %scan3A_1636, %mul3A_1637 : i32
        %add3A_1639 = arith.constant 0 : i32
        %add3A_1640 = arith.addi %add3A_1639, %mul3A_1638 : i32
        %mul3A_1641 = arith.constant 16 : i32
        %mul3A_1642 = arith.muli %add3A_1640, %mul3A_1641 : i32
        %get3A_1643 = arith.index_cast %mul3A_1642 : i32 to index
        %get3A_1644 = tpu.vector_load %arg4[%get3A_1643] {strides = array<i32>} : memref<3200xi32, #tpu.memory_space<vmem>>, vector<16xi32>,
        tpu.vector_store_idx %arg8[%get3A_1644], %broadcast_in_dim3A_3 {add = true} : memref<16384xf32, #tpu.memory_space<vmem>>[vector<16xi32>], vector<16xf32>,
        %scan3A_1645 = arith.constant 4 : i32
        %scan3A_1646 = arith.addi %scan3A_1607, %scan3A_1645 : i32
        %mul3A_1647 = arith.constant 1 : i32
        %mul3A_1648 = arith.muli %scan3A_1646, %mul3A_1647 : i32
        %add3A_1649 = arith.constant 0 : i32
        %add3A_1650 = arith.addi %add3A_1649, %mul3A_1648 : i32
        %mul3A_1651 = arith.constant 16 : i32
        %mul3A_1652 = arith.muli %add3A_1650, %mul3A_1651 : i32
        %get3A_1653 = arith.index_cast %mul3A_1652 : i32 to index
        %get3A_1654 = tpu.vector_load %arg4[%get3A_1653] {strides = array<i32>} : memref<3200xi32, #tpu.memory_space<vmem>>, vector<16xi32>,
        tpu.vector_store_idx %arg8[%get3A_1654], %broadcast_in_dim3A_3 {add = true} : memref<16384xf32, #tpu.memory_space<vmem>>[vector<16xi32>], vector<16xf32>,
        %scan3A_1655 = arith.constant 5 : i32
        %scan3A_1656 = arith.addi %scan3A_1607, %scan3A_1655 : i32
        %mul3A_1657 = arith.constant 1 : i32
        %mul3A_1658 = arith.muli %scan3A_1656, %mul3A_1657 : i32
        %add3A_1659 = arith.constant 0 : i32
        %add3A_1660 = arith.addi %add3A_1659, %mul3A_1658 : i32
        %mul3A_1661 = arith.constant 16 : i32
        %mul3A_1662 = arith.muli %add3A_1660, %mul3A_1661 : i32
        %get3A_1663 = arith.index_cast %mul3A_1662 : i32 to index
        %get3A_1664 = tpu.vector_load %arg4[%get3A_1663] {strides = array<i32>} : memref<3200xi32, #tpu.memory_space<vmem>>, vector<16xi32>,
        tpu.vector_store_idx %arg8[%get3A_1664], %broadcast_in_dim3A_3 {add = true} : memref<16384xf32, #tpu.memory_space<vmem>>[vector<16xi32>], vector<16xf32>,
        %scan3A_1665 = arith.constant 6 : i32
        %scan3A_1666 = arith.addi %scan3A_1607, %scan3A_1665 : i32
        %mul3A_1667 = arith.constant 1 : i32
        %mul3A_1668 = arith.muli %scan3A_1666, %mul3A_1667 : i32
        %add3A_1669 = arith.constant 0 : i32
        %add3A_1670 = arith.addi %add3A_1669, %mul3A_1668 : i32
        %mul3A_1671 = arith.constant 16 : i32
        %mul3A_1672 = arith.muli %add3A_1670, %mul3A_1671 : i32
        %get3A_1673 = arith.index_cast %mul3A_1672 : i32 to index
        %get3A_1674 = tpu.vector_load %arg4[%get3A_1673] {strides = array<i32>} : memref<3200xi32, #tpu.memory_space<vmem>>, vector<16xi32>,
        tpu.vector_store_idx %arg8[%get3A_1674], %broadcast_in_dim3A_3 {add = true} : memref<16384xf32, #tpu.memory_space<vmem>>[vector<16xi32>], vector<16xf32>,
        %scan3A_1675 = arith.constant 7 : i32
        %scan3A_1676 = arith.addi %scan3A_1607, %scan3A_1675 : i32
        %mul3A_1677 = arith.constant 1 : i32
        %mul3A_1678 = arith.muli %scan3A_1676, %mul3A_1677 : i32
        %add3A_1679 = arith.constant 0 : i32
        %add3A_1680 = arith.addi %add3A_1679, %mul3A_1678 : i32
        %mul3A_1681 = arith.constant 16 : i32
        %mul3A_1682 = arith.muli %add3A_1680, %mul3A_1681 : i32
        %get3A_1683 = arith.index_cast %mul3A_1682 : i32 to index
        %get3A_1684 = tpu.vector_load %arg4[%get3A_1683] {strides = array<i32>} : memref<3200xi32, #tpu.memory_space<vmem>>, vector<16xi32>,
        tpu.vector_store_idx %arg8[%get3A_1684], %broadcast_in_dim3A_3 {add = true} : memref<16384xf32, #tpu.memory_space<vmem>>[vector<16xi32>], vector<16xf32>,
      }
      %scan3A_568 = arith.constant 200 : i32
      %add3A_569 = arith.addi %mul3A_2, %add3A_548 : i32
      %mul3A_570 = arith.constant 16 : i32
      %mul3A_571 = arith.muli %add3A_569, %mul3A_570 : i32
      %add3A_572 = arith.constant 0 : i32
      %add3A_573 = arith.addi %mul3A_571, %add3A_572 : i32
      %dma_start3A_574 = arith.constant 0 : i32
      %dma_start3A_575 = tpu.memref_slice %arg8[%dma_start3A_574] : memref<16384xf32, #tpu.memory_space<vmem>> -> memref<1024xf32, #tpu.memory_space<vmem>>
      %dma_start3A_576 = arith.constant 0 : i32
      %dma_start3A_577 = tpu.memref_slice %arg3[%add3A_573, %dma_start3A_576] : memref<16384x1024xf32, #tpu.memory_space<hbm>> -> memref<1x1024xf32, #tpu.memory_space<hbm>>
      %dma_start3A_578 = tpu.memref_squeeze %dma_start3A_577 : memref<1x1024xf32, #tpu.memory_space<hbm>> -> memref<1024xf32, #tpu.memory_space<hbm>>
      %dma_start3A_579 = arith.constant 0 : i32
      %dma_start3A_580 = tpu.memref_slice %arg3[%add3A_573, %dma_start3A_579] : memref<16384x1024xf32, #tpu.memory_space<hbm>> -> memref<1x1024xf32, #tpu.memory_space<hbm>>
      %dma_start3A_581 = tpu.memref_squeeze %dma_start3A_580 : memref<1x1024xf32, #tpu.memory_space<hbm>> -> memref<1024xf32, #tpu.memory_space<hbm>>
      %dma_start3A_582 = arith.constant 0 : i32
      %dma_start3A_583 = tpu.memref_slice %arg8[%dma_start3A_582] : memref<16384xf32, #tpu.memory_space<vmem>> -> memref<1024xf32, #tpu.memory_space<vmem>>
      tpu.enqueue_dma source(%dma_start3A_583 : memref<1024xf32, #tpu.memory_space<vmem>>) target(%dma_start3A_581 : memref<1024xf32, #tpu.memory_space<hbm>>) target_semaphore(%arg14 : memref<!tpu.dma_semaphore, #tpu.memory_space<semaphore_mem>>)
      %add3A_584 = arith.addi %mul3A_2, %add3A_548 : i32
      %mul3A_585 = arith.constant 16 : i32
      %mul3A_586 = arith.muli %add3A_584, %mul3A_585 : i32
      %add3A_587 = arith.constant 1 : i32
      %add3A_588 = arith.addi %mul3A_586, %add3A_587 : i32
      %dma_start3A_589 = arith.constant 1024 : i32
      %dma_start3A_590 = tpu.memref_slice %arg8[%dma_start3A_589] : memref<16384xf32, #tpu.memory_space<vmem>> -> memref<1024xf32, #tpu.memory_space<vmem>>
      %dma_start3A_591 = arith.constant 0 : i32
      %dma_start3A_592 = tpu.memref_slice %arg3[%add3A_588, %dma_start3A_591] : memref<16384x1024xf32, #tpu.memory_space<hbm>> -> memref<1x1024xf32, #tpu.memory_space<hbm>>
      %dma_start3A_593 = tpu.memref_squeeze %dma_start3A_592 : memref<1x1024xf32, #tpu.memory_space<hbm>> -> memref<1024xf32, #tpu.memory_space<hbm>>
      %dma_start3A_594 = arith.constant 0 : i32
      %dma_start3A_595 = tpu.memref_slice %arg3[%add3A_588, %dma_start3A_594] : memref<16384x1024xf32, #tpu.memory_space<hbm>> -> memref<1x1024xf32, #tpu.memory_space<hbm>>
      %dma_start3A_596 = tpu.memref_squeeze %dma_start3A_595 : memref<1x1024xf32, #tpu.memory_space<hbm>> -> memref<1024xf32, #tpu.memory_space<hbm>>
      %dma_start3A_597 = arith.constant 1024 : i32
      %dma_start3A_598 = tpu.memref_slice %arg8[%dma_start3A_597] : memref<16384xf32, #tpu.memory_space<vmem>> -> memref<1024xf32, #tpu.memory_space<vmem>>
      tpu.enqueue_dma source(%dma_start3A_598 : memref<1024xf32, #tpu.memory_space<vmem>>) target(%dma_start3A_596 : memref<1024xf32, #tpu.memory_space<hbm>>) target_semaphore(%arg14 : memref<!tpu.dma_semaphore, #tpu.memory_space<semaphore_mem>>)
      %add3A_599 = arith.addi %mul3A_2, %add3A_548 : i32
      %mul3A_600 = arith.constant 16 : i32
      %mul3A_601 = arith.muli %add3A_599, %mul3A_600 : i32
      %add3A_602 = arith.constant 2 : i32
      %add3A_603 = arith.addi %mul3A_601, %add3A_602 : i32
      %dma_start3A_604 = arith.constant 2048 : i32
      %dma_start3A_605 = tpu.memref_slice %arg8[%dma_start3A_604] : memref<16384xf32, #tpu.memory_space<vmem>> -> memref<1024xf32, #tpu.memory_space<vmem>>
      %dma_start3A_606 = arith.constant 0 : i32
      %dma_start3A_607 = tpu.memref_slice %arg3[%add3A_603, %dma_start3A_606] : memref<16384x1024xf32, #tpu.memory_space<hbm>> -> memref<1x1024xf32, #tpu.memory_space<hbm>>
      %dma_start3A_608 = tpu.memref_squeeze %dma_start3A_607 : memref<1x1024xf32, #tpu.memory_space<hbm>> -> memref<1024xf32, #tpu.memory_space<hbm>>
      %dma_start3A_609 = arith.constant 0 : i32
      %dma_start3A_610 = tpu.memref_slice %arg3[%add3A_603, %dma_start3A_609] : memref<16384x1024xf32, #tpu.memory_space<hbm>> -> memref<1x1024xf32, #tpu.memory_space<hbm>>
      %dma_start3A_611 = tpu.memref_squeeze %dma_start3A_610 : memref<1x1024xf32, #tpu.memory_space<hbm>> -> memref<1024xf32, #tpu.memory_space<hbm>>
      %dma_start3A_612 = arith.constant 2048 : i32
      %dma_start3A_613 = tpu.memref_slice %arg8[%dma_start3A_612] : memref<16384xf32, #tpu.memory_space<vmem>> -> memref<1024xf32, #tpu.memory_space<vmem>>
      tpu.enqueue_dma source(%dma_start3A_613 : memref<1024xf32, #tpu.memory_space<vmem>>) target(%dma_start3A_611 : memref<1024xf32, #tpu.memory_space<hbm>>) target_semaphore(%arg14 : memref<!tpu.dma_semaphore, #tpu.memory_space<semaphore_mem>>)
      %add3A_614 = arith.addi %mul3A_2, %add3A_548 : i32
      %mul3A_615 = arith.constant 16 : i32
      %mul3A_616 = arith.muli %add3A_614, %mul3A_615 : i32
      %add3A_617 = arith.constant 3 : i32
      %add3A_618 = arith.addi %mul3A_616, %add3A_617 : i32
      %dma_start3A_619 = arith.constant 3072 : i32
      %dma_start3A_620 = tpu.memref_slice %arg8[%dma_start3A_619] : memref<16384xf32, #tpu.memory_space<vmem>> -> memref<1024xf32, #tpu.memory_space<vmem>>
      %dma_start3A_621 = arith.constant 0 : i32
      %dma_start3A_622 = tpu.memref_slice %arg3[%add3A_618, %dma_start3A_621] : memref<16384x1024xf32, #tpu.memory_space<hbm>> -> memref<1x1024xf32, #tpu.memory_space<hbm>>
      %dma_start3A_623 = tpu.memref_squeeze %dma_start3A_622 : memref<1x1024xf32, #tpu.memory_space<hbm>> -> memref<1024xf32, #tpu.memory_space<hbm>>
      %dma_start3A_624 = arith.constant 0 : i32
      %dma_start3A_625 = tpu.memref_slice %arg3[%add3A_618, %dma_start3A_624] : memref<16384x1024xf32, #tpu.memory_space<hbm>> -> memref<1x1024xf32, #tpu.memory_space<hbm>>
      %dma_start3A_626 = tpu.memref_squeeze %dma_start3A_625 : memref<1x1024xf32, #tpu.memory_space<hbm>> -> memref<1024xf32, #tpu.memory_space<hbm>>
      %dma_start3A_627 = arith.constant 3072 : i32
      %dma_start3A_628 = tpu.memref_slice %arg8[%dma_start3A_627] : memref<16384xf32, #tpu.memory_space<vmem>> -> memref<1024xf32, #tpu.memory_space<vmem>>
      tpu.enqueue_dma source(%dma_start3A_628 : memref<1024xf32, #tpu.memory_space<vmem>>) target(%dma_start3A_626 : memref<1024xf32, #tpu.memory_space<hbm>>) target_semaphore(%arg14 : memref<!tpu.dma_semaphore, #tpu.memory_space<semaphore_mem>>)
      %add3A_629 = arith.addi %mul3A_2, %add3A_548 : i32
      %mul3A_630 = arith.constant 16 : i32
      %mul3A_631 = arith.muli %add3A_629, %mul3A_630 : i32
      %add3A_632 = arith.constant 4 : i32
      %add3A_633 = arith.addi %mul3A_631, %add3A_632 : i32
      %dma_start3A_634 = arith.constant 4096 : i32
      %dma_start3A_635 = tpu.memref_slice %arg8[%dma_start3A_634] : memref<16384xf32, #tpu.memory_space<vmem>> -> memref<1024xf32, #tpu.memory_space<vmem>>
      %dma_start3A_636 = arith.constant 0 : i32
      %dma_start3A_637 = tpu.memref_slice %arg3[%add3A_633, %dma_start3A_636] : memref<16384x1024xf32, #tpu.memory_space<hbm>> -> memref<1x1024xf32, #tpu.memory_space<hbm>>
      %dma_start3A_638 = tpu.memref_squeeze %dma_start3A_637 : memref<1x1024xf32, #tpu.memory_space<hbm>> -> memref<1024xf32, #tpu.memory_space<hbm>>
      %dma_start3A_639 = arith.constant 0 : i32
      %dma_start3A_640 = tpu.memref_slice %arg3[%add3A_633, %dma_start3A_639] : memref<16384x1024xf32, #tpu.memory_space<hbm>> -> memref<1x1024xf32, #tpu.memory_space<hbm>>
      %dma_start3A_641 = tpu.memref_squeeze %dma_start3A_640 : memref<1x1024xf32, #tpu.memory_space<hbm>> -> memref<1024xf32, #tpu.memory_space<hbm>>
      %dma_start3A_642 = arith.constant 4096 : i32
      %dma_start3A_643 = tpu.memref_slice %arg8[%dma_start3A_642] : memref<16384xf32, #tpu.memory_space<vmem>> -> memref<1024xf32, #tpu.memory_space<vmem>>
      tpu.enqueue_dma source(%dma_start3A_643 : memref<1024xf32, #tpu.memory_space<vmem>>) target(%dma_start3A_641 : memref<1024xf32, #tpu.memory_space<hbm>>) target_semaphore(%arg14 : memref<!tpu.dma_semaphore, #tpu.memory_space<semaphore_mem>>)
      %add3A_644 = arith.addi %mul3A_2, %add3A_548 : i32
      %mul3A_645 = arith.constant 16 : i32
      %mul3A_646 = arith.muli %add3A_644, %mul3A_645 : i32
      %add3A_647 = arith.constant 5 : i32
      %add3A_648 = arith.addi %mul3A_646, %add3A_647 : i32
      %dma_start3A_649 = arith.constant 5120 : i32
      %dma_start3A_650 = tpu.memref_slice %arg8[%dma_start3A_649] : memref<16384xf32, #tpu.memory_space<vmem>> -> memref<1024xf32, #tpu.memory_space<vmem>>
      %dma_start3A_651 = arith.constant 0 : i32
      %dma_start3A_652 = tpu.memref_slice %arg3[%add3A_648, %dma_start3A_651] : memref<16384x1024xf32, #tpu.memory_space<hbm>> -> memref<1x1024xf32, #tpu.memory_space<hbm>>
      %dma_start3A_653 = tpu.memref_squeeze %dma_start3A_652 : memref<1x1024xf32, #tpu.memory_space<hbm>> -> memref<1024xf32, #tpu.memory_space<hbm>>
      %dma_start3A_654 = arith.constant 0 : i32
      %dma_start3A_655 = tpu.memref_slice %arg3[%add3A_648, %dma_start3A_654] : memref<16384x1024xf32, #tpu.memory_space<hbm>> -> memref<1x1024xf32, #tpu.memory_space<hbm>>
      %dma_start3A_656 = tpu.memref_squeeze %dma_start3A_655 : memref<1x1024xf32, #tpu.memory_space<hbm>> -> memref<1024xf32, #tpu.memory_space<hbm>>
      %dma_start3A_657 = arith.constant 5120 : i32
      %dma_start3A_658 = tpu.memref_slice %arg8[%dma_start3A_657] : memref<16384xf32, #tpu.memory_space<vmem>> -> memref<1024xf32, #tpu.memory_space<vmem>>
      tpu.enqueue_dma source(%dma_start3A_658 : memref<1024xf32, #tpu.memory_space<vmem>>) target(%dma_start3A_656 : memref<1024xf32, #tpu.memory_space<hbm>>) target_semaphore(%arg14 : memref<!tpu.dma_semaphore, #tpu.memory_space<semaphore_mem>>)
      %add3A_659 = arith.addi %mul3A_2, %add3A_548 : i32
      %mul3A_660 = arith.constant 16 : i32
      %mul3A_661 = arith.muli %add3A_659, %mul3A_660 : i32
      %add3A_662 = arith.constant 6 : i32
      %add3A_663 = arith.addi %mul3A_661, %add3A_662 : i32
      %dma_start3A_664 = arith.constant 6144 : i32
      %dma_start3A_665 = tpu.memref_slice %arg8[%dma_start3A_664] : memref<16384xf32, #tpu.memory_space<vmem>> -> memref<1024xf32, #tpu.memory_space<vmem>>
      %dma_start3A_666 = arith.constant 0 : i32
      %dma_start3A_667 = tpu.memref_slice %arg3[%add3A_663, %dma_start3A_666] : memref<16384x1024xf32, #tpu.memory_space<hbm>> -> memref<1x1024xf32, #tpu.memory_space<hbm>>
      %dma_start3A_668 = tpu.memref_squeeze %dma_start3A_667 : memref<1x1024xf32, #tpu.memory_space<hbm>> -> memref<1024xf32, #tpu.memory_space<hbm>>
      %dma_start3A_669 = arith.constant 0 : i32
      %dma_start3A_670 = tpu.memref_slice %arg3[%add3A_663, %dma_start3A_669] : memref<16384x1024xf32, #tpu.memory_space<hbm>> -> memref<1x1024xf32, #tpu.memory_space<hbm>>
      %dma_start3A_671 = tpu.memref_squeeze %dma_start3A_670 : memref<1x1024xf32, #tpu.memory_space<hbm>> -> memref<1024xf32, #tpu.memory_space<hbm>>
      %dma_start3A_672 = arith.constant 6144 : i32
      %dma_start3A_673 = tpu.memref_slice %arg8[%dma_start3A_672] : memref<16384xf32, #tpu.memory_space<vmem>> -> memref<1024xf32, #tpu.memory_space<vmem>>
      tpu.enqueue_dma source(%dma_start3A_673 : memref<1024xf32, #tpu.memory_space<vmem>>) target(%dma_start3A_671 : memref<1024xf32, #tpu.memory_space<hbm>>) target_semaphore(%arg14 : memref<!tpu.dma_semaphore, #tpu.memory_space<semaphore_mem>>)
      %add3A_674 = arith.addi %mul3A_2, %add3A_548 : i32
      %mul3A_675 = arith.constant 16 : i32
      %mul3A_676 = arith.muli %add3A_674, %mul3A_675 : i32
      %add3A_677 = arith.constant 7 : i32
      %add3A_678 = arith.addi %mul3A_676, %add3A_677 : i32
      %dma_start3A_679 = arith.constant 7168 : i32
      %dma_start3A_680 = tpu.memref_slice %arg8[%dma_start3A_679] : memref<16384xf32, #tpu.memory_space<vmem>> -> memref<1024xf32, #tpu.memory_space<vmem>>
      %dma_start3A_681 = arith.constant 0 : i32
      %dma_start3A_682 = tpu.memref_slice %arg3[%add3A_678, %dma_start3A_681] : memref<16384x1024xf32, #tpu.memory_space<hbm>> -> memref<1x1024xf32, #tpu.memory_space<hbm>>
      %dma_start3A_683 = tpu.memref_squeeze %dma_start3A_682 : memref<1x1024xf32, #tpu.memory_space<hbm>> -> memref<1024xf32, #tpu.memory_space<hbm>>
      %dma_start3A_684 = arith.constant 0 : i32
      %dma_start3A_685 = tpu.memref_slice %arg3[%add3A_678, %dma_start3A_684] : memref<16384x1024xf32, #tpu.memory_space<hbm>> -> memref<1x1024xf32, #tpu.memory_space<hbm>>
      %dma_start3A_686 = tpu.memref_squeeze %dma_start3A_685 : memref<1x1024xf32, #tpu.memory_space<hbm>> -> memref<1024xf32, #tpu.memory_space<hbm>>
      %dma_start3A_687 = arith.constant 7168 : i32
      %dma_start3A_688 = tpu.memref_slice %arg8[%dma_start3A_687] : memref<16384xf32, #tpu.memory_space<vmem>> -> memref<1024xf32, #tpu.memory_space<vmem>>
      tpu.enqueue_dma source(%dma_start3A_688 : memref<1024xf32, #tpu.memory_space<vmem>>) target(%dma_start3A_686 : memref<1024xf32, #tpu.memory_space<hbm>>) target_semaphore(%arg14 : memref<!tpu.dma_semaphore, #tpu.memory_space<semaphore_mem>>)
      %add3A_689 = arith.addi %mul3A_2, %add3A_548 : i32
      %mul3A_690 = arith.constant 16 : i32
      %mul3A_691 = arith.muli %add3A_689, %mul3A_690 : i32
      %add3A_692 = arith.constant 8 : i32
      %add3A_693 = arith.addi %mul3A_691, %add3A_692 : i32
      %dma_start3A_694 = arith.constant 8192 : i32
      %dma_start3A_695 = tpu.memref_slice %arg8[%dma_start3A_694] : memref<16384xf32, #tpu.memory_space<vmem>> -> memref<1024xf32, #tpu.memory_space<vmem>>
      %dma_start3A_696 = arith.constant 0 : i32
      %dma_start3A_697 = tpu.memref_slice %arg3[%add3A_693, %dma_start3A_696] : memref<16384x1024xf32, #tpu.memory_space<hbm>> -> memref<1x1024xf32, #tpu.memory_space<hbm>>
      %dma_start3A_698 = tpu.memref_squeeze %dma_start3A_697 : memref<1x1024xf32, #tpu.memory_space<hbm>> -> memref<1024xf32, #tpu.memory_space<hbm>>
      %dma_start3A_699 = arith.constant 0 : i32
      %dma_start3A_700 = tpu.memref_slice %arg3[%add3A_693, %dma_start3A_699] : memref<16384x1024xf32, #tpu.memory_space<hbm>> -> memref<1x1024xf32, #tpu.memory_space<hbm>>
      %dma_start3A_701 = tpu.memref_squeeze %dma_start3A_700 : memref<1x1024xf32, #tpu.memory_space<hbm>> -> memref<1024xf32, #tpu.memory_space<hbm>>
      %dma_start3A_702 = arith.constant 8192 : i32
      %dma_start3A_703 = tpu.memref_slice %arg8[%dma_start3A_702] : memref<16384xf32, #tpu.memory_space<vmem>> -> memref<1024xf32, #tpu.memory_space<vmem>>
      tpu.enqueue_dma source(%dma_start3A_703 : memref<1024xf32, #tpu.memory_space<vmem>>) target(%dma_start3A_701 : memref<1024xf32, #tpu.memory_space<hbm>>) target_semaphore(%arg14 : memref<!tpu.dma_semaphore, #tpu.memory_space<semaphore_mem>>)
      %add3A_704 = arith.addi %mul3A_2, %add3A_548 : i32
      %mul3A_705 = arith.constant 16 : i32
      %mul3A_706 = arith.muli %add3A_704, %mul3A_705 : i32
      %add3A_707 = arith.constant 9 : i32
      %add3A_708 = arith.addi %mul3A_706, %add3A_707 : i32
      %dma_start3A_709 = arith.constant 9216 : i32
      %dma_start3A_710 = tpu.memref_slice %arg8[%dma_start3A_709] : memref<16384xf32, #tpu.memory_space<vmem>> -> memref<1024xf32, #tpu.memory_space<vmem>>
      %dma_start3A_711 = arith.constant 0 : i32
      %dma_start3A_712 = tpu.memref_slice %arg3[%add3A_708, %dma_start3A_711] : memref<16384x1024xf32, #tpu.memory_space<hbm>> -> memref<1x1024xf32, #tpu.memory_space<hbm>>
      %dma_start3A_713 = tpu.memref_squeeze %dma_start3A_712 : memref<1x1024xf32, #tpu.memory_space<hbm>> -> memref<1024xf32, #tpu.memory_space<hbm>>
      %dma_start3A_714 = arith.constant 0 : i32
      %dma_start3A_715 = tpu.memref_slice %arg3[%add3A_708, %dma_start3A_714] : memref<16384x1024xf32, #tpu.memory_space<hbm>> -> memref<1x1024xf32, #tpu.memory_space<hbm>>
      %dma_start3A_716 = tpu.memref_squeeze %dma_start3A_715 : memref<1x1024xf32, #tpu.memory_space<hbm>> -> memref<1024xf32, #tpu.memory_space<hbm>>
      %dma_start3A_717 = arith.constant 9216 : i32
      %dma_start3A_718 = tpu.memref_slice %arg8[%dma_start3A_717] : memref<16384xf32, #tpu.memory_space<vmem>> -> memref<1024xf32, #tpu.memory_space<vmem>>
      tpu.enqueue_dma source(%dma_start3A_718 : memref<1024xf32, #tpu.memory_space<vmem>>) target(%dma_start3A_716 : memref<1024xf32, #tpu.memory_space<hbm>>) target_semaphore(%arg14 : memref<!tpu.dma_semaphore, #tpu.memory_space<semaphore_mem>>)
      %add3A_719 = arith.addi %mul3A_2, %add3A_548 : i32
      %mul3A_720 = arith.constant 16 : i32
      %mul3A_721 = arith.muli %add3A_719, %mul3A_720 : i32
      %add3A_722 = arith.constant 10 : i32
      %add3A_723 = arith.addi %mul3A_721, %add3A_722 : i32
      %dma_start3A_724 = arith.constant 10240 : i32
      %dma_start3A_725 = tpu.memref_slice %arg8[%dma_start3A_724] : memref<16384xf32, #tpu.memory_space<vmem>> -> memref<1024xf32, #tpu.memory_space<vmem>>
      %dma_start3A_726 = arith.constant 0 : i32
      %dma_start3A_727 = tpu.memref_slice %arg3[%add3A_723, %dma_start3A_726] : memref<16384x1024xf32, #tpu.memory_space<hbm>> -> memref<1x1024xf32, #tpu.memory_space<hbm>>
      %dma_start3A_728 = tpu.memref_squeeze %dma_start3A_727 : memref<1x1024xf32, #tpu.memory_space<hbm>> -> memref<1024xf32, #tpu.memory_space<hbm>>
      %dma_start3A_729 = arith.constant 0 : i32
      %dma_start3A_730 = tpu.memref_slice %arg3[%add3A_723, %dma_start3A_729] : memref<16384x1024xf32, #tpu.memory_space<hbm>> -> memref<1x1024xf32, #tpu.memory_space<hbm>>
      %dma_start3A_731 = tpu.memref_squeeze %dma_start3A_730 : memref<1x1024xf32, #tpu.memory_space<hbm>> -> memref<1024xf32, #tpu.memory_space<hbm>>
      %dma_start3A_732 = arith.constant 10240 : i32
      %dma_start3A_733 = tpu.memref_slice %arg8[%dma_start3A_732] : memref<16384xf32, #tpu.memory_space<vmem>> -> memref<1024xf32, #tpu.memory_space<vmem>>
      tpu.enqueue_dma source(%dma_start3A_733 : memref<1024xf32, #tpu.memory_space<vmem>>) target(%dma_start3A_731 : memref<1024xf32, #tpu.memory_space<hbm>>) target_semaphore(%arg14 : memref<!tpu.dma_semaphore, #tpu.memory_space<semaphore_mem>>)
      %add3A_734 = arith.addi %mul3A_2, %add3A_548 : i32
      %mul3A_735 = arith.constant 16 : i32
      %mul3A_736 = arith.muli %add3A_734, %mul3A_735 : i32
      %add3A_737 = arith.constant 11 : i32
      %add3A_738 = arith.addi %mul3A_736, %add3A_737 : i32
      %dma_start3A_739 = arith.constant 11264 : i32
      %dma_start3A_740 = tpu.memref_slice %arg8[%dma_start3A_739] : memref<16384xf32, #tpu.memory_space<vmem>> -> memref<1024xf32, #tpu.memory_space<vmem>>
      %dma_start3A_741 = arith.constant 0 : i32
      %dma_start3A_742 = tpu.memref_slice %arg3[%add3A_738, %dma_start3A_741] : memref<16384x1024xf32, #tpu.memory_space<hbm>> -> memref<1x1024xf32, #tpu.memory_space<hbm>>
      %dma_start3A_743 = tpu.memref_squeeze %dma_start3A_742 : memref<1x1024xf32, #tpu.memory_space<hbm>> -> memref<1024xf32, #tpu.memory_space<hbm>>
      %dma_start3A_744 = arith.constant 0 : i32
      %dma_start3A_745 = tpu.memref_slice %arg3[%add3A_738, %dma_start3A_744] : memref<16384x1024xf32, #tpu.memory_space<hbm>> -> memref<1x1024xf32, #tpu.memory_space<hbm>>
      %dma_start3A_746 = tpu.memref_squeeze %dma_start3A_745 : memref<1x1024xf32, #tpu.memory_space<hbm>> -> memref<1024xf32, #tpu.memory_space<hbm>>
      %dma_start3A_747 = arith.constant 11264 : i32
      %dma_start3A_748 = tpu.memref_slice %arg8[%dma_start3A_747] : memref<16384xf32, #tpu.memory_space<vmem>> -> memref<1024xf32, #tpu.memory_space<vmem>>
      tpu.enqueue_dma source(%dma_start3A_748 : memref<1024xf32, #tpu.memory_space<vmem>>) target(%dma_start3A_746 : memref<1024xf32, #tpu.memory_space<hbm>>) target_semaphore(%arg14 : memref<!tpu.dma_semaphore, #tpu.memory_space<semaphore_mem>>)
      %add3A_749 = arith.addi %mul3A_2, %add3A_548 : i32
      %mul3A_750 = arith.constant 16 : i32
      %mul3A_751 = arith.muli %add3A_749, %mul3A_750 : i32
      %add3A_752 = arith.constant 12 : i32
      %add3A_753 = arith.addi %mul3A_751, %add3A_752 : i32
      %dma_start3A_754 = arith.constant 12288 : i32
      %dma_start3A_755 = tpu.memref_slice %arg8[%dma_start3A_754] : memref<16384xf32, #tpu.memory_space<vmem>> -> memref<1024xf32, #tpu.memory_space<vmem>>
      %dma_start3A_756 = arith.constant 0 : i32
      %dma_start3A_757 = tpu.memref_slice %arg3[%add3A_753, %dma_start3A_756] : memref<16384x1024xf32, #tpu.memory_space<hbm>> -> memref<1x1024xf32, #tpu.memory_space<hbm>>
      %dma_start3A_758 = tpu.memref_squeeze %dma_start3A_757 : memref<1x1024xf32, #tpu.memory_space<hbm>> -> memref<1024xf32, #tpu.memory_space<hbm>>
      %dma_start3A_759 = arith.constant 0 : i32
      %dma_start3A_760 = tpu.memref_slice %arg3[%add3A_753, %dma_start3A_759] : memref<16384x1024xf32, #tpu.memory_space<hbm>> -> memref<1x1024xf32, #tpu.memory_space<hbm>>
      %dma_start3A_761 = tpu.memref_squeeze %dma_start3A_760 : memref<1x1024xf32, #tpu.memory_space<hbm>> -> memref<1024xf32, #tpu.memory_space<hbm>>
      %dma_start3A_762 = arith.constant 12288 : i32
      %dma_start3A_763 = tpu.memref_slice %arg8[%dma_start3A_762] : memref<16384xf32, #tpu.memory_space<vmem>> -> memref<1024xf32, #tpu.memory_space<vmem>>
      tpu.enqueue_dma source(%dma_start3A_763 : memref<1024xf32, #tpu.memory_space<vmem>>) target(%dma_start3A_761 : memref<1024xf32, #tpu.memory_space<hbm>>) target_semaphore(%arg14 : memref<!tpu.dma_semaphore, #tpu.memory_space<semaphore_mem>>)
      %add3A_764 = arith.addi %mul3A_2, %add3A_548 : i32
      %mul3A_765 = arith.constant 16 : i32
      %mul3A_766 = arith.muli %add3A_764, %mul3A_765 : i32
      %add3A_767 = arith.constant 13 : i32
      %add3A_768 = arith.addi %mul3A_766, %add3A_767 : i32
      %dma_start3A_769 = arith.constant 13312 : i32
      %dma_start3A_770 = tpu.memref_slice %arg8[%dma_start3A_769] : memref<16384xf32, #tpu.memory_space<vmem>> -> memref<1024xf32, #tpu.memory_space<vmem>>
      %dma_start3A_771 = arith.constant 0 : i32
      %dma_start3A_772 = tpu.memref_slice %arg3[%add3A_768, %dma_start3A_771] : memref<16384x1024xf32, #tpu.memory_space<hbm>> -> memref<1x1024xf32, #tpu.memory_space<hbm>>
      %dma_start3A_773 = tpu.memref_squeeze %dma_start3A_772 : memref<1x1024xf32, #tpu.memory_space<hbm>> -> memref<1024xf32, #tpu.memory_space<hbm>>
      %dma_start3A_774 = arith.constant 0 : i32
      %dma_start3A_775 = tpu.memref_slice %arg3[%add3A_768, %dma_start3A_774] : memref<16384x1024xf32, #tpu.memory_space<hbm>> -> memref<1x1024xf32, #tpu.memory_space<hbm>>
      %dma_start3A_776 = tpu.memref_squeeze %dma_start3A_775 : memref<1x1024xf32, #tpu.memory_space<hbm>> -> memref<1024xf32, #tpu.memory_space<hbm>>
      %dma_start3A_777 = arith.constant 13312 : i32
      %dma_start3A_778 = tpu.memref_slice %arg8[%dma_start3A_777] : memref<16384xf32, #tpu.memory_space<vmem>> -> memref<1024xf32, #tpu.memory_space<vmem>>
      tpu.enqueue_dma source(%dma_start3A_778 : memref<1024xf32, #tpu.memory_space<vmem>>) target(%dma_start3A_776 : memref<1024xf32, #tpu.memory_space<hbm>>) target_semaphore(%arg14 : memref<!tpu.dma_semaphore, #tpu.memory_space<semaphore_mem>>)
      %add3A_779 = arith.addi %mul3A_2, %add3A_548 : i32
      %mul3A_780 = arith.constant 16 : i32
      %mul3A_781 = arith.muli %add3A_779, %mul3A_780 : i32
      %add3A_782 = arith.constant 14 : i32
      %add3A_783 = arith.addi %mul3A_781, %add3A_782 : i32
      %dma_start3A_784 = arith.constant 14336 : i32
      %dma_start3A_785 = tpu.memref_slice %arg8[%dma_start3A_784] : memref<16384xf32, #tpu.memory_space<vmem>> -> memref<1024xf32, #tpu.memory_space<vmem>>
      %dma_start3A_786 = arith.constant 0 : i32
      %dma_start3A_787 = tpu.memref_slice %arg3[%add3A_783, %dma_start3A_786] : memref<16384x1024xf32, #tpu.memory_space<hbm>> -> memref<1x1024xf32, #tpu.memory_space<hbm>>
      %dma_start3A_788 = tpu.memref_squeeze %dma_start3A_787 : memref<1x1024xf32, #tpu.memory_space<hbm>> -> memref<1024xf32, #tpu.memory_space<hbm>>
      %dma_start3A_789 = arith.constant 0 : i32
      %dma_start3A_790 = tpu.memref_slice %arg3[%add3A_783, %dma_start3A_789] : memref<16384x1024xf32, #tpu.memory_space<hbm>> -> memref<1x1024xf32, #tpu.memory_space<hbm>>
      %dma_start3A_791 = tpu.memref_squeeze %dma_start3A_790 : memref<1x1024xf32, #tpu.memory_space<hbm>> -> memref<1024xf32, #tpu.memory_space<hbm>>
      %dma_start3A_792 = arith.constant 14336 : i32
      %dma_start3A_793 = tpu.memref_slice %arg8[%dma_start3A_792] : memref<16384xf32, #tpu.memory_space<vmem>> -> memref<1024xf32, #tpu.memory_space<vmem>>
      tpu.enqueue_dma source(%dma_start3A_793 : memref<1024xf32, #tpu.memory_space<vmem>>) target(%dma_start3A_791 : memref<1024xf32, #tpu.memory_space<hbm>>) target_semaphore(%arg14 : memref<!tpu.dma_semaphore, #tpu.memory_space<semaphore_mem>>)
      %add3A_794 = arith.addi %mul3A_2, %add3A_548 : i32
      %mul3A_795 = arith.constant 16 : i32
      %mul3A_796 = arith.muli %add3A_794, %mul3A_795 : i32
      %add3A_797 = arith.constant 15 : i32
      %add3A_798 = arith.addi %mul3A_796, %add3A_797 : i32
      %dma_start3A_799 = arith.constant 15360 : i32
      %dma_start3A_800 = tpu.memref_slice %arg8[%dma_start3A_799] : memref<16384xf32, #tpu.memory_space<vmem>> -> memref<1024xf32, #tpu.memory_space<vmem>>
      %dma_start3A_801 = arith.constant 0 : i32
      %dma_start3A_802 = tpu.memref_slice %arg3[%add3A_798, %dma_start3A_801] : memref<16384x1024xf32, #tpu.memory_space<hbm>> -> memref<1x1024xf32, #tpu.memory_space<hbm>>
      %dma_start3A_803 = tpu.memref_squeeze %dma_start3A_802 : memref<1x1024xf32, #tpu.memory_space<hbm>> -> memref<1024xf32, #tpu.memory_space<hbm>>
      %dma_start3A_804 = arith.constant 0 : i32
      %dma_start3A_805 = tpu.memref_slice %arg3[%add3A_798, %dma_start3A_804] : memref<16384x1024xf32, #tpu.memory_space<hbm>> -> memref<1x1024xf32, #tpu.memory_space<hbm>>
      %dma_start3A_806 = tpu.memref_squeeze %dma_start3A_805 : memref<1x1024xf32, #tpu.memory_space<hbm>> -> memref<1024xf32, #tpu.memory_space<hbm>>
      %dma_start3A_807 = arith.constant 15360 : i32
      %dma_start3A_808 = tpu.memref_slice %arg8[%dma_start3A_807] : memref<16384xf32, #tpu.memory_space<vmem>> -> memref<1024xf32, #tpu.memory_space<vmem>>
      tpu.enqueue_dma source(%dma_start3A_808 : memref<1024xf32, #tpu.memory_space<vmem>>) target(%dma_start3A_806 : memref<1024xf32, #tpu.memory_space<hbm>>) target_semaphore(%arg14 : memref<!tpu.dma_semaphore, #tpu.memory_space<semaphore_mem>>)
      %add3A_809 = arith.constant 1 : i32
      %add3A_810 = arith.addi %add3A_548, %add3A_809 : i32
      %ge3A_811 = arith.constant 2 : i32
      %ge3A_812 = arith.cmpi sge, %add3A_810, %ge3A_811 : i32
      %convert_element_type3A_813 = arith.extui %ge3A_812 : i1 to i32
      %cond3A_814 = arith.constant 0 : i32
      %cond3A_815 = arith.cmpi ne, %convert_element_type3A_813, %cond3A_814 : i32
      scf.if %cond3A_815 {
        %sub3A = arith.constant 2 : i32
        %sub3A_1607 = arith.subi %add3A_810, %sub3A : i32
        %add3A_1608 = arith.addi %mul3A_2, %sub3A_1607 : i32
        %mul3A_1609 = arith.constant 16 : i32
        %mul3A_1610 = arith.muli %add3A_1608, %mul3A_1609 : i32
        %add3A_1611 = arith.constant 0 : i32
        %add3A_1612 = arith.addi %mul3A_1610, %add3A_1611 : i32
        %dma_wait3A_1613 = arith.constant 0 : i32
        %dma_wait3A_1614 = tpu.memref_slice %arg9[%dma_wait3A_1613] : memref<16384xf32, #tpu.memory_space<vmem>> -> memref<1024xf32, #tpu.memory_space<vmem>>
        %dma_wait3A_1615 = arith.constant 0 : i32
        %dma_wait3A_1616 = tpu.memref_slice %arg3[%add3A_1612, %dma_wait3A_1615] : memref<16384x1024xf32, #tpu.memory_space<hbm>> -> memref<1x1024xf32, #tpu.memory_space<hbm>>
        %dma_wait3A_1617 = tpu.memref_squeeze %dma_wait3A_1616 : memref<1x1024xf32, #tpu.memory_space<hbm>> -> memref<1024xf32, #tpu.memory_space<hbm>>
        %dma_wait3A_1618 = arith.constant 0 : i32
        %dma_wait3A_1619 = tpu.memref_slice %arg3[%add3A_1612, %dma_wait3A_1618] : memref<16384x1024xf32, #tpu.memory_space<hbm>> -> memref<1x1024xf32, #tpu.memory_space<hbm>>
        %dma_wait3A_1620 = tpu.memref_squeeze %dma_wait3A_1619 : memref<1x1024xf32, #tpu.memory_space<hbm>> -> memref<1024xf32, #tpu.memory_space<hbm>>
        %dma_wait3A_1621 = arith.constant 0 : i32
        %dma_wait3A_1622 = tpu.memref_slice %arg9[%dma_wait3A_1621] : memref<16384xf32, #tpu.memory_space<vmem>> -> memref<1024xf32, #tpu.memory_space<vmem>>
        tpu.wait_dma2 semaphore(%arg15 : memref<!tpu.dma_semaphore, #tpu.memory_space<semaphore_mem>>) src(%dma_wait3A_1622 : memref<1024xf32, #tpu.memory_space<vmem>>) dst(%dma_wait3A_1620 : memref<1024xf32, #tpu.memory_space<hbm>>)
        %add3A_1623 = arith.addi %mul3A_2, %sub3A_1607 : i32
        %mul3A_1624 = arith.constant 16 : i32
        %mul3A_1625 = arith.muli %add3A_1623, %mul3A_1624 : i32
        %add3A_1626 = arith.constant 1 : i32
        %add3A_1627 = arith.addi %mul3A_1625, %add3A_1626 : i32
        %dma_wait3A_1628 = arith.constant 1024 : i32
        %dma_wait3A_1629 = tpu.memref_slice %arg9[%dma_wait3A_1628] : memref<16384xf32, #tpu.memory_space<vmem>> -> memref<1024xf32, #tpu.memory_space<vmem>>
        %dma_wait3A_1630 = arith.constant 0 : i32
        %dma_wait3A_1631 = tpu.memref_slice %arg3[%add3A_1627, %dma_wait3A_1630] : memref<16384x1024xf32, #tpu.memory_space<hbm>> -> memref<1x1024xf32, #tpu.memory_space<hbm>>
        %dma_wait3A_1632 = tpu.memref_squeeze %dma_wait3A_1631 : memref<1x1024xf32, #tpu.memory_space<hbm>> -> memref<1024xf32, #tpu.memory_space<hbm>>
        %dma_wait3A_1633 = arith.constant 0 : i32
        %dma_wait3A_1634 = tpu.memref_slice %arg3[%add3A_1627, %dma_wait3A_1633] : memref<16384x1024xf32, #tpu.memory_space<hbm>> -> memref<1x1024xf32, #tpu.memory_space<hbm>>
        %dma_wait3A_1635 = tpu.memref_squeeze %dma_wait3A_1634 : memref<1x1024xf32, #tpu.memory_space<hbm>> -> memref<1024xf32, #tpu.memory_space<hbm>>
        %dma_wait3A_1636 = arith.constant 1024 : i32
        %dma_wait3A_1637 = tpu.memref_slice %arg9[%dma_wait3A_1636] : memref<16384xf32, #tpu.memory_space<vmem>> -> memref<1024xf32, #tpu.memory_space<vmem>>
        tpu.wait_dma2 semaphore(%arg15 : memref<!tpu.dma_semaphore, #tpu.memory_space<semaphore_mem>>) src(%dma_wait3A_1637 : memref<1024xf32, #tpu.memory_space<vmem>>) dst(%dma_wait3A_1635 : memref<1024xf32, #tpu.memory_space<hbm>>)
        %add3A_1638 = arith.addi %mul3A_2, %sub3A_1607 : i32
        %mul3A_1639 = arith.constant 16 : i32
        %mul3A_1640 = arith.muli %add3A_1638, %mul3A_1639 : i32
        %add3A_1641 = arith.constant 2 : i32
        %add3A_1642 = arith.addi %mul3A_1640, %add3A_1641 : i32
        %dma_wait3A_1643 = arith.constant 2048 : i32
        %dma_wait3A_1644 = tpu.memref_slice %arg9[%dma_wait3A_1643] : memref<16384xf32, #tpu.memory_space<vmem>> -> memref<1024xf32, #tpu.memory_space<vmem>>
        %dma_wait3A_1645 = arith.constant 0 : i32
        %dma_wait3A_1646 = tpu.memref_slice %arg3[%add3A_1642, %dma_wait3A_1645] : memref<16384x1024xf32, #tpu.memory_space<hbm>> -> memref<1x1024xf32, #tpu.memory_space<hbm>>
        %dma_wait3A_1647 = tpu.memref_squeeze %dma_wait3A_1646 : memref<1x1024xf32, #tpu.memory_space<hbm>> -> memref<1024xf32, #tpu.memory_space<hbm>>
        %dma_wait3A_1648 = arith.constant 0 : i32
        %dma_wait3A_1649 = tpu.memref_slice %arg3[%add3A_1642, %dma_wait3A_1648] : memref<16384x1024xf32, #tpu.memory_space<hbm>> -> memref<1x1024xf32, #tpu.memory_space<hbm>>
        %dma_wait3A_1650 = tpu.memref_squeeze %dma_wait3A_1649 : memref<1x1024xf32, #tpu.memory_space<hbm>> -> memref<1024xf32, #tpu.memory_space<hbm>>
        %dma_wait3A_1651 = arith.constant 2048 : i32
        %dma_wait3A_1652 = tpu.memref_slice %arg9[%dma_wait3A_1651] : memref<16384xf32, #tpu.memory_space<vmem>> -> memref<1024xf32, #tpu.memory_space<vmem>>
        tpu.wait_dma2 semaphore(%arg15 : memref<!tpu.dma_semaphore, #tpu.memory_space<semaphore_mem>>) src(%dma_wait3A_1652 : memref<1024xf32, #tpu.memory_space<vmem>>) dst(%dma_wait3A_1650 : memref<1024xf32, #tpu.memory_space<hbm>>)
        %add3A_1653 = arith.addi %mul3A_2, %sub3A_1607 : i32
        %mul3A_1654 = arith.constant 16 : i32
        %mul3A_1655 = arith.muli %add3A_1653, %mul3A_1654 : i32
        %add3A_1656 = arith.constant 3 : i32
        %add3A_1657 = arith.addi %mul3A_1655, %add3A_1656 : i32
        %dma_wait3A_1658 = arith.constant 3072 : i32
        %dma_wait3A_1659 = tpu.memref_slice %arg9[%dma_wait3A_1658] : memref<16384xf32, #tpu.memory_space<vmem>> -> memref<1024xf32, #tpu.memory_space<vmem>>
        %dma_wait3A_1660 = arith.constant 0 : i32
        %dma_wait3A_1661 = tpu.memref_slice %arg3[%add3A_1657, %dma_wait3A_1660] : memref<16384x1024xf32, #tpu.memory_space<hbm>> -> memref<1x1024xf32, #tpu.memory_space<hbm>>
        %dma_wait3A_1662 = tpu.memref_squeeze %dma_wait3A_1661 : memref<1x1024xf32, #tpu.memory_space<hbm>> -> memref<1024xf32, #tpu.memory_space<hbm>>
        %dma_wait3A_1663 = arith.constant 0 : i32
        %dma_wait3A_1664 = tpu.memref_slice %arg3[%add3A_1657, %dma_wait3A_1663] : memref<16384x1024xf32, #tpu.memory_space<hbm>> -> memref<1x1024xf32, #tpu.memory_space<hbm>>
        %dma_wait3A_1665 = tpu.memref_squeeze %dma_wait3A_1664 : memref<1x1024xf32, #tpu.memory_space<hbm>> -> memref<1024xf32, #tpu.memory_space<hbm>>
        %dma_wait3A_1666 = arith.constant 3072 : i32
        %dma_wait3A_1667 = tpu.memref_slice %arg9[%dma_wait3A_1666] : memref<16384xf32, #tpu.memory_space<vmem>> -> memref<1024xf32, #tpu.memory_space<vmem>>
        tpu.wait_dma2 semaphore(%arg15 : memref<!tpu.dma_semaphore, #tpu.memory_space<semaphore_mem>>) src(%dma_wait3A_1667 : memref<1024xf32, #tpu.memory_space<vmem>>) dst(%dma_wait3A_1665 : memref<1024xf32, #tpu.memory_space<hbm>>)
        %add3A_1668 = arith.addi %mul3A_2, %sub3A_1607 : i32
        %mul3A_1669 = arith.constant 16 : i32
        %mul3A_1670 = arith.muli %add3A_1668, %mul3A_1669 : i32
        %add3A_1671 = arith.constant 4 : i32
        %add3A_1672 = arith.addi %mul3A_1670, %add3A_1671 : i32
        %dma_wait3A_1673 = arith.constant 4096 : i32
        %dma_wait3A_1674 = tpu.memref_slice %arg9[%dma_wait3A_1673] : memref<16384xf32, #tpu.memory_space<vmem>> -> memref<1024xf32, #tpu.memory_space<vmem>>
        %dma_wait3A_1675 = arith.constant 0 : i32
        %dma_wait3A_1676 = tpu.memref_slice %arg3[%add3A_1672, %dma_wait3A_1675] : memref<16384x1024xf32, #tpu.memory_space<hbm>> -> memref<1x1024xf32, #tpu.memory_space<hbm>>
        %dma_wait3A_1677 = tpu.memref_squeeze %dma_wait3A_1676 : memref<1x1024xf32, #tpu.memory_space<hbm>> -> memref<1024xf32, #tpu.memory_space<hbm>>
        %dma_wait3A_1678 = arith.constant 0 : i32
        %dma_wait3A_1679 = tpu.memref_slice %arg3[%add3A_1672, %dma_wait3A_1678] : memref<16384x1024xf32, #tpu.memory_space<hbm>> -> memref<1x1024xf32, #tpu.memory_space<hbm>>
        %dma_wait3A_1680 = tpu.memref_squeeze %dma_wait3A_1679 : memref<1x1024xf32, #tpu.memory_space<hbm>> -> memref<1024xf32, #tpu.memory_space<hbm>>
        %dma_wait3A_1681 = arith.constant 4096 : i32
        %dma_wait3A_1682 = tpu.memref_slice %arg9[%dma_wait3A_1681] : memref<16384xf32, #tpu.memory_space<vmem>> -> memref<1024xf32, #tpu.memory_space<vmem>>
        tpu.wait_dma2 semaphore(%arg15 : memref<!tpu.dma_semaphore, #tpu.memory_space<semaphore_mem>>) src(%dma_wait3A_1682 : memref<1024xf32, #tpu.memory_space<vmem>>) dst(%dma_wait3A_1680 : memref<1024xf32, #tpu.memory_space<hbm>>)
        %add3A_1683 = arith.addi %mul3A_2, %sub3A_1607 : i32
        %mul3A_1684 = arith.constant 16 : i32
        %mul3A_1685 = arith.muli %add3A_1683, %mul3A_1684 : i32
        %add3A_1686 = arith.constant 5 : i32
        %add3A_1687 = arith.addi %mul3A_1685, %add3A_1686 : i32
        %dma_wait3A_1688 = arith.constant 5120 : i32
        %dma_wait3A_1689 = tpu.memref_slice %arg9[%dma_wait3A_1688] : memref<16384xf32, #tpu.memory_space<vmem>> -> memref<1024xf32, #tpu.memory_space<vmem>>
        %dma_wait3A_1690 = arith.constant 0 : i32
        %dma_wait3A_1691 = tpu.memref_slice %arg3[%add3A_1687, %dma_wait3A_1690] : memref<16384x1024xf32, #tpu.memory_space<hbm>> -> memref<1x1024xf32, #tpu.memory_space<hbm>>
        %dma_wait3A_1692 = tpu.memref_squeeze %dma_wait3A_1691 : memref<1x1024xf32, #tpu.memory_space<hbm>> -> memref<1024xf32, #tpu.memory_space<hbm>>
        %dma_wait3A_1693 = arith.constant 0 : i32
        %dma_wait3A_1694 = tpu.memref_slice %arg3[%add3A_1687, %dma_wait3A_1693] : memref<16384x1024xf32, #tpu.memory_space<hbm>> -> memref<1x1024xf32, #tpu.memory_space<hbm>>
        %dma_wait3A_1695 = tpu.memref_squeeze %dma_wait3A_1694 : memref<1x1024xf32, #tpu.memory_space<hbm>> -> memref<1024xf32, #tpu.memory_space<hbm>>
        %dma_wait3A_1696 = arith.constant 5120 : i32
        %dma_wait3A_1697 = tpu.memref_slice %arg9[%dma_wait3A_1696] : memref<16384xf32, #tpu.memory_space<vmem>> -> memref<1024xf32, #tpu.memory_space<vmem>>
        tpu.wait_dma2 semaphore(%arg15 : memref<!tpu.dma_semaphore, #tpu.memory_space<semaphore_mem>>) src(%dma_wait3A_1697 : memref<1024xf32, #tpu.memory_space<vmem>>) dst(%dma_wait3A_1695 : memref<1024xf32, #tpu.memory_space<hbm>>)
        %add3A_1698 = arith.addi %mul3A_2, %sub3A_1607 : i32
        %mul3A_1699 = arith.constant 16 : i32
        %mul3A_1700 = arith.muli %add3A_1698, %mul3A_1699 : i32
        %add3A_1701 = arith.constant 6 : i32
        %add3A_1702 = arith.addi %mul3A_1700, %add3A_1701 : i32
        %dma_wait3A_1703 = arith.constant 6144 : i32
        %dma_wait3A_1704 = tpu.memref_slice %arg9[%dma_wait3A_1703] : memref<16384xf32, #tpu.memory_space<vmem>> -> memref<1024xf32, #tpu.memory_space<vmem>>
        %dma_wait3A_1705 = arith.constant 0 : i32
        %dma_wait3A_1706 = tpu.memref_slice %arg3[%add3A_1702, %dma_wait3A_1705] : memref<16384x1024xf32, #tpu.memory_space<hbm>> -> memref<1x1024xf32, #tpu.memory_space<hbm>>
        %dma_wait3A_1707 = tpu.memref_squeeze %dma_wait3A_1706 : memref<1x1024xf32, #tpu.memory_space<hbm>> -> memref<1024xf32, #tpu.memory_space<hbm>>
        %dma_wait3A_1708 = arith.constant 0 : i32
        %dma_wait3A_1709 = tpu.memref_slice %arg3[%add3A_1702, %dma_wait3A_1708] : memref<16384x1024xf32, #tpu.memory_space<hbm>> -> memref<1x1024xf32, #tpu.memory_space<hbm>>
        %dma_wait3A_1710 = tpu.memref_squeeze %dma_wait3A_1709 : memref<1x1024xf32, #tpu.memory_space<hbm>> -> memref<1024xf32, #tpu.memory_space<hbm>>
        %dma_wait3A_1711 = arith.constant 6144 : i32
        %dma_wait3A_1712 = tpu.memref_slice %arg9[%dma_wait3A_1711] : memref<16384xf32, #tpu.memory_space<vmem>> -> memref<1024xf32, #tpu.memory_space<vmem>>
        tpu.wait_dma2 semaphore(%arg15 : memref<!tpu.dma_semaphore, #tpu.memory_space<semaphore_mem>>) src(%dma_wait3A_1712 : memref<1024xf32, #tpu.memory_space<vmem>>) dst(%dma_wait3A_1710 : memref<1024xf32, #tpu.memory_space<hbm>>)
        %add3A_1713 = arith.addi %mul3A_2, %sub3A_1607 : i32
        %mul3A_1714 = arith.constant 16 : i32
        %mul3A_1715 = arith.muli %add3A_1713, %mul3A_1714 : i32
        %add3A_1716 = arith.constant 7 : i32
        %add3A_1717 = arith.addi %mul3A_1715, %add3A_1716 : i32
        %dma_wait3A_1718 = arith.constant 7168 : i32
        %dma_wait3A_1719 = tpu.memref_slice %arg9[%dma_wait3A_1718] : memref<16384xf32, #tpu.memory_space<vmem>> -> memref<1024xf32, #tpu.memory_space<vmem>>
        %dma_wait3A_1720 = arith.constant 0 : i32
        %dma_wait3A_1721 = tpu.memref_slice %arg3[%add3A_1717, %dma_wait3A_1720] : memref<16384x1024xf32, #tpu.memory_space<hbm>> -> memref<1x1024xf32, #tpu.memory_space<hbm>>
        %dma_wait3A_1722 = tpu.memref_squeeze %dma_wait3A_1721 : memref<1x1024xf32, #tpu.memory_space<hbm>> -> memref<1024xf32, #tpu.memory_space<hbm>>
        %dma_wait3A_1723 = arith.constant 0 : i32
        %dma_wait3A_1724 = tpu.memref_slice %arg3[%add3A_1717, %dma_wait3A_1723] : memref<16384x1024xf32, #tpu.memory_space<hbm>> -> memref<1x1024xf32, #tpu.memory_space<hbm>>
        %dma_wait3A_1725 = tpu.memref_squeeze %dma_wait3A_1724 : memref<1x1024xf32, #tpu.memory_space<hbm>> -> memref<1024xf32, #tpu.memory_space<hbm>>
        %dma_wait3A_1726 = arith.constant 7168 : i32
        %dma_wait3A_1727 = tpu.memref_slice %arg9[%dma_wait3A_1726] : memref<16384xf32, #tpu.memory_space<vmem>> -> memref<1024xf32, #tpu.memory_space<vmem>>
        tpu.wait_dma2 semaphore(%arg15 : memref<!tpu.dma_semaphore, #tpu.memory_space<semaphore_mem>>) src(%dma_wait3A_1727 : memref<1024xf32, #tpu.memory_space<vmem>>) dst(%dma_wait3A_1725 : memref<1024xf32, #tpu.memory_space<hbm>>)
        %add3A_1728 = arith.addi %mul3A_2, %sub3A_1607 : i32
        %mul3A_1729 = arith.constant 16 : i32
        %mul3A_1730 = arith.muli %add3A_1728, %mul3A_1729 : i32
        %add3A_1731 = arith.constant 8 : i32
        %add3A_1732 = arith.addi %mul3A_1730, %add3A_1731 : i32
        %dma_wait3A_1733 = arith.constant 8192 : i32
        %dma_wait3A_1734 = tpu.memref_slice %arg9[%dma_wait3A_1733] : memref<16384xf32, #tpu.memory_space<vmem>> -> memref<1024xf32, #tpu.memory_space<vmem>>
        %dma_wait3A_1735 = arith.constant 0 : i32
        %dma_wait3A_1736 = tpu.memref_slice %arg3[%add3A_1732, %dma_wait3A_1735] : memref<16384x1024xf32, #tpu.memory_space<hbm>> -> memref<1x1024xf32, #tpu.memory_space<hbm>>
        %dma_wait3A_1737 = tpu.memref_squeeze %dma_wait3A_1736 : memref<1x1024xf32, #tpu.memory_space<hbm>> -> memref<1024xf32, #tpu.memory_space<hbm>>
        %dma_wait3A_1738 = arith.constant 0 : i32
        %dma_wait3A_1739 = tpu.memref_slice %arg3[%add3A_1732, %dma_wait3A_1738] : memref<16384x1024xf32, #tpu.memory_space<hbm>> -> memref<1x1024xf32, #tpu.memory_space<hbm>>
        %dma_wait3A_1740 = tpu.memref_squeeze %dma_wait3A_1739 : memref<1x1024xf32, #tpu.memory_space<hbm>> -> memref<1024xf32, #tpu.memory_space<hbm>>
        %dma_wait3A_1741 = arith.constant 8192 : i32
        %dma_wait3A_1742 = tpu.memref_slice %arg9[%dma_wait3A_1741] : memref<16384xf32, #tpu.memory_space<vmem>> -> memref<1024xf32, #tpu.memory_space<vmem>>
        tpu.wait_dma2 semaphore(%arg15 : memref<!tpu.dma_semaphore, #tpu.memory_space<semaphore_mem>>) src(%dma_wait3A_1742 : memref<1024xf32, #tpu.memory_space<vmem>>) dst(%dma_wait3A_1740 : memref<1024xf32, #tpu.memory_space<hbm>>)
        %add3A_1743 = arith.addi %mul3A_2, %sub3A_1607 : i32
        %mul3A_1744 = arith.constant 16 : i32
        %mul3A_1745 = arith.muli %add3A_1743, %mul3A_1744 : i32
        %add3A_1746 = arith.constant 9 : i32
        %add3A_1747 = arith.addi %mul3A_1745, %add3A_1746 : i32
        %dma_wait3A_1748 = arith.constant 9216 : i32
        %dma_wait3A_1749 = tpu.memref_slice %arg9[%dma_wait3A_1748] : memref<16384xf32, #tpu.memory_space<vmem>> -> memref<1024xf32, #tpu.memory_space<vmem>>
        %dma_wait3A_1750 = arith.constant 0 : i32
        %dma_wait3A_1751 = tpu.memref_slice %arg3[%add3A_1747, %dma_wait3A_1750] : memref<16384x1024xf32, #tpu.memory_space<hbm>> -> memref<1x1024xf32, #tpu.memory_space<hbm>>
        %dma_wait3A_1752 = tpu.memref_squeeze %dma_wait3A_1751 : memref<1x1024xf32, #tpu.memory_space<hbm>> -> memref<1024xf32, #tpu.memory_space<hbm>>
        %dma_wait3A_1753 = arith.constant 0 : i32
        %dma_wait3A_1754 = tpu.memref_slice %arg3[%add3A_1747, %dma_wait3A_1753] : memref<16384x1024xf32, #tpu.memory_space<hbm>> -> memref<1x1024xf32, #tpu.memory_space<hbm>>
        %dma_wait3A_1755 = tpu.memref_squeeze %dma_wait3A_1754 : memref<1x1024xf32, #tpu.memory_space<hbm>> -> memref<1024xf32, #tpu.memory_space<hbm>>
        %dma_wait3A_1756 = arith.constant 9216 : i32
        %dma_wait3A_1757 = tpu.memref_slice %arg9[%dma_wait3A_1756] : memref<16384xf32, #tpu.memory_space<vmem>> -> memref<1024xf32, #tpu.memory_space<vmem>>
        tpu.wait_dma2 semaphore(%arg15 : memref<!tpu.dma_semaphore, #tpu.memory_space<semaphore_mem>>) src(%dma_wait3A_1757 : memref<1024xf32, #tpu.memory_space<vmem>>) dst(%dma_wait3A_1755 : memref<1024xf32, #tpu.memory_space<hbm>>)
        %add3A_1758 = arith.addi %mul3A_2, %sub3A_1607 : i32
        %mul3A_1759 = arith.constant 16 : i32
        %mul3A_1760 = arith.muli %add3A_1758, %mul3A_1759 : i32
        %add3A_1761 = arith.constant 10 : i32
        %add3A_1762 = arith.addi %mul3A_1760, %add3A_1761 : i32
        %dma_wait3A_1763 = arith.constant 10240 : i32
        %dma_wait3A_1764 = tpu.memref_slice %arg9[%dma_wait3A_1763] : memref<16384xf32, #tpu.memory_space<vmem>> -> memref<1024xf32, #tpu.memory_space<vmem>>
        %dma_wait3A_1765 = arith.constant 0 : i32
        %dma_wait3A_1766 = tpu.memref_slice %arg3[%add3A_1762, %dma_wait3A_1765] : memref<16384x1024xf32, #tpu.memory_space<hbm>> -> memref<1x1024xf32, #tpu.memory_space<hbm>>
        %dma_wait3A_1767 = tpu.memref_squeeze %dma_wait3A_1766 : memref<1x1024xf32, #tpu.memory_space<hbm>> -> memref<1024xf32, #tpu.memory_space<hbm>>
        %dma_wait3A_1768 = arith.constant 0 : i32
        %dma_wait3A_1769 = tpu.memref_slice %arg3[%add3A_1762, %dma_wait3A_1768] : memref<16384x1024xf32, #tpu.memory_space<hbm>> -> memref<1x1024xf32, #tpu.memory_space<hbm>>
        %dma_wait3A_1770 = tpu.memref_squeeze %dma_wait3A_1769 : memref<1x1024xf32, #tpu.memory_space<hbm>> -> memref<1024xf32, #tpu.memory_space<hbm>>
        %dma_wait3A_1771 = arith.constant 10240 : i32
        %dma_wait3A_1772 = tpu.memref_slice %arg9[%dma_wait3A_1771] : memref<16384xf32, #tpu.memory_space<vmem>> -> memref<1024xf32, #tpu.memory_space<vmem>>
        tpu.wait_dma2 semaphore(%arg15 : memref<!tpu.dma_semaphore, #tpu.memory_space<semaphore_mem>>) src(%dma_wait3A_1772 : memref<1024xf32, #tpu.memory_space<vmem>>) dst(%dma_wait3A_1770 : memref<1024xf32, #tpu.memory_space<hbm>>)
        %add3A_1773 = arith.addi %mul3A_2, %sub3A_1607 : i32
        %mul3A_1774 = arith.constant 16 : i32
        %mul3A_1775 = arith.muli %add3A_1773, %mul3A_1774 : i32
        %add3A_1776 = arith.constant 11 : i32
        %add3A_1777 = arith.addi %mul3A_1775, %add3A_1776 : i32
        %dma_wait3A_1778 = arith.constant 11264 : i32
        %dma_wait3A_1779 = tpu.memref_slice %arg9[%dma_wait3A_1778] : memref<16384xf32, #tpu.memory_space<vmem>> -> memref<1024xf32, #tpu.memory_space<vmem>>
        %dma_wait3A_1780 = arith.constant 0 : i32
        %dma_wait3A_1781 = tpu.memref_slice %arg3[%add3A_1777, %dma_wait3A_1780] : memref<16384x1024xf32, #tpu.memory_space<hbm>> -> memref<1x1024xf32, #tpu.memory_space<hbm>>
        %dma_wait3A_1782 = tpu.memref_squeeze %dma_wait3A_1781 : memref<1x1024xf32, #tpu.memory_space<hbm>> -> memref<1024xf32, #tpu.memory_space<hbm>>
        %dma_wait3A_1783 = arith.constant 0 : i32
        %dma_wait3A_1784 = tpu.memref_slice %arg3[%add3A_1777, %dma_wait3A_1783] : memref<16384x1024xf32, #tpu.memory_space<hbm>> -> memref<1x1024xf32, #tpu.memory_space<hbm>>
        %dma_wait3A_1785 = tpu.memref_squeeze %dma_wait3A_1784 : memref<1x1024xf32, #tpu.memory_space<hbm>> -> memref<1024xf32, #tpu.memory_space<hbm>>
        %dma_wait3A_1786 = arith.constant 11264 : i32
        %dma_wait3A_1787 = tpu.memref_slice %arg9[%dma_wait3A_1786] : memref<16384xf32, #tpu.memory_space<vmem>> -> memref<1024xf32, #tpu.memory_space<vmem>>
        tpu.wait_dma2 semaphore(%arg15 : memref<!tpu.dma_semaphore, #tpu.memory_space<semaphore_mem>>) src(%dma_wait3A_1787 : memref<1024xf32, #tpu.memory_space<vmem>>) dst(%dma_wait3A_1785 : memref<1024xf32, #tpu.memory_space<hbm>>)
        %add3A_1788 = arith.addi %mul3A_2, %sub3A_1607 : i32
        %mul3A_1789 = arith.constant 16 : i32
        %mul3A_1790 = arith.muli %add3A_1788, %mul3A_1789 : i32
        %add3A_1791 = arith.constant 12 : i32
        %add3A_1792 = arith.addi %mul3A_1790, %add3A_1791 : i32
        %dma_wait3A_1793 = arith.constant 12288 : i32
        %dma_wait3A_1794 = tpu.memref_slice %arg9[%dma_wait3A_1793] : memref<16384xf32, #tpu.memory_space<vmem>> -> memref<1024xf32, #tpu.memory_space<vmem>>
        %dma_wait3A_1795 = arith.constant 0 : i32
        %dma_wait3A_1796 = tpu.memref_slice %arg3[%add3A_1792, %dma_wait3A_1795] : memref<16384x1024xf32, #tpu.memory_space<hbm>> -> memref<1x1024xf32, #tpu.memory_space<hbm>>
        %dma_wait3A_1797 = tpu.memref_squeeze %dma_wait3A_1796 : memref<1x1024xf32, #tpu.memory_space<hbm>> -> memref<1024xf32, #tpu.memory_space<hbm>>
        %dma_wait3A_1798 = arith.constant 0 : i32
        %dma_wait3A_1799 = tpu.memref_slice %arg3[%add3A_1792, %dma_wait3A_1798] : memref<16384x1024xf32, #tpu.memory_space<hbm>> -> memref<1x1024xf32, #tpu.memory_space<hbm>>
        %dma_wait3A_1800 = tpu.memref_squeeze %dma_wait3A_1799 : memref<1x1024xf32, #tpu.memory_space<hbm>> -> memref<1024xf32, #tpu.memory_space<hbm>>
        %dma_wait3A_1801 = arith.constant 12288 : i32
        %dma_wait3A_1802 = tpu.memref_slice %arg9[%dma_wait3A_1801] : memref<16384xf32, #tpu.memory_space<vmem>> -> memref<1024xf32, #tpu.memory_space<vmem>>
        tpu.wait_dma2 semaphore(%arg15 : memref<!tpu.dma_semaphore, #tpu.memory_space<semaphore_mem>>) src(%dma_wait3A_1802 : memref<1024xf32, #tpu.memory_space<vmem>>) dst(%dma_wait3A_1800 : memref<1024xf32, #tpu.memory_space<hbm>>)
        %add3A_1803 = arith.addi %mul3A_2, %sub3A_1607 : i32
        %mul3A_1804 = arith.constant 16 : i32
        %mul3A_1805 = arith.muli %add3A_1803, %mul3A_1804 : i32
        %add3A_1806 = arith.constant 13 : i32
        %add3A_1807 = arith.addi %mul3A_1805, %add3A_1806 : i32
        %dma_wait3A_1808 = arith.constant 13312 : i32
        %dma_wait3A_1809 = tpu.memref_slice %arg9[%dma_wait3A_1808] : memref<16384xf32, #tpu.memory_space<vmem>> -> memref<1024xf32, #tpu.memory_space<vmem>>
        %dma_wait3A_1810 = arith.constant 0 : i32
        %dma_wait3A_1811 = tpu.memref_slice %arg3[%add3A_1807, %dma_wait3A_1810] : memref<16384x1024xf32, #tpu.memory_space<hbm>> -> memref<1x1024xf32, #tpu.memory_space<hbm>>
        %dma_wait3A_1812 = tpu.memref_squeeze %dma_wait3A_1811 : memref<1x1024xf32, #tpu.memory_space<hbm>> -> memref<1024xf32, #tpu.memory_space<hbm>>
        %dma_wait3A_1813 = arith.constant 0 : i32
        %dma_wait3A_1814 = tpu.memref_slice %arg3[%add3A_1807, %dma_wait3A_1813] : memref<16384x1024xf32, #tpu.memory_space<hbm>> -> memref<1x1024xf32, #tpu.memory_space<hbm>>
        %dma_wait3A_1815 = tpu.memref_squeeze %dma_wait3A_1814 : memref<1x1024xf32, #tpu.memory_space<hbm>> -> memref<1024xf32, #tpu.memory_space<hbm>>
        %dma_wait3A_1816 = arith.constant 13312 : i32
        %dma_wait3A_1817 = tpu.memref_slice %arg9[%dma_wait3A_1816] : memref<16384xf32, #tpu.memory_space<vmem>> -> memref<1024xf32, #tpu.memory_space<vmem>>
        tpu.wait_dma2 semaphore(%arg15 : memref<!tpu.dma_semaphore, #tpu.memory_space<semaphore_mem>>) src(%dma_wait3A_1817 : memref<1024xf32, #tpu.memory_space<vmem>>) dst(%dma_wait3A_1815 : memref<1024xf32, #tpu.memory_space<hbm>>)
        %add3A_1818 = arith.addi %mul3A_2, %sub3A_1607 : i32
        %mul3A_1819 = arith.constant 16 : i32
        %mul3A_1820 = arith.muli %add3A_1818, %mul3A_1819 : i32
        %add3A_1821 = arith.constant 14 : i32
        %add3A_1822 = arith.addi %mul3A_1820, %add3A_1821 : i32
        %dma_wait3A_1823 = arith.constant 14336 : i32
        %dma_wait3A_1824 = tpu.memref_slice %arg9[%dma_wait3A_1823] : memref<16384xf32, #tpu.memory_space<vmem>> -> memref<1024xf32, #tpu.memory_space<vmem>>
        %dma_wait3A_1825 = arith.constant 0 : i32
        %dma_wait3A_1826 = tpu.memref_slice %arg3[%add3A_1822, %dma_wait3A_1825] : memref<16384x1024xf32, #tpu.memory_space<hbm>> -> memref<1x1024xf32, #tpu.memory_space<hbm>>
        %dma_wait3A_1827 = tpu.memref_squeeze %dma_wait3A_1826 : memref<1x1024xf32, #tpu.memory_space<hbm>> -> memref<1024xf32, #tpu.memory_space<hbm>>
        %dma_wait3A_1828 = arith.constant 0 : i32
        %dma_wait3A_1829 = tpu.memref_slice %arg3[%add3A_1822, %dma_wait3A_1828] : memref<16384x1024xf32, #tpu.memory_space<hbm>> -> memref<1x1024xf32, #tpu.memory_space<hbm>>
        %dma_wait3A_1830 = tpu.memref_squeeze %dma_wait3A_1829 : memref<1x1024xf32, #tpu.memory_space<hbm>> -> memref<1024xf32, #tpu.memory_space<hbm>>
        %dma_wait3A_1831 = arith.constant 14336 : i32
        %dma_wait3A_1832 = tpu.memref_slice %arg9[%dma_wait3A_1831] : memref<16384xf32, #tpu.memory_space<vmem>> -> memref<1024xf32, #tpu.memory_space<vmem>>
        tpu.wait_dma2 semaphore(%arg15 : memref<!tpu.dma_semaphore, #tpu.memory_space<semaphore_mem>>) src(%dma_wait3A_1832 : memref<1024xf32, #tpu.memory_space<vmem>>) dst(%dma_wait3A_1830 : memref<1024xf32, #tpu.memory_space<hbm>>)
        %add3A_1833 = arith.addi %mul3A_2, %sub3A_1607 : i32
        %mul3A_1834 = arith.constant 16 : i32
        %mul3A_1835 = arith.muli %add3A_1833, %mul3A_1834 : i32
        %add3A_1836 = arith.constant 15 : i32
        %add3A_1837 = arith.addi %mul3A_1835, %add3A_1836 : i32
        %dma_wait3A_1838 = arith.constant 15360 : i32
        %dma_wait3A_1839 = tpu.memref_slice %arg9[%dma_wait3A_1838] : memref<16384xf32, #tpu.memory_space<vmem>> -> memref<1024xf32, #tpu.memory_space<vmem>>
        %dma_wait3A_1840 = arith.constant 0 : i32
        %dma_wait3A_1841 = tpu.memref_slice %arg3[%add3A_1837, %dma_wait3A_1840] : memref<16384x1024xf32, #tpu.memory_space<hbm>> -> memref<1x1024xf32, #tpu.memory_space<hbm>>
        %dma_wait3A_1842 = tpu.memref_squeeze %dma_wait3A_1841 : memref<1x1024xf32, #tpu.memory_space<hbm>> -> memref<1024xf32, #tpu.memory_space<hbm>>
        %dma_wait3A_1843 = arith.constant 0 : i32
        %dma_wait3A_1844 = tpu.memref_slice %arg3[%add3A_1837, %dma_wait3A_1843] : memref<16384x1024xf32, #tpu.memory_space<hbm>> -> memref<1x1024xf32, #tpu.memory_space<hbm>>
        %dma_wait3A_1845 = tpu.memref_squeeze %dma_wait3A_1844 : memref<1x1024xf32, #tpu.memory_space<hbm>> -> memref<1024xf32, #tpu.memory_space<hbm>>
        %dma_wait3A_1846 = arith.constant 15360 : i32
        %dma_wait3A_1847 = tpu.memref_slice %arg9[%dma_wait3A_1846] : memref<16384xf32, #tpu.memory_space<vmem>> -> memref<1024xf32, #tpu.memory_space<vmem>>
        tpu.wait_dma2 semaphore(%arg15 : memref<!tpu.dma_semaphore, #tpu.memory_space<semaphore_mem>>) src(%dma_wait3A_1847 : memref<1024xf32, #tpu.memory_space<vmem>>) dst(%dma_wait3A_1845 : memref<1024xf32, #tpu.memory_space<hbm>>)
        %scan3A_1848 = arith.constant 0 : i32
        %scan3A_1849 = arith.constant 200 : i32
        %scan3A_1850 = arith.addi %scan3A_1848, %scan3A_1849 : i32
        %scan3A_1851 = arith.constant 8 : i32
        scf.for %scan3A_1853 = %scan3A_1848 to %scan3A_1850 step %scan3A_1851  : i32 {
          %mul3A_1854 = arith.constant 1 : i32
          %mul3A_1855 = arith.muli %scan3A_1853, %mul3A_1854 : i32
          %add3A_1856 = arith.constant 0 : i32
          %add3A_1857 = arith.addi %add3A_1856, %mul3A_1855 : i32
          %mul3A_1858 = arith.constant 16 : i32
          %mul3A_1859 = arith.muli %add3A_1857, %mul3A_1858 : i32
          %get3A = arith.index_cast %mul3A_1859 : i32 to index
          %get3A_1860 = tpu.vector_load %arg7[%get3A] {strides = array<i32>} : memref<3200xi32, #tpu.memory_space<vmem>>, vector<16xi32>,
          tpu.vector_store_idx %arg9[%get3A_1860], %broadcast_in_dim3A_5 : memref<16384xf32, #tpu.memory_space<vmem>>[vector<16xi32>], vector<16xf32>,
          %scan3A_1861 = arith.constant 1 : i32
          %scan3A_1862 = arith.addi %scan3A_1853, %scan3A_1861 : i32
          %mul3A_1863 = arith.constant 1 : i32
          %mul3A_1864 = arith.muli %scan3A_1862, %mul3A_1863 : i32
          %add3A_1865 = arith.constant 0 : i32
          %add3A_1866 = arith.addi %add3A_1865, %mul3A_1864 : i32
          %mul3A_1867 = arith.constant 16 : i32
          %mul3A_1868 = arith.muli %add3A_1866, %mul3A_1867 : i32
          %get3A_1869 = arith.index_cast %mul3A_1868 : i32 to index
          %get3A_1870 = tpu.vector_load %arg7[%get3A_1869] {strides = array<i32>} : memref<3200xi32, #tpu.memory_space<vmem>>, vector<16xi32>,
          tpu.vector_store_idx %arg9[%get3A_1870], %broadcast_in_dim3A_5 : memref<16384xf32, #tpu.memory_space<vmem>>[vector<16xi32>], vector<16xf32>,
          %scan3A_1871 = arith.constant 2 : i32
          %scan3A_1872 = arith.addi %scan3A_1853, %scan3A_1871 : i32
          %mul3A_1873 = arith.constant 1 : i32
          %mul3A_1874 = arith.muli %scan3A_1872, %mul3A_1873 : i32
          %add3A_1875 = arith.constant 0 : i32
          %add3A_1876 = arith.addi %add3A_1875, %mul3A_1874 : i32
          %mul3A_1877 = arith.constant 16 : i32
          %mul3A_1878 = arith.muli %add3A_1876, %mul3A_1877 : i32
          %get3A_1879 = arith.index_cast %mul3A_1878 : i32 to index
          %get3A_1880 = tpu.vector_load %arg7[%get3A_1879] {strides = array<i32>} : memref<3200xi32, #tpu.memory_space<vmem>>, vector<16xi32>,
          tpu.vector_store_idx %arg9[%get3A_1880], %broadcast_in_dim3A_5 : memref<16384xf32, #tpu.memory_space<vmem>>[vector<16xi32>], vector<16xf32>,
          %scan3A_1881 = arith.constant 3 : i32
          %scan3A_1882 = arith.addi %scan3A_1853, %scan3A_1881 : i32
          %mul3A_1883 = arith.constant 1 : i32
          %mul3A_1884 = arith.muli %scan3A_1882, %mul3A_1883 : i32
          %add3A_1885 = arith.constant 0 : i32
          %add3A_1886 = arith.addi %add3A_1885, %mul3A_1884 : i32
          %mul3A_1887 = arith.constant 16 : i32
          %mul3A_1888 = arith.muli %add3A_1886, %mul3A_1887 : i32
          %get3A_1889 = arith.index_cast %mul3A_1888 : i32 to index
          %get3A_1890 = tpu.vector_load %arg7[%get3A_1889] {strides = array<i32>} : memref<3200xi32, #tpu.memory_space<vmem>>, vector<16xi32>,
          tpu.vector_store_idx %arg9[%get3A_1890], %broadcast_in_dim3A_5 : memref<16384xf32, #tpu.memory_space<vmem>>[vector<16xi32>], vector<16xf32>,
          %scan3A_1891 = arith.constant 4 : i32
          %scan3A_1892 = arith.addi %scan3A_1853, %scan3A_1891 : i32
          %mul3A_1893 = arith.constant 1 : i32
          %mul3A_1894 = arith.muli %scan3A_1892, %mul3A_1893 : i32
          %add3A_1895 = arith.constant 0 : i32
          %add3A_1896 = arith.addi %add3A_1895, %mul3A_1894 : i32
          %mul3A_1897 = arith.constant 16 : i32
          %mul3A_1898 = arith.muli %add3A_1896, %mul3A_1897 : i32
          %get3A_1899 = arith.index_cast %mul3A_1898 : i32 to index
          %get3A_1900 = tpu.vector_load %arg7[%get3A_1899] {strides = array<i32>} : memref<3200xi32, #tpu.memory_space<vmem>>, vector<16xi32>,
          tpu.vector_store_idx %arg9[%get3A_1900], %broadcast_in_dim3A_5 : memref<16384xf32, #tpu.memory_space<vmem>>[vector<16xi32>], vector<16xf32>,
          %scan3A_1901 = arith.constant 5 : i32
          %scan3A_1902 = arith.addi %scan3A_1853, %scan3A_1901 : i32
          %mul3A_1903 = arith.constant 1 : i32
          %mul3A_1904 = arith.muli %scan3A_1902, %mul3A_1903 : i32
          %add3A_1905 = arith.constant 0 : i32
          %add3A_1906 = arith.addi %add3A_1905, %mul3A_1904 : i32
          %mul3A_1907 = arith.constant 16 : i32
          %mul3A_1908 = arith.muli %add3A_1906, %mul3A_1907 : i32
          %get3A_1909 = arith.index_cast %mul3A_1908 : i32 to index
          %get3A_1910 = tpu.vector_load %arg7[%get3A_1909] {strides = array<i32>} : memref<3200xi32, #tpu.memory_space<vmem>>, vector<16xi32>,
          tpu.vector_store_idx %arg9[%get3A_1910], %broadcast_in_dim3A_5 : memref<16384xf32, #tpu.memory_space<vmem>>[vector<16xi32>], vector<16xf32>,
          %scan3A_1911 = arith.constant 6 : i32
          %scan3A_1912 = arith.addi %scan3A_1853, %scan3A_1911 : i32
          %mul3A_1913 = arith.constant 1 : i32
          %mul3A_1914 = arith.muli %scan3A_1912, %mul3A_1913 : i32
          %add3A_1915 = arith.constant 0 : i32
          %add3A_1916 = arith.addi %add3A_1915, %mul3A_1914 : i32
          %mul3A_1917 = arith.constant 16 : i32
          %mul3A_1918 = arith.muli %add3A_1916, %mul3A_1917 : i32
          %get3A_1919 = arith.index_cast %mul3A_1918 : i32 to index
          %get3A_1920 = tpu.vector_load %arg7[%get3A_1919] {strides = array<i32>} : memref<3200xi32, #tpu.memory_space<vmem>>, vector<16xi32>,
          tpu.vector_store_idx %arg9[%get3A_1920], %broadcast_in_dim3A_5 : memref<16384xf32, #tpu.memory_space<vmem>>[vector<16xi32>], vector<16xf32>,
          %scan3A_1921 = arith.constant 7 : i32
          %scan3A_1922 = arith.addi %scan3A_1853, %scan3A_1921 : i32
          %mul3A_1923 = arith.constant 1 : i32
          %mul3A_1924 = arith.muli %scan3A_1922, %mul3A_1923 : i32
          %add3A_1925 = arith.constant 0 : i32
          %add3A_1926 = arith.addi %add3A_1925, %mul3A_1924 : i32
          %mul3A_1927 = arith.constant 16 : i32
          %mul3A_1928 = arith.muli %add3A_1926, %mul3A_1927 : i32
          %get3A_1929 = arith.index_cast %mul3A_1928 : i32 to index
          %get3A_1930 = tpu.vector_load %arg7[%get3A_1929] {strides = array<i32>} : memref<3200xi32, #tpu.memory_space<vmem>>, vector<16xi32>,
          tpu.vector_store_idx %arg9[%get3A_1930], %broadcast_in_dim3A_5 : memref<16384xf32, #tpu.memory_space<vmem>>[vector<16xi32>], vector<16xf32>,
        }
        %scan3A_1852 = arith.constant 200 : i32
      } else {
      }
      %add3A_816 = arith.constant 2 : i32
      %add3A_817 = arith.addi %add3A_810, %add3A_816 : i32
      %lt3A_818 = arith.constant 32 : i32
      %lt3A_819 = arith.cmpi slt, %add3A_817, %lt3A_818 : i32
      %convert_element_type3A_820 = arith.extui %lt3A_819 : i1 to i32
      %cond3A_821 = arith.constant 0 : i32
      %cond3A_822 = arith.cmpi ne, %convert_element_type3A_820, %cond3A_821 : i32
      scf.if %cond3A_822 {
        %add3A_1607 = arith.addi %mul3A_2, %add3A_810 : i32
        %add3A_1608 = arith.constant 2 : i32
        %add3A_1609 = arith.addi %add3A_1607, %add3A_1608 : i32
        %dma_start3A_1610 = arith.constant 0 : i32
        %dma_start3A_1611 = tpu.memref_slice %arg2[%add3A_1609, %dma_start3A_1610] : memref<1024x3200xi32, #tpu.memory_space<hbm>> -> memref<1x3200xi32, #tpu.memory_space<hbm>>
        %dma_start3A_1612 = tpu.memref_squeeze %dma_start3A_1611 : memref<1x3200xi32, #tpu.memory_space<hbm>> -> memref<3200xi32, #tpu.memory_space<hbm>>
        %dma_start3A_1613 = arith.constant 0 : i32
        %dma_start3A_1614 = tpu.memref_slice %arg2[%add3A_1609, %dma_start3A_1613] : memref<1024x3200xi32, #tpu.memory_space<hbm>> -> memref<1x3200xi32, #tpu.memory_space<hbm>>
        %dma_start3A_1615 = tpu.memref_squeeze %dma_start3A_1614 : memref<1x3200xi32, #tpu.memory_space<hbm>> -> memref<3200xi32, #tpu.memory_space<hbm>>
        tpu.enqueue_dma source(%dma_start3A_1615 : memref<3200xi32, #tpu.memory_space<hbm>>) target(%arg7 : memref<3200xi32, #tpu.memory_space<vmem>>) target_semaphore(%arg13 : memref<!tpu.dma_semaphore, #tpu.memory_space<semaphore_mem>>)
      } else {
      }
      %add3A_823 = arith.addi %mul3A_2, %add3A_810 : i32
      %dma_wait3A_824 = arith.constant 0 : i32
      %dma_wait3A_825 = tpu.memref_slice %arg2[%add3A_823, %dma_wait3A_824] : memref<1024x3200xi32, #tpu.memory_space<hbm>> -> memref<1x3200xi32, #tpu.memory_space<hbm>>
      %dma_wait3A_826 = tpu.memref_squeeze %dma_wait3A_825 : memref<1x3200xi32, #tpu.memory_space<hbm>> -> memref<3200xi32, #tpu.memory_space<hbm>>
      %dma_wait3A_827 = arith.constant 0 : i32
      %dma_wait3A_828 = tpu.memref_slice %arg2[%add3A_823, %dma_wait3A_827] : memref<1024x3200xi32, #tpu.memory_space<hbm>> -> memref<1x3200xi32, #tpu.memory_space<hbm>>
      %dma_wait3A_829 = tpu.memref_squeeze %dma_wait3A_828 : memref<1x3200xi32, #tpu.memory_space<hbm>> -> memref<3200xi32, #tpu.memory_space<hbm>>
      tpu.wait_dma2 semaphore(%arg11 : memref<!tpu.dma_semaphore, #tpu.memory_space<semaphore_mem>>) src(%dma_wait3A_829 : memref<3200xi32, #tpu.memory_space<hbm>>) dst(%arg5 : memref<3200xi32, #tpu.memory_space<vmem>>)
      %scan3A_830 = arith.constant 0 : i32
      %scan3A_831 = arith.constant 200 : i32
      %scan3A_832 = arith.addi %scan3A_830, %scan3A_831 : i32
      %scan3A_833 = arith.constant 8 : i32
      scf.for %scan3A_1607 = %scan3A_830 to %scan3A_832 step %scan3A_833  : i32 {
        %mul3A_1608 = arith.constant 1 : i32
        %mul3A_1609 = arith.muli %scan3A_1607, %mul3A_1608 : i32
        %add3A_1610 = arith.constant 0 : i32
        %add3A_1611 = arith.addi %add3A_1610, %mul3A_1609 : i32
        %mul3A_1612 = arith.constant 16 : i32
        %mul3A_1613 = arith.muli %add3A_1611, %mul3A_1612 : i32
        %get3A = arith.index_cast %mul3A_1613 : i32 to index
        %get3A_1614 = tpu.vector_load %arg5[%get3A] {strides = array<i32>} : memref<3200xi32, #tpu.memory_space<vmem>>, vector<16xi32>,
        tpu.vector_store_idx %arg9[%get3A_1614], %broadcast_in_dim3A_3 {add = true} : memref<16384xf32, #tpu.memory_space<vmem>>[vector<16xi32>], vector<16xf32>,
        %scan3A_1615 = arith.constant 1 : i32
        %scan3A_1616 = arith.addi %scan3A_1607, %scan3A_1615 : i32
        %mul3A_1617 = arith.constant 1 : i32
        %mul3A_1618 = arith.muli %scan3A_1616, %mul3A_1617 : i32
        %add3A_1619 = arith.constant 0 : i32
        %add3A_1620 = arith.addi %add3A_1619, %mul3A_1618 : i32
        %mul3A_1621 = arith.constant 16 : i32
        %mul3A_1622 = arith.muli %add3A_1620, %mul3A_1621 : i32
        %get3A_1623 = arith.index_cast %mul3A_1622 : i32 to index
        %get3A_1624 = tpu.vector_load %arg5[%get3A_1623] {strides = array<i32>} : memref<3200xi32, #tpu.memory_space<vmem>>, vector<16xi32>,
        tpu.vector_store_idx %arg9[%get3A_1624], %broadcast_in_dim3A_3 {add = true} : memref<16384xf32, #tpu.memory_space<vmem>>[vector<16xi32>], vector<16xf32>,
        %scan3A_1625 = arith.constant 2 : i32
        %scan3A_1626 = arith.addi %scan3A_1607, %scan3A_1625 : i32
        %mul3A_1627 = arith.constant 1 : i32
        %mul3A_1628 = arith.muli %scan3A_1626, %mul3A_1627 : i32
        %add3A_1629 = arith.constant 0 : i32
        %add3A_1630 = arith.addi %add3A_1629, %mul3A_1628 : i32
        %mul3A_1631 = arith.constant 16 : i32
        %mul3A_1632 = arith.muli %add3A_1630, %mul3A_1631 : i32
        %get3A_1633 = arith.index_cast %mul3A_1632 : i32 to index
        %get3A_1634 = tpu.vector_load %arg5[%get3A_1633] {strides = array<i32>} : memref<3200xi32, #tpu.memory_space<vmem>>, vector<16xi32>,
        tpu.vector_store_idx %arg9[%get3A_1634], %broadcast_in_dim3A_3 {add = true} : memref<16384xf32, #tpu.memory_space<vmem>>[vector<16xi32>], vector<16xf32>,
        %scan3A_1635 = arith.constant 3 : i32
        %scan3A_1636 = arith.addi %scan3A_1607, %scan3A_1635 : i32
        %mul3A_1637 = arith.constant 1 : i32
        %mul3A_1638 = arith.muli %scan3A_1636, %mul3A_1637 : i32
        %add3A_1639 = arith.constant 0 : i32
        %add3A_1640 = arith.addi %add3A_1639, %mul3A_1638 : i32
        %mul3A_1641 = arith.constant 16 : i32
        %mul3A_1642 = arith.muli %add3A_1640, %mul3A_1641 : i32
        %get3A_1643 = arith.index_cast %mul3A_1642 : i32 to index
        %get3A_1644 = tpu.vector_load %arg5[%get3A_1643] {strides = array<i32>} : memref<3200xi32, #tpu.memory_space<vmem>>, vector<16xi32>,
        tpu.vector_store_idx %arg9[%get3A_1644], %broadcast_in_dim3A_3 {add = true} : memref<16384xf32, #tpu.memory_space<vmem>>[vector<16xi32>], vector<16xf32>,
        %scan3A_1645 = arith.constant 4 : i32
        %scan3A_1646 = arith.addi %scan3A_1607, %scan3A_1645 : i32
        %mul3A_1647 = arith.constant 1 : i32
        %mul3A_1648 = arith.muli %scan3A_1646, %mul3A_1647 : i32
        %add3A_1649 = arith.constant 0 : i32
        %add3A_1650 = arith.addi %add3A_1649, %mul3A_1648 : i32
        %mul3A_1651 = arith.constant 16 : i32
        %mul3A_1652 = arith.muli %add3A_1650, %mul3A_1651 : i32
        %get3A_1653 = arith.index_cast %mul3A_1652 : i32 to index
        %get3A_1654 = tpu.vector_load %arg5[%get3A_1653] {strides = array<i32>} : memref<3200xi32, #tpu.memory_space<vmem>>, vector<16xi32>,
        tpu.vector_store_idx %arg9[%get3A_1654], %broadcast_in_dim3A_3 {add = true} : memref<16384xf32, #tpu.memory_space<vmem>>[vector<16xi32>], vector<16xf32>,
        %scan3A_1655 = arith.constant 5 : i32
        %scan3A_1656 = arith.addi %scan3A_1607, %scan3A_1655 : i32
        %mul3A_1657 = arith.constant 1 : i32
        %mul3A_1658 = arith.muli %scan3A_1656, %mul3A_1657 : i32
        %add3A_1659 = arith.constant 0 : i32
        %add3A_1660 = arith.addi %add3A_1659, %mul3A_1658 : i32
        %mul3A_1661 = arith.constant 16 : i32
        %mul3A_1662 = arith.muli %add3A_1660, %mul3A_1661 : i32
        %get3A_1663 = arith.index_cast %mul3A_1662 : i32 to index
        %get3A_1664 = tpu.vector_load %arg5[%get3A_1663] {strides = array<i32>} : memref<3200xi32, #tpu.memory_space<vmem>>, vector<16xi32>,
        tpu.vector_store_idx %arg9[%get3A_1664], %broadcast_in_dim3A_3 {add = true} : memref<16384xf32, #tpu.memory_space<vmem>>[vector<16xi32>], vector<16xf32>,
        %scan3A_1665 = arith.constant 6 : i32
        %scan3A_1666 = arith.addi %scan3A_1607, %scan3A_1665 : i32
        %mul3A_1667 = arith.constant 1 : i32
        %mul3A_1668 = arith.muli %scan3A_1666, %mul3A_1667 : i32
        %add3A_1669 = arith.constant 0 : i32
        %add3A_1670 = arith.addi %add3A_1669, %mul3A_1668 : i32
        %mul3A_1671 = arith.constant 16 : i32
        %mul3A_1672 = arith.muli %add3A_1670, %mul3A_1671 : i32
        %get3A_1673 = arith.index_cast %mul3A_1672 : i32 to index
        %get3A_1674 = tpu.vector_load %arg5[%get3A_1673] {strides = array<i32>} : memref<3200xi32, #tpu.memory_space<vmem>>, vector<16xi32>,
        tpu.vector_store_idx %arg9[%get3A_1674], %broadcast_in_dim3A_3 {add = true} : memref<16384xf32, #tpu.memory_space<vmem>>[vector<16xi32>], vector<16xf32>,
        %scan3A_1675 = arith.constant 7 : i32
        %scan3A_1676 = arith.addi %scan3A_1607, %scan3A_1675 : i32
        %mul3A_1677 = arith.constant 1 : i32
        %mul3A_1678 = arith.muli %scan3A_1676, %mul3A_1677 : i32
        %add3A_1679 = arith.constant 0 : i32
        %add3A_1680 = arith.addi %add3A_1679, %mul3A_1678 : i32
        %mul3A_1681 = arith.constant 16 : i32
        %mul3A_1682 = arith.muli %add3A_1680, %mul3A_1681 : i32
        %get3A_1683 = arith.index_cast %mul3A_1682 : i32 to index
        %get3A_1684 = tpu.vector_load %arg5[%get3A_1683] {strides = array<i32>} : memref<3200xi32, #tpu.memory_space<vmem>>, vector<16xi32>,
        tpu.vector_store_idx %arg9[%get3A_1684], %broadcast_in_dim3A_3 {add = true} : memref<16384xf32, #tpu.memory_space<vmem>>[vector<16xi32>], vector<16xf32>,
      }
      %scan3A_834 = arith.constant 200 : i32
      %add3A_835 = arith.addi %mul3A_2, %add3A_810 : i32
      %mul3A_836 = arith.constant 16 : i32
      %mul3A_837 = arith.muli %add3A_835, %mul3A_836 : i32
      %add3A_838 = arith.constant 0 : i32
      %add3A_839 = arith.addi %mul3A_837, %add3A_838 : i32
      %dma_start3A_840 = arith.constant 0 : i32
      %dma_start3A_841 = tpu.memref_slice %arg9[%dma_start3A_840] : memref<16384xf32, #tpu.memory_space<vmem>> -> memref<1024xf32, #tpu.memory_space<vmem>>
      %dma_start3A_842 = arith.constant 0 : i32
      %dma_start3A_843 = tpu.memref_slice %arg3[%add3A_839, %dma_start3A_842] : memref<16384x1024xf32, #tpu.memory_space<hbm>> -> memref<1x1024xf32, #tpu.memory_space<hbm>>
      %dma_start3A_844 = tpu.memref_squeeze %dma_start3A_843 : memref<1x1024xf32, #tpu.memory_space<hbm>> -> memref<1024xf32, #tpu.memory_space<hbm>>
      %dma_start3A_845 = arith.constant 0 : i32
      %dma_start3A_846 = tpu.memref_slice %arg3[%add3A_839, %dma_start3A_845] : memref<16384x1024xf32, #tpu.memory_space<hbm>> -> memref<1x1024xf32, #tpu.memory_space<hbm>>
      %dma_start3A_847 = tpu.memref_squeeze %dma_start3A_846 : memref<1x1024xf32, #tpu.memory_space<hbm>> -> memref<1024xf32, #tpu.memory_space<hbm>>
      %dma_start3A_848 = arith.constant 0 : i32
      %dma_start3A_849 = tpu.memref_slice %arg9[%dma_start3A_848] : memref<16384xf32, #tpu.memory_space<vmem>> -> memref<1024xf32, #tpu.memory_space<vmem>>
      tpu.enqueue_dma source(%dma_start3A_849 : memref<1024xf32, #tpu.memory_space<vmem>>) target(%dma_start3A_847 : memref<1024xf32, #tpu.memory_space<hbm>>) target_semaphore(%arg15 : memref<!tpu.dma_semaphore, #tpu.memory_space<semaphore_mem>>)
      %add3A_850 = arith.addi %mul3A_2, %add3A_810 : i32
      %mul3A_851 = arith.constant 16 : i32
      %mul3A_852 = arith.muli %add3A_850, %mul3A_851 : i32
      %add3A_853 = arith.constant 1 : i32
      %add3A_854 = arith.addi %mul3A_852, %add3A_853 : i32
      %dma_start3A_855 = arith.constant 1024 : i32
      %dma_start3A_856 = tpu.memref_slice %arg9[%dma_start3A_855] : memref<16384xf32, #tpu.memory_space<vmem>> -> memref<1024xf32, #tpu.memory_space<vmem>>
      %dma_start3A_857 = arith.constant 0 : i32
      %dma_start3A_858 = tpu.memref_slice %arg3[%add3A_854, %dma_start3A_857] : memref<16384x1024xf32, #tpu.memory_space<hbm>> -> memref<1x1024xf32, #tpu.memory_space<hbm>>
      %dma_start3A_859 = tpu.memref_squeeze %dma_start3A_858 : memref<1x1024xf32, #tpu.memory_space<hbm>> -> memref<1024xf32, #tpu.memory_space<hbm>>
      %dma_start3A_860 = arith.constant 0 : i32
      %dma_start3A_861 = tpu.memref_slice %arg3[%add3A_854, %dma_start3A_860] : memref<16384x1024xf32, #tpu.memory_space<hbm>> -> memref<1x1024xf32, #tpu.memory_space<hbm>>
      %dma_start3A_862 = tpu.memref_squeeze %dma_start3A_861 : memref<1x1024xf32, #tpu.memory_space<hbm>> -> memref<1024xf32, #tpu.memory_space<hbm>>
      %dma_start3A_863 = arith.constant 1024 : i32
      %dma_start3A_864 = tpu.memref_slice %arg9[%dma_start3A_863] : memref<16384xf32, #tpu.memory_space<vmem>> -> memref<1024xf32, #tpu.memory_space<vmem>>
      tpu.enqueue_dma source(%dma_start3A_864 : memref<1024xf32, #tpu.memory_space<vmem>>) target(%dma_start3A_862 : memref<1024xf32, #tpu.memory_space<hbm>>) target_semaphore(%arg15 : memref<!tpu.dma_semaphore, #tpu.memory_space<semaphore_mem>>)
      %add3A_865 = arith.addi %mul3A_2, %add3A_810 : i32
      %mul3A_866 = arith.constant 16 : i32
      %mul3A_867 = arith.muli %add3A_865, %mul3A_866 : i32
      %add3A_868 = arith.constant 2 : i32
      %add3A_869 = arith.addi %mul3A_867, %add3A_868 : i32
      %dma_start3A_870 = arith.constant 2048 : i32
      %dma_start3A_871 = tpu.memref_slice %arg9[%dma_start3A_870] : memref<16384xf32, #tpu.memory_space<vmem>> -> memref<1024xf32, #tpu.memory_space<vmem>>
      %dma_start3A_872 = arith.constant 0 : i32
      %dma_start3A_873 = tpu.memref_slice %arg3[%add3A_869, %dma_start3A_872] : memref<16384x1024xf32, #tpu.memory_space<hbm>> -> memref<1x1024xf32, #tpu.memory_space<hbm>>
      %dma_start3A_874 = tpu.memref_squeeze %dma_start3A_873 : memref<1x1024xf32, #tpu.memory_space<hbm>> -> memref<1024xf32, #tpu.memory_space<hbm>>
      %dma_start3A_875 = arith.constant 0 : i32
      %dma_start3A_876 = tpu.memref_slice %arg3[%add3A_869, %dma_start3A_875] : memref<16384x1024xf32, #tpu.memory_space<hbm>> -> memref<1x1024xf32, #tpu.memory_space<hbm>>
      %dma_start3A_877 = tpu.memref_squeeze %dma_start3A_876 : memref<1x1024xf32, #tpu.memory_space<hbm>> -> memref<1024xf32, #tpu.memory_space<hbm>>
      %dma_start3A_878 = arith.constant 2048 : i32
      %dma_start3A_879 = tpu.memref_slice %arg9[%dma_start3A_878] : memref<16384xf32, #tpu.memory_space<vmem>> -> memref<1024xf32, #tpu.memory_space<vmem>>
      tpu.enqueue_dma source(%dma_start3A_879 : memref<1024xf32, #tpu.memory_space<vmem>>) target(%dma_start3A_877 : memref<1024xf32, #tpu.memory_space<hbm>>) target_semaphore(%arg15 : memref<!tpu.dma_semaphore, #tpu.memory_space<semaphore_mem>>)
      %add3A_880 = arith.addi %mul3A_2, %add3A_810 : i32
      %mul3A_881 = arith.constant 16 : i32
      %mul3A_882 = arith.muli %add3A_880, %mul3A_881 : i32
      %add3A_883 = arith.constant 3 : i32
      %add3A_884 = arith.addi %mul3A_882, %add3A_883 : i32
      %dma_start3A_885 = arith.constant 3072 : i32
      %dma_start3A_886 = tpu.memref_slice %arg9[%dma_start3A_885] : memref<16384xf32, #tpu.memory_space<vmem>> -> memref<1024xf32, #tpu.memory_space<vmem>>
      %dma_start3A_887 = arith.constant 0 : i32
      %dma_start3A_888 = tpu.memref_slice %arg3[%add3A_884, %dma_start3A_887] : memref<16384x1024xf32, #tpu.memory_space<hbm>> -> memref<1x1024xf32, #tpu.memory_space<hbm>>
      %dma_start3A_889 = tpu.memref_squeeze %dma_start3A_888 : memref<1x1024xf32, #tpu.memory_space<hbm>> -> memref<1024xf32, #tpu.memory_space<hbm>>
      %dma_start3A_890 = arith.constant 0 : i32
      %dma_start3A_891 = tpu.memref_slice %arg3[%add3A_884, %dma_start3A_890] : memref<16384x1024xf32, #tpu.memory_space<hbm>> -> memref<1x1024xf32, #tpu.memory_space<hbm>>
      %dma_start3A_892 = tpu.memref_squeeze %dma_start3A_891 : memref<1x1024xf32, #tpu.memory_space<hbm>> -> memref<1024xf32, #tpu.memory_space<hbm>>
      %dma_start3A_893 = arith.constant 3072 : i32
      %dma_start3A_894 = tpu.memref_slice %arg9[%dma_start3A_893] : memref<16384xf32, #tpu.memory_space<vmem>> -> memref<1024xf32, #tpu.memory_space<vmem>>
      tpu.enqueue_dma source(%dma_start3A_894 : memref<1024xf32, #tpu.memory_space<vmem>>) target(%dma_start3A_892 : memref<1024xf32, #tpu.memory_space<hbm>>) target_semaphore(%arg15 : memref<!tpu.dma_semaphore, #tpu.memory_space<semaphore_mem>>)
      %add3A_895 = arith.addi %mul3A_2, %add3A_810 : i32
      %mul3A_896 = arith.constant 16 : i32
      %mul3A_897 = arith.muli %add3A_895, %mul3A_896 : i32
      %add3A_898 = arith.constant 4 : i32
      %add3A_899 = arith.addi %mul3A_897, %add3A_898 : i32
      %dma_start3A_900 = arith.constant 4096 : i32
      %dma_start3A_901 = tpu.memref_slice %arg9[%dma_start3A_900] : memref<16384xf32, #tpu.memory_space<vmem>> -> memref<1024xf32, #tpu.memory_space<vmem>>
      %dma_start3A_902 = arith.constant 0 : i32
      %dma_start3A_903 = tpu.memref_slice %arg3[%add3A_899, %dma_start3A_902] : memref<16384x1024xf32, #tpu.memory_space<hbm>> -> memref<1x1024xf32, #tpu.memory_space<hbm>>
      %dma_start3A_904 = tpu.memref_squeeze %dma_start3A_903 : memref<1x1024xf32, #tpu.memory_space<hbm>> -> memref<1024xf32, #tpu.memory_space<hbm>>
      %dma_start3A_905 = arith.constant 0 : i32
      %dma_start3A_906 = tpu.memref_slice %arg3[%add3A_899, %dma_start3A_905] : memref<16384x1024xf32, #tpu.memory_space<hbm>> -> memref<1x1024xf32, #tpu.memory_space<hbm>>
      %dma_start3A_907 = tpu.memref_squeeze %dma_start3A_906 : memref<1x1024xf32, #tpu.memory_space<hbm>> -> memref<1024xf32, #tpu.memory_space<hbm>>
      %dma_start3A_908 = arith.constant 4096 : i32
      %dma_start3A_909 = tpu.memref_slice %arg9[%dma_start3A_908] : memref<16384xf32, #tpu.memory_space<vmem>> -> memref<1024xf32, #tpu.memory_space<vmem>>
      tpu.enqueue_dma source(%dma_start3A_909 : memref<1024xf32, #tpu.memory_space<vmem>>) target(%dma_start3A_907 : memref<1024xf32, #tpu.memory_space<hbm>>) target_semaphore(%arg15 : memref<!tpu.dma_semaphore, #tpu.memory_space<semaphore_mem>>)
      %add3A_910 = arith.addi %mul3A_2, %add3A_810 : i32
      %mul3A_911 = arith.constant 16 : i32
      %mul3A_912 = arith.muli %add3A_910, %mul3A_911 : i32
      %add3A_913 = arith.constant 5 : i32
      %add3A_914 = arith.addi %mul3A_912, %add3A_913 : i32
      %dma_start3A_915 = arith.constant 5120 : i32
      %dma_start3A_916 = tpu.memref_slice %arg9[%dma_start3A_915] : memref<16384xf32, #tpu.memory_space<vmem>> -> memref<1024xf32, #tpu.memory_space<vmem>>
      %dma_start3A_917 = arith.constant 0 : i32
      %dma_start3A_918 = tpu.memref_slice %arg3[%add3A_914, %dma_start3A_917] : memref<16384x1024xf32, #tpu.memory_space<hbm>> -> memref<1x1024xf32, #tpu.memory_space<hbm>>
      %dma_start3A_919 = tpu.memref_squeeze %dma_start3A_918 : memref<1x1024xf32, #tpu.memory_space<hbm>> -> memref<1024xf32, #tpu.memory_space<hbm>>
      %dma_start3A_920 = arith.constant 0 : i32
      %dma_start3A_921 = tpu.memref_slice %arg3[%add3A_914, %dma_start3A_920] : memref<16384x1024xf32, #tpu.memory_space<hbm>> -> memref<1x1024xf32, #tpu.memory_space<hbm>>
      %dma_start3A_922 = tpu.memref_squeeze %dma_start3A_921 : memref<1x1024xf32, #tpu.memory_space<hbm>> -> memref<1024xf32, #tpu.memory_space<hbm>>
      %dma_start3A_923 = arith.constant 5120 : i32
      %dma_start3A_924 = tpu.memref_slice %arg9[%dma_start3A_923] : memref<16384xf32, #tpu.memory_space<vmem>> -> memref<1024xf32, #tpu.memory_space<vmem>>
      tpu.enqueue_dma source(%dma_start3A_924 : memref<1024xf32, #tpu.memory_space<vmem>>) target(%dma_start3A_922 : memref<1024xf32, #tpu.memory_space<hbm>>) target_semaphore(%arg15 : memref<!tpu.dma_semaphore, #tpu.memory_space<semaphore_mem>>)
      %add3A_925 = arith.addi %mul3A_2, %add3A_810 : i32
      %mul3A_926 = arith.constant 16 : i32
      %mul3A_927 = arith.muli %add3A_925, %mul3A_926 : i32
      %add3A_928 = arith.constant 6 : i32
      %add3A_929 = arith.addi %mul3A_927, %add3A_928 : i32
      %dma_start3A_930 = arith.constant 6144 : i32
      %dma_start3A_931 = tpu.memref_slice %arg9[%dma_start3A_930] : memref<16384xf32, #tpu.memory_space<vmem>> -> memref<1024xf32, #tpu.memory_space<vmem>>
      %dma_start3A_932 = arith.constant 0 : i32
      %dma_start3A_933 = tpu.memref_slice %arg3[%add3A_929, %dma_start3A_932] : memref<16384x1024xf32, #tpu.memory_space<hbm>> -> memref<1x1024xf32, #tpu.memory_space<hbm>>
      %dma_start3A_934 = tpu.memref_squeeze %dma_start3A_933 : memref<1x1024xf32, #tpu.memory_space<hbm>> -> memref<1024xf32, #tpu.memory_space<hbm>>
      %dma_start3A_935 = arith.constant 0 : i32
      %dma_start3A_936 = tpu.memref_slice %arg3[%add3A_929, %dma_start3A_935] : memref<16384x1024xf32, #tpu.memory_space<hbm>> -> memref<1x1024xf32, #tpu.memory_space<hbm>>
      %dma_start3A_937 = tpu.memref_squeeze %dma_start3A_936 : memref<1x1024xf32, #tpu.memory_space<hbm>> -> memref<1024xf32, #tpu.memory_space<hbm>>
      %dma_start3A_938 = arith.constant 6144 : i32
      %dma_start3A_939 = tpu.memref_slice %arg9[%dma_start3A_938] : memref<16384xf32, #tpu.memory_space<vmem>> -> memref<1024xf32, #tpu.memory_space<vmem>>
      tpu.enqueue_dma source(%dma_start3A_939 : memref<1024xf32, #tpu.memory_space<vmem>>) target(%dma_start3A_937 : memref<1024xf32, #tpu.memory_space<hbm>>) target_semaphore(%arg15 : memref<!tpu.dma_semaphore, #tpu.memory_space<semaphore_mem>>)
      %add3A_940 = arith.addi %mul3A_2, %add3A_810 : i32
      %mul3A_941 = arith.constant 16 : i32
      %mul3A_942 = arith.muli %add3A_940, %mul3A_941 : i32
      %add3A_943 = arith.constant 7 : i32
      %add3A_944 = arith.addi %mul3A_942, %add3A_943 : i32
      %dma_start3A_945 = arith.constant 7168 : i32
      %dma_start3A_946 = tpu.memref_slice %arg9[%dma_start3A_945] : memref<16384xf32, #tpu.memory_space<vmem>> -> memref<1024xf32, #tpu.memory_space<vmem>>
      %dma_start3A_947 = arith.constant 0 : i32
      %dma_start3A_948 = tpu.memref_slice %arg3[%add3A_944, %dma_start3A_947] : memref<16384x1024xf32, #tpu.memory_space<hbm>> -> memref<1x1024xf32, #tpu.memory_space<hbm>>
      %dma_start3A_949 = tpu.memref_squeeze %dma_start3A_948 : memref<1x1024xf32, #tpu.memory_space<hbm>> -> memref<1024xf32, #tpu.memory_space<hbm>>
      %dma_start3A_950 = arith.constant 0 : i32
      %dma_start3A_951 = tpu.memref_slice %arg3[%add3A_944, %dma_start3A_950] : memref<16384x1024xf32, #tpu.memory_space<hbm>> -> memref<1x1024xf32, #tpu.memory_space<hbm>>
      %dma_start3A_952 = tpu.memref_squeeze %dma_start3A_951 : memref<1x1024xf32, #tpu.memory_space<hbm>> -> memref<1024xf32, #tpu.memory_space<hbm>>
      %dma_start3A_953 = arith.constant 7168 : i32
      %dma_start3A_954 = tpu.memref_slice %arg9[%dma_start3A_953] : memref<16384xf32, #tpu.memory_space<vmem>> -> memref<1024xf32, #tpu.memory_space<vmem>>
      tpu.enqueue_dma source(%dma_start3A_954 : memref<1024xf32, #tpu.memory_space<vmem>>) target(%dma_start3A_952 : memref<1024xf32, #tpu.memory_space<hbm>>) target_semaphore(%arg15 : memref<!tpu.dma_semaphore, #tpu.memory_space<semaphore_mem>>)
      %add3A_955 = arith.addi %mul3A_2, %add3A_810 : i32
      %mul3A_956 = arith.constant 16 : i32
      %mul3A_957 = arith.muli %add3A_955, %mul3A_956 : i32
      %add3A_958 = arith.constant 8 : i32
      %add3A_959 = arith.addi %mul3A_957, %add3A_958 : i32
      %dma_start3A_960 = arith.constant 8192 : i32
      %dma_start3A_961 = tpu.memref_slice %arg9[%dma_start3A_960] : memref<16384xf32, #tpu.memory_space<vmem>> -> memref<1024xf32, #tpu.memory_space<vmem>>
      %dma_start3A_962 = arith.constant 0 : i32
      %dma_start3A_963 = tpu.memref_slice %arg3[%add3A_959, %dma_start3A_962] : memref<16384x1024xf32, #tpu.memory_space<hbm>> -> memref<1x1024xf32, #tpu.memory_space<hbm>>
      %dma_start3A_964 = tpu.memref_squeeze %dma_start3A_963 : memref<1x1024xf32, #tpu.memory_space<hbm>> -> memref<1024xf32, #tpu.memory_space<hbm>>
      %dma_start3A_965 = arith.constant 0 : i32
      %dma_start3A_966 = tpu.memref_slice %arg3[%add3A_959, %dma_start3A_965] : memref<16384x1024xf32, #tpu.memory_space<hbm>> -> memref<1x1024xf32, #tpu.memory_space<hbm>>
      %dma_start3A_967 = tpu.memref_squeeze %dma_start3A_966 : memref<1x1024xf32, #tpu.memory_space<hbm>> -> memref<1024xf32, #tpu.memory_space<hbm>>
      %dma_start3A_968 = arith.constant 8192 : i32
      %dma_start3A_969 = tpu.memref_slice %arg9[%dma_start3A_968] : memref<16384xf32, #tpu.memory_space<vmem>> -> memref<1024xf32, #tpu.memory_space<vmem>>
      tpu.enqueue_dma source(%dma_start3A_969 : memref<1024xf32, #tpu.memory_space<vmem>>) target(%dma_start3A_967 : memref<1024xf32, #tpu.memory_space<hbm>>) target_semaphore(%arg15 : memref<!tpu.dma_semaphore, #tpu.memory_space<semaphore_mem>>)
      %add3A_970 = arith.addi %mul3A_2, %add3A_810 : i32
      %mul3A_971 = arith.constant 16 : i32
      %mul3A_972 = arith.muli %add3A_970, %mul3A_971 : i32
      %add3A_973 = arith.constant 9 : i32
      %add3A_974 = arith.addi %mul3A_972, %add3A_973 : i32
      %dma_start3A_975 = arith.constant 9216 : i32
      %dma_start3A_976 = tpu.memref_slice %arg9[%dma_start3A_975] : memref<16384xf32, #tpu.memory_space<vmem>> -> memref<1024xf32, #tpu.memory_space<vmem>>
      %dma_start3A_977 = arith.constant 0 : i32
      %dma_start3A_978 = tpu.memref_slice %arg3[%add3A_974, %dma_start3A_977] : memref<16384x1024xf32, #tpu.memory_space<hbm>> -> memref<1x1024xf32, #tpu.memory_space<hbm>>
      %dma_start3A_979 = tpu.memref_squeeze %dma_start3A_978 : memref<1x1024xf32, #tpu.memory_space<hbm>> -> memref<1024xf32, #tpu.memory_space<hbm>>
      %dma_start3A_980 = arith.constant 0 : i32
      %dma_start3A_981 = tpu.memref_slice %arg3[%add3A_974, %dma_start3A_980] : memref<16384x1024xf32, #tpu.memory_space<hbm>> -> memref<1x1024xf32, #tpu.memory_space<hbm>>
      %dma_start3A_982 = tpu.memref_squeeze %dma_start3A_981 : memref<1x1024xf32, #tpu.memory_space<hbm>> -> memref<1024xf32, #tpu.memory_space<hbm>>
      %dma_start3A_983 = arith.constant 9216 : i32
      %dma_start3A_984 = tpu.memref_slice %arg9[%dma_start3A_983] : memref<16384xf32, #tpu.memory_space<vmem>> -> memref<1024xf32, #tpu.memory_space<vmem>>
      tpu.enqueue_dma source(%dma_start3A_984 : memref<1024xf32, #tpu.memory_space<vmem>>) target(%dma_start3A_982 : memref<1024xf32, #tpu.memory_space<hbm>>) target_semaphore(%arg15 : memref<!tpu.dma_semaphore, #tpu.memory_space<semaphore_mem>>)
      %add3A_985 = arith.addi %mul3A_2, %add3A_810 : i32
      %mul3A_986 = arith.constant 16 : i32
      %mul3A_987 = arith.muli %add3A_985, %mul3A_986 : i32
      %add3A_988 = arith.constant 10 : i32
      %add3A_989 = arith.addi %mul3A_987, %add3A_988 : i32
      %dma_start3A_990 = arith.constant 10240 : i32
      %dma_start3A_991 = tpu.memref_slice %arg9[%dma_start3A_990] : memref<16384xf32, #tpu.memory_space<vmem>> -> memref<1024xf32, #tpu.memory_space<vmem>>
      %dma_start3A_992 = arith.constant 0 : i32
      %dma_start3A_993 = tpu.memref_slice %arg3[%add3A_989, %dma_start3A_992] : memref<16384x1024xf32, #tpu.memory_space<hbm>> -> memref<1x1024xf32, #tpu.memory_space<hbm>>
      %dma_start3A_994 = tpu.memref_squeeze %dma_start3A_993 : memref<1x1024xf32, #tpu.memory_space<hbm>> -> memref<1024xf32, #tpu.memory_space<hbm>>
      %dma_start3A_995 = arith.constant 0 : i32
      %dma_start3A_996 = tpu.memref_slice %arg3[%add3A_989, %dma_start3A_995] : memref<16384x1024xf32, #tpu.memory_space<hbm>> -> memref<1x1024xf32, #tpu.memory_space<hbm>>
      %dma_start3A_997 = tpu.memref_squeeze %dma_start3A_996 : memref<1x1024xf32, #tpu.memory_space<hbm>> -> memref<1024xf32, #tpu.memory_space<hbm>>
      %dma_start3A_998 = arith.constant 10240 : i32
      %dma_start3A_999 = tpu.memref_slice %arg9[%dma_start3A_998] : memref<16384xf32, #tpu.memory_space<vmem>> -> memref<1024xf32, #tpu.memory_space<vmem>>
      tpu.enqueue_dma source(%dma_start3A_999 : memref<1024xf32, #tpu.memory_space<vmem>>) target(%dma_start3A_997 : memref<1024xf32, #tpu.memory_space<hbm>>) target_semaphore(%arg15 : memref<!tpu.dma_semaphore, #tpu.memory_space<semaphore_mem>>)
      %add3A_1000 = arith.addi %mul3A_2, %add3A_810 : i32
      %mul3A_1001 = arith.constant 16 : i32
      %mul3A_1002 = arith.muli %add3A_1000, %mul3A_1001 : i32
      %add3A_1003 = arith.constant 11 : i32
      %add3A_1004 = arith.addi %mul3A_1002, %add3A_1003 : i32
      %dma_start3A_1005 = arith.constant 11264 : i32
      %dma_start3A_1006 = tpu.memref_slice %arg9[%dma_start3A_1005] : memref<16384xf32, #tpu.memory_space<vmem>> -> memref<1024xf32, #tpu.memory_space<vmem>>
      %dma_start3A_1007 = arith.constant 0 : i32
      %dma_start3A_1008 = tpu.memref_slice %arg3[%add3A_1004, %dma_start3A_1007] : memref<16384x1024xf32, #tpu.memory_space<hbm>> -> memref<1x1024xf32, #tpu.memory_space<hbm>>
      %dma_start3A_1009 = tpu.memref_squeeze %dma_start3A_1008 : memref<1x1024xf32, #tpu.memory_space<hbm>> -> memref<1024xf32, #tpu.memory_space<hbm>>
      %dma_start3A_1010 = arith.constant 0 : i32
      %dma_start3A_1011 = tpu.memref_slice %arg3[%add3A_1004, %dma_start3A_1010] : memref<16384x1024xf32, #tpu.memory_space<hbm>> -> memref<1x1024xf32, #tpu.memory_space<hbm>>
      %dma_start3A_1012 = tpu.memref_squeeze %dma_start3A_1011 : memref<1x1024xf32, #tpu.memory_space<hbm>> -> memref<1024xf32, #tpu.memory_space<hbm>>
      %dma_start3A_1013 = arith.constant 11264 : i32
      %dma_start3A_1014 = tpu.memref_slice %arg9[%dma_start3A_1013] : memref<16384xf32, #tpu.memory_space<vmem>> -> memref<1024xf32, #tpu.memory_space<vmem>>
      tpu.enqueue_dma source(%dma_start3A_1014 : memref<1024xf32, #tpu.memory_space<vmem>>) target(%dma_start3A_1012 : memref<1024xf32, #tpu.memory_space<hbm>>) target_semaphore(%arg15 : memref<!tpu.dma_semaphore, #tpu.memory_space<semaphore_mem>>)
      %add3A_1015 = arith.addi %mul3A_2, %add3A_810 : i32
      %mul3A_1016 = arith.constant 16 : i32
      %mul3A_1017 = arith.muli %add3A_1015, %mul3A_1016 : i32
      %add3A_1018 = arith.constant 12 : i32
      %add3A_1019 = arith.addi %mul3A_1017, %add3A_1018 : i32
      %dma_start3A_1020 = arith.constant 12288 : i32
      %dma_start3A_1021 = tpu.memref_slice %arg9[%dma_start3A_1020] : memref<16384xf32, #tpu.memory_space<vmem>> -> memref<1024xf32, #tpu.memory_space<vmem>>
      %dma_start3A_1022 = arith.constant 0 : i32
      %dma_start3A_1023 = tpu.memref_slice %arg3[%add3A_1019, %dma_start3A_1022] : memref<16384x1024xf32, #tpu.memory_space<hbm>> -> memref<1x1024xf32, #tpu.memory_space<hbm>>
      %dma_start3A_1024 = tpu.memref_squeeze %dma_start3A_1023 : memref<1x1024xf32, #tpu.memory_space<hbm>> -> memref<1024xf32, #tpu.memory_space<hbm>>
      %dma_start3A_1025 = arith.constant 0 : i32
      %dma_start3A_1026 = tpu.memref_slice %arg3[%add3A_1019, %dma_start3A_1025] : memref<16384x1024xf32, #tpu.memory_space<hbm>> -> memref<1x1024xf32, #tpu.memory_space<hbm>>
      %dma_start3A_1027 = tpu.memref_squeeze %dma_start3A_1026 : memref<1x1024xf32, #tpu.memory_space<hbm>> -> memref<1024xf32, #tpu.memory_space<hbm>>
      %dma_start3A_1028 = arith.constant 12288 : i32
      %dma_start3A_1029 = tpu.memref_slice %arg9[%dma_start3A_1028] : memref<16384xf32, #tpu.memory_space<vmem>> -> memref<1024xf32, #tpu.memory_space<vmem>>
      tpu.enqueue_dma source(%dma_start3A_1029 : memref<1024xf32, #tpu.memory_space<vmem>>) target(%dma_start3A_1027 : memref<1024xf32, #tpu.memory_space<hbm>>) target_semaphore(%arg15 : memref<!tpu.dma_semaphore, #tpu.memory_space<semaphore_mem>>)
      %add3A_1030 = arith.addi %mul3A_2, %add3A_810 : i32
      %mul3A_1031 = arith.constant 16 : i32
      %mul3A_1032 = arith.muli %add3A_1030, %mul3A_1031 : i32
      %add3A_1033 = arith.constant 13 : i32
      %add3A_1034 = arith.addi %mul3A_1032, %add3A_1033 : i32
      %dma_start3A_1035 = arith.constant 13312 : i32
      %dma_start3A_1036 = tpu.memref_slice %arg9[%dma_start3A_1035] : memref<16384xf32, #tpu.memory_space<vmem>> -> memref<1024xf32, #tpu.memory_space<vmem>>
      %dma_start3A_1037 = arith.constant 0 : i32
      %dma_start3A_1038 = tpu.memref_slice %arg3[%add3A_1034, %dma_start3A_1037] : memref<16384x1024xf32, #tpu.memory_space<hbm>> -> memref<1x1024xf32, #tpu.memory_space<hbm>>
      %dma_start3A_1039 = tpu.memref_squeeze %dma_start3A_1038 : memref<1x1024xf32, #tpu.memory_space<hbm>> -> memref<1024xf32, #tpu.memory_space<hbm>>
      %dma_start3A_1040 = arith.constant 0 : i32
      %dma_start3A_1041 = tpu.memref_slice %arg3[%add3A_1034, %dma_start3A_1040] : memref<16384x1024xf32, #tpu.memory_space<hbm>> -> memref<1x1024xf32, #tpu.memory_space<hbm>>
      %dma_start3A_1042 = tpu.memref_squeeze %dma_start3A_1041 : memref<1x1024xf32, #tpu.memory_space<hbm>> -> memref<1024xf32, #tpu.memory_space<hbm>>
      %dma_start3A_1043 = arith.constant 13312 : i32
      %dma_start3A_1044 = tpu.memref_slice %arg9[%dma_start3A_1043] : memref<16384xf32, #tpu.memory_space<vmem>> -> memref<1024xf32, #tpu.memory_space<vmem>>
      tpu.enqueue_dma source(%dma_start3A_1044 : memref<1024xf32, #tpu.memory_space<vmem>>) target(%dma_start3A_1042 : memref<1024xf32, #tpu.memory_space<hbm>>) target_semaphore(%arg15 : memref<!tpu.dma_semaphore, #tpu.memory_space<semaphore_mem>>)
      %add3A_1045 = arith.addi %mul3A_2, %add3A_810 : i32
      %mul3A_1046 = arith.constant 16 : i32
      %mul3A_1047 = arith.muli %add3A_1045, %mul3A_1046 : i32
      %add3A_1048 = arith.constant 14 : i32
      %add3A_1049 = arith.addi %mul3A_1047, %add3A_1048 : i32
      %dma_start3A_1050 = arith.constant 14336 : i32
      %dma_start3A_1051 = tpu.memref_slice %arg9[%dma_start3A_1050] : memref<16384xf32, #tpu.memory_space<vmem>> -> memref<1024xf32, #tpu.memory_space<vmem>>
      %dma_start3A_1052 = arith.constant 0 : i32
      %dma_start3A_1053 = tpu.memref_slice %arg3[%add3A_1049, %dma_start3A_1052] : memref<16384x1024xf32, #tpu.memory_space<hbm>> -> memref<1x1024xf32, #tpu.memory_space<hbm>>
      %dma_start3A_1054 = tpu.memref_squeeze %dma_start3A_1053 : memref<1x1024xf32, #tpu.memory_space<hbm>> -> memref<1024xf32, #tpu.memory_space<hbm>>
      %dma_start3A_1055 = arith.constant 0 : i32
      %dma_start3A_1056 = tpu.memref_slice %arg3[%add3A_1049, %dma_start3A_1055] : memref<16384x1024xf32, #tpu.memory_space<hbm>> -> memref<1x1024xf32, #tpu.memory_space<hbm>>
      %dma_start3A_1057 = tpu.memref_squeeze %dma_start3A_1056 : memref<1x1024xf32, #tpu.memory_space<hbm>> -> memref<1024xf32, #tpu.memory_space<hbm>>
      %dma_start3A_1058 = arith.constant 14336 : i32
      %dma_start3A_1059 = tpu.memref_slice %arg9[%dma_start3A_1058] : memref<16384xf32, #tpu.memory_space<vmem>> -> memref<1024xf32, #tpu.memory_space<vmem>>
      tpu.enqueue_dma source(%dma_start3A_1059 : memref<1024xf32, #tpu.memory_space<vmem>>) target(%dma_start3A_1057 : memref<1024xf32, #tpu.memory_space<hbm>>) target_semaphore(%arg15 : memref<!tpu.dma_semaphore, #tpu.memory_space<semaphore_mem>>)
      %add3A_1060 = arith.addi %mul3A_2, %add3A_810 : i32
      %mul3A_1061 = arith.constant 16 : i32
      %mul3A_1062 = arith.muli %add3A_1060, %mul3A_1061 : i32
      %add3A_1063 = arith.constant 15 : i32
      %add3A_1064 = arith.addi %mul3A_1062, %add3A_1063 : i32
      %dma_start3A_1065 = arith.constant 15360 : i32
      %dma_start3A_1066 = tpu.memref_slice %arg9[%dma_start3A_1065] : memref<16384xf32, #tpu.memory_space<vmem>> -> memref<1024xf32, #tpu.memory_space<vmem>>
      %dma_start3A_1067 = arith.constant 0 : i32
      %dma_start3A_1068 = tpu.memref_slice %arg3[%add3A_1064, %dma_start3A_1067] : memref<16384x1024xf32, #tpu.memory_space<hbm>> -> memref<1x1024xf32, #tpu.memory_space<hbm>>
      %dma_start3A_1069 = tpu.memref_squeeze %dma_start3A_1068 : memref<1x1024xf32, #tpu.memory_space<hbm>> -> memref<1024xf32, #tpu.memory_space<hbm>>
      %dma_start3A_1070 = arith.constant 0 : i32
      %dma_start3A_1071 = tpu.memref_slice %arg3[%add3A_1064, %dma_start3A_1070] : memref<16384x1024xf32, #tpu.memory_space<hbm>> -> memref<1x1024xf32, #tpu.memory_space<hbm>>
      %dma_start3A_1072 = tpu.memref_squeeze %dma_start3A_1071 : memref<1x1024xf32, #tpu.memory_space<hbm>> -> memref<1024xf32, #tpu.memory_space<hbm>>
      %dma_start3A_1073 = arith.constant 15360 : i32
      %dma_start3A_1074 = tpu.memref_slice %arg9[%dma_start3A_1073] : memref<16384xf32, #tpu.memory_space<vmem>> -> memref<1024xf32, #tpu.memory_space<vmem>>
      tpu.enqueue_dma source(%dma_start3A_1074 : memref<1024xf32, #tpu.memory_space<vmem>>) target(%dma_start3A_1072 : memref<1024xf32, #tpu.memory_space<hbm>>) target_semaphore(%arg15 : memref<!tpu.dma_semaphore, #tpu.memory_space<semaphore_mem>>)
      %add3A_1075 = arith.constant 2 : i32
      %add3A_1076 = arith.addi %add3A_548, %add3A_1075 : i32
      %ge3A_1077 = arith.constant 2 : i32
      %ge3A_1078 = arith.cmpi sge, %add3A_1076, %ge3A_1077 : i32
      %convert_element_type3A_1079 = arith.extui %ge3A_1078 : i1 to i32
      %cond3A_1080 = arith.constant 0 : i32
      %cond3A_1081 = arith.cmpi ne, %convert_element_type3A_1079, %cond3A_1080 : i32
      scf.if %cond3A_1081 {
        %sub3A = arith.constant 2 : i32
        %sub3A_1607 = arith.subi %add3A_1076, %sub3A : i32
        %add3A_1608 = arith.addi %mul3A_2, %sub3A_1607 : i32
        %mul3A_1609 = arith.constant 16 : i32
        %mul3A_1610 = arith.muli %add3A_1608, %mul3A_1609 : i32
        %add3A_1611 = arith.constant 0 : i32
        %add3A_1612 = arith.addi %mul3A_1610, %add3A_1611 : i32
        %dma_wait3A_1613 = arith.constant 0 : i32
        %dma_wait3A_1614 = tpu.memref_slice %arg8[%dma_wait3A_1613] : memref<16384xf32, #tpu.memory_space<vmem>> -> memref<1024xf32, #tpu.memory_space<vmem>>
        %dma_wait3A_1615 = arith.constant 0 : i32
        %dma_wait3A_1616 = tpu.memref_slice %arg3[%add3A_1612, %dma_wait3A_1615] : memref<16384x1024xf32, #tpu.memory_space<hbm>> -> memref<1x1024xf32, #tpu.memory_space<hbm>>
        %dma_wait3A_1617 = tpu.memref_squeeze %dma_wait3A_1616 : memref<1x1024xf32, #tpu.memory_space<hbm>> -> memref<1024xf32, #tpu.memory_space<hbm>>
        %dma_wait3A_1618 = arith.constant 0 : i32
        %dma_wait3A_1619 = tpu.memref_slice %arg3[%add3A_1612, %dma_wait3A_1618] : memref<16384x1024xf32, #tpu.memory_space<hbm>> -> memref<1x1024xf32, #tpu.memory_space<hbm>>
        %dma_wait3A_1620 = tpu.memref_squeeze %dma_wait3A_1619 : memref<1x1024xf32, #tpu.memory_space<hbm>> -> memref<1024xf32, #tpu.memory_space<hbm>>
        %dma_wait3A_1621 = arith.constant 0 : i32
        %dma_wait3A_1622 = tpu.memref_slice %arg8[%dma_wait3A_1621] : memref<16384xf32, #tpu.memory_space<vmem>> -> memref<1024xf32, #tpu.memory_space<vmem>>
        tpu.wait_dma2 semaphore(%arg14 : memref<!tpu.dma_semaphore, #tpu.memory_space<semaphore_mem>>) src(%dma_wait3A_1622 : memref<1024xf32, #tpu.memory_space<vmem>>) dst(%dma_wait3A_1620 : memref<1024xf32, #tpu.memory_space<hbm>>)
        %add3A_1623 = arith.addi %mul3A_2, %sub3A_1607 : i32
        %mul3A_1624 = arith.constant 16 : i32
        %mul3A_1625 = arith.muli %add3A_1623, %mul3A_1624 : i32
        %add3A_1626 = arith.constant 1 : i32
        %add3A_1627 = arith.addi %mul3A_1625, %add3A_1626 : i32
        %dma_wait3A_1628 = arith.constant 1024 : i32
        %dma_wait3A_1629 = tpu.memref_slice %arg8[%dma_wait3A_1628] : memref<16384xf32, #tpu.memory_space<vmem>> -> memref<1024xf32, #tpu.memory_space<vmem>>
        %dma_wait3A_1630 = arith.constant 0 : i32
        %dma_wait3A_1631 = tpu.memref_slice %arg3[%add3A_1627, %dma_wait3A_1630] : memref<16384x1024xf32, #tpu.memory_space<hbm>> -> memref<1x1024xf32, #tpu.memory_space<hbm>>
        %dma_wait3A_1632 = tpu.memref_squeeze %dma_wait3A_1631 : memref<1x1024xf32, #tpu.memory_space<hbm>> -> memref<1024xf32, #tpu.memory_space<hbm>>
        %dma_wait3A_1633 = arith.constant 0 : i32
        %dma_wait3A_1634 = tpu.memref_slice %arg3[%add3A_1627, %dma_wait3A_1633] : memref<16384x1024xf32, #tpu.memory_space<hbm>> -> memref<1x1024xf32, #tpu.memory_space<hbm>>
        %dma_wait3A_1635 = tpu.memref_squeeze %dma_wait3A_1634 : memref<1x1024xf32, #tpu.memory_space<hbm>> -> memref<1024xf32, #tpu.memory_space<hbm>>
        %dma_wait3A_1636 = arith.constant 1024 : i32
        %dma_wait3A_1637 = tpu.memref_slice %arg8[%dma_wait3A_1636] : memref<16384xf32, #tpu.memory_space<vmem>> -> memref<1024xf32, #tpu.memory_space<vmem>>
        tpu.wait_dma2 semaphore(%arg14 : memref<!tpu.dma_semaphore, #tpu.memory_space<semaphore_mem>>) src(%dma_wait3A_1637 : memref<1024xf32, #tpu.memory_space<vmem>>) dst(%dma_wait3A_1635 : memref<1024xf32, #tpu.memory_space<hbm>>)
        %add3A_1638 = arith.addi %mul3A_2, %sub3A_1607 : i32
        %mul3A_1639 = arith.constant 16 : i32
        %mul3A_1640 = arith.muli %add3A_1638, %mul3A_1639 : i32
        %add3A_1641 = arith.constant 2 : i32
        %add3A_1642 = arith.addi %mul3A_1640, %add3A_1641 : i32
        %dma_wait3A_1643 = arith.constant 2048 : i32
        %dma_wait3A_1644 = tpu.memref_slice %arg8[%dma_wait3A_1643] : memref<16384xf32, #tpu.memory_space<vmem>> -> memref<1024xf32, #tpu.memory_space<vmem>>
        %dma_wait3A_1645 = arith.constant 0 : i32
        %dma_wait3A_1646 = tpu.memref_slice %arg3[%add3A_1642, %dma_wait3A_1645] : memref<16384x1024xf32, #tpu.memory_space<hbm>> -> memref<1x1024xf32, #tpu.memory_space<hbm>>
        %dma_wait3A_1647 = tpu.memref_squeeze %dma_wait3A_1646 : memref<1x1024xf32, #tpu.memory_space<hbm>> -> memref<1024xf32, #tpu.memory_space<hbm>>
        %dma_wait3A_1648 = arith.constant 0 : i32
        %dma_wait3A_1649 = tpu.memref_slice %arg3[%add3A_1642, %dma_wait3A_1648] : memref<16384x1024xf32, #tpu.memory_space<hbm>> -> memref<1x1024xf32, #tpu.memory_space<hbm>>
        %dma_wait3A_1650 = tpu.memref_squeeze %dma_wait3A_1649 : memref<1x1024xf32, #tpu.memory_space<hbm>> -> memref<1024xf32, #tpu.memory_space<hbm>>
        %dma_wait3A_1651 = arith.constant 2048 : i32
        %dma_wait3A_1652 = tpu.memref_slice %arg8[%dma_wait3A_1651] : memref<16384xf32, #tpu.memory_space<vmem>> -> memref<1024xf32, #tpu.memory_space<vmem>>
        tpu.wait_dma2 semaphore(%arg14 : memref<!tpu.dma_semaphore, #tpu.memory_space<semaphore_mem>>) src(%dma_wait3A_1652 : memref<1024xf32, #tpu.memory_space<vmem>>) dst(%dma_wait3A_1650 : memref<1024xf32, #tpu.memory_space<hbm>>)
        %add3A_1653 = arith.addi %mul3A_2, %sub3A_1607 : i32
        %mul3A_1654 = arith.constant 16 : i32
        %mul3A_1655 = arith.muli %add3A_1653, %mul3A_1654 : i32
        %add3A_1656 = arith.constant 3 : i32
        %add3A_1657 = arith.addi %mul3A_1655, %add3A_1656 : i32
        %dma_wait3A_1658 = arith.constant 3072 : i32
        %dma_wait3A_1659 = tpu.memref_slice %arg8[%dma_wait3A_1658] : memref<16384xf32, #tpu.memory_space<vmem>> -> memref<1024xf32, #tpu.memory_space<vmem>>
        %dma_wait3A_1660 = arith.constant 0 : i32
        %dma_wait3A_1661 = tpu.memref_slice %arg3[%add3A_1657, %dma_wait3A_1660] : memref<16384x1024xf32, #tpu.memory_space<hbm>> -> memref<1x1024xf32, #tpu.memory_space<hbm>>
        %dma_wait3A_1662 = tpu.memref_squeeze %dma_wait3A_1661 : memref<1x1024xf32, #tpu.memory_space<hbm>> -> memref<1024xf32, #tpu.memory_space<hbm>>
        %dma_wait3A_1663 = arith.constant 0 : i32
        %dma_wait3A_1664 = tpu.memref_slice %arg3[%add3A_1657, %dma_wait3A_1663] : memref<16384x1024xf32, #tpu.memory_space<hbm>> -> memref<1x1024xf32, #tpu.memory_space<hbm>>
        %dma_wait3A_1665 = tpu.memref_squeeze %dma_wait3A_1664 : memref<1x1024xf32, #tpu.memory_space<hbm>> -> memref<1024xf32, #tpu.memory_space<hbm>>
        %dma_wait3A_1666 = arith.constant 3072 : i32
        %dma_wait3A_1667 = tpu.memref_slice %arg8[%dma_wait3A_1666] : memref<16384xf32, #tpu.memory_space<vmem>> -> memref<1024xf32, #tpu.memory_space<vmem>>
        tpu.wait_dma2 semaphore(%arg14 : memref<!tpu.dma_semaphore, #tpu.memory_space<semaphore_mem>>) src(%dma_wait3A_1667 : memref<1024xf32, #tpu.memory_space<vmem>>) dst(%dma_wait3A_1665 : memref<1024xf32, #tpu.memory_space<hbm>>)
        %add3A_1668 = arith.addi %mul3A_2, %sub3A_1607 : i32
        %mul3A_1669 = arith.constant 16 : i32
        %mul3A_1670 = arith.muli %add3A_1668, %mul3A_1669 : i32
        %add3A_1671 = arith.constant 4 : i32
        %add3A_1672 = arith.addi %mul3A_1670, %add3A_1671 : i32
        %dma_wait3A_1673 = arith.constant 4096 : i32
        %dma_wait3A_1674 = tpu.memref_slice %arg8[%dma_wait3A_1673] : memref<16384xf32, #tpu.memory_space<vmem>> -> memref<1024xf32, #tpu.memory_space<vmem>>
        %dma_wait3A_1675 = arith.constant 0 : i32
        %dma_wait3A_1676 = tpu.memref_slice %arg3[%add3A_1672, %dma_wait3A_1675] : memref<16384x1024xf32, #tpu.memory_space<hbm>> -> memref<1x1024xf32, #tpu.memory_space<hbm>>
        %dma_wait3A_1677 = tpu.memref_squeeze %dma_wait3A_1676 : memref<1x1024xf32, #tpu.memory_space<hbm>> -> memref<1024xf32, #tpu.memory_space<hbm>>
        %dma_wait3A_1678 = arith.constant 0 : i32
        %dma_wait3A_1679 = tpu.memref_slice %arg3[%add3A_1672, %dma_wait3A_1678] : memref<16384x1024xf32, #tpu.memory_space<hbm>> -> memref<1x1024xf32, #tpu.memory_space<hbm>>
        %dma_wait3A_1680 = tpu.memref_squeeze %dma_wait3A_1679 : memref<1x1024xf32, #tpu.memory_space<hbm>> -> memref<1024xf32, #tpu.memory_space<hbm>>
        %dma_wait3A_1681 = arith.constant 4096 : i32
        %dma_wait3A_1682 = tpu.memref_slice %arg8[%dma_wait3A_1681] : memref<16384xf32, #tpu.memory_space<vmem>> -> memref<1024xf32, #tpu.memory_space<vmem>>
        tpu.wait_dma2 semaphore(%arg14 : memref<!tpu.dma_semaphore, #tpu.memory_space<semaphore_mem>>) src(%dma_wait3A_1682 : memref<1024xf32, #tpu.memory_space<vmem>>) dst(%dma_wait3A_1680 : memref<1024xf32, #tpu.memory_space<hbm>>)
        %add3A_1683 = arith.addi %mul3A_2, %sub3A_1607 : i32
        %mul3A_1684 = arith.constant 16 : i32
        %mul3A_1685 = arith.muli %add3A_1683, %mul3A_1684 : i32
        %add3A_1686 = arith.constant 5 : i32
        %add3A_1687 = arith.addi %mul3A_1685, %add3A_1686 : i32
        %dma_wait3A_1688 = arith.constant 5120 : i32
        %dma_wait3A_1689 = tpu.memref_slice %arg8[%dma_wait3A_1688] : memref<16384xf32, #tpu.memory_space<vmem>> -> memref<1024xf32, #tpu.memory_space<vmem>>
        %dma_wait3A_1690 = arith.constant 0 : i32
        %dma_wait3A_1691 = tpu.memref_slice %arg3[%add3A_1687, %dma_wait3A_1690] : memref<16384x1024xf32, #tpu.memory_space<hbm>> -> memref<1x1024xf32, #tpu.memory_space<hbm>>
        %dma_wait3A_1692 = tpu.memref_squeeze %dma_wait3A_1691 : memref<1x1024xf32, #tpu.memory_space<hbm>> -> memref<1024xf32, #tpu.memory_space<hbm>>
        %dma_wait3A_1693 = arith.constant 0 : i32
        %dma_wait3A_1694 = tpu.memref_slice %arg3[%add3A_1687, %dma_wait3A_1693] : memref<16384x1024xf32, #tpu.memory_space<hbm>> -> memref<1x1024xf32, #tpu.memory_space<hbm>>
        %dma_wait3A_1695 = tpu.memref_squeeze %dma_wait3A_1694 : memref<1x1024xf32, #tpu.memory_space<hbm>> -> memref<1024xf32, #tpu.memory_space<hbm>>
        %dma_wait3A_1696 = arith.constant 5120 : i32
        %dma_wait3A_1697 = tpu.memref_slice %arg8[%dma_wait3A_1696] : memref<16384xf32, #tpu.memory_space<vmem>> -> memref<1024xf32, #tpu.memory_space<vmem>>
        tpu.wait_dma2 semaphore(%arg14 : memref<!tpu.dma_semaphore, #tpu.memory_space<semaphore_mem>>) src(%dma_wait3A_1697 : memref<1024xf32, #tpu.memory_space<vmem>>) dst(%dma_wait3A_1695 : memref<1024xf32, #tpu.memory_space<hbm>>)
        %add3A_1698 = arith.addi %mul3A_2, %sub3A_1607 : i32
        %mul3A_1699 = arith.constant 16 : i32
        %mul3A_1700 = arith.muli %add3A_1698, %mul3A_1699 : i32
        %add3A_1701 = arith.constant 6 : i32
        %add3A_1702 = arith.addi %mul3A_1700, %add3A_1701 : i32
        %dma_wait3A_1703 = arith.constant 6144 : i32
        %dma_wait3A_1704 = tpu.memref_slice %arg8[%dma_wait3A_1703] : memref<16384xf32, #tpu.memory_space<vmem>> -> memref<1024xf32, #tpu.memory_space<vmem>>
        %dma_wait3A_1705 = arith.constant 0 : i32
        %dma_wait3A_1706 = tpu.memref_slice %arg3[%add3A_1702, %dma_wait3A_1705] : memref<16384x1024xf32, #tpu.memory_space<hbm>> -> memref<1x1024xf32, #tpu.memory_space<hbm>>
        %dma_wait3A_1707 = tpu.memref_squeeze %dma_wait3A_1706 : memref<1x1024xf32, #tpu.memory_space<hbm>> -> memref<1024xf32, #tpu.memory_space<hbm>>
        %dma_wait3A_1708 = arith.constant 0 : i32
        %dma_wait3A_1709 = tpu.memref_slice %arg3[%add3A_1702, %dma_wait3A_1708] : memref<16384x1024xf32, #tpu.memory_space<hbm>> -> memref<1x1024xf32, #tpu.memory_space<hbm>>
        %dma_wait3A_1710 = tpu.memref_squeeze %dma_wait3A_1709 : memref<1x1024xf32, #tpu.memory_space<hbm>> -> memref<1024xf32, #tpu.memory_space<hbm>>
        %dma_wait3A_1711 = arith.constant 6144 : i32
        %dma_wait3A_1712 = tpu.memref_slice %arg8[%dma_wait3A_1711] : memref<16384xf32, #tpu.memory_space<vmem>> -> memref<1024xf32, #tpu.memory_space<vmem>>
        tpu.wait_dma2 semaphore(%arg14 : memref<!tpu.dma_semaphore, #tpu.memory_space<semaphore_mem>>) src(%dma_wait3A_1712 : memref<1024xf32, #tpu.memory_space<vmem>>) dst(%dma_wait3A_1710 : memref<1024xf32, #tpu.memory_space<hbm>>)
        %add3A_1713 = arith.addi %mul3A_2, %sub3A_1607 : i32
        %mul3A_1714 = arith.constant 16 : i32
        %mul3A_1715 = arith.muli %add3A_1713, %mul3A_1714 : i32
        %add3A_1716 = arith.constant 7 : i32
        %add3A_1717 = arith.addi %mul3A_1715, %add3A_1716 : i32
        %dma_wait3A_1718 = arith.constant 7168 : i32
        %dma_wait3A_1719 = tpu.memref_slice %arg8[%dma_wait3A_1718] : memref<16384xf32, #tpu.memory_space<vmem>> -> memref<1024xf32, #tpu.memory_space<vmem>>
        %dma_wait3A_1720 = arith.constant 0 : i32
        %dma_wait3A_1721 = tpu.memref_slice %arg3[%add3A_1717, %dma_wait3A_1720] : memref<16384x1024xf32, #tpu.memory_space<hbm>> -> memref<1x1024xf32, #tpu.memory_space<hbm>>
        %dma_wait3A_1722 = tpu.memref_squeeze %dma_wait3A_1721 : memref<1x1024xf32, #tpu.memory_space<hbm>> -> memref<1024xf32, #tpu.memory_space<hbm>>
        %dma_wait3A_1723 = arith.constant 0 : i32
        %dma_wait3A_1724 = tpu.memref_slice %arg3[%add3A_1717, %dma_wait3A_1723] : memref<16384x1024xf32, #tpu.memory_space<hbm>> -> memref<1x1024xf32, #tpu.memory_space<hbm>>
        %dma_wait3A_1725 = tpu.memref_squeeze %dma_wait3A_1724 : memref<1x1024xf32, #tpu.memory_space<hbm>> -> memref<1024xf32, #tpu.memory_space<hbm>>
        %dma_wait3A_1726 = arith.constant 7168 : i32
        %dma_wait3A_1727 = tpu.memref_slice %arg8[%dma_wait3A_1726] : memref<16384xf32, #tpu.memory_space<vmem>> -> memref<1024xf32, #tpu.memory_space<vmem>>
        tpu.wait_dma2 semaphore(%arg14 : memref<!tpu.dma_semaphore, #tpu.memory_space<semaphore_mem>>) src(%dma_wait3A_1727 : memref<1024xf32, #tpu.memory_space<vmem>>) dst(%dma_wait3A_1725 : memref<1024xf32, #tpu.memory_space<hbm>>)
        %add3A_1728 = arith.addi %mul3A_2, %sub3A_1607 : i32
        %mul3A_1729 = arith.constant 16 : i32
        %mul3A_1730 = arith.muli %add3A_1728, %mul3A_1729 : i32
        %add3A_1731 = arith.constant 8 : i32
        %add3A_1732 = arith.addi %mul3A_1730, %add3A_1731 : i32
        %dma_wait3A_1733 = arith.constant 8192 : i32
        %dma_wait3A_1734 = tpu.memref_slice %arg8[%dma_wait3A_1733] : memref<16384xf32, #tpu.memory_space<vmem>> -> memref<1024xf32, #tpu.memory_space<vmem>>
        %dma_wait3A_1735 = arith.constant 0 : i32
        %dma_wait3A_1736 = tpu.memref_slice %arg3[%add3A_1732, %dma_wait3A_1735] : memref<16384x1024xf32, #tpu.memory_space<hbm>> -> memref<1x1024xf32, #tpu.memory_space<hbm>>
        %dma_wait3A_1737 = tpu.memref_squeeze %dma_wait3A_1736 : memref<1x1024xf32, #tpu.memory_space<hbm>> -> memref<1024xf32, #tpu.memory_space<hbm>>
        %dma_wait3A_1738 = arith.constant 0 : i32
        %dma_wait3A_1739 = tpu.memref_slice %arg3[%add3A_1732, %dma_wait3A_1738] : memref<16384x1024xf32, #tpu.memory_space<hbm>> -> memref<1x1024xf32, #tpu.memory_space<hbm>>
        %dma_wait3A_1740 = tpu.memref_squeeze %dma_wait3A_1739 : memref<1x1024xf32, #tpu.memory_space<hbm>> -> memref<1024xf32, #tpu.memory_space<hbm>>
        %dma_wait3A_1741 = arith.constant 8192 : i32
        %dma_wait3A_1742 = tpu.memref_slice %arg8[%dma_wait3A_1741] : memref<16384xf32, #tpu.memory_space<vmem>> -> memref<1024xf32, #tpu.memory_space<vmem>>
        tpu.wait_dma2 semaphore(%arg14 : memref<!tpu.dma_semaphore, #tpu.memory_space<semaphore_mem>>) src(%dma_wait3A_1742 : memref<1024xf32, #tpu.memory_space<vmem>>) dst(%dma_wait3A_1740 : memref<1024xf32, #tpu.memory_space<hbm>>)
        %add3A_1743 = arith.addi %mul3A_2, %sub3A_1607 : i32
        %mul3A_1744 = arith.constant 16 : i32
        %mul3A_1745 = arith.muli %add3A_1743, %mul3A_1744 : i32
        %add3A_1746 = arith.constant 9 : i32
        %add3A_1747 = arith.addi %mul3A_1745, %add3A_1746 : i32
        %dma_wait3A_1748 = arith.constant 9216 : i32
        %dma_wait3A_1749 = tpu.memref_slice %arg8[%dma_wait3A_1748] : memref<16384xf32, #tpu.memory_space<vmem>> -> memref<1024xf32, #tpu.memory_space<vmem>>
        %dma_wait3A_1750 = arith.constant 0 : i32
        %dma_wait3A_1751 = tpu.memref_slice %arg3[%add3A_1747, %dma_wait3A_1750] : memref<16384x1024xf32, #tpu.memory_space<hbm>> -> memref<1x1024xf32, #tpu.memory_space<hbm>>
        %dma_wait3A_1752 = tpu.memref_squeeze %dma_wait3A_1751 : memref<1x1024xf32, #tpu.memory_space<hbm>> -> memref<1024xf32, #tpu.memory_space<hbm>>
        %dma_wait3A_1753 = arith.constant 0 : i32
        %dma_wait3A_1754 = tpu.memref_slice %arg3[%add3A_1747, %dma_wait3A_1753] : memref<16384x1024xf32, #tpu.memory_space<hbm>> -> memref<1x1024xf32, #tpu.memory_space<hbm>>
        %dma_wait3A_1755 = tpu.memref_squeeze %dma_wait3A_1754 : memref<1x1024xf32, #tpu.memory_space<hbm>> -> memref<1024xf32, #tpu.memory_space<hbm>>
        %dma_wait3A_1756 = arith.constant 9216 : i32
        %dma_wait3A_1757 = tpu.memref_slice %arg8[%dma_wait3A_1756] : memref<16384xf32, #tpu.memory_space<vmem>> -> memref<1024xf32, #tpu.memory_space<vmem>>
        tpu.wait_dma2 semaphore(%arg14 : memref<!tpu.dma_semaphore, #tpu.memory_space<semaphore_mem>>) src(%dma_wait3A_1757 : memref<1024xf32, #tpu.memory_space<vmem>>) dst(%dma_wait3A_1755 : memref<1024xf32, #tpu.memory_space<hbm>>)
        %add3A_1758 = arith.addi %mul3A_2, %sub3A_1607 : i32
        %mul3A_1759 = arith.constant 16 : i32
        %mul3A_1760 = arith.muli %add3A_1758, %mul3A_1759 : i32
        %add3A_1761 = arith.constant 10 : i32
        %add3A_1762 = arith.addi %mul3A_1760, %add3A_1761 : i32
        %dma_wait3A_1763 = arith.constant 10240 : i32
        %dma_wait3A_1764 = tpu.memref_slice %arg8[%dma_wait3A_1763] : memref<16384xf32, #tpu.memory_space<vmem>> -> memref<1024xf32, #tpu.memory_space<vmem>>
        %dma_wait3A_1765 = arith.constant 0 : i32
        %dma_wait3A_1766 = tpu.memref_slice %arg3[%add3A_1762, %dma_wait3A_1765] : memref<16384x1024xf32, #tpu.memory_space<hbm>> -> memref<1x1024xf32, #tpu.memory_space<hbm>>
        %dma_wait3A_1767 = tpu.memref_squeeze %dma_wait3A_1766 : memref<1x1024xf32, #tpu.memory_space<hbm>> -> memref<1024xf32, #tpu.memory_space<hbm>>
        %dma_wait3A_1768 = arith.constant 0 : i32
        %dma_wait3A_1769 = tpu.memref_slice %arg3[%add3A_1762, %dma_wait3A_1768] : memref<16384x1024xf32, #tpu.memory_space<hbm>> -> memref<1x1024xf32, #tpu.memory_space<hbm>>
        %dma_wait3A_1770 = tpu.memref_squeeze %dma_wait3A_1769 : memref<1x1024xf32, #tpu.memory_space<hbm>> -> memref<1024xf32, #tpu.memory_space<hbm>>
        %dma_wait3A_1771 = arith.constant 10240 : i32
        %dma_wait3A_1772 = tpu.memref_slice %arg8[%dma_wait3A_1771] : memref<16384xf32, #tpu.memory_space<vmem>> -> memref<1024xf32, #tpu.memory_space<vmem>>
        tpu.wait_dma2 semaphore(%arg14 : memref<!tpu.dma_semaphore, #tpu.memory_space<semaphore_mem>>) src(%dma_wait3A_1772 : memref<1024xf32, #tpu.memory_space<vmem>>) dst(%dma_wait3A_1770 : memref<1024xf32, #tpu.memory_space<hbm>>)
        %add3A_1773 = arith.addi %mul3A_2, %sub3A_1607 : i32
        %mul3A_1774 = arith.constant 16 : i32
        %mul3A_1775 = arith.muli %add3A_1773, %mul3A_1774 : i32
        %add3A_1776 = arith.constant 11 : i32
        %add3A_1777 = arith.addi %mul3A_1775, %add3A_1776 : i32
        %dma_wait3A_1778 = arith.constant 11264 : i32
        %dma_wait3A_1779 = tpu.memref_slice %arg8[%dma_wait3A_1778] : memref<16384xf32, #tpu.memory_space<vmem>> -> memref<1024xf32, #tpu.memory_space<vmem>>
        %dma_wait3A_1780 = arith.constant 0 : i32
        %dma_wait3A_1781 = tpu.memref_slice %arg3[%add3A_1777, %dma_wait3A_1780] : memref<16384x1024xf32, #tpu.memory_space<hbm>> -> memref<1x1024xf32, #tpu.memory_space<hbm>>
        %dma_wait3A_1782 = tpu.memref_squeeze %dma_wait3A_1781 : memref<1x1024xf32, #tpu.memory_space<hbm>> -> memref<1024xf32, #tpu.memory_space<hbm>>
        %dma_wait3A_1783 = arith.constant 0 : i32
        %dma_wait3A_1784 = tpu.memref_slice %arg3[%add3A_1777, %dma_wait3A_1783] : memref<16384x1024xf32, #tpu.memory_space<hbm>> -> memref<1x1024xf32, #tpu.memory_space<hbm>>
        %dma_wait3A_1785 = tpu.memref_squeeze %dma_wait3A_1784 : memref<1x1024xf32, #tpu.memory_space<hbm>> -> memref<1024xf32, #tpu.memory_space<hbm>>
        %dma_wait3A_1786 = arith.constant 11264 : i32
        %dma_wait3A_1787 = tpu.memref_slice %arg8[%dma_wait3A_1786] : memref<16384xf32, #tpu.memory_space<vmem>> -> memref<1024xf32, #tpu.memory_space<vmem>>
        tpu.wait_dma2 semaphore(%arg14 : memref<!tpu.dma_semaphore, #tpu.memory_space<semaphore_mem>>) src(%dma_wait3A_1787 : memref<1024xf32, #tpu.memory_space<vmem>>) dst(%dma_wait3A_1785 : memref<1024xf32, #tpu.memory_space<hbm>>)
        %add3A_1788 = arith.addi %mul3A_2, %sub3A_1607 : i32
        %mul3A_1789 = arith.constant 16 : i32
        %mul3A_1790 = arith.muli %add3A_1788, %mul3A_1789 : i32
        %add3A_1791 = arith.constant 12 : i32
        %add3A_1792 = arith.addi %mul3A_1790, %add3A_1791 : i32
        %dma_wait3A_1793 = arith.constant 12288 : i32
        %dma_wait3A_1794 = tpu.memref_slice %arg8[%dma_wait3A_1793] : memref<16384xf32, #tpu.memory_space<vmem>> -> memref<1024xf32, #tpu.memory_space<vmem>>
        %dma_wait3A_1795 = arith.constant 0 : i32
        %dma_wait3A_1796 = tpu.memref_slice %arg3[%add3A_1792, %dma_wait3A_1795] : memref<16384x1024xf32, #tpu.memory_space<hbm>> -> memref<1x1024xf32, #tpu.memory_space<hbm>>
        %dma_wait3A_1797 = tpu.memref_squeeze %dma_wait3A_1796 : memref<1x1024xf32, #tpu.memory_space<hbm>> -> memref<1024xf32, #tpu.memory_space<hbm>>
        %dma_wait3A_1798 = arith.constant 0 : i32
        %dma_wait3A_1799 = tpu.memref_slice %arg3[%add3A_1792, %dma_wait3A_1798] : memref<16384x1024xf32, #tpu.memory_space<hbm>> -> memref<1x1024xf32, #tpu.memory_space<hbm>>
        %dma_wait3A_1800 = tpu.memref_squeeze %dma_wait3A_1799 : memref<1x1024xf32, #tpu.memory_space<hbm>> -> memref<1024xf32, #tpu.memory_space<hbm>>
        %dma_wait3A_1801 = arith.constant 12288 : i32
        %dma_wait3A_1802 = tpu.memref_slice %arg8[%dma_wait3A_1801] : memref<16384xf32, #tpu.memory_space<vmem>> -> memref<1024xf32, #tpu.memory_space<vmem>>
        tpu.wait_dma2 semaphore(%arg14 : memref<!tpu.dma_semaphore, #tpu.memory_space<semaphore_mem>>) src(%dma_wait3A_1802 : memref<1024xf32, #tpu.memory_space<vmem>>) dst(%dma_wait3A_1800 : memref<1024xf32, #tpu.memory_space<hbm>>)
        %add3A_1803 = arith.addi %mul3A_2, %sub3A_1607 : i32
        %mul3A_1804 = arith.constant 16 : i32
        %mul3A_1805 = arith.muli %add3A_1803, %mul3A_1804 : i32
        %add3A_1806 = arith.constant 13 : i32
        %add3A_1807 = arith.addi %mul3A_1805, %add3A_1806 : i32
        %dma_wait3A_1808 = arith.constant 13312 : i32
        %dma_wait3A_1809 = tpu.memref_slice %arg8[%dma_wait3A_1808] : memref<16384xf32, #tpu.memory_space<vmem>> -> memref<1024xf32, #tpu.memory_space<vmem>>
        %dma_wait3A_1810 = arith.constant 0 : i32
        %dma_wait3A_1811 = tpu.memref_slice %arg3[%add3A_1807, %dma_wait3A_1810] : memref<16384x1024xf32, #tpu.memory_space<hbm>> -> memref<1x1024xf32, #tpu.memory_space<hbm>>
        %dma_wait3A_1812 = tpu.memref_squeeze %dma_wait3A_1811 : memref<1x1024xf32, #tpu.memory_space<hbm>> -> memref<1024xf32, #tpu.memory_space<hbm>>
        %dma_wait3A_1813 = arith.constant 0 : i32
        %dma_wait3A_1814 = tpu.memref_slice %arg3[%add3A_1807, %dma_wait3A_1813] : memref<16384x1024xf32, #tpu.memory_space<hbm>> -> memref<1x1024xf32, #tpu.memory_space<hbm>>
        %dma_wait3A_1815 = tpu.memref_squeeze %dma_wait3A_1814 : memref<1x1024xf32, #tpu.memory_space<hbm>> -> memref<1024xf32, #tpu.memory_space<hbm>>
        %dma_wait3A_1816 = arith.constant 13312 : i32
        %dma_wait3A_1817 = tpu.memref_slice %arg8[%dma_wait3A_1816] : memref<16384xf32, #tpu.memory_space<vmem>> -> memref<1024xf32, #tpu.memory_space<vmem>>
        tpu.wait_dma2 semaphore(%arg14 : memref<!tpu.dma_semaphore, #tpu.memory_space<semaphore_mem>>) src(%dma_wait3A_1817 : memref<1024xf32, #tpu.memory_space<vmem>>) dst(%dma_wait3A_1815 : memref<1024xf32, #tpu.memory_space<hbm>>)
        %add3A_1818 = arith.addi %mul3A_2, %sub3A_1607 : i32
        %mul3A_1819 = arith.constant 16 : i32
        %mul3A_1820 = arith.muli %add3A_1818, %mul3A_1819 : i32
        %add3A_1821 = arith.constant 14 : i32
        %add3A_1822 = arith.addi %mul3A_1820, %add3A_1821 : i32
        %dma_wait3A_1823 = arith.constant 14336 : i32
        %dma_wait3A_1824 = tpu.memref_slice %arg8[%dma_wait3A_1823] : memref<16384xf32, #tpu.memory_space<vmem>> -> memref<1024xf32, #tpu.memory_space<vmem>>
        %dma_wait3A_1825 = arith.constant 0 : i32
        %dma_wait3A_1826 = tpu.memref_slice %arg3[%add3A_1822, %dma_wait3A_1825] : memref<16384x1024xf32, #tpu.memory_space<hbm>> -> memref<1x1024xf32, #tpu.memory_space<hbm>>
        %dma_wait3A_1827 = tpu.memref_squeeze %dma_wait3A_1826 : memref<1x1024xf32, #tpu.memory_space<hbm>> -> memref<1024xf32, #tpu.memory_space<hbm>>
        %dma_wait3A_1828 = arith.constant 0 : i32
        %dma_wait3A_1829 = tpu.memref_slice %arg3[%add3A_1822, %dma_wait3A_1828] : memref<16384x1024xf32, #tpu.memory_space<hbm>> -> memref<1x1024xf32, #tpu.memory_space<hbm>>
        %dma_wait3A_1830 = tpu.memref_squeeze %dma_wait3A_1829 : memref<1x1024xf32, #tpu.memory_space<hbm>> -> memref<1024xf32, #tpu.memory_space<hbm>>
        %dma_wait3A_1831 = arith.constant 14336 : i32
        %dma_wait3A_1832 = tpu.memref_slice %arg8[%dma_wait3A_1831] : memref<16384xf32, #tpu.memory_space<vmem>> -> memref<1024xf32, #tpu.memory_space<vmem>>
        tpu.wait_dma2 semaphore(%arg14 : memref<!tpu.dma_semaphore, #tpu.memory_space<semaphore_mem>>) src(%dma_wait3A_1832 : memref<1024xf32, #tpu.memory_space<vmem>>) dst(%dma_wait3A_1830 : memref<1024xf32, #tpu.memory_space<hbm>>)
        %add3A_1833 = arith.addi %mul3A_2, %sub3A_1607 : i32
        %mul3A_1834 = arith.constant 16 : i32
        %mul3A_1835 = arith.muli %add3A_1833, %mul3A_1834 : i32
        %add3A_1836 = arith.constant 15 : i32
        %add3A_1837 = arith.addi %mul3A_1835, %add3A_1836 : i32
        %dma_wait3A_1838 = arith.constant 15360 : i32
        %dma_wait3A_1839 = tpu.memref_slice %arg8[%dma_wait3A_1838] : memref<16384xf32, #tpu.memory_space<vmem>> -> memref<1024xf32, #tpu.memory_space<vmem>>
        %dma_wait3A_1840 = arith.constant 0 : i32
        %dma_wait3A_1841 = tpu.memref_slice %arg3[%add3A_1837, %dma_wait3A_1840] : memref<16384x1024xf32, #tpu.memory_space<hbm>> -> memref<1x1024xf32, #tpu.memory_space<hbm>>
        %dma_wait3A_1842 = tpu.memref_squeeze %dma_wait3A_1841 : memref<1x1024xf32, #tpu.memory_space<hbm>> -> memref<1024xf32, #tpu.memory_space<hbm>>
        %dma_wait3A_1843 = arith.constant 0 : i32
        %dma_wait3A_1844 = tpu.memref_slice %arg3[%add3A_1837, %dma_wait3A_1843] : memref<16384x1024xf32, #tpu.memory_space<hbm>> -> memref<1x1024xf32, #tpu.memory_space<hbm>>
        %dma_wait3A_1845 = tpu.memref_squeeze %dma_wait3A_1844 : memref<1x1024xf32, #tpu.memory_space<hbm>> -> memref<1024xf32, #tpu.memory_space<hbm>>
        %dma_wait3A_1846 = arith.constant 15360 : i32
        %dma_wait3A_1847 = tpu.memref_slice %arg8[%dma_wait3A_1846] : memref<16384xf32, #tpu.memory_space<vmem>> -> memref<1024xf32, #tpu.memory_space<vmem>>
        tpu.wait_dma2 semaphore(%arg14 : memref<!tpu.dma_semaphore, #tpu.memory_space<semaphore_mem>>) src(%dma_wait3A_1847 : memref<1024xf32, #tpu.memory_space<vmem>>) dst(%dma_wait3A_1845 : memref<1024xf32, #tpu.memory_space<hbm>>)
        %scan3A_1848 = arith.constant 0 : i32
        %scan3A_1849 = arith.constant 200 : i32
        %scan3A_1850 = arith.addi %scan3A_1848, %scan3A_1849 : i32
        %scan3A_1851 = arith.constant 8 : i32
        scf.for %scan3A_1853 = %scan3A_1848 to %scan3A_1850 step %scan3A_1851  : i32 {
          %mul3A_1854 = arith.constant 1 : i32
          %mul3A_1855 = arith.muli %scan3A_1853, %mul3A_1854 : i32
          %add3A_1856 = arith.constant 0 : i32
          %add3A_1857 = arith.addi %add3A_1856, %mul3A_1855 : i32
          %mul3A_1858 = arith.constant 16 : i32
          %mul3A_1859 = arith.muli %add3A_1857, %mul3A_1858 : i32
          %get3A = arith.index_cast %mul3A_1859 : i32 to index
          %get3A_1860 = tpu.vector_load %arg4[%get3A] {strides = array<i32>} : memref<3200xi32, #tpu.memory_space<vmem>>, vector<16xi32>,
          tpu.vector_store_idx %arg8[%get3A_1860], %broadcast_in_dim3A_5 : memref<16384xf32, #tpu.memory_space<vmem>>[vector<16xi32>], vector<16xf32>,
          %scan3A_1861 = arith.constant 1 : i32
          %scan3A_1862 = arith.addi %scan3A_1853, %scan3A_1861 : i32
          %mul3A_1863 = arith.constant 1 : i32
          %mul3A_1864 = arith.muli %scan3A_1862, %mul3A_1863 : i32
          %add3A_1865 = arith.constant 0 : i32
          %add3A_1866 = arith.addi %add3A_1865, %mul3A_1864 : i32
          %mul3A_1867 = arith.constant 16 : i32
          %mul3A_1868 = arith.muli %add3A_1866, %mul3A_1867 : i32
          %get3A_1869 = arith.index_cast %mul3A_1868 : i32 to index
          %get3A_1870 = tpu.vector_load %arg4[%get3A_1869] {strides = array<i32>} : memref<3200xi32, #tpu.memory_space<vmem>>, vector<16xi32>,
          tpu.vector_store_idx %arg8[%get3A_1870], %broadcast_in_dim3A_5 : memref<16384xf32, #tpu.memory_space<vmem>>[vector<16xi32>], vector<16xf32>,
          %scan3A_1871 = arith.constant 2 : i32
          %scan3A_1872 = arith.addi %scan3A_1853, %scan3A_1871 : i32
          %mul3A_1873 = arith.constant 1 : i32
          %mul3A_1874 = arith.muli %scan3A_1872, %mul3A_1873 : i32
          %add3A_1875 = arith.constant 0 : i32
          %add3A_1876 = arith.addi %add3A_1875, %mul3A_1874 : i32
          %mul3A_1877 = arith.constant 16 : i32
          %mul3A_1878 = arith.muli %add3A_1876, %mul3A_1877 : i32
          %get3A_1879 = arith.index_cast %mul3A_1878 : i32 to index
          %get3A_1880 = tpu.vector_load %arg4[%get3A_1879] {strides = array<i32>} : memref<3200xi32, #tpu.memory_space<vmem>>, vector<16xi32>,
          tpu.vector_store_idx %arg8[%get3A_1880], %broadcast_in_dim3A_5 : memref<16384xf32, #tpu.memory_space<vmem>>[vector<16xi32>], vector<16xf32>,
          %scan3A_1881 = arith.constant 3 : i32
          %scan3A_1882 = arith.addi %scan3A_1853, %scan3A_1881 : i32
          %mul3A_1883 = arith.constant 1 : i32
          %mul3A_1884 = arith.muli %scan3A_1882, %mul3A_1883 : i32
          %add3A_1885 = arith.constant 0 : i32
          %add3A_1886 = arith.addi %add3A_1885, %mul3A_1884 : i32
          %mul3A_1887 = arith.constant 16 : i32
          %mul3A_1888 = arith.muli %add3A_1886, %mul3A_1887 : i32
          %get3A_1889 = arith.index_cast %mul3A_1888 : i32 to index
          %get3A_1890 = tpu.vector_load %arg4[%get3A_1889] {strides = array<i32>} : memref<3200xi32, #tpu.memory_space<vmem>>, vector<16xi32>,
          tpu.vector_store_idx %arg8[%get3A_1890], %broadcast_in_dim3A_5 : memref<16384xf32, #tpu.memory_space<vmem>>[vector<16xi32>], vector<16xf32>,
          %scan3A_1891 = arith.constant 4 : i32
          %scan3A_1892 = arith.addi %scan3A_1853, %scan3A_1891 : i32
          %mul3A_1893 = arith.constant 1 : i32
          %mul3A_1894 = arith.muli %scan3A_1892, %mul3A_1893 : i32
          %add3A_1895 = arith.constant 0 : i32
          %add3A_1896 = arith.addi %add3A_1895, %mul3A_1894 : i32
          %mul3A_1897 = arith.constant 16 : i32
          %mul3A_1898 = arith.muli %add3A_1896, %mul3A_1897 : i32
          %get3A_1899 = arith.index_cast %mul3A_1898 : i32 to index
          %get3A_1900 = tpu.vector_load %arg4[%get3A_1899] {strides = array<i32>} : memref<3200xi32, #tpu.memory_space<vmem>>, vector<16xi32>,
          tpu.vector_store_idx %arg8[%get3A_1900], %broadcast_in_dim3A_5 : memref<16384xf32, #tpu.memory_space<vmem>>[vector<16xi32>], vector<16xf32>,
          %scan3A_1901 = arith.constant 5 : i32
          %scan3A_1902 = arith.addi %scan3A_1853, %scan3A_1901 : i32
          %mul3A_1903 = arith.constant 1 : i32
          %mul3A_1904 = arith.muli %scan3A_1902, %mul3A_1903 : i32
          %add3A_1905 = arith.constant 0 : i32
          %add3A_1906 = arith.addi %add3A_1905, %mul3A_1904 : i32
          %mul3A_1907 = arith.constant 16 : i32
          %mul3A_1908 = arith.muli %add3A_1906, %mul3A_1907 : i32
          %get3A_1909 = arith.index_cast %mul3A_1908 : i32 to index
          %get3A_1910 = tpu.vector_load %arg4[%get3A_1909] {strides = array<i32>} : memref<3200xi32, #tpu.memory_space<vmem>>, vector<16xi32>,
          tpu.vector_store_idx %arg8[%get3A_1910], %broadcast_in_dim3A_5 : memref<16384xf32, #tpu.memory_space<vmem>>[vector<16xi32>], vector<16xf32>,
          %scan3A_1911 = arith.constant 6 : i32
          %scan3A_1912 = arith.addi %scan3A_1853, %scan3A_1911 : i32
          %mul3A_1913 = arith.constant 1 : i32
          %mul3A_1914 = arith.muli %scan3A_1912, %mul3A_1913 : i32
          %add3A_1915 = arith.constant 0 : i32
          %add3A_1916 = arith.addi %add3A_1915, %mul3A_1914 : i32
          %mul3A_1917 = arith.constant 16 : i32
          %mul3A_1918 = arith.muli %add3A_1916, %mul3A_1917 : i32
          %get3A_1919 = arith.index_cast %mul3A_1918 : i32 to index
          %get3A_1920 = tpu.vector_load %arg4[%get3A_1919] {strides = array<i32>} : memref<3200xi32, #tpu.memory_space<vmem>>, vector<16xi32>,
          tpu.vector_store_idx %arg8[%get3A_1920], %broadcast_in_dim3A_5 : memref<16384xf32, #tpu.memory_space<vmem>>[vector<16xi32>], vector<16xf32>,
          %scan3A_1921 = arith.constant 7 : i32
          %scan3A_1922 = arith.addi %scan3A_1853, %scan3A_1921 : i32
          %mul3A_1923 = arith.constant 1 : i32
          %mul3A_1924 = arith.muli %scan3A_1922, %mul3A_1923 : i32
          %add3A_1925 = arith.constant 0 : i32
          %add3A_1926 = arith.addi %add3A_1925, %mul3A_1924 : i32
          %mul3A_1927 = arith.constant 16 : i32
          %mul3A_1928 = arith.muli %add3A_1926, %mul3A_1927 : i32
          %get3A_1929 = arith.index_cast %mul3A_1928 : i32 to index
          %get3A_1930 = tpu.vector_load %arg4[%get3A_1929] {strides = array<i32>} : memref<3200xi32, #tpu.memory_space<vmem>>, vector<16xi32>,
          tpu.vector_store_idx %arg8[%get3A_1930], %broadcast_in_dim3A_5 : memref<16384xf32, #tpu.memory_space<vmem>>[vector<16xi32>], vector<16xf32>,
        }
        %scan3A_1852 = arith.constant 200 : i32
      } else {
      }
      %add3A_1082 = arith.constant 2 : i32
      %add3A_1083 = arith.addi %add3A_1076, %add3A_1082 : i32
      %lt3A_1084 = arith.constant 32 : i32
      %lt3A_1085 = arith.cmpi slt, %add3A_1083, %lt3A_1084 : i32
      %convert_element_type3A_1086 = arith.extui %lt3A_1085 : i1 to i32
      %cond3A_1087 = arith.constant 0 : i32
      %cond3A_1088 = arith.cmpi ne, %convert_element_type3A_1086, %cond3A_1087 : i32
      scf.if %cond3A_1088 {
        %add3A_1607 = arith.addi %mul3A_2, %add3A_1076 : i32
        %add3A_1608 = arith.constant 2 : i32
        %add3A_1609 = arith.addi %add3A_1607, %add3A_1608 : i32
        %dma_start3A_1610 = arith.constant 0 : i32
        %dma_start3A_1611 = tpu.memref_slice %arg2[%add3A_1609, %dma_start3A_1610] : memref<1024x3200xi32, #tpu.memory_space<hbm>> -> memref<1x3200xi32, #tpu.memory_space<hbm>>
        %dma_start3A_1612 = tpu.memref_squeeze %dma_start3A_1611 : memref<1x3200xi32, #tpu.memory_space<hbm>> -> memref<3200xi32, #tpu.memory_space<hbm>>
        %dma_start3A_1613 = arith.constant 0 : i32
        %dma_start3A_1614 = tpu.memref_slice %arg2[%add3A_1609, %dma_start3A_1613] : memref<1024x3200xi32, #tpu.memory_space<hbm>> -> memref<1x3200xi32, #tpu.memory_space<hbm>>
        %dma_start3A_1615 = tpu.memref_squeeze %dma_start3A_1614 : memref<1x3200xi32, #tpu.memory_space<hbm>> -> memref<3200xi32, #tpu.memory_space<hbm>>
        tpu.enqueue_dma source(%dma_start3A_1615 : memref<3200xi32, #tpu.memory_space<hbm>>) target(%arg4 : memref<3200xi32, #tpu.memory_space<vmem>>) target_semaphore(%arg10 : memref<!tpu.dma_semaphore, #tpu.memory_space<semaphore_mem>>)
      } else {
      }
      %add3A_1089 = arith.addi %mul3A_2, %add3A_1076 : i32
      %dma_wait3A_1090 = arith.constant 0 : i32
      %dma_wait3A_1091 = tpu.memref_slice %arg2[%add3A_1089, %dma_wait3A_1090] : memref<1024x3200xi32, #tpu.memory_space<hbm>> -> memref<1x3200xi32, #tpu.memory_space<hbm>>
      %dma_wait3A_1092 = tpu.memref_squeeze %dma_wait3A_1091 : memref<1x3200xi32, #tpu.memory_space<hbm>> -> memref<3200xi32, #tpu.memory_space<hbm>>
      %dma_wait3A_1093 = arith.constant 0 : i32
      %dma_wait3A_1094 = tpu.memref_slice %arg2[%add3A_1089, %dma_wait3A_1093] : memref<1024x3200xi32, #tpu.memory_space<hbm>> -> memref<1x3200xi32, #tpu.memory_space<hbm>>
      %dma_wait3A_1095 = tpu.memref_squeeze %dma_wait3A_1094 : memref<1x3200xi32, #tpu.memory_space<hbm>> -> memref<3200xi32, #tpu.memory_space<hbm>>
      tpu.wait_dma2 semaphore(%arg12 : memref<!tpu.dma_semaphore, #tpu.memory_space<semaphore_mem>>) src(%dma_wait3A_1095 : memref<3200xi32, #tpu.memory_space<hbm>>) dst(%arg6 : memref<3200xi32, #tpu.memory_space<vmem>>)
      %scan3A_1096 = arith.constant 0 : i32
      %scan3A_1097 = arith.constant 200 : i32
      %scan3A_1098 = arith.addi %scan3A_1096, %scan3A_1097 : i32
      %scan3A_1099 = arith.constant 8 : i32
      scf.for %scan3A_1607 = %scan3A_1096 to %scan3A_1098 step %scan3A_1099  : i32 {
        %mul3A_1608 = arith.constant 1 : i32
        %mul3A_1609 = arith.muli %scan3A_1607, %mul3A_1608 : i32
        %add3A_1610 = arith.constant 0 : i32
        %add3A_1611 = arith.addi %add3A_1610, %mul3A_1609 : i32
        %mul3A_1612 = arith.constant 16 : i32
        %mul3A_1613 = arith.muli %add3A_1611, %mul3A_1612 : i32
        %get3A = arith.index_cast %mul3A_1613 : i32 to index
        %get3A_1614 = tpu.vector_load %arg6[%get3A] {strides = array<i32>} : memref<3200xi32, #tpu.memory_space<vmem>>, vector<16xi32>,
        tpu.vector_store_idx %arg8[%get3A_1614], %broadcast_in_dim3A_3 {add = true} : memref<16384xf32, #tpu.memory_space<vmem>>[vector<16xi32>], vector<16xf32>,
        %scan3A_1615 = arith.constant 1 : i32
        %scan3A_1616 = arith.addi %scan3A_1607, %scan3A_1615 : i32
        %mul3A_1617 = arith.constant 1 : i32
        %mul3A_1618 = arith.muli %scan3A_1616, %mul3A_1617 : i32
        %add3A_1619 = arith.constant 0 : i32
        %add3A_1620 = arith.addi %add3A_1619, %mul3A_1618 : i32
        %mul3A_1621 = arith.constant 16 : i32
        %mul3A_1622 = arith.muli %add3A_1620, %mul3A_1621 : i32
        %get3A_1623 = arith.index_cast %mul3A_1622 : i32 to index
        %get3A_1624 = tpu.vector_load %arg6[%get3A_1623] {strides = array<i32>} : memref<3200xi32, #tpu.memory_space<vmem>>, vector<16xi32>,
        tpu.vector_store_idx %arg8[%get3A_1624], %broadcast_in_dim3A_3 {add = true} : memref<16384xf32, #tpu.memory_space<vmem>>[vector<16xi32>], vector<16xf32>,
        %scan3A_1625 = arith.constant 2 : i32
        %scan3A_1626 = arith.addi %scan3A_1607, %scan3A_1625 : i32
        %mul3A_1627 = arith.constant 1 : i32
        %mul3A_1628 = arith.muli %scan3A_1626, %mul3A_1627 : i32
        %add3A_1629 = arith.constant 0 : i32
        %add3A_1630 = arith.addi %add3A_1629, %mul3A_1628 : i32
        %mul3A_1631 = arith.constant 16 : i32
        %mul3A_1632 = arith.muli %add3A_1630, %mul3A_1631 : i32
        %get3A_1633 = arith.index_cast %mul3A_1632 : i32 to index
        %get3A_1634 = tpu.vector_load %arg6[%get3A_1633] {strides = array<i32>} : memref<3200xi32, #tpu.memory_space<vmem>>, vector<16xi32>,
        tpu.vector_store_idx %arg8[%get3A_1634], %broadcast_in_dim3A_3 {add = true} : memref<16384xf32, #tpu.memory_space<vmem>>[vector<16xi32>], vector<16xf32>,
        %scan3A_1635 = arith.constant 3 : i32
        %scan3A_1636 = arith.addi %scan3A_1607, %scan3A_1635 : i32
        %mul3A_1637 = arith.constant 1 : i32
        %mul3A_1638 = arith.muli %scan3A_1636, %mul3A_1637 : i32
        %add3A_1639 = arith.constant 0 : i32
        %add3A_1640 = arith.addi %add3A_1639, %mul3A_1638 : i32
        %mul3A_1641 = arith.constant 16 : i32
        %mul3A_1642 = arith.muli %add3A_1640, %mul3A_1641 : i32
        %get3A_1643 = arith.index_cast %mul3A_1642 : i32 to index
        %get3A_1644 = tpu.vector_load %arg6[%get3A_1643] {strides = array<i32>} : memref<3200xi32, #tpu.memory_space<vmem>>, vector<16xi32>,
        tpu.vector_store_idx %arg8[%get3A_1644], %broadcast_in_dim3A_3 {add = true} : memref<16384xf32, #tpu.memory_space<vmem>>[vector<16xi32>], vector<16xf32>,
        %scan3A_1645 = arith.constant 4 : i32
        %scan3A_1646 = arith.addi %scan3A_1607, %scan3A_1645 : i32
        %mul3A_1647 = arith.constant 1 : i32
        %mul3A_1648 = arith.muli %scan3A_1646, %mul3A_1647 : i32
        %add3A_1649 = arith.constant 0 : i32
        %add3A_1650 = arith.addi %add3A_1649, %mul3A_1648 : i32
        %mul3A_1651 = arith.constant 16 : i32
        %mul3A_1652 = arith.muli %add3A_1650, %mul3A_1651 : i32
        %get3A_1653 = arith.index_cast %mul3A_1652 : i32 to index
        %get3A_1654 = tpu.vector_load %arg6[%get3A_1653] {strides = array<i32>} : memref<3200xi32, #tpu.memory_space<vmem>>, vector<16xi32>,
        tpu.vector_store_idx %arg8[%get3A_1654], %broadcast_in_dim3A_3 {add = true} : memref<16384xf32, #tpu.memory_space<vmem>>[vector<16xi32>], vector<16xf32>,
        %scan3A_1655 = arith.constant 5 : i32
        %scan3A_1656 = arith.addi %scan3A_1607, %scan3A_1655 : i32
        %mul3A_1657 = arith.constant 1 : i32
        %mul3A_1658 = arith.muli %scan3A_1656, %mul3A_1657 : i32
        %add3A_1659 = arith.constant 0 : i32
        %add3A_1660 = arith.addi %add3A_1659, %mul3A_1658 : i32
        %mul3A_1661 = arith.constant 16 : i32
        %mul3A_1662 = arith.muli %add3A_1660, %mul3A_1661 : i32
        %get3A_1663 = arith.index_cast %mul3A_1662 : i32 to index
        %get3A_1664 = tpu.vector_load %arg6[%get3A_1663] {strides = array<i32>} : memref<3200xi32, #tpu.memory_space<vmem>>, vector<16xi32>,
        tpu.vector_store_idx %arg8[%get3A_1664], %broadcast_in_dim3A_3 {add = true} : memref<16384xf32, #tpu.memory_space<vmem>>[vector<16xi32>], vector<16xf32>,
        %scan3A_1665 = arith.constant 6 : i32
        %scan3A_1666 = arith.addi %scan3A_1607, %scan3A_1665 : i32
        %mul3A_1667 = arith.constant 1 : i32
        %mul3A_1668 = arith.muli %scan3A_1666, %mul3A_1667 : i32
        %add3A_1669 = arith.constant 0 : i32
        %add3A_1670 = arith.addi %add3A_1669, %mul3A_1668 : i32
        %mul3A_1671 = arith.constant 16 : i32
        %mul3A_1672 = arith.muli %add3A_1670, %mul3A_1671 : i32
        %get3A_1673 = arith.index_cast %mul3A_1672 : i32 to index
        %get3A_1674 = tpu.vector_load %arg6[%get3A_1673] {strides = array<i32>} : memref<3200xi32, #tpu.memory_space<vmem>>, vector<16xi32>,
        tpu.vector_store_idx %arg8[%get3A_1674], %broadcast_in_dim3A_3 {add = true} : memref<16384xf32, #tpu.memory_space<vmem>>[vector<16xi32>], vector<16xf32>,
        %scan3A_1675 = arith.constant 7 : i32
        %scan3A_1676 = arith.addi %scan3A_1607, %scan3A_1675 : i32
        %mul3A_1677 = arith.constant 1 : i32
        %mul3A_1678 = arith.muli %scan3A_1676, %mul3A_1677 : i32
        %add3A_1679 = arith.constant 0 : i32
        %add3A_1680 = arith.addi %add3A_1679, %mul3A_1678 : i32
        %mul3A_1681 = arith.constant 16 : i32
        %mul3A_1682 = arith.muli %add3A_1680, %mul3A_1681 : i32
        %get3A_1683 = arith.index_cast %mul3A_1682 : i32 to index
        %get3A_1684 = tpu.vector_load %arg6[%get3A_1683] {strides = array<i32>} : memref<3200xi32, #tpu.memory_space<vmem>>, vector<16xi32>,
        tpu.vector_store_idx %arg8[%get3A_1684], %broadcast_in_dim3A_3 {add = true} : memref<16384xf32, #tpu.memory_space<vmem>>[vector<16xi32>], vector<16xf32>,
      }
      %scan3A_1100 = arith.constant 200 : i32
      %add3A_1101 = arith.addi %mul3A_2, %add3A_1076 : i32
      %mul3A_1102 = arith.constant 16 : i32
      %mul3A_1103 = arith.muli %add3A_1101, %mul3A_1102 : i32
      %add3A_1104 = arith.constant 0 : i32
      %add3A_1105 = arith.addi %mul3A_1103, %add3A_1104 : i32
      %dma_start3A_1106 = arith.constant 0 : i32
      %dma_start3A_1107 = tpu.memref_slice %arg8[%dma_start3A_1106] : memref<16384xf32, #tpu.memory_space<vmem>> -> memref<1024xf32, #tpu.memory_space<vmem>>
      %dma_start3A_1108 = arith.constant 0 : i32
      %dma_start3A_1109 = tpu.memref_slice %arg3[%add3A_1105, %dma_start3A_1108] : memref<16384x1024xf32, #tpu.memory_space<hbm>> -> memref<1x1024xf32, #tpu.memory_space<hbm>>
      %dma_start3A_1110 = tpu.memref_squeeze %dma_start3A_1109 : memref<1x1024xf32, #tpu.memory_space<hbm>> -> memref<1024xf32, #tpu.memory_space<hbm>>
      %dma_start3A_1111 = arith.constant 0 : i32
      %dma_start3A_1112 = tpu.memref_slice %arg3[%add3A_1105, %dma_start3A_1111] : memref<16384x1024xf32, #tpu.memory_space<hbm>> -> memref<1x1024xf32, #tpu.memory_space<hbm>>
      %dma_start3A_1113 = tpu.memref_squeeze %dma_start3A_1112 : memref<1x1024xf32, #tpu.memory_space<hbm>> -> memref<1024xf32, #tpu.memory_space<hbm>>
      %dma_start3A_1114 = arith.constant 0 : i32
      %dma_start3A_1115 = tpu.memref_slice %arg8[%dma_start3A_1114] : memref<16384xf32, #tpu.memory_space<vmem>> -> memref<1024xf32, #tpu.memory_space<vmem>>
      tpu.enqueue_dma source(%dma_start3A_1115 : memref<1024xf32, #tpu.memory_space<vmem>>) target(%dma_start3A_1113 : memref<1024xf32, #tpu.memory_space<hbm>>) target_semaphore(%arg14 : memref<!tpu.dma_semaphore, #tpu.memory_space<semaphore_mem>>)
      %add3A_1116 = arith.addi %mul3A_2, %add3A_1076 : i32
      %mul3A_1117 = arith.constant 16 : i32
      %mul3A_1118 = arith.muli %add3A_1116, %mul3A_1117 : i32
      %add3A_1119 = arith.constant 1 : i32
      %add3A_1120 = arith.addi %mul3A_1118, %add3A_1119 : i32
      %dma_start3A_1121 = arith.constant 1024 : i32
      %dma_start3A_1122 = tpu.memref_slice %arg8[%dma_start3A_1121] : memref<16384xf32, #tpu.memory_space<vmem>> -> memref<1024xf32, #tpu.memory_space<vmem>>
      %dma_start3A_1123 = arith.constant 0 : i32
      %dma_start3A_1124 = tpu.memref_slice %arg3[%add3A_1120, %dma_start3A_1123] : memref<16384x1024xf32, #tpu.memory_space<hbm>> -> memref<1x1024xf32, #tpu.memory_space<hbm>>
      %dma_start3A_1125 = tpu.memref_squeeze %dma_start3A_1124 : memref<1x1024xf32, #tpu.memory_space<hbm>> -> memref<1024xf32, #tpu.memory_space<hbm>>
      %dma_start3A_1126 = arith.constant 0 : i32
      %dma_start3A_1127 = tpu.memref_slice %arg3[%add3A_1120, %dma_start3A_1126] : memref<16384x1024xf32, #tpu.memory_space<hbm>> -> memref<1x1024xf32, #tpu.memory_space<hbm>>
      %dma_start3A_1128 = tpu.memref_squeeze %dma_start3A_1127 : memref<1x1024xf32, #tpu.memory_space<hbm>> -> memref<1024xf32, #tpu.memory_space<hbm>>
      %dma_start3A_1129 = arith.constant 1024 : i32
      %dma_start3A_1130 = tpu.memref_slice %arg8[%dma_start3A_1129] : memref<16384xf32, #tpu.memory_space<vmem>> -> memref<1024xf32, #tpu.memory_space<vmem>>
      tpu.enqueue_dma source(%dma_start3A_1130 : memref<1024xf32, #tpu.memory_space<vmem>>) target(%dma_start3A_1128 : memref<1024xf32, #tpu.memory_space<hbm>>) target_semaphore(%arg14 : memref<!tpu.dma_semaphore, #tpu.memory_space<semaphore_mem>>)
      %add3A_1131 = arith.addi %mul3A_2, %add3A_1076 : i32
      %mul3A_1132 = arith.constant 16 : i32
      %mul3A_1133 = arith.muli %add3A_1131, %mul3A_1132 : i32
      %add3A_1134 = arith.constant 2 : i32
      %add3A_1135 = arith.addi %mul3A_1133, %add3A_1134 : i32
      %dma_start3A_1136 = arith.constant 2048 : i32
      %dma_start3A_1137 = tpu.memref_slice %arg8[%dma_start3A_1136] : memref<16384xf32, #tpu.memory_space<vmem>> -> memref<1024xf32, #tpu.memory_space<vmem>>
      %dma_start3A_1138 = arith.constant 0 : i32
      %dma_start3A_1139 = tpu.memref_slice %arg3[%add3A_1135, %dma_start3A_1138] : memref<16384x1024xf32, #tpu.memory_space<hbm>> -> memref<1x1024xf32, #tpu.memory_space<hbm>>
      %dma_start3A_1140 = tpu.memref_squeeze %dma_start3A_1139 : memref<1x1024xf32, #tpu.memory_space<hbm>> -> memref<1024xf32, #tpu.memory_space<hbm>>
      %dma_start3A_1141 = arith.constant 0 : i32
      %dma_start3A_1142 = tpu.memref_slice %arg3[%add3A_1135, %dma_start3A_1141] : memref<16384x1024xf32, #tpu.memory_space<hbm>> -> memref<1x1024xf32, #tpu.memory_space<hbm>>
      %dma_start3A_1143 = tpu.memref_squeeze %dma_start3A_1142 : memref<1x1024xf32, #tpu.memory_space<hbm>> -> memref<1024xf32, #tpu.memory_space<hbm>>
      %dma_start3A_1144 = arith.constant 2048 : i32
      %dma_start3A_1145 = tpu.memref_slice %arg8[%dma_start3A_1144] : memref<16384xf32, #tpu.memory_space<vmem>> -> memref<1024xf32, #tpu.memory_space<vmem>>
      tpu.enqueue_dma source(%dma_start3A_1145 : memref<1024xf32, #tpu.memory_space<vmem>>) target(%dma_start3A_1143 : memref<1024xf32, #tpu.memory_space<hbm>>) target_semaphore(%arg14 : memref<!tpu.dma_semaphore, #tpu.memory_space<semaphore_mem>>)
      %add3A_1146 = arith.addi %mul3A_2, %add3A_1076 : i32
      %mul3A_1147 = arith.constant 16 : i32
      %mul3A_1148 = arith.muli %add3A_1146, %mul3A_1147 : i32
      %add3A_1149 = arith.constant 3 : i32
      %add3A_1150 = arith.addi %mul3A_1148, %add3A_1149 : i32
      %dma_start3A_1151 = arith.constant 3072 : i32
      %dma_start3A_1152 = tpu.memref_slice %arg8[%dma_start3A_1151] : memref<16384xf32, #tpu.memory_space<vmem>> -> memref<1024xf32, #tpu.memory_space<vmem>>
      %dma_start3A_1153 = arith.constant 0 : i32
      %dma_start3A_1154 = tpu.memref_slice %arg3[%add3A_1150, %dma_start3A_1153] : memref<16384x1024xf32, #tpu.memory_space<hbm>> -> memref<1x1024xf32, #tpu.memory_space<hbm>>
      %dma_start3A_1155 = tpu.memref_squeeze %dma_start3A_1154 : memref<1x1024xf32, #tpu.memory_space<hbm>> -> memref<1024xf32, #tpu.memory_space<hbm>>
      %dma_start3A_1156 = arith.constant 0 : i32
      %dma_start3A_1157 = tpu.memref_slice %arg3[%add3A_1150, %dma_start3A_1156] : memref<16384x1024xf32, #tpu.memory_space<hbm>> -> memref<1x1024xf32, #tpu.memory_space<hbm>>
      %dma_start3A_1158 = tpu.memref_squeeze %dma_start3A_1157 : memref<1x1024xf32, #tpu.memory_space<hbm>> -> memref<1024xf32, #tpu.memory_space<hbm>>
      %dma_start3A_1159 = arith.constant 3072 : i32
      %dma_start3A_1160 = tpu.memref_slice %arg8[%dma_start3A_1159] : memref<16384xf32, #tpu.memory_space<vmem>> -> memref<1024xf32, #tpu.memory_space<vmem>>
      tpu.enqueue_dma source(%dma_start3A_1160 : memref<1024xf32, #tpu.memory_space<vmem>>) target(%dma_start3A_1158 : memref<1024xf32, #tpu.memory_space<hbm>>) target_semaphore(%arg14 : memref<!tpu.dma_semaphore, #tpu.memory_space<semaphore_mem>>)
      %add3A_1161 = arith.addi %mul3A_2, %add3A_1076 : i32
      %mul3A_1162 = arith.constant 16 : i32
      %mul3A_1163 = arith.muli %add3A_1161, %mul3A_1162 : i32
      %add3A_1164 = arith.constant 4 : i32
      %add3A_1165 = arith.addi %mul3A_1163, %add3A_1164 : i32
      %dma_start3A_1166 = arith.constant 4096 : i32
      %dma_start3A_1167 = tpu.memref_slice %arg8[%dma_start3A_1166] : memref<16384xf32, #tpu.memory_space<vmem>> -> memref<1024xf32, #tpu.memory_space<vmem>>
      %dma_start3A_1168 = arith.constant 0 : i32
      %dma_start3A_1169 = tpu.memref_slice %arg3[%add3A_1165, %dma_start3A_1168] : memref<16384x1024xf32, #tpu.memory_space<hbm>> -> memref<1x1024xf32, #tpu.memory_space<hbm>>
      %dma_start3A_1170 = tpu.memref_squeeze %dma_start3A_1169 : memref<1x1024xf32, #tpu.memory_space<hbm>> -> memref<1024xf32, #tpu.memory_space<hbm>>
      %dma_start3A_1171 = arith.constant 0 : i32
      %dma_start3A_1172 = tpu.memref_slice %arg3[%add3A_1165, %dma_start3A_1171] : memref<16384x1024xf32, #tpu.memory_space<hbm>> -> memref<1x1024xf32, #tpu.memory_space<hbm>>
      %dma_start3A_1173 = tpu.memref_squeeze %dma_start3A_1172 : memref<1x1024xf32, #tpu.memory_space<hbm>> -> memref<1024xf32, #tpu.memory_space<hbm>>
      %dma_start3A_1174 = arith.constant 4096 : i32
      %dma_start3A_1175 = tpu.memref_slice %arg8[%dma_start3A_1174] : memref<16384xf32, #tpu.memory_space<vmem>> -> memref<1024xf32, #tpu.memory_space<vmem>>
      tpu.enqueue_dma source(%dma_start3A_1175 : memref<1024xf32, #tpu.memory_space<vmem>>) target(%dma_start3A_1173 : memref<1024xf32, #tpu.memory_space<hbm>>) target_semaphore(%arg14 : memref<!tpu.dma_semaphore, #tpu.memory_space<semaphore_mem>>)
      %add3A_1176 = arith.addi %mul3A_2, %add3A_1076 : i32
      %mul3A_1177 = arith.constant 16 : i32
      %mul3A_1178 = arith.muli %add3A_1176, %mul3A_1177 : i32
      %add3A_1179 = arith.constant 5 : i32
      %add3A_1180 = arith.addi %mul3A_1178, %add3A_1179 : i32
      %dma_start3A_1181 = arith.constant 5120 : i32
      %dma_start3A_1182 = tpu.memref_slice %arg8[%dma_start3A_1181] : memref<16384xf32, #tpu.memory_space<vmem>> -> memref<1024xf32, #tpu.memory_space<vmem>>
      %dma_start3A_1183 = arith.constant 0 : i32
      %dma_start3A_1184 = tpu.memref_slice %arg3[%add3A_1180, %dma_start3A_1183] : memref<16384x1024xf32, #tpu.memory_space<hbm>> -> memref<1x1024xf32, #tpu.memory_space<hbm>>
      %dma_start3A_1185 = tpu.memref_squeeze %dma_start3A_1184 : memref<1x1024xf32, #tpu.memory_space<hbm>> -> memref<1024xf32, #tpu.memory_space<hbm>>
      %dma_start3A_1186 = arith.constant 0 : i32
      %dma_start3A_1187 = tpu.memref_slice %arg3[%add3A_1180, %dma_start3A_1186] : memref<16384x1024xf32, #tpu.memory_space<hbm>> -> memref<1x1024xf32, #tpu.memory_space<hbm>>
      %dma_start3A_1188 = tpu.memref_squeeze %dma_start3A_1187 : memref<1x1024xf32, #tpu.memory_space<hbm>> -> memref<1024xf32, #tpu.memory_space<hbm>>
      %dma_start3A_1189 = arith.constant 5120 : i32
      %dma_start3A_1190 = tpu.memref_slice %arg8[%dma_start3A_1189] : memref<16384xf32, #tpu.memory_space<vmem>> -> memref<1024xf32, #tpu.memory_space<vmem>>
      tpu.enqueue_dma source(%dma_start3A_1190 : memref<1024xf32, #tpu.memory_space<vmem>>) target(%dma_start3A_1188 : memref<1024xf32, #tpu.memory_space<hbm>>) target_semaphore(%arg14 : memref<!tpu.dma_semaphore, #tpu.memory_space<semaphore_mem>>)
      %add3A_1191 = arith.addi %mul3A_2, %add3A_1076 : i32
      %mul3A_1192 = arith.constant 16 : i32
      %mul3A_1193 = arith.muli %add3A_1191, %mul3A_1192 : i32
      %add3A_1194 = arith.constant 6 : i32
      %add3A_1195 = arith.addi %mul3A_1193, %add3A_1194 : i32
      %dma_start3A_1196 = arith.constant 6144 : i32
      %dma_start3A_1197 = tpu.memref_slice %arg8[%dma_start3A_1196] : memref<16384xf32, #tpu.memory_space<vmem>> -> memref<1024xf32, #tpu.memory_space<vmem>>
      %dma_start3A_1198 = arith.constant 0 : i32
      %dma_start3A_1199 = tpu.memref_slice %arg3[%add3A_1195, %dma_start3A_1198] : memref<16384x1024xf32, #tpu.memory_space<hbm>> -> memref<1x1024xf32, #tpu.memory_space<hbm>>
      %dma_start3A_1200 = tpu.memref_squeeze %dma_start3A_1199 : memref<1x1024xf32, #tpu.memory_space<hbm>> -> memref<1024xf32, #tpu.memory_space<hbm>>
      %dma_start3A_1201 = arith.constant 0 : i32
      %dma_start3A_1202 = tpu.memref_slice %arg3[%add3A_1195, %dma_start3A_1201] : memref<16384x1024xf32, #tpu.memory_space<hbm>> -> memref<1x1024xf32, #tpu.memory_space<hbm>>
      %dma_start3A_1203 = tpu.memref_squeeze %dma_start3A_1202 : memref<1x1024xf32, #tpu.memory_space<hbm>> -> memref<1024xf32, #tpu.memory_space<hbm>>
      %dma_start3A_1204 = arith.constant 6144 : i32
      %dma_start3A_1205 = tpu.memref_slice %arg8[%dma_start3A_1204] : memref<16384xf32, #tpu.memory_space<vmem>> -> memref<1024xf32, #tpu.memory_space<vmem>>
      tpu.enqueue_dma source(%dma_start3A_1205 : memref<1024xf32, #tpu.memory_space<vmem>>) target(%dma_start3A_1203 : memref<1024xf32, #tpu.memory_space<hbm>>) target_semaphore(%arg14 : memref<!tpu.dma_semaphore, #tpu.memory_space<semaphore_mem>>)
      %add3A_1206 = arith.addi %mul3A_2, %add3A_1076 : i32
      %mul3A_1207 = arith.constant 16 : i32
      %mul3A_1208 = arith.muli %add3A_1206, %mul3A_1207 : i32
      %add3A_1209 = arith.constant 7 : i32
      %add3A_1210 = arith.addi %mul3A_1208, %add3A_1209 : i32
      %dma_start3A_1211 = arith.constant 7168 : i32
      %dma_start3A_1212 = tpu.memref_slice %arg8[%dma_start3A_1211] : memref<16384xf32, #tpu.memory_space<vmem>> -> memref<1024xf32, #tpu.memory_space<vmem>>
      %dma_start3A_1213 = arith.constant 0 : i32
      %dma_start3A_1214 = tpu.memref_slice %arg3[%add3A_1210, %dma_start3A_1213] : memref<16384x1024xf32, #tpu.memory_space<hbm>> -> memref<1x1024xf32, #tpu.memory_space<hbm>>
      %dma_start3A_1215 = tpu.memref_squeeze %dma_start3A_1214 : memref<1x1024xf32, #tpu.memory_space<hbm>> -> memref<1024xf32, #tpu.memory_space<hbm>>
      %dma_start3A_1216 = arith.constant 0 : i32
      %dma_start3A_1217 = tpu.memref_slice %arg3[%add3A_1210, %dma_start3A_1216] : memref<16384x1024xf32, #tpu.memory_space<hbm>> -> memref<1x1024xf32, #tpu.memory_space<hbm>>
      %dma_start3A_1218 = tpu.memref_squeeze %dma_start3A_1217 : memref<1x1024xf32, #tpu.memory_space<hbm>> -> memref<1024xf32, #tpu.memory_space<hbm>>
      %dma_start3A_1219 = arith.constant 7168 : i32
      %dma_start3A_1220 = tpu.memref_slice %arg8[%dma_start3A_1219] : memref<16384xf32, #tpu.memory_space<vmem>> -> memref<1024xf32, #tpu.memory_space<vmem>>
      tpu.enqueue_dma source(%dma_start3A_1220 : memref<1024xf32, #tpu.memory_space<vmem>>) target(%dma_start3A_1218 : memref<1024xf32, #tpu.memory_space<hbm>>) target_semaphore(%arg14 : memref<!tpu.dma_semaphore, #tpu.memory_space<semaphore_mem>>)
      %add3A_1221 = arith.addi %mul3A_2, %add3A_1076 : i32
      %mul3A_1222 = arith.constant 16 : i32
      %mul3A_1223 = arith.muli %add3A_1221, %mul3A_1222 : i32
      %add3A_1224 = arith.constant 8 : i32
      %add3A_1225 = arith.addi %mul3A_1223, %add3A_1224 : i32
      %dma_start3A_1226 = arith.constant 8192 : i32
      %dma_start3A_1227 = tpu.memref_slice %arg8[%dma_start3A_1226] : memref<16384xf32, #tpu.memory_space<vmem>> -> memref<1024xf32, #tpu.memory_space<vmem>>
      %dma_start3A_1228 = arith.constant 0 : i32
      %dma_start3A_1229 = tpu.memref_slice %arg3[%add3A_1225, %dma_start3A_1228] : memref<16384x1024xf32, #tpu.memory_space<hbm>> -> memref<1x1024xf32, #tpu.memory_space<hbm>>
      %dma_start3A_1230 = tpu.memref_squeeze %dma_start3A_1229 : memref<1x1024xf32, #tpu.memory_space<hbm>> -> memref<1024xf32, #tpu.memory_space<hbm>>
      %dma_start3A_1231 = arith.constant 0 : i32
      %dma_start3A_1232 = tpu.memref_slice %arg3[%add3A_1225, %dma_start3A_1231] : memref<16384x1024xf32, #tpu.memory_space<hbm>> -> memref<1x1024xf32, #tpu.memory_space<hbm>>
      %dma_start3A_1233 = tpu.memref_squeeze %dma_start3A_1232 : memref<1x1024xf32, #tpu.memory_space<hbm>> -> memref<1024xf32, #tpu.memory_space<hbm>>
      %dma_start3A_1234 = arith.constant 8192 : i32
      %dma_start3A_1235 = tpu.memref_slice %arg8[%dma_start3A_1234] : memref<16384xf32, #tpu.memory_space<vmem>> -> memref<1024xf32, #tpu.memory_space<vmem>>
      tpu.enqueue_dma source(%dma_start3A_1235 : memref<1024xf32, #tpu.memory_space<vmem>>) target(%dma_start3A_1233 : memref<1024xf32, #tpu.memory_space<hbm>>) target_semaphore(%arg14 : memref<!tpu.dma_semaphore, #tpu.memory_space<semaphore_mem>>)
      %add3A_1236 = arith.addi %mul3A_2, %add3A_1076 : i32
      %mul3A_1237 = arith.constant 16 : i32
      %mul3A_1238 = arith.muli %add3A_1236, %mul3A_1237 : i32
      %add3A_1239 = arith.constant 9 : i32
      %add3A_1240 = arith.addi %mul3A_1238, %add3A_1239 : i32
      %dma_start3A_1241 = arith.constant 9216 : i32
      %dma_start3A_1242 = tpu.memref_slice %arg8[%dma_start3A_1241] : memref<16384xf32, #tpu.memory_space<vmem>> -> memref<1024xf32, #tpu.memory_space<vmem>>
      %dma_start3A_1243 = arith.constant 0 : i32
      %dma_start3A_1244 = tpu.memref_slice %arg3[%add3A_1240, %dma_start3A_1243] : memref<16384x1024xf32, #tpu.memory_space<hbm>> -> memref<1x1024xf32, #tpu.memory_space<hbm>>
      %dma_start3A_1245 = tpu.memref_squeeze %dma_start3A_1244 : memref<1x1024xf32, #tpu.memory_space<hbm>> -> memref<1024xf32, #tpu.memory_space<hbm>>
      %dma_start3A_1246 = arith.constant 0 : i32
      %dma_start3A_1247 = tpu.memref_slice %arg3[%add3A_1240, %dma_start3A_1246] : memref<16384x1024xf32, #tpu.memory_space<hbm>> -> memref<1x1024xf32, #tpu.memory_space<hbm>>
      %dma_start3A_1248 = tpu.memref_squeeze %dma_start3A_1247 : memref<1x1024xf32, #tpu.memory_space<hbm>> -> memref<1024xf32, #tpu.memory_space<hbm>>
      %dma_start3A_1249 = arith.constant 9216 : i32
      %dma_start3A_1250 = tpu.memref_slice %arg8[%dma_start3A_1249] : memref<16384xf32, #tpu.memory_space<vmem>> -> memref<1024xf32, #tpu.memory_space<vmem>>
      tpu.enqueue_dma source(%dma_start3A_1250 : memref<1024xf32, #tpu.memory_space<vmem>>) target(%dma_start3A_1248 : memref<1024xf32, #tpu.memory_space<hbm>>) target_semaphore(%arg14 : memref<!tpu.dma_semaphore, #tpu.memory_space<semaphore_mem>>)
      %add3A_1251 = arith.addi %mul3A_2, %add3A_1076 : i32
      %mul3A_1252 = arith.constant 16 : i32
      %mul3A_1253 = arith.muli %add3A_1251, %mul3A_1252 : i32
      %add3A_1254 = arith.constant 10 : i32
      %add3A_1255 = arith.addi %mul3A_1253, %add3A_1254 : i32
      %dma_start3A_1256 = arith.constant 10240 : i32
      %dma_start3A_1257 = tpu.memref_slice %arg8[%dma_start3A_1256] : memref<16384xf32, #tpu.memory_space<vmem>> -> memref<1024xf32, #tpu.memory_space<vmem>>
      %dma_start3A_1258 = arith.constant 0 : i32
      %dma_start3A_1259 = tpu.memref_slice %arg3[%add3A_1255, %dma_start3A_1258] : memref<16384x1024xf32, #tpu.memory_space<hbm>> -> memref<1x1024xf32, #tpu.memory_space<hbm>>
      %dma_start3A_1260 = tpu.memref_squeeze %dma_start3A_1259 : memref<1x1024xf32, #tpu.memory_space<hbm>> -> memref<1024xf32, #tpu.memory_space<hbm>>
      %dma_start3A_1261 = arith.constant 0 : i32
      %dma_start3A_1262 = tpu.memref_slice %arg3[%add3A_1255, %dma_start3A_1261] : memref<16384x1024xf32, #tpu.memory_space<hbm>> -> memref<1x1024xf32, #tpu.memory_space<hbm>>
      %dma_start3A_1263 = tpu.memref_squeeze %dma_start3A_1262 : memref<1x1024xf32, #tpu.memory_space<hbm>> -> memref<1024xf32, #tpu.memory_space<hbm>>
      %dma_start3A_1264 = arith.constant 10240 : i32
      %dma_start3A_1265 = tpu.memref_slice %arg8[%dma_start3A_1264] : memref<16384xf32, #tpu.memory_space<vmem>> -> memref<1024xf32, #tpu.memory_space<vmem>>
      tpu.enqueue_dma source(%dma_start3A_1265 : memref<1024xf32, #tpu.memory_space<vmem>>) target(%dma_start3A_1263 : memref<1024xf32, #tpu.memory_space<hbm>>) target_semaphore(%arg14 : memref<!tpu.dma_semaphore, #tpu.memory_space<semaphore_mem>>)
      %add3A_1266 = arith.addi %mul3A_2, %add3A_1076 : i32
      %mul3A_1267 = arith.constant 16 : i32
      %mul3A_1268 = arith.muli %add3A_1266, %mul3A_1267 : i32
      %add3A_1269 = arith.constant 11 : i32
      %add3A_1270 = arith.addi %mul3A_1268, %add3A_1269 : i32
      %dma_start3A_1271 = arith.constant 11264 : i32
      %dma_start3A_1272 = tpu.memref_slice %arg8[%dma_start3A_1271] : memref<16384xf32, #tpu.memory_space<vmem>> -> memref<1024xf32, #tpu.memory_space<vmem>>
      %dma_start3A_1273 = arith.constant 0 : i32
      %dma_start3A_1274 = tpu.memref_slice %arg3[%add3A_1270, %dma_start3A_1273] : memref<16384x1024xf32, #tpu.memory_space<hbm>> -> memref<1x1024xf32, #tpu.memory_space<hbm>>
      %dma_start3A_1275 = tpu.memref_squeeze %dma_start3A_1274 : memref<1x1024xf32, #tpu.memory_space<hbm>> -> memref<1024xf32, #tpu.memory_space<hbm>>
      %dma_start3A_1276 = arith.constant 0 : i32
      %dma_start3A_1277 = tpu.memref_slice %arg3[%add3A_1270, %dma_start3A_1276] : memref<16384x1024xf32, #tpu.memory_space<hbm>> -> memref<1x1024xf32, #tpu.memory_space<hbm>>
      %dma_start3A_1278 = tpu.memref_squeeze %dma_start3A_1277 : memref<1x1024xf32, #tpu.memory_space<hbm>> -> memref<1024xf32, #tpu.memory_space<hbm>>
      %dma_start3A_1279 = arith.constant 11264 : i32
      %dma_start3A_1280 = tpu.memref_slice %arg8[%dma_start3A_1279] : memref<16384xf32, #tpu.memory_space<vmem>> -> memref<1024xf32, #tpu.memory_space<vmem>>
      tpu.enqueue_dma source(%dma_start3A_1280 : memref<1024xf32, #tpu.memory_space<vmem>>) target(%dma_start3A_1278 : memref<1024xf32, #tpu.memory_space<hbm>>) target_semaphore(%arg14 : memref<!tpu.dma_semaphore, #tpu.memory_space<semaphore_mem>>)
      %add3A_1281 = arith.addi %mul3A_2, %add3A_1076 : i32
      %mul3A_1282 = arith.constant 16 : i32
      %mul3A_1283 = arith.muli %add3A_1281, %mul3A_1282 : i32
      %add3A_1284 = arith.constant 12 : i32
      %add3A_1285 = arith.addi %mul3A_1283, %add3A_1284 : i32
      %dma_start3A_1286 = arith.constant 12288 : i32
      %dma_start3A_1287 = tpu.memref_slice %arg8[%dma_start3A_1286] : memref<16384xf32, #tpu.memory_space<vmem>> -> memref<1024xf32, #tpu.memory_space<vmem>>
      %dma_start3A_1288 = arith.constant 0 : i32
      %dma_start3A_1289 = tpu.memref_slice %arg3[%add3A_1285, %dma_start3A_1288] : memref<16384x1024xf32, #tpu.memory_space<hbm>> -> memref<1x1024xf32, #tpu.memory_space<hbm>>
      %dma_start3A_1290 = tpu.memref_squeeze %dma_start3A_1289 : memref<1x1024xf32, #tpu.memory_space<hbm>> -> memref<1024xf32, #tpu.memory_space<hbm>>
      %dma_start3A_1291 = arith.constant 0 : i32
      %dma_start3A_1292 = tpu.memref_slice %arg3[%add3A_1285, %dma_start3A_1291] : memref<16384x1024xf32, #tpu.memory_space<hbm>> -> memref<1x1024xf32, #tpu.memory_space<hbm>>
      %dma_start3A_1293 = tpu.memref_squeeze %dma_start3A_1292 : memref<1x1024xf32, #tpu.memory_space<hbm>> -> memref<1024xf32, #tpu.memory_space<hbm>>
      %dma_start3A_1294 = arith.constant 12288 : i32
      %dma_start3A_1295 = tpu.memref_slice %arg8[%dma_start3A_1294] : memref<16384xf32, #tpu.memory_space<vmem>> -> memref<1024xf32, #tpu.memory_space<vmem>>
      tpu.enqueue_dma source(%dma_start3A_1295 : memref<1024xf32, #tpu.memory_space<vmem>>) target(%dma_start3A_1293 : memref<1024xf32, #tpu.memory_space<hbm>>) target_semaphore(%arg14 : memref<!tpu.dma_semaphore, #tpu.memory_space<semaphore_mem>>)
      %add3A_1296 = arith.addi %mul3A_2, %add3A_1076 : i32
      %mul3A_1297 = arith.constant 16 : i32
      %mul3A_1298 = arith.muli %add3A_1296, %mul3A_1297 : i32
      %add3A_1299 = arith.constant 13 : i32
      %add3A_1300 = arith.addi %mul3A_1298, %add3A_1299 : i32
      %dma_start3A_1301 = arith.constant 13312 : i32
      %dma_start3A_1302 = tpu.memref_slice %arg8[%dma_start3A_1301] : memref<16384xf32, #tpu.memory_space<vmem>> -> memref<1024xf32, #tpu.memory_space<vmem>>
      %dma_start3A_1303 = arith.constant 0 : i32
      %dma_start3A_1304 = tpu.memref_slice %arg3[%add3A_1300, %dma_start3A_1303] : memref<16384x1024xf32, #tpu.memory_space<hbm>> -> memref<1x1024xf32, #tpu.memory_space<hbm>>
      %dma_start3A_1305 = tpu.memref_squeeze %dma_start3A_1304 : memref<1x1024xf32, #tpu.memory_space<hbm>> -> memref<1024xf32, #tpu.memory_space<hbm>>
      %dma_start3A_1306 = arith.constant 0 : i32
      %dma_start3A_1307 = tpu.memref_slice %arg3[%add3A_1300, %dma_start3A_1306] : memref<16384x1024xf32, #tpu.memory_space<hbm>> -> memref<1x1024xf32, #tpu.memory_space<hbm>>
      %dma_start3A_1308 = tpu.memref_squeeze %dma_start3A_1307 : memref<1x1024xf32, #tpu.memory_space<hbm>> -> memref<1024xf32, #tpu.memory_space<hbm>>
      %dma_start3A_1309 = arith.constant 13312 : i32
      %dma_start3A_1310 = tpu.memref_slice %arg8[%dma_start3A_1309] : memref<16384xf32, #tpu.memory_space<vmem>> -> memref<1024xf32, #tpu.memory_space<vmem>>
      tpu.enqueue_dma source(%dma_start3A_1310 : memref<1024xf32, #tpu.memory_space<vmem>>) target(%dma_start3A_1308 : memref<1024xf32, #tpu.memory_space<hbm>>) target_semaphore(%arg14 : memref<!tpu.dma_semaphore, #tpu.memory_space<semaphore_mem>>)
      %add3A_1311 = arith.addi %mul3A_2, %add3A_1076 : i32
      %mul3A_1312 = arith.constant 16 : i32
      %mul3A_1313 = arith.muli %add3A_1311, %mul3A_1312 : i32
      %add3A_1314 = arith.constant 14 : i32
      %add3A_1315 = arith.addi %mul3A_1313, %add3A_1314 : i32
      %dma_start3A_1316 = arith.constant 14336 : i32
      %dma_start3A_1317 = tpu.memref_slice %arg8[%dma_start3A_1316] : memref<16384xf32, #tpu.memory_space<vmem>> -> memref<1024xf32, #tpu.memory_space<vmem>>
      %dma_start3A_1318 = arith.constant 0 : i32
      %dma_start3A_1319 = tpu.memref_slice %arg3[%add3A_1315, %dma_start3A_1318] : memref<16384x1024xf32, #tpu.memory_space<hbm>> -> memref<1x1024xf32, #tpu.memory_space<hbm>>
      %dma_start3A_1320 = tpu.memref_squeeze %dma_start3A_1319 : memref<1x1024xf32, #tpu.memory_space<hbm>> -> memref<1024xf32, #tpu.memory_space<hbm>>
      %dma_start3A_1321 = arith.constant 0 : i32
      %dma_start3A_1322 = tpu.memref_slice %arg3[%add3A_1315, %dma_start3A_1321] : memref<16384x1024xf32, #tpu.memory_space<hbm>> -> memref<1x1024xf32, #tpu.memory_space<hbm>>
      %dma_start3A_1323 = tpu.memref_squeeze %dma_start3A_1322 : memref<1x1024xf32, #tpu.memory_space<hbm>> -> memref<1024xf32, #tpu.memory_space<hbm>>
      %dma_start3A_1324 = arith.constant 14336 : i32
      %dma_start3A_1325 = tpu.memref_slice %arg8[%dma_start3A_1324] : memref<16384xf32, #tpu.memory_space<vmem>> -> memref<1024xf32, #tpu.memory_space<vmem>>
      tpu.enqueue_dma source(%dma_start3A_1325 : memref<1024xf32, #tpu.memory_space<vmem>>) target(%dma_start3A_1323 : memref<1024xf32, #tpu.memory_space<hbm>>) target_semaphore(%arg14 : memref<!tpu.dma_semaphore, #tpu.memory_space<semaphore_mem>>)
      %add3A_1326 = arith.addi %mul3A_2, %add3A_1076 : i32
      %mul3A_1327 = arith.constant 16 : i32
      %mul3A_1328 = arith.muli %add3A_1326, %mul3A_1327 : i32
      %add3A_1329 = arith.constant 15 : i32
      %add3A_1330 = arith.addi %mul3A_1328, %add3A_1329 : i32
      %dma_start3A_1331 = arith.constant 15360 : i32
      %dma_start3A_1332 = tpu.memref_slice %arg8[%dma_start3A_1331] : memref<16384xf32, #tpu.memory_space<vmem>> -> memref<1024xf32, #tpu.memory_space<vmem>>
      %dma_start3A_1333 = arith.constant 0 : i32
      %dma_start3A_1334 = tpu.memref_slice %arg3[%add3A_1330, %dma_start3A_1333] : memref<16384x1024xf32, #tpu.memory_space<hbm>> -> memref<1x1024xf32, #tpu.memory_space<hbm>>
      %dma_start3A_1335 = tpu.memref_squeeze %dma_start3A_1334 : memref<1x1024xf32, #tpu.memory_space<hbm>> -> memref<1024xf32, #tpu.memory_space<hbm>>
      %dma_start3A_1336 = arith.constant 0 : i32
      %dma_start3A_1337 = tpu.memref_slice %arg3[%add3A_1330, %dma_start3A_1336] : memref<16384x1024xf32, #tpu.memory_space<hbm>> -> memref<1x1024xf32, #tpu.memory_space<hbm>>
      %dma_start3A_1338 = tpu.memref_squeeze %dma_start3A_1337 : memref<1x1024xf32, #tpu.memory_space<hbm>> -> memref<1024xf32, #tpu.memory_space<hbm>>
      %dma_start3A_1339 = arith.constant 15360 : i32
      %dma_start3A_1340 = tpu.memref_slice %arg8[%dma_start3A_1339] : memref<16384xf32, #tpu.memory_space<vmem>> -> memref<1024xf32, #tpu.memory_space<vmem>>
      tpu.enqueue_dma source(%dma_start3A_1340 : memref<1024xf32, #tpu.memory_space<vmem>>) target(%dma_start3A_1338 : memref<1024xf32, #tpu.memory_space<hbm>>) target_semaphore(%arg14 : memref<!tpu.dma_semaphore, #tpu.memory_space<semaphore_mem>>)
      %add3A_1341 = arith.constant 3 : i32
      %add3A_1342 = arith.addi %add3A_548, %add3A_1341 : i32
      %ge3A_1343 = arith.constant 2 : i32
      %ge3A_1344 = arith.cmpi sge, %add3A_1342, %ge3A_1343 : i32
      %convert_element_type3A_1345 = arith.extui %ge3A_1344 : i1 to i32
      %cond3A_1346 = arith.constant 0 : i32
      %cond3A_1347 = arith.cmpi ne, %convert_element_type3A_1345, %cond3A_1346 : i32
      scf.if %cond3A_1347 {
        %sub3A = arith.constant 2 : i32
        %sub3A_1607 = arith.subi %add3A_1342, %sub3A : i32
        %add3A_1608 = arith.addi %mul3A_2, %sub3A_1607 : i32
        %mul3A_1609 = arith.constant 16 : i32
        %mul3A_1610 = arith.muli %add3A_1608, %mul3A_1609 : i32
        %add3A_1611 = arith.constant 0 : i32
        %add3A_1612 = arith.addi %mul3A_1610, %add3A_1611 : i32
        %dma_wait3A_1613 = arith.constant 0 : i32
        %dma_wait3A_1614 = tpu.memref_slice %arg9[%dma_wait3A_1613] : memref<16384xf32, #tpu.memory_space<vmem>> -> memref<1024xf32, #tpu.memory_space<vmem>>
        %dma_wait3A_1615 = arith.constant 0 : i32
        %dma_wait3A_1616 = tpu.memref_slice %arg3[%add3A_1612, %dma_wait3A_1615] : memref<16384x1024xf32, #tpu.memory_space<hbm>> -> memref<1x1024xf32, #tpu.memory_space<hbm>>
        %dma_wait3A_1617 = tpu.memref_squeeze %dma_wait3A_1616 : memref<1x1024xf32, #tpu.memory_space<hbm>> -> memref<1024xf32, #tpu.memory_space<hbm>>
        %dma_wait3A_1618 = arith.constant 0 : i32
        %dma_wait3A_1619 = tpu.memref_slice %arg3[%add3A_1612, %dma_wait3A_1618] : memref<16384x1024xf32, #tpu.memory_space<hbm>> -> memref<1x1024xf32, #tpu.memory_space<hbm>>
        %dma_wait3A_1620 = tpu.memref_squeeze %dma_wait3A_1619 : memref<1x1024xf32, #tpu.memory_space<hbm>> -> memref<1024xf32, #tpu.memory_space<hbm>>
        %dma_wait3A_1621 = arith.constant 0 : i32
        %dma_wait3A_1622 = tpu.memref_slice %arg9[%dma_wait3A_1621] : memref<16384xf32, #tpu.memory_space<vmem>> -> memref<1024xf32, #tpu.memory_space<vmem>>
        tpu.wait_dma2 semaphore(%arg15 : memref<!tpu.dma_semaphore, #tpu.memory_space<semaphore_mem>>) src(%dma_wait3A_1622 : memref<1024xf32, #tpu.memory_space<vmem>>) dst(%dma_wait3A_1620 : memref<1024xf32, #tpu.memory_space<hbm>>)
        %add3A_1623 = arith.addi %mul3A_2, %sub3A_1607 : i32
        %mul3A_1624 = arith.constant 16 : i32
        %mul3A_1625 = arith.muli %add3A_1623, %mul3A_1624 : i32
        %add3A_1626 = arith.constant 1 : i32
        %add3A_1627 = arith.addi %mul3A_1625, %add3A_1626 : i32
        %dma_wait3A_1628 = arith.constant 1024 : i32
        %dma_wait3A_1629 = tpu.memref_slice %arg9[%dma_wait3A_1628] : memref<16384xf32, #tpu.memory_space<vmem>> -> memref<1024xf32, #tpu.memory_space<vmem>>
        %dma_wait3A_1630 = arith.constant 0 : i32
        %dma_wait3A_1631 = tpu.memref_slice %arg3[%add3A_1627, %dma_wait3A_1630] : memref<16384x1024xf32, #tpu.memory_space<hbm>> -> memref<1x1024xf32, #tpu.memory_space<hbm>>
        %dma_wait3A_1632 = tpu.memref_squeeze %dma_wait3A_1631 : memref<1x1024xf32, #tpu.memory_space<hbm>> -> memref<1024xf32, #tpu.memory_space<hbm>>
        %dma_wait3A_1633 = arith.constant 0 : i32
        %dma_wait3A_1634 = tpu.memref_slice %arg3[%add3A_1627, %dma_wait3A_1633] : memref<16384x1024xf32, #tpu.memory_space<hbm>> -> memref<1x1024xf32, #tpu.memory_space<hbm>>
        %dma_wait3A_1635 = tpu.memref_squeeze %dma_wait3A_1634 : memref<1x1024xf32, #tpu.memory_space<hbm>> -> memref<1024xf32, #tpu.memory_space<hbm>>
        %dma_wait3A_1636 = arith.constant 1024 : i32
        %dma_wait3A_1637 = tpu.memref_slice %arg9[%dma_wait3A_1636] : memref<16384xf32, #tpu.memory_space<vmem>> -> memref<1024xf32, #tpu.memory_space<vmem>>
        tpu.wait_dma2 semaphore(%arg15 : memref<!tpu.dma_semaphore, #tpu.memory_space<semaphore_mem>>) src(%dma_wait3A_1637 : memref<1024xf32, #tpu.memory_space<vmem>>) dst(%dma_wait3A_1635 : memref<1024xf32, #tpu.memory_space<hbm>>)
        %add3A_1638 = arith.addi %mul3A_2, %sub3A_1607 : i32
        %mul3A_1639 = arith.constant 16 : i32
        %mul3A_1640 = arith.muli %add3A_1638, %mul3A_1639 : i32
        %add3A_1641 = arith.constant 2 : i32
        %add3A_1642 = arith.addi %mul3A_1640, %add3A_1641 : i32
        %dma_wait3A_1643 = arith.constant 2048 : i32
        %dma_wait3A_1644 = tpu.memref_slice %arg9[%dma_wait3A_1643] : memref<16384xf32, #tpu.memory_space<vmem>> -> memref<1024xf32, #tpu.memory_space<vmem>>
        %dma_wait3A_1645 = arith.constant 0 : i32
        %dma_wait3A_1646 = tpu.memref_slice %arg3[%add3A_1642, %dma_wait3A_1645] : memref<16384x1024xf32, #tpu.memory_space<hbm>> -> memref<1x1024xf32, #tpu.memory_space<hbm>>
        %dma_wait3A_1647 = tpu.memref_squeeze %dma_wait3A_1646 : memref<1x1024xf32, #tpu.memory_space<hbm>> -> memref<1024xf32, #tpu.memory_space<hbm>>
        %dma_wait3A_1648 = arith.constant 0 : i32
        %dma_wait3A_1649 = tpu.memref_slice %arg3[%add3A_1642, %dma_wait3A_1648] : memref<16384x1024xf32, #tpu.memory_space<hbm>> -> memref<1x1024xf32, #tpu.memory_space<hbm>>
        %dma_wait3A_1650 = tpu.memref_squeeze %dma_wait3A_1649 : memref<1x1024xf32, #tpu.memory_space<hbm>> -> memref<1024xf32, #tpu.memory_space<hbm>>
        %dma_wait3A_1651 = arith.constant 2048 : i32
        %dma_wait3A_1652 = tpu.memref_slice %arg9[%dma_wait3A_1651] : memref<16384xf32, #tpu.memory_space<vmem>> -> memref<1024xf32, #tpu.memory_space<vmem>>
        tpu.wait_dma2 semaphore(%arg15 : memref<!tpu.dma_semaphore, #tpu.memory_space<semaphore_mem>>) src(%dma_wait3A_1652 : memref<1024xf32, #tpu.memory_space<vmem>>) dst(%dma_wait3A_1650 : memref<1024xf32, #tpu.memory_space<hbm>>)
        %add3A_1653 = arith.addi %mul3A_2, %sub3A_1607 : i32
        %mul3A_1654 = arith.constant 16 : i32
        %mul3A_1655 = arith.muli %add3A_1653, %mul3A_1654 : i32
        %add3A_1656 = arith.constant 3 : i32
        %add3A_1657 = arith.addi %mul3A_1655, %add3A_1656 : i32
        %dma_wait3A_1658 = arith.constant 3072 : i32
        %dma_wait3A_1659 = tpu.memref_slice %arg9[%dma_wait3A_1658] : memref<16384xf32, #tpu.memory_space<vmem>> -> memref<1024xf32, #tpu.memory_space<vmem>>
        %dma_wait3A_1660 = arith.constant 0 : i32
        %dma_wait3A_1661 = tpu.memref_slice %arg3[%add3A_1657, %dma_wait3A_1660] : memref<16384x1024xf32, #tpu.memory_space<hbm>> -> memref<1x1024xf32, #tpu.memory_space<hbm>>
        %dma_wait3A_1662 = tpu.memref_squeeze %dma_wait3A_1661 : memref<1x1024xf32, #tpu.memory_space<hbm>> -> memref<1024xf32, #tpu.memory_space<hbm>>
        %dma_wait3A_1663 = arith.constant 0 : i32
        %dma_wait3A_1664 = tpu.memref_slice %arg3[%add3A_1657, %dma_wait3A_1663] : memref<16384x1024xf32, #tpu.memory_space<hbm>> -> memref<1x1024xf32, #tpu.memory_space<hbm>>
        %dma_wait3A_1665 = tpu.memref_squeeze %dma_wait3A_1664 : memref<1x1024xf32, #tpu.memory_space<hbm>> -> memref<1024xf32, #tpu.memory_space<hbm>>
        %dma_wait3A_1666 = arith.constant 3072 : i32
        %dma_wait3A_1667 = tpu.memref_slice %arg9[%dma_wait3A_1666] : memref<16384xf32, #tpu.memory_space<vmem>> -> memref<1024xf32, #tpu.memory_space<vmem>>
        tpu.wait_dma2 semaphore(%arg15 : memref<!tpu.dma_semaphore, #tpu.memory_space<semaphore_mem>>) src(%dma_wait3A_1667 : memref<1024xf32, #tpu.memory_space<vmem>>) dst(%dma_wait3A_1665 : memref<1024xf32, #tpu.memory_space<hbm>>)
        %add3A_1668 = arith.addi %mul3A_2, %sub3A_1607 : i32
        %mul3A_1669 = arith.constant 16 : i32
        %mul3A_1670 = arith.muli %add3A_1668, %mul3A_1669 : i32
        %add3A_1671 = arith.constant 4 : i32
        %add3A_1672 = arith.addi %mul3A_1670, %add3A_1671 : i32
        %dma_wait3A_1673 = arith.constant 4096 : i32
        %dma_wait3A_1674 = tpu.memref_slice %arg9[%dma_wait3A_1673] : memref<16384xf32, #tpu.memory_space<vmem>> -> memref<1024xf32, #tpu.memory_space<vmem>>
        %dma_wait3A_1675 = arith.constant 0 : i32
        %dma_wait3A_1676 = tpu.memref_slice %arg3[%add3A_1672, %dma_wait3A_1675] : memref<16384x1024xf32, #tpu.memory_space<hbm>> -> memref<1x1024xf32, #tpu.memory_space<hbm>>
        %dma_wait3A_1677 = tpu.memref_squeeze %dma_wait3A_1676 : memref<1x1024xf32, #tpu.memory_space<hbm>> -> memref<1024xf32, #tpu.memory_space<hbm>>
        %dma_wait3A_1678 = arith.constant 0 : i32
        %dma_wait3A_1679 = tpu.memref_slice %arg3[%add3A_1672, %dma_wait3A_1678] : memref<16384x1024xf32, #tpu.memory_space<hbm>> -> memref<1x1024xf32, #tpu.memory_space<hbm>>
        %dma_wait3A_1680 = tpu.memref_squeeze %dma_wait3A_1679 : memref<1x1024xf32, #tpu.memory_space<hbm>> -> memref<1024xf32, #tpu.memory_space<hbm>>
        %dma_wait3A_1681 = arith.constant 4096 : i32
        %dma_wait3A_1682 = tpu.memref_slice %arg9[%dma_wait3A_1681] : memref<16384xf32, #tpu.memory_space<vmem>> -> memref<1024xf32, #tpu.memory_space<vmem>>
        tpu.wait_dma2 semaphore(%arg15 : memref<!tpu.dma_semaphore, #tpu.memory_space<semaphore_mem>>) src(%dma_wait3A_1682 : memref<1024xf32, #tpu.memory_space<vmem>>) dst(%dma_wait3A_1680 : memref<1024xf32, #tpu.memory_space<hbm>>)
        %add3A_1683 = arith.addi %mul3A_2, %sub3A_1607 : i32
        %mul3A_1684 = arith.constant 16 : i32
        %mul3A_1685 = arith.muli %add3A_1683, %mul3A_1684 : i32
        %add3A_1686 = arith.constant 5 : i32
        %add3A_1687 = arith.addi %mul3A_1685, %add3A_1686 : i32
        %dma_wait3A_1688 = arith.constant 5120 : i32
        %dma_wait3A_1689 = tpu.memref_slice %arg9[%dma_wait3A_1688] : memref<16384xf32, #tpu.memory_space<vmem>> -> memref<1024xf32, #tpu.memory_space<vmem>>
        %dma_wait3A_1690 = arith.constant 0 : i32
        %dma_wait3A_1691 = tpu.memref_slice %arg3[%add3A_1687, %dma_wait3A_1690] : memref<16384x1024xf32, #tpu.memory_space<hbm>> -> memref<1x1024xf32, #tpu.memory_space<hbm>>
        %dma_wait3A_1692 = tpu.memref_squeeze %dma_wait3A_1691 : memref<1x1024xf32, #tpu.memory_space<hbm>> -> memref<1024xf32, #tpu.memory_space<hbm>>
        %dma_wait3A_1693 = arith.constant 0 : i32
        %dma_wait3A_1694 = tpu.memref_slice %arg3[%add3A_1687, %dma_wait3A_1693] : memref<16384x1024xf32, #tpu.memory_space<hbm>> -> memref<1x1024xf32, #tpu.memory_space<hbm>>
        %dma_wait3A_1695 = tpu.memref_squeeze %dma_wait3A_1694 : memref<1x1024xf32, #tpu.memory_space<hbm>> -> memref<1024xf32, #tpu.memory_space<hbm>>
        %dma_wait3A_1696 = arith.constant 5120 : i32
        %dma_wait3A_1697 = tpu.memref_slice %arg9[%dma_wait3A_1696] : memref<16384xf32, #tpu.memory_space<vmem>> -> memref<1024xf32, #tpu.memory_space<vmem>>
        tpu.wait_dma2 semaphore(%arg15 : memref<!tpu.dma_semaphore, #tpu.memory_space<semaphore_mem>>) src(%dma_wait3A_1697 : memref<1024xf32, #tpu.memory_space<vmem>>) dst(%dma_wait3A_1695 : memref<1024xf32, #tpu.memory_space<hbm>>)
        %add3A_1698 = arith.addi %mul3A_2, %sub3A_1607 : i32
        %mul3A_1699 = arith.constant 16 : i32
        %mul3A_1700 = arith.muli %add3A_1698, %mul3A_1699 : i32
        %add3A_1701 = arith.constant 6 : i32
        %add3A_1702 = arith.addi %mul3A_1700, %add3A_1701 : i32
        %dma_wait3A_1703 = arith.constant 6144 : i32
        %dma_wait3A_1704 = tpu.memref_slice %arg9[%dma_wait3A_1703] : memref<16384xf32, #tpu.memory_space<vmem>> -> memref<1024xf32, #tpu.memory_space<vmem>>
        %dma_wait3A_1705 = arith.constant 0 : i32
        %dma_wait3A_1706 = tpu.memref_slice %arg3[%add3A_1702, %dma_wait3A_1705] : memref<16384x1024xf32, #tpu.memory_space<hbm>> -> memref<1x1024xf32, #tpu.memory_space<hbm>>
        %dma_wait3A_1707 = tpu.memref_squeeze %dma_wait3A_1706 : memref<1x1024xf32, #tpu.memory_space<hbm>> -> memref<1024xf32, #tpu.memory_space<hbm>>
        %dma_wait3A_1708 = arith.constant 0 : i32
        %dma_wait3A_1709 = tpu.memref_slice %arg3[%add3A_1702, %dma_wait3A_1708] : memref<16384x1024xf32, #tpu.memory_space<hbm>> -> memref<1x1024xf32, #tpu.memory_space<hbm>>
        %dma_wait3A_1710 = tpu.memref_squeeze %dma_wait3A_1709 : memref<1x1024xf32, #tpu.memory_space<hbm>> -> memref<1024xf32, #tpu.memory_space<hbm>>
        %dma_wait3A_1711 = arith.constant 6144 : i32
        %dma_wait3A_1712 = tpu.memref_slice %arg9[%dma_wait3A_1711] : memref<16384xf32, #tpu.memory_space<vmem>> -> memref<1024xf32, #tpu.memory_space<vmem>>
        tpu.wait_dma2 semaphore(%arg15 : memref<!tpu.dma_semaphore, #tpu.memory_space<semaphore_mem>>) src(%dma_wait3A_1712 : memref<1024xf32, #tpu.memory_space<vmem>>) dst(%dma_wait3A_1710 : memref<1024xf32, #tpu.memory_space<hbm>>)
        %add3A_1713 = arith.addi %mul3A_2, %sub3A_1607 : i32
        %mul3A_1714 = arith.constant 16 : i32
        %mul3A_1715 = arith.muli %add3A_1713, %mul3A_1714 : i32
        %add3A_1716 = arith.constant 7 : i32
        %add3A_1717 = arith.addi %mul3A_1715, %add3A_1716 : i32
        %dma_wait3A_1718 = arith.constant 7168 : i32
        %dma_wait3A_1719 = tpu.memref_slice %arg9[%dma_wait3A_1718] : memref<16384xf32, #tpu.memory_space<vmem>> -> memref<1024xf32, #tpu.memory_space<vmem>>
        %dma_wait3A_1720 = arith.constant 0 : i32
        %dma_wait3A_1721 = tpu.memref_slice %arg3[%add3A_1717, %dma_wait3A_1720] : memref<16384x1024xf32, #tpu.memory_space<hbm>> -> memref<1x1024xf32, #tpu.memory_space<hbm>>
        %dma_wait3A_1722 = tpu.memref_squeeze %dma_wait3A_1721 : memref<1x1024xf32, #tpu.memory_space<hbm>> -> memref<1024xf32, #tpu.memory_space<hbm>>
        %dma_wait3A_1723 = arith.constant 0 : i32
        %dma_wait3A_1724 = tpu.memref_slice %arg3[%add3A_1717, %dma_wait3A_1723] : memref<16384x1024xf32, #tpu.memory_space<hbm>> -> memref<1x1024xf32, #tpu.memory_space<hbm>>
        %dma_wait3A_1725 = tpu.memref_squeeze %dma_wait3A_1724 : memref<1x1024xf32, #tpu.memory_space<hbm>> -> memref<1024xf32, #tpu.memory_space<hbm>>
        %dma_wait3A_1726 = arith.constant 7168 : i32
        %dma_wait3A_1727 = tpu.memref_slice %arg9[%dma_wait3A_1726] : memref<16384xf32, #tpu.memory_space<vmem>> -> memref<1024xf32, #tpu.memory_space<vmem>>
        tpu.wait_dma2 semaphore(%arg15 : memref<!tpu.dma_semaphore, #tpu.memory_space<semaphore_mem>>) src(%dma_wait3A_1727 : memref<1024xf32, #tpu.memory_space<vmem>>) dst(%dma_wait3A_1725 : memref<1024xf32, #tpu.memory_space<hbm>>)
        %add3A_1728 = arith.addi %mul3A_2, %sub3A_1607 : i32
        %mul3A_1729 = arith.constant 16 : i32
        %mul3A_1730 = arith.muli %add3A_1728, %mul3A_1729 : i32
        %add3A_1731 = arith.constant 8 : i32
        %add3A_1732 = arith.addi %mul3A_1730, %add3A_1731 : i32
        %dma_wait3A_1733 = arith.constant 8192 : i32
        %dma_wait3A_1734 = tpu.memref_slice %arg9[%dma_wait3A_1733] : memref<16384xf32, #tpu.memory_space<vmem>> -> memref<1024xf32, #tpu.memory_space<vmem>>
        %dma_wait3A_1735 = arith.constant 0 : i32
        %dma_wait3A_1736 = tpu.memref_slice %arg3[%add3A_1732, %dma_wait3A_1735] : memref<16384x1024xf32, #tpu.memory_space<hbm>> -> memref<1x1024xf32, #tpu.memory_space<hbm>>
        %dma_wait3A_1737 = tpu.memref_squeeze %dma_wait3A_1736 : memref<1x1024xf32, #tpu.memory_space<hbm>> -> memref<1024xf32, #tpu.memory_space<hbm>>
        %dma_wait3A_1738 = arith.constant 0 : i32
        %dma_wait3A_1739 = tpu.memref_slice %arg3[%add3A_1732, %dma_wait3A_1738] : memref<16384x1024xf32, #tpu.memory_space<hbm>> -> memref<1x1024xf32, #tpu.memory_space<hbm>>
        %dma_wait3A_1740 = tpu.memref_squeeze %dma_wait3A_1739 : memref<1x1024xf32, #tpu.memory_space<hbm>> -> memref<1024xf32, #tpu.memory_space<hbm>>
        %dma_wait3A_1741 = arith.constant 8192 : i32
        %dma_wait3A_1742 = tpu.memref_slice %arg9[%dma_wait3A_1741] : memref<16384xf32, #tpu.memory_space<vmem>> -> memref<1024xf32, #tpu.memory_space<vmem>>
        tpu.wait_dma2 semaphore(%arg15 : memref<!tpu.dma_semaphore, #tpu.memory_space<semaphore_mem>>) src(%dma_wait3A_1742 : memref<1024xf32, #tpu.memory_space<vmem>>) dst(%dma_wait3A_1740 : memref<1024xf32, #tpu.memory_space<hbm>>)
        %add3A_1743 = arith.addi %mul3A_2, %sub3A_1607 : i32
        %mul3A_1744 = arith.constant 16 : i32
        %mul3A_1745 = arith.muli %add3A_1743, %mul3A_1744 : i32
        %add3A_1746 = arith.constant 9 : i32
        %add3A_1747 = arith.addi %mul3A_1745, %add3A_1746 : i32
        %dma_wait3A_1748 = arith.constant 9216 : i32
        %dma_wait3A_1749 = tpu.memref_slice %arg9[%dma_wait3A_1748] : memref<16384xf32, #tpu.memory_space<vmem>> -> memref<1024xf32, #tpu.memory_space<vmem>>
        %dma_wait3A_1750 = arith.constant 0 : i32
        %dma_wait3A_1751 = tpu.memref_slice %arg3[%add3A_1747, %dma_wait3A_1750] : memref<16384x1024xf32, #tpu.memory_space<hbm>> -> memref<1x1024xf32, #tpu.memory_space<hbm>>
        %dma_wait3A_1752 = tpu.memref_squeeze %dma_wait3A_1751 : memref<1x1024xf32, #tpu.memory_space<hbm>> -> memref<1024xf32, #tpu.memory_space<hbm>>
        %dma_wait3A_1753 = arith.constant 0 : i32
        %dma_wait3A_1754 = tpu.memref_slice %arg3[%add3A_1747, %dma_wait3A_1753] : memref<16384x1024xf32, #tpu.memory_space<hbm>> -> memref<1x1024xf32, #tpu.memory_space<hbm>>
        %dma_wait3A_1755 = tpu.memref_squeeze %dma_wait3A_1754 : memref<1x1024xf32, #tpu.memory_space<hbm>> -> memref<1024xf32, #tpu.memory_space<hbm>>
        %dma_wait3A_1756 = arith.constant 9216 : i32
        %dma_wait3A_1757 = tpu.memref_slice %arg9[%dma_wait3A_1756] : memref<16384xf32, #tpu.memory_space<vmem>> -> memref<1024xf32, #tpu.memory_space<vmem>>
        tpu.wait_dma2 semaphore(%arg15 : memref<!tpu.dma_semaphore, #tpu.memory_space<semaphore_mem>>) src(%dma_wait3A_1757 : memref<1024xf32, #tpu.memory_space<vmem>>) dst(%dma_wait3A_1755 : memref<1024xf32, #tpu.memory_space<hbm>>)
        %add3A_1758 = arith.addi %mul3A_2, %sub3A_1607 : i32
        %mul3A_1759 = arith.constant 16 : i32
        %mul3A_1760 = arith.muli %add3A_1758, %mul3A_1759 : i32
        %add3A_1761 = arith.constant 10 : i32
        %add3A_1762 = arith.addi %mul3A_1760, %add3A_1761 : i32
        %dma_wait3A_1763 = arith.constant 10240 : i32
        %dma_wait3A_1764 = tpu.memref_slice %arg9[%dma_wait3A_1763] : memref<16384xf32, #tpu.memory_space<vmem>> -> memref<1024xf32, #tpu.memory_space<vmem>>
        %dma_wait3A_1765 = arith.constant 0 : i32
        %dma_wait3A_1766 = tpu.memref_slice %arg3[%add3A_1762, %dma_wait3A_1765] : memref<16384x1024xf32, #tpu.memory_space<hbm>> -> memref<1x1024xf32, #tpu.memory_space<hbm>>
        %dma_wait3A_1767 = tpu.memref_squeeze %dma_wait3A_1766 : memref<1x1024xf32, #tpu.memory_space<hbm>> -> memref<1024xf32, #tpu.memory_space<hbm>>
        %dma_wait3A_1768 = arith.constant 0 : i32
        %dma_wait3A_1769 = tpu.memref_slice %arg3[%add3A_1762, %dma_wait3A_1768] : memref<16384x1024xf32, #tpu.memory_space<hbm>> -> memref<1x1024xf32, #tpu.memory_space<hbm>>
        %dma_wait3A_1770 = tpu.memref_squeeze %dma_wait3A_1769 : memref<1x1024xf32, #tpu.memory_space<hbm>> -> memref<1024xf32, #tpu.memory_space<hbm>>
        %dma_wait3A_1771 = arith.constant 10240 : i32
        %dma_wait3A_1772 = tpu.memref_slice %arg9[%dma_wait3A_1771] : memref<16384xf32, #tpu.memory_space<vmem>> -> memref<1024xf32, #tpu.memory_space<vmem>>
        tpu.wait_dma2 semaphore(%arg15 : memref<!tpu.dma_semaphore, #tpu.memory_space<semaphore_mem>>) src(%dma_wait3A_1772 : memref<1024xf32, #tpu.memory_space<vmem>>) dst(%dma_wait3A_1770 : memref<1024xf32, #tpu.memory_space<hbm>>)
        %add3A_1773 = arith.addi %mul3A_2, %sub3A_1607 : i32
        %mul3A_1774 = arith.constant 16 : i32
        %mul3A_1775 = arith.muli %add3A_1773, %mul3A_1774 : i32
        %add3A_1776 = arith.constant 11 : i32
        %add3A_1777 = arith.addi %mul3A_1775, %add3A_1776 : i32
        %dma_wait3A_1778 = arith.constant 11264 : i32
        %dma_wait3A_1779 = tpu.memref_slice %arg9[%dma_wait3A_1778] : memref<16384xf32, #tpu.memory_space<vmem>> -> memref<1024xf32, #tpu.memory_space<vmem>>
        %dma_wait3A_1780 = arith.constant 0 : i32
        %dma_wait3A_1781 = tpu.memref_slice %arg3[%add3A_1777, %dma_wait3A_1780] : memref<16384x1024xf32, #tpu.memory_space<hbm>> -> memref<1x1024xf32, #tpu.memory_space<hbm>>
        %dma_wait3A_1782 = tpu.memref_squeeze %dma_wait3A_1781 : memref<1x1024xf32, #tpu.memory_space<hbm>> -> memref<1024xf32, #tpu.memory_space<hbm>>
        %dma_wait3A_1783 = arith.constant 0 : i32
        %dma_wait3A_1784 = tpu.memref_slice %arg3[%add3A_1777, %dma_wait3A_1783] : memref<16384x1024xf32, #tpu.memory_space<hbm>> -> memref<1x1024xf32, #tpu.memory_space<hbm>>
        %dma_wait3A_1785 = tpu.memref_squeeze %dma_wait3A_1784 : memref<1x1024xf32, #tpu.memory_space<hbm>> -> memref<1024xf32, #tpu.memory_space<hbm>>
        %dma_wait3A_1786 = arith.constant 11264 : i32
        %dma_wait3A_1787 = tpu.memref_slice %arg9[%dma_wait3A_1786] : memref<16384xf32, #tpu.memory_space<vmem>> -> memref<1024xf32, #tpu.memory_space<vmem>>
        tpu.wait_dma2 semaphore(%arg15 : memref<!tpu.dma_semaphore, #tpu.memory_space<semaphore_mem>>) src(%dma_wait3A_1787 : memref<1024xf32, #tpu.memory_space<vmem>>) dst(%dma_wait3A_1785 : memref<1024xf32, #tpu.memory_space<hbm>>)
        %add3A_1788 = arith.addi %mul3A_2, %sub3A_1607 : i32
        %mul3A_1789 = arith.constant 16 : i32
        %mul3A_1790 = arith.muli %add3A_1788, %mul3A_1789 : i32
        %add3A_1791 = arith.constant 12 : i32
        %add3A_1792 = arith.addi %mul3A_1790, %add3A_1791 : i32
        %dma_wait3A_1793 = arith.constant 12288 : i32
        %dma_wait3A_1794 = tpu.memref_slice %arg9[%dma_wait3A_1793] : memref<16384xf32, #tpu.memory_space<vmem>> -> memref<1024xf32, #tpu.memory_space<vmem>>
        %dma_wait3A_1795 = arith.constant 0 : i32
        %dma_wait3A_1796 = tpu.memref_slice %arg3[%add3A_1792, %dma_wait3A_1795] : memref<16384x1024xf32, #tpu.memory_space<hbm>> -> memref<1x1024xf32, #tpu.memory_space<hbm>>
        %dma_wait3A_1797 = tpu.memref_squeeze %dma_wait3A_1796 : memref<1x1024xf32, #tpu.memory_space<hbm>> -> memref<1024xf32, #tpu.memory_space<hbm>>
        %dma_wait3A_1798 = arith.constant 0 : i32
        %dma_wait3A_1799 = tpu.memref_slice %arg3[%add3A_1792, %dma_wait3A_1798] : memref<16384x1024xf32, #tpu.memory_space<hbm>> -> memref<1x1024xf32, #tpu.memory_space<hbm>>
        %dma_wait3A_1800 = tpu.memref_squeeze %dma_wait3A_1799 : memref<1x1024xf32, #tpu.memory_space<hbm>> -> memref<1024xf32, #tpu.memory_space<hbm>>
        %dma_wait3A_1801 = arith.constant 12288 : i32
        %dma_wait3A_1802 = tpu.memref_slice %arg9[%dma_wait3A_1801] : memref<16384xf32, #tpu.memory_space<vmem>> -> memref<1024xf32, #tpu.memory_space<vmem>>
        tpu.wait_dma2 semaphore(%arg15 : memref<!tpu.dma_semaphore, #tpu.memory_space<semaphore_mem>>) src(%dma_wait3A_1802 : memref<1024xf32, #tpu.memory_space<vmem>>) dst(%dma_wait3A_1800 : memref<1024xf32, #tpu.memory_space<hbm>>)
        %add3A_1803 = arith.addi %mul3A_2, %sub3A_1607 : i32
        %mul3A_1804 = arith.constant 16 : i32
        %mul3A_1805 = arith.muli %add3A_1803, %mul3A_1804 : i32
        %add3A_1806 = arith.constant 13 : i32
        %add3A_1807 = arith.addi %mul3A_1805, %add3A_1806 : i32
        %dma_wait3A_1808 = arith.constant 13312 : i32
        %dma_wait3A_1809 = tpu.memref_slice %arg9[%dma_wait3A_1808] : memref<16384xf32, #tpu.memory_space<vmem>> -> memref<1024xf32, #tpu.memory_space<vmem>>
        %dma_wait3A_1810 = arith.constant 0 : i32
        %dma_wait3A_1811 = tpu.memref_slice %arg3[%add3A_1807, %dma_wait3A_1810] : memref<16384x1024xf32, #tpu.memory_space<hbm>> -> memref<1x1024xf32, #tpu.memory_space<hbm>>
        %dma_wait3A_1812 = tpu.memref_squeeze %dma_wait3A_1811 : memref<1x1024xf32, #tpu.memory_space<hbm>> -> memref<1024xf32, #tpu.memory_space<hbm>>
        %dma_wait3A_1813 = arith.constant 0 : i32
        %dma_wait3A_1814 = tpu.memref_slice %arg3[%add3A_1807, %dma_wait3A_1813] : memref<16384x1024xf32, #tpu.memory_space<hbm>> -> memref<1x1024xf32, #tpu.memory_space<hbm>>
        %dma_wait3A_1815 = tpu.memref_squeeze %dma_wait3A_1814 : memref<1x1024xf32, #tpu.memory_space<hbm>> -> memref<1024xf32, #tpu.memory_space<hbm>>
        %dma_wait3A_1816 = arith.constant 13312 : i32
        %dma_wait3A_1817 = tpu.memref_slice %arg9[%dma_wait3A_1816] : memref<16384xf32, #tpu.memory_space<vmem>> -> memref<1024xf32, #tpu.memory_space<vmem>>
        tpu.wait_dma2 semaphore(%arg15 : memref<!tpu.dma_semaphore, #tpu.memory_space<semaphore_mem>>) src(%dma_wait3A_1817 : memref<1024xf32, #tpu.memory_space<vmem>>) dst(%dma_wait3A_1815 : memref<1024xf32, #tpu.memory_space<hbm>>)
        %add3A_1818 = arith.addi %mul3A_2, %sub3A_1607 : i32
        %mul3A_1819 = arith.constant 16 : i32
        %mul3A_1820 = arith.muli %add3A_1818, %mul3A_1819 : i32
        %add3A_1821 = arith.constant 14 : i32
        %add3A_1822 = arith.addi %mul3A_1820, %add3A_1821 : i32
        %dma_wait3A_1823 = arith.constant 14336 : i32
        %dma_wait3A_1824 = tpu.memref_slice %arg9[%dma_wait3A_1823] : memref<16384xf32, #tpu.memory_space<vmem>> -> memref<1024xf32, #tpu.memory_space<vmem>>
        %dma_wait3A_1825 = arith.constant 0 : i32
        %dma_wait3A_1826 = tpu.memref_slice %arg3[%add3A_1822, %dma_wait3A_1825] : memref<16384x1024xf32, #tpu.memory_space<hbm>> -> memref<1x1024xf32, #tpu.memory_space<hbm>>
        %dma_wait3A_1827 = tpu.memref_squeeze %dma_wait3A_1826 : memref<1x1024xf32, #tpu.memory_space<hbm>> -> memref<1024xf32, #tpu.memory_space<hbm>>
        %dma_wait3A_1828 = arith.constant 0 : i32
        %dma_wait3A_1829 = tpu.memref_slice %arg3[%add3A_1822, %dma_wait3A_1828] : memref<16384x1024xf32, #tpu.memory_space<hbm>> -> memref<1x1024xf32, #tpu.memory_space<hbm>>
        %dma_wait3A_1830 = tpu.memref_squeeze %dma_wait3A_1829 : memref<1x1024xf32, #tpu.memory_space<hbm>> -> memref<1024xf32, #tpu.memory_space<hbm>>
        %dma_wait3A_1831 = arith.constant 14336 : i32
        %dma_wait3A_1832 = tpu.memref_slice %arg9[%dma_wait3A_1831] : memref<16384xf32, #tpu.memory_space<vmem>> -> memref<1024xf32, #tpu.memory_space<vmem>>
        tpu.wait_dma2 semaphore(%arg15 : memref<!tpu.dma_semaphore, #tpu.memory_space<semaphore_mem>>) src(%dma_wait3A_1832 : memref<1024xf32, #tpu.memory_space<vmem>>) dst(%dma_wait3A_1830 : memref<1024xf32, #tpu.memory_space<hbm>>)
        %add3A_1833 = arith.addi %mul3A_2, %sub3A_1607 : i32
        %mul3A_1834 = arith.constant 16 : i32
        %mul3A_1835 = arith.muli %add3A_1833, %mul3A_1834 : i32
        %add3A_1836 = arith.constant 15 : i32
        %add3A_1837 = arith.addi %mul3A_1835, %add3A_1836 : i32
        %dma_wait3A_1838 = arith.constant 15360 : i32
        %dma_wait3A_1839 = tpu.memref_slice %arg9[%dma_wait3A_1838] : memref<16384xf32, #tpu.memory_space<vmem>> -> memref<1024xf32, #tpu.memory_space<vmem>>
        %dma_wait3A_1840 = arith.constant 0 : i32
        %dma_wait3A_1841 = tpu.memref_slice %arg3[%add3A_1837, %dma_wait3A_1840] : memref<16384x1024xf32, #tpu.memory_space<hbm>> -> memref<1x1024xf32, #tpu.memory_space<hbm>>
        %dma_wait3A_1842 = tpu.memref_squeeze %dma_wait3A_1841 : memref<1x1024xf32, #tpu.memory_space<hbm>> -> memref<1024xf32, #tpu.memory_space<hbm>>
        %dma_wait3A_1843 = arith.constant 0 : i32
        %dma_wait3A_1844 = tpu.memref_slice %arg3[%add3A_1837, %dma_wait3A_1843] : memref<16384x1024xf32, #tpu.memory_space<hbm>> -> memref<1x1024xf32, #tpu.memory_space<hbm>>
        %dma_wait3A_1845 = tpu.memref_squeeze %dma_wait3A_1844 : memref<1x1024xf32, #tpu.memory_space<hbm>> -> memref<1024xf32, #tpu.memory_space<hbm>>
        %dma_wait3A_1846 = arith.constant 15360 : i32
        %dma_wait3A_1847 = tpu.memref_slice %arg9[%dma_wait3A_1846] : memref<16384xf32, #tpu.memory_space<vmem>> -> memref<1024xf32, #tpu.memory_space<vmem>>
        tpu.wait_dma2 semaphore(%arg15 : memref<!tpu.dma_semaphore, #tpu.memory_space<semaphore_mem>>) src(%dma_wait3A_1847 : memref<1024xf32, #tpu.memory_space<vmem>>) dst(%dma_wait3A_1845 : memref<1024xf32, #tpu.memory_space<hbm>>)
        %scan3A_1848 = arith.constant 0 : i32
        %scan3A_1849 = arith.constant 200 : i32
        %scan3A_1850 = arith.addi %scan3A_1848, %scan3A_1849 : i32
        %scan3A_1851 = arith.constant 8 : i32
        scf.for %scan3A_1853 = %scan3A_1848 to %scan3A_1850 step %scan3A_1851  : i32 {
          %mul3A_1854 = arith.constant 1 : i32
          %mul3A_1855 = arith.muli %scan3A_1853, %mul3A_1854 : i32
          %add3A_1856 = arith.constant 0 : i32
          %add3A_1857 = arith.addi %add3A_1856, %mul3A_1855 : i32
          %mul3A_1858 = arith.constant 16 : i32
          %mul3A_1859 = arith.muli %add3A_1857, %mul3A_1858 : i32
          %get3A = arith.index_cast %mul3A_1859 : i32 to index
          %get3A_1860 = tpu.vector_load %arg5[%get3A] {strides = array<i32>} : memref<3200xi32, #tpu.memory_space<vmem>>, vector<16xi32>,
          tpu.vector_store_idx %arg9[%get3A_1860], %broadcast_in_dim3A_5 : memref<16384xf32, #tpu.memory_space<vmem>>[vector<16xi32>], vector<16xf32>,
          %scan3A_1861 = arith.constant 1 : i32
          %scan3A_1862 = arith.addi %scan3A_1853, %scan3A_1861 : i32
          %mul3A_1863 = arith.constant 1 : i32
          %mul3A_1864 = arith.muli %scan3A_1862, %mul3A_1863 : i32
          %add3A_1865 = arith.constant 0 : i32
          %add3A_1866 = arith.addi %add3A_1865, %mul3A_1864 : i32
          %mul3A_1867 = arith.constant 16 : i32
          %mul3A_1868 = arith.muli %add3A_1866, %mul3A_1867 : i32
          %get3A_1869 = arith.index_cast %mul3A_1868 : i32 to index
          %get3A_1870 = tpu.vector_load %arg5[%get3A_1869] {strides = array<i32>} : memref<3200xi32, #tpu.memory_space<vmem>>, vector<16xi32>,
          tpu.vector_store_idx %arg9[%get3A_1870], %broadcast_in_dim3A_5 : memref<16384xf32, #tpu.memory_space<vmem>>[vector<16xi32>], vector<16xf32>,
          %scan3A_1871 = arith.constant 2 : i32
          %scan3A_1872 = arith.addi %scan3A_1853, %scan3A_1871 : i32
          %mul3A_1873 = arith.constant 1 : i32
          %mul3A_1874 = arith.muli %scan3A_1872, %mul3A_1873 : i32
          %add3A_1875 = arith.constant 0 : i32
          %add3A_1876 = arith.addi %add3A_1875, %mul3A_1874 : i32
          %mul3A_1877 = arith.constant 16 : i32
          %mul3A_1878 = arith.muli %add3A_1876, %mul3A_1877 : i32
          %get3A_1879 = arith.index_cast %mul3A_1878 : i32 to index
          %get3A_1880 = tpu.vector_load %arg5[%get3A_1879] {strides = array<i32>} : memref<3200xi32, #tpu.memory_space<vmem>>, vector<16xi32>,
          tpu.vector_store_idx %arg9[%get3A_1880], %broadcast_in_dim3A_5 : memref<16384xf32, #tpu.memory_space<vmem>>[vector<16xi32>], vector<16xf32>,
          %scan3A_1881 = arith.constant 3 : i32
          %scan3A_1882 = arith.addi %scan3A_1853, %scan3A_1881 : i32
          %mul3A_1883 = arith.constant 1 : i32
          %mul3A_1884 = arith.muli %scan3A_1882, %mul3A_1883 : i32
          %add3A_1885 = arith.constant 0 : i32
          %add3A_1886 = arith.addi %add3A_1885, %mul3A_1884 : i32
          %mul3A_1887 = arith.constant 16 : i32
          %mul3A_1888 = arith.muli %add3A_1886, %mul3A_1887 : i32
          %get3A_1889 = arith.index_cast %mul3A_1888 : i32 to index
          %get3A_1890 = tpu.vector_load %arg5[%get3A_1889] {strides = array<i32>} : memref<3200xi32, #tpu.memory_space<vmem>>, vector<16xi32>,
          tpu.vector_store_idx %arg9[%get3A_1890], %broadcast_in_dim3A_5 : memref<16384xf32, #tpu.memory_space<vmem>>[vector<16xi32>], vector<16xf32>,
          %scan3A_1891 = arith.constant 4 : i32
          %scan3A_1892 = arith.addi %scan3A_1853, %scan3A_1891 : i32
          %mul3A_1893 = arith.constant 1 : i32
          %mul3A_1894 = arith.muli %scan3A_1892, %mul3A_1893 : i32
          %add3A_1895 = arith.constant 0 : i32
          %add3A_1896 = arith.addi %add3A_1895, %mul3A_1894 : i32
          %mul3A_1897 = arith.constant 16 : i32
          %mul3A_1898 = arith.muli %add3A_1896, %mul3A_1897 : i32
          %get3A_1899 = arith.index_cast %mul3A_1898 : i32 to index
          %get3A_1900 = tpu.vector_load %arg5[%get3A_1899] {strides = array<i32>} : memref<3200xi32, #tpu.memory_space<vmem>>, vector<16xi32>,
          tpu.vector_store_idx %arg9[%get3A_1900], %broadcast_in_dim3A_5 : memref<16384xf32, #tpu.memory_space<vmem>>[vector<16xi32>], vector<16xf32>,
          %scan3A_1901 = arith.constant 5 : i32
          %scan3A_1902 = arith.addi %scan3A_1853, %scan3A_1901 : i32
          %mul3A_1903 = arith.constant 1 : i32
          %mul3A_1904 = arith.muli %scan3A_1902, %mul3A_1903 : i32
          %add3A_1905 = arith.constant 0 : i32
          %add3A_1906 = arith.addi %add3A_1905, %mul3A_1904 : i32
          %mul3A_1907 = arith.constant 16 : i32
          %mul3A_1908 = arith.muli %add3A_1906, %mul3A_1907 : i32
          %get3A_1909 = arith.index_cast %mul3A_1908 : i32 to index
          %get3A_1910 = tpu.vector_load %arg5[%get3A_1909] {strides = array<i32>} : memref<3200xi32, #tpu.memory_space<vmem>>, vector<16xi32>,
          tpu.vector_store_idx %arg9[%get3A_1910], %broadcast_in_dim3A_5 : memref<16384xf32, #tpu.memory_space<vmem>>[vector<16xi32>], vector<16xf32>,
          %scan3A_1911 = arith.constant 6 : i32
          %scan3A_1912 = arith.addi %scan3A_1853, %scan3A_1911 : i32
          %mul3A_1913 = arith.constant 1 : i32
          %mul3A_1914 = arith.muli %scan3A_1912, %mul3A_1913 : i32
          %add3A_1915 = arith.constant 0 : i32
          %add3A_1916 = arith.addi %add3A_1915, %mul3A_1914 : i32
          %mul3A_1917 = arith.constant 16 : i32
          %mul3A_1918 = arith.muli %add3A_1916, %mul3A_1917 : i32
          %get3A_1919 = arith.index_cast %mul3A_1918 : i32 to index
          %get3A_1920 = tpu.vector_load %arg5[%get3A_1919] {strides = array<i32>} : memref<3200xi32, #tpu.memory_space<vmem>>, vector<16xi32>,
          tpu.vector_store_idx %arg9[%get3A_1920], %broadcast_in_dim3A_5 : memref<16384xf32, #tpu.memory_space<vmem>>[vector<16xi32>], vector<16xf32>,
          %scan3A_1921 = arith.constant 7 : i32
          %scan3A_1922 = arith.addi %scan3A_1853, %scan3A_1921 : i32
          %mul3A_1923 = arith.constant 1 : i32
          %mul3A_1924 = arith.muli %scan3A_1922, %mul3A_1923 : i32
          %add3A_1925 = arith.constant 0 : i32
          %add3A_1926 = arith.addi %add3A_1925, %mul3A_1924 : i32
          %mul3A_1927 = arith.constant 16 : i32
          %mul3A_1928 = arith.muli %add3A_1926, %mul3A_1927 : i32
          %get3A_1929 = arith.index_cast %mul3A_1928 : i32 to index
          %get3A_1930 = tpu.vector_load %arg5[%get3A_1929] {strides = array<i32>} : memref<3200xi32, #tpu.memory_space<vmem>>, vector<16xi32>,
          tpu.vector_store_idx %arg9[%get3A_1930], %broadcast_in_dim3A_5 : memref<16384xf32, #tpu.memory_space<vmem>>[vector<16xi32>], vector<16xf32>,
        }
        %scan3A_1852 = arith.constant 200 : i32
      } else {
      }
      %add3A_1348 = arith.constant 2 : i32
      %add3A_1349 = arith.addi %add3A_1342, %add3A_1348 : i32
      %lt3A_1350 = arith.constant 32 : i32
      %lt3A_1351 = arith.cmpi slt, %add3A_1349, %lt3A_1350 : i32
      %convert_element_type3A_1352 = arith.extui %lt3A_1351 : i1 to i32
      %cond3A_1353 = arith.constant 0 : i32
      %cond3A_1354 = arith.cmpi ne, %convert_element_type3A_1352, %cond3A_1353 : i32
      scf.if %cond3A_1354 {
        %add3A_1607 = arith.addi %mul3A_2, %add3A_1342 : i32
        %add3A_1608 = arith.constant 2 : i32
        %add3A_1609 = arith.addi %add3A_1607, %add3A_1608 : i32
        %dma_start3A_1610 = arith.constant 0 : i32
        %dma_start3A_1611 = tpu.memref_slice %arg2[%add3A_1609, %dma_start3A_1610] : memref<1024x3200xi32, #tpu.memory_space<hbm>> -> memref<1x3200xi32, #tpu.memory_space<hbm>>
        %dma_start3A_1612 = tpu.memref_squeeze %dma_start3A_1611 : memref<1x3200xi32, #tpu.memory_space<hbm>> -> memref<3200xi32, #tpu.memory_space<hbm>>
        %dma_start3A_1613 = arith.constant 0 : i32
        %dma_start3A_1614 = tpu.memref_slice %arg2[%add3A_1609, %dma_start3A_1613] : memref<1024x3200xi32, #tpu.memory_space<hbm>> -> memref<1x3200xi32, #tpu.memory_space<hbm>>
        %dma_start3A_1615 = tpu.memref_squeeze %dma_start3A_1614 : memref<1x3200xi32, #tpu.memory_space<hbm>> -> memref<3200xi32, #tpu.memory_space<hbm>>
        tpu.enqueue_dma source(%dma_start3A_1615 : memref<3200xi32, #tpu.memory_space<hbm>>) target(%arg5 : memref<3200xi32, #tpu.memory_space<vmem>>) target_semaphore(%arg11 : memref<!tpu.dma_semaphore, #tpu.memory_space<semaphore_mem>>)
      } else {
      }
      %add3A_1355 = arith.addi %mul3A_2, %add3A_1342 : i32
      %dma_wait3A_1356 = arith.constant 0 : i32
      %dma_wait3A_1357 = tpu.memref_slice %arg2[%add3A_1355, %dma_wait3A_1356] : memref<1024x3200xi32, #tpu.memory_space<hbm>> -> memref<1x3200xi32, #tpu.memory_space<hbm>>
      %dma_wait3A_1358 = tpu.memref_squeeze %dma_wait3A_1357 : memref<1x3200xi32, #tpu.memory_space<hbm>> -> memref<3200xi32, #tpu.memory_space<hbm>>
      %dma_wait3A_1359 = arith.constant 0 : i32
      %dma_wait3A_1360 = tpu.memref_slice %arg2[%add3A_1355, %dma_wait3A_1359] : memref<1024x3200xi32, #tpu.memory_space<hbm>> -> memref<1x3200xi32, #tpu.memory_space<hbm>>
      %dma_wait3A_1361 = tpu.memref_squeeze %dma_wait3A_1360 : memref<1x3200xi32, #tpu.memory_space<hbm>> -> memref<3200xi32, #tpu.memory_space<hbm>>
      tpu.wait_dma2 semaphore(%arg13 : memref<!tpu.dma_semaphore, #tpu.memory_space<semaphore_mem>>) src(%dma_wait3A_1361 : memref<3200xi32, #tpu.memory_space<hbm>>) dst(%arg7 : memref<3200xi32, #tpu.memory_space<vmem>>)
      %scan3A_1362 = arith.constant 0 : i32
      %scan3A_1363 = arith.constant 200 : i32
      %scan3A_1364 = arith.addi %scan3A_1362, %scan3A_1363 : i32
      %scan3A_1365 = arith.constant 8 : i32
      scf.for %scan3A_1607 = %scan3A_1362 to %scan3A_1364 step %scan3A_1365  : i32 {
        %mul3A_1608 = arith.constant 1 : i32
        %mul3A_1609 = arith.muli %scan3A_1607, %mul3A_1608 : i32
        %add3A_1610 = arith.constant 0 : i32
        %add3A_1611 = arith.addi %add3A_1610, %mul3A_1609 : i32
        %mul3A_1612 = arith.constant 16 : i32
        %mul3A_1613 = arith.muli %add3A_1611, %mul3A_1612 : i32
        %get3A = arith.index_cast %mul3A_1613 : i32 to index
        %get3A_1614 = tpu.vector_load %arg7[%get3A] {strides = array<i32>} : memref<3200xi32, #tpu.memory_space<vmem>>, vector<16xi32>,
        tpu.vector_store_idx %arg9[%get3A_1614], %broadcast_in_dim3A_3 {add = true} : memref<16384xf32, #tpu.memory_space<vmem>>[vector<16xi32>], vector<16xf32>,
        %scan3A_1615 = arith.constant 1 : i32
        %scan3A_1616 = arith.addi %scan3A_1607, %scan3A_1615 : i32
        %mul3A_1617 = arith.constant 1 : i32
        %mul3A_1618 = arith.muli %scan3A_1616, %mul3A_1617 : i32
        %add3A_1619 = arith.constant 0 : i32
        %add3A_1620 = arith.addi %add3A_1619, %mul3A_1618 : i32
        %mul3A_1621 = arith.constant 16 : i32
        %mul3A_1622 = arith.muli %add3A_1620, %mul3A_1621 : i32
        %get3A_1623 = arith.index_cast %mul3A_1622 : i32 to index
        %get3A_1624 = tpu.vector_load %arg7[%get3A_1623] {strides = array<i32>} : memref<3200xi32, #tpu.memory_space<vmem>>, vector<16xi32>,
        tpu.vector_store_idx %arg9[%get3A_1624], %broadcast_in_dim3A_3 {add = true} : memref<16384xf32, #tpu.memory_space<vmem>>[vector<16xi32>], vector<16xf32>,
        %scan3A_1625 = arith.constant 2 : i32
        %scan3A_1626 = arith.addi %scan3A_1607, %scan3A_1625 : i32
        %mul3A_1627 = arith.constant 1 : i32
        %mul3A_1628 = arith.muli %scan3A_1626, %mul3A_1627 : i32
        %add3A_1629 = arith.constant 0 : i32
        %add3A_1630 = arith.addi %add3A_1629, %mul3A_1628 : i32
        %mul3A_1631 = arith.constant 16 : i32
        %mul3A_1632 = arith.muli %add3A_1630, %mul3A_1631 : i32
        %get3A_1633 = arith.index_cast %mul3A_1632 : i32 to index
        %get3A_1634 = tpu.vector_load %arg7[%get3A_1633] {strides = array<i32>} : memref<3200xi32, #tpu.memory_space<vmem>>, vector<16xi32>,
        tpu.vector_store_idx %arg9[%get3A_1634], %broadcast_in_dim3A_3 {add = true} : memref<16384xf32, #tpu.memory_space<vmem>>[vector<16xi32>], vector<16xf32>,
        %scan3A_1635 = arith.constant 3 : i32
        %scan3A_1636 = arith.addi %scan3A_1607, %scan3A_1635 : i32
        %mul3A_1637 = arith.constant 1 : i32
        %mul3A_1638 = arith.muli %scan3A_1636, %mul3A_1637 : i32
        %add3A_1639 = arith.constant 0 : i32
        %add3A_1640 = arith.addi %add3A_1639, %mul3A_1638 : i32
        %mul3A_1641 = arith.constant 16 : i32
        %mul3A_1642 = arith.muli %add3A_1640, %mul3A_1641 : i32
        %get3A_1643 = arith.index_cast %mul3A_1642 : i32 to index
        %get3A_1644 = tpu.vector_load %arg7[%get3A_1643] {strides = array<i32>} : memref<3200xi32, #tpu.memory_space<vmem>>, vector<16xi32>,
        tpu.vector_store_idx %arg9[%get3A_1644], %broadcast_in_dim3A_3 {add = true} : memref<16384xf32, #tpu.memory_space<vmem>>[vector<16xi32>], vector<16xf32>,
        %scan3A_1645 = arith.constant 4 : i32
        %scan3A_1646 = arith.addi %scan3A_1607, %scan3A_1645 : i32
        %mul3A_1647 = arith.constant 1 : i32
        %mul3A_1648 = arith.muli %scan3A_1646, %mul3A_1647 : i32
        %add3A_1649 = arith.constant 0 : i32
        %add3A_1650 = arith.addi %add3A_1649, %mul3A_1648 : i32
        %mul3A_1651 = arith.constant 16 : i32
        %mul3A_1652 = arith.muli %add3A_1650, %mul3A_1651 : i32
        %get3A_1653 = arith.index_cast %mul3A_1652 : i32 to index
        %get3A_1654 = tpu.vector_load %arg7[%get3A_1653] {strides = array<i32>} : memref<3200xi32, #tpu.memory_space<vmem>>, vector<16xi32>,
        tpu.vector_store_idx %arg9[%get3A_1654], %broadcast_in_dim3A_3 {add = true} : memref<16384xf32, #tpu.memory_space<vmem>>[vector<16xi32>], vector<16xf32>,
        %scan3A_1655 = arith.constant 5 : i32
        %scan3A_1656 = arith.addi %scan3A_1607, %scan3A_1655 : i32
        %mul3A_1657 = arith.constant 1 : i32
        %mul3A_1658 = arith.muli %scan3A_1656, %mul3A_1657 : i32
        %add3A_1659 = arith.constant 0 : i32
        %add3A_1660 = arith.addi %add3A_1659, %mul3A_1658 : i32
        %mul3A_1661 = arith.constant 16 : i32
        %mul3A_1662 = arith.muli %add3A_1660, %mul3A_1661 : i32
        %get3A_1663 = arith.index_cast %mul3A_1662 : i32 to index
        %get3A_1664 = tpu.vector_load %arg7[%get3A_1663] {strides = array<i32>} : memref<3200xi32, #tpu.memory_space<vmem>>, vector<16xi32>,
        tpu.vector_store_idx %arg9[%get3A_1664], %broadcast_in_dim3A_3 {add = true} : memref<16384xf32, #tpu.memory_space<vmem>>[vector<16xi32>], vector<16xf32>,
        %scan3A_1665 = arith.constant 6 : i32
        %scan3A_1666 = arith.addi %scan3A_1607, %scan3A_1665 : i32
        %mul3A_1667 = arith.constant 1 : i32
        %mul3A_1668 = arith.muli %scan3A_1666, %mul3A_1667 : i32
        %add3A_1669 = arith.constant 0 : i32
        %add3A_1670 = arith.addi %add3A_1669, %mul3A_1668 : i32
        %mul3A_1671 = arith.constant 16 : i32
        %mul3A_1672 = arith.muli %add3A_1670, %mul3A_1671 : i32
        %get3A_1673 = arith.index_cast %mul3A_1672 : i32 to index
        %get3A_1674 = tpu.vector_load %arg7[%get3A_1673] {strides = array<i32>} : memref<3200xi32, #tpu.memory_space<vmem>>, vector<16xi32>,
        tpu.vector_store_idx %arg9[%get3A_1674], %broadcast_in_dim3A_3 {add = true} : memref<16384xf32, #tpu.memory_space<vmem>>[vector<16xi32>], vector<16xf32>,
        %scan3A_1675 = arith.constant 7 : i32
        %scan3A_1676 = arith.addi %scan3A_1607, %scan3A_1675 : i32
        %mul3A_1677 = arith.constant 1 : i32
        %mul3A_1678 = arith.muli %scan3A_1676, %mul3A_1677 : i32
        %add3A_1679 = arith.constant 0 : i32
        %add3A_1680 = arith.addi %add3A_1679, %mul3A_1678 : i32
        %mul3A_1681 = arith.constant 16 : i32
        %mul3A_1682 = arith.muli %add3A_1680, %mul3A_1681 : i32
        %get3A_1683 = arith.index_cast %mul3A_1682 : i32 to index
        %get3A_1684 = tpu.vector_load %arg7[%get3A_1683] {strides = array<i32>} : memref<3200xi32, #tpu.memory_space<vmem>>, vector<16xi32>,
        tpu.vector_store_idx %arg9[%get3A_1684], %broadcast_in_dim3A_3 {add = true} : memref<16384xf32, #tpu.memory_space<vmem>>[vector<16xi32>], vector<16xf32>,
      }
      %scan3A_1366 = arith.constant 200 : i32
      %add3A_1367 = arith.addi %mul3A_2, %add3A_1342 : i32
      %mul3A_1368 = arith.constant 16 : i32
      %mul3A_1369 = arith.muli %add3A_1367, %mul3A_1368 : i32
      %add3A_1370 = arith.constant 0 : i32
      %add3A_1371 = arith.addi %mul3A_1369, %add3A_1370 : i32
      %dma_start3A_1372 = arith.constant 0 : i32
      %dma_start3A_1373 = tpu.memref_slice %arg9[%dma_start3A_1372] : memref<16384xf32, #tpu.memory_space<vmem>> -> memref<1024xf32, #tpu.memory_space<vmem>>
      %dma_start3A_1374 = arith.constant 0 : i32
      %dma_start3A_1375 = tpu.memref_slice %arg3[%add3A_1371, %dma_start3A_1374] : memref<16384x1024xf32, #tpu.memory_space<hbm>> -> memref<1x1024xf32, #tpu.memory_space<hbm>>
      %dma_start3A_1376 = tpu.memref_squeeze %dma_start3A_1375 : memref<1x1024xf32, #tpu.memory_space<hbm>> -> memref<1024xf32, #tpu.memory_space<hbm>>
      %dma_start3A_1377 = arith.constant 0 : i32
      %dma_start3A_1378 = tpu.memref_slice %arg3[%add3A_1371, %dma_start3A_1377] : memref<16384x1024xf32, #tpu.memory_space<hbm>> -> memref<1x1024xf32, #tpu.memory_space<hbm>>
      %dma_start3A_1379 = tpu.memref_squeeze %dma_start3A_1378 : memref<1x1024xf32, #tpu.memory_space<hbm>> -> memref<1024xf32, #tpu.memory_space<hbm>>
      %dma_start3A_1380 = arith.constant 0 : i32
      %dma_start3A_1381 = tpu.memref_slice %arg9[%dma_start3A_1380] : memref<16384xf32, #tpu.memory_space<vmem>> -> memref<1024xf32, #tpu.memory_space<vmem>>
      tpu.enqueue_dma source(%dma_start3A_1381 : memref<1024xf32, #tpu.memory_space<vmem>>) target(%dma_start3A_1379 : memref<1024xf32, #tpu.memory_space<hbm>>) target_semaphore(%arg15 : memref<!tpu.dma_semaphore, #tpu.memory_space<semaphore_mem>>)
      %add3A_1382 = arith.addi %mul3A_2, %add3A_1342 : i32
      %mul3A_1383 = arith.constant 16 : i32
      %mul3A_1384 = arith.muli %add3A_1382, %mul3A_1383 : i32
      %add3A_1385 = arith.constant 1 : i32
      %add3A_1386 = arith.addi %mul3A_1384, %add3A_1385 : i32
      %dma_start3A_1387 = arith.constant 1024 : i32
      %dma_start3A_1388 = tpu.memref_slice %arg9[%dma_start3A_1387] : memref<16384xf32, #tpu.memory_space<vmem>> -> memref<1024xf32, #tpu.memory_space<vmem>>
      %dma_start3A_1389 = arith.constant 0 : i32
      %dma_start3A_1390 = tpu.memref_slice %arg3[%add3A_1386, %dma_start3A_1389] : memref<16384x1024xf32, #tpu.memory_space<hbm>> -> memref<1x1024xf32, #tpu.memory_space<hbm>>
      %dma_start3A_1391 = tpu.memref_squeeze %dma_start3A_1390 : memref<1x1024xf32, #tpu.memory_space<hbm>> -> memref<1024xf32, #tpu.memory_space<hbm>>
      %dma_start3A_1392 = arith.constant 0 : i32
      %dma_start3A_1393 = tpu.memref_slice %arg3[%add3A_1386, %dma_start3A_1392] : memref<16384x1024xf32, #tpu.memory_space<hbm>> -> memref<1x1024xf32, #tpu.memory_space<hbm>>
      %dma_start3A_1394 = tpu.memref_squeeze %dma_start3A_1393 : memref<1x1024xf32, #tpu.memory_space<hbm>> -> memref<1024xf32, #tpu.memory_space<hbm>>
      %dma_start3A_1395 = arith.constant 1024 : i32
      %dma_start3A_1396 = tpu.memref_slice %arg9[%dma_start3A_1395] : memref<16384xf32, #tpu.memory_space<vmem>> -> memref<1024xf32, #tpu.memory_space<vmem>>
      tpu.enqueue_dma source(%dma_start3A_1396 : memref<1024xf32, #tpu.memory_space<vmem>>) target(%dma_start3A_1394 : memref<1024xf32, #tpu.memory_space<hbm>>) target_semaphore(%arg15 : memref<!tpu.dma_semaphore, #tpu.memory_space<semaphore_mem>>)
      %add3A_1397 = arith.addi %mul3A_2, %add3A_1342 : i32
      %mul3A_1398 = arith.constant 16 : i32
      %mul3A_1399 = arith.muli %add3A_1397, %mul3A_1398 : i32
      %add3A_1400 = arith.constant 2 : i32
      %add3A_1401 = arith.addi %mul3A_1399, %add3A_1400 : i32
      %dma_start3A_1402 = arith.constant 2048 : i32
      %dma_start3A_1403 = tpu.memref_slice %arg9[%dma_start3A_1402] : memref<16384xf32, #tpu.memory_space<vmem>> -> memref<1024xf32, #tpu.memory_space<vmem>>
      %dma_start3A_1404 = arith.constant 0 : i32
      %dma_start3A_1405 = tpu.memref_slice %arg3[%add3A_1401, %dma_start3A_1404] : memref<16384x1024xf32, #tpu.memory_space<hbm>> -> memref<1x1024xf32, #tpu.memory_space<hbm>>
      %dma_start3A_1406 = tpu.memref_squeeze %dma_start3A_1405 : memref<1x1024xf32, #tpu.memory_space<hbm>> -> memref<1024xf32, #tpu.memory_space<hbm>>
      %dma_start3A_1407 = arith.constant 0 : i32
      %dma_start3A_1408 = tpu.memref_slice %arg3[%add3A_1401, %dma_start3A_1407] : memref<16384x1024xf32, #tpu.memory_space<hbm>> -> memref<1x1024xf32, #tpu.memory_space<hbm>>
      %dma_start3A_1409 = tpu.memref_squeeze %dma_start3A_1408 : memref<1x1024xf32, #tpu.memory_space<hbm>> -> memref<1024xf32, #tpu.memory_space<hbm>>
      %dma_start3A_1410 = arith.constant 2048 : i32
      %dma_start3A_1411 = tpu.memref_slice %arg9[%dma_start3A_1410] : memref<16384xf32, #tpu.memory_space<vmem>> -> memref<1024xf32, #tpu.memory_space<vmem>>
      tpu.enqueue_dma source(%dma_start3A_1411 : memref<1024xf32, #tpu.memory_space<vmem>>) target(%dma_start3A_1409 : memref<1024xf32, #tpu.memory_space<hbm>>) target_semaphore(%arg15 : memref<!tpu.dma_semaphore, #tpu.memory_space<semaphore_mem>>)
      %add3A_1412 = arith.addi %mul3A_2, %add3A_1342 : i32
      %mul3A_1413 = arith.constant 16 : i32
      %mul3A_1414 = arith.muli %add3A_1412, %mul3A_1413 : i32
      %add3A_1415 = arith.constant 3 : i32
      %add3A_1416 = arith.addi %mul3A_1414, %add3A_1415 : i32
      %dma_start3A_1417 = arith.constant 3072 : i32
      %dma_start3A_1418 = tpu.memref_slice %arg9[%dma_start3A_1417] : memref<16384xf32, #tpu.memory_space<vmem>> -> memref<1024xf32, #tpu.memory_space<vmem>>
      %dma_start3A_1419 = arith.constant 0 : i32
      %dma_start3A_1420 = tpu.memref_slice %arg3[%add3A_1416, %dma_start3A_1419] : memref<16384x1024xf32, #tpu.memory_space<hbm>> -> memref<1x1024xf32, #tpu.memory_space<hbm>>
      %dma_start3A_1421 = tpu.memref_squeeze %dma_start3A_1420 : memref<1x1024xf32, #tpu.memory_space<hbm>> -> memref<1024xf32, #tpu.memory_space<hbm>>
      %dma_start3A_1422 = arith.constant 0 : i32
      %dma_start3A_1423 = tpu.memref_slice %arg3[%add3A_1416, %dma_start3A_1422] : memref<16384x1024xf32, #tpu.memory_space<hbm>> -> memref<1x1024xf32, #tpu.memory_space<hbm>>
      %dma_start3A_1424 = tpu.memref_squeeze %dma_start3A_1423 : memref<1x1024xf32, #tpu.memory_space<hbm>> -> memref<1024xf32, #tpu.memory_space<hbm>>
      %dma_start3A_1425 = arith.constant 3072 : i32
      %dma_start3A_1426 = tpu.memref_slice %arg9[%dma_start3A_1425] : memref<16384xf32, #tpu.memory_space<vmem>> -> memref<1024xf32, #tpu.memory_space<vmem>>
      tpu.enqueue_dma source(%dma_start3A_1426 : memref<1024xf32, #tpu.memory_space<vmem>>) target(%dma_start3A_1424 : memref<1024xf32, #tpu.memory_space<hbm>>) target_semaphore(%arg15 : memref<!tpu.dma_semaphore, #tpu.memory_space<semaphore_mem>>)
      %add3A_1427 = arith.addi %mul3A_2, %add3A_1342 : i32
      %mul3A_1428 = arith.constant 16 : i32
      %mul3A_1429 = arith.muli %add3A_1427, %mul3A_1428 : i32
      %add3A_1430 = arith.constant 4 : i32
      %add3A_1431 = arith.addi %mul3A_1429, %add3A_1430 : i32
      %dma_start3A_1432 = arith.constant 4096 : i32
      %dma_start3A_1433 = tpu.memref_slice %arg9[%dma_start3A_1432] : memref<16384xf32, #tpu.memory_space<vmem>> -> memref<1024xf32, #tpu.memory_space<vmem>>
      %dma_start3A_1434 = arith.constant 0 : i32
      %dma_start3A_1435 = tpu.memref_slice %arg3[%add3A_1431, %dma_start3A_1434] : memref<16384x1024xf32, #tpu.memory_space<hbm>> -> memref<1x1024xf32, #tpu.memory_space<hbm>>
      %dma_start3A_1436 = tpu.memref_squeeze %dma_start3A_1435 : memref<1x1024xf32, #tpu.memory_space<hbm>> -> memref<1024xf32, #tpu.memory_space<hbm>>
      %dma_start3A_1437 = arith.constant 0 : i32
      %dma_start3A_1438 = tpu.memref_slice %arg3[%add3A_1431, %dma_start3A_1437] : memref<16384x1024xf32, #tpu.memory_space<hbm>> -> memref<1x1024xf32, #tpu.memory_space<hbm>>
      %dma_start3A_1439 = tpu.memref_squeeze %dma_start3A_1438 : memref<1x1024xf32, #tpu.memory_space<hbm>> -> memref<1024xf32, #tpu.memory_space<hbm>>
      %dma_start3A_1440 = arith.constant 4096 : i32
      %dma_start3A_1441 = tpu.memref_slice %arg9[%dma_start3A_1440] : memref<16384xf32, #tpu.memory_space<vmem>> -> memref<1024xf32, #tpu.memory_space<vmem>>
      tpu.enqueue_dma source(%dma_start3A_1441 : memref<1024xf32, #tpu.memory_space<vmem>>) target(%dma_start3A_1439 : memref<1024xf32, #tpu.memory_space<hbm>>) target_semaphore(%arg15 : memref<!tpu.dma_semaphore, #tpu.memory_space<semaphore_mem>>)
      %add3A_1442 = arith.addi %mul3A_2, %add3A_1342 : i32
      %mul3A_1443 = arith.constant 16 : i32
      %mul3A_1444 = arith.muli %add3A_1442, %mul3A_1443 : i32
      %add3A_1445 = arith.constant 5 : i32
      %add3A_1446 = arith.addi %mul3A_1444, %add3A_1445 : i32
      %dma_start3A_1447 = arith.constant 5120 : i32
      %dma_start3A_1448 = tpu.memref_slice %arg9[%dma_start3A_1447] : memref<16384xf32, #tpu.memory_space<vmem>> -> memref<1024xf32, #tpu.memory_space<vmem>>
      %dma_start3A_1449 = arith.constant 0 : i32
      %dma_start3A_1450 = tpu.memref_slice %arg3[%add3A_1446, %dma_start3A_1449] : memref<16384x1024xf32, #tpu.memory_space<hbm>> -> memref<1x1024xf32, #tpu.memory_space<hbm>>
      %dma_start3A_1451 = tpu.memref_squeeze %dma_start3A_1450 : memref<1x1024xf32, #tpu.memory_space<hbm>> -> memref<1024xf32, #tpu.memory_space<hbm>>
      %dma_start3A_1452 = arith.constant 0 : i32
      %dma_start3A_1453 = tpu.memref_slice %arg3[%add3A_1446, %dma_start3A_1452] : memref<16384x1024xf32, #tpu.memory_space<hbm>> -> memref<1x1024xf32, #tpu.memory_space<hbm>>
      %dma_start3A_1454 = tpu.memref_squeeze %dma_start3A_1453 : memref<1x1024xf32, #tpu.memory_space<hbm>> -> memref<1024xf32, #tpu.memory_space<hbm>>
      %dma_start3A_1455 = arith.constant 5120 : i32
      %dma_start3A_1456 = tpu.memref_slice %arg9[%dma_start3A_1455] : memref<16384xf32, #tpu.memory_space<vmem>> -> memref<1024xf32, #tpu.memory_space<vmem>>
      tpu.enqueue_dma source(%dma_start3A_1456 : memref<1024xf32, #tpu.memory_space<vmem>>) target(%dma_start3A_1454 : memref<1024xf32, #tpu.memory_space<hbm>>) target_semaphore(%arg15 : memref<!tpu.dma_semaphore, #tpu.memory_space<semaphore_mem>>)
      %add3A_1457 = arith.addi %mul3A_2, %add3A_1342 : i32
      %mul3A_1458 = arith.constant 16 : i32
      %mul3A_1459 = arith.muli %add3A_1457, %mul3A_1458 : i32
      %add3A_1460 = arith.constant 6 : i32
      %add3A_1461 = arith.addi %mul3A_1459, %add3A_1460 : i32
      %dma_start3A_1462 = arith.constant 6144 : i32
      %dma_start3A_1463 = tpu.memref_slice %arg9[%dma_start3A_1462] : memref<16384xf32, #tpu.memory_space<vmem>> -> memref<1024xf32, #tpu.memory_space<vmem>>
      %dma_start3A_1464 = arith.constant 0 : i32
      %dma_start3A_1465 = tpu.memref_slice %arg3[%add3A_1461, %dma_start3A_1464] : memref<16384x1024xf32, #tpu.memory_space<hbm>> -> memref<1x1024xf32, #tpu.memory_space<hbm>>
      %dma_start3A_1466 = tpu.memref_squeeze %dma_start3A_1465 : memref<1x1024xf32, #tpu.memory_space<hbm>> -> memref<1024xf32, #tpu.memory_space<hbm>>
      %dma_start3A_1467 = arith.constant 0 : i32
      %dma_start3A_1468 = tpu.memref_slice %arg3[%add3A_1461, %dma_start3A_1467] : memref<16384x1024xf32, #tpu.memory_space<hbm>> -> memref<1x1024xf32, #tpu.memory_space<hbm>>
      %dma_start3A_1469 = tpu.memref_squeeze %dma_start3A_1468 : memref<1x1024xf32, #tpu.memory_space<hbm>> -> memref<1024xf32, #tpu.memory_space<hbm>>
      %dma_start3A_1470 = arith.constant 6144 : i32
      %dma_start3A_1471 = tpu.memref_slice %arg9[%dma_start3A_1470] : memref<16384xf32, #tpu.memory_space<vmem>> -> memref<1024xf32, #tpu.memory_space<vmem>>
      tpu.enqueue_dma source(%dma_start3A_1471 : memref<1024xf32, #tpu.memory_space<vmem>>) target(%dma_start3A_1469 : memref<1024xf32, #tpu.memory_space<hbm>>) target_semaphore(%arg15 : memref<!tpu.dma_semaphore, #tpu.memory_space<semaphore_mem>>)
      %add3A_1472 = arith.addi %mul3A_2, %add3A_1342 : i32
      %mul3A_1473 = arith.constant 16 : i32
      %mul3A_1474 = arith.muli %add3A_1472, %mul3A_1473 : i32
      %add3A_1475 = arith.constant 7 : i32
      %add3A_1476 = arith.addi %mul3A_1474, %add3A_1475 : i32
      %dma_start3A_1477 = arith.constant 7168 : i32
      %dma_start3A_1478 = tpu.memref_slice %arg9[%dma_start3A_1477] : memref<16384xf32, #tpu.memory_space<vmem>> -> memref<1024xf32, #tpu.memory_space<vmem>>
      %dma_start3A_1479 = arith.constant 0 : i32
      %dma_start3A_1480 = tpu.memref_slice %arg3[%add3A_1476, %dma_start3A_1479] : memref<16384x1024xf32, #tpu.memory_space<hbm>> -> memref<1x1024xf32, #tpu.memory_space<hbm>>
      %dma_start3A_1481 = tpu.memref_squeeze %dma_start3A_1480 : memref<1x1024xf32, #tpu.memory_space<hbm>> -> memref<1024xf32, #tpu.memory_space<hbm>>
      %dma_start3A_1482 = arith.constant 0 : i32
      %dma_start3A_1483 = tpu.memref_slice %arg3[%add3A_1476, %dma_start3A_1482] : memref<16384x1024xf32, #tpu.memory_space<hbm>> -> memref<1x1024xf32, #tpu.memory_space<hbm>>
      %dma_start3A_1484 = tpu.memref_squeeze %dma_start3A_1483 : memref<1x1024xf32, #tpu.memory_space<hbm>> -> memref<1024xf32, #tpu.memory_space<hbm>>
      %dma_start3A_1485 = arith.constant 7168 : i32
      %dma_start3A_1486 = tpu.memref_slice %arg9[%dma_start3A_1485] : memref<16384xf32, #tpu.memory_space<vmem>> -> memref<1024xf32, #tpu.memory_space<vmem>>
      tpu.enqueue_dma source(%dma_start3A_1486 : memref<1024xf32, #tpu.memory_space<vmem>>) target(%dma_start3A_1484 : memref<1024xf32, #tpu.memory_space<hbm>>) target_semaphore(%arg15 : memref<!tpu.dma_semaphore, #tpu.memory_space<semaphore_mem>>)
      %add3A_1487 = arith.addi %mul3A_2, %add3A_1342 : i32
      %mul3A_1488 = arith.constant 16 : i32
      %mul3A_1489 = arith.muli %add3A_1487, %mul3A_1488 : i32
      %add3A_1490 = arith.constant 8 : i32
      %add3A_1491 = arith.addi %mul3A_1489, %add3A_1490 : i32
      %dma_start3A_1492 = arith.constant 8192 : i32
      %dma_start3A_1493 = tpu.memref_slice %arg9[%dma_start3A_1492] : memref<16384xf32, #tpu.memory_space<vmem>> -> memref<1024xf32, #tpu.memory_space<vmem>>
      %dma_start3A_1494 = arith.constant 0 : i32
      %dma_start3A_1495 = tpu.memref_slice %arg3[%add3A_1491, %dma_start3A_1494] : memref<16384x1024xf32, #tpu.memory_space<hbm>> -> memref<1x1024xf32, #tpu.memory_space<hbm>>
      %dma_start3A_1496 = tpu.memref_squeeze %dma_start3A_1495 : memref<1x1024xf32, #tpu.memory_space<hbm>> -> memref<1024xf32, #tpu.memory_space<hbm>>
      %dma_start3A_1497 = arith.constant 0 : i32
      %dma_start3A_1498 = tpu.memref_slice %arg3[%add3A_1491, %dma_start3A_1497] : memref<16384x1024xf32, #tpu.memory_space<hbm>> -> memref<1x1024xf32, #tpu.memory_space<hbm>>
      %dma_start3A_1499 = tpu.memref_squeeze %dma_start3A_1498 : memref<1x1024xf32, #tpu.memory_space<hbm>> -> memref<1024xf32, #tpu.memory_space<hbm>>
      %dma_start3A_1500 = arith.constant 8192 : i32
      %dma_start3A_1501 = tpu.memref_slice %arg9[%dma_start3A_1500] : memref<16384xf32, #tpu.memory_space<vmem>> -> memref<1024xf32, #tpu.memory_space<vmem>>
      tpu.enqueue_dma source(%dma_start3A_1501 : memref<1024xf32, #tpu.memory_space<vmem>>) target(%dma_start3A_1499 : memref<1024xf32, #tpu.memory_space<hbm>>) target_semaphore(%arg15 : memref<!tpu.dma_semaphore, #tpu.memory_space<semaphore_mem>>)
      %add3A_1502 = arith.addi %mul3A_2, %add3A_1342 : i32
      %mul3A_1503 = arith.constant 16 : i32
      %mul3A_1504 = arith.muli %add3A_1502, %mul3A_1503 : i32
      %add3A_1505 = arith.constant 9 : i32
      %add3A_1506 = arith.addi %mul3A_1504, %add3A_1505 : i32
      %dma_start3A_1507 = arith.constant 9216 : i32
      %dma_start3A_1508 = tpu.memref_slice %arg9[%dma_start3A_1507] : memref<16384xf32, #tpu.memory_space<vmem>> -> memref<1024xf32, #tpu.memory_space<vmem>>
      %dma_start3A_1509 = arith.constant 0 : i32
      %dma_start3A_1510 = tpu.memref_slice %arg3[%add3A_1506, %dma_start3A_1509] : memref<16384x1024xf32, #tpu.memory_space<hbm>> -> memref<1x1024xf32, #tpu.memory_space<hbm>>
      %dma_start3A_1511 = tpu.memref_squeeze %dma_start3A_1510 : memref<1x1024xf32, #tpu.memory_space<hbm>> -> memref<1024xf32, #tpu.memory_space<hbm>>
      %dma_start3A_1512 = arith.constant 0 : i32
      %dma_start3A_1513 = tpu.memref_slice %arg3[%add3A_1506, %dma_start3A_1512] : memref<16384x1024xf32, #tpu.memory_space<hbm>> -> memref<1x1024xf32, #tpu.memory_space<hbm>>
      %dma_start3A_1514 = tpu.memref_squeeze %dma_start3A_1513 : memref<1x1024xf32, #tpu.memory_space<hbm>> -> memref<1024xf32, #tpu.memory_space<hbm>>
      %dma_start3A_1515 = arith.constant 9216 : i32
      %dma_start3A_1516 = tpu.memref_slice %arg9[%dma_start3A_1515] : memref<16384xf32, #tpu.memory_space<vmem>> -> memref<1024xf32, #tpu.memory_space<vmem>>
      tpu.enqueue_dma source(%dma_start3A_1516 : memref<1024xf32, #tpu.memory_space<vmem>>) target(%dma_start3A_1514 : memref<1024xf32, #tpu.memory_space<hbm>>) target_semaphore(%arg15 : memref<!tpu.dma_semaphore, #tpu.memory_space<semaphore_mem>>)
      %add3A_1517 = arith.addi %mul3A_2, %add3A_1342 : i32
      %mul3A_1518 = arith.constant 16 : i32
      %mul3A_1519 = arith.muli %add3A_1517, %mul3A_1518 : i32
      %add3A_1520 = arith.constant 10 : i32
      %add3A_1521 = arith.addi %mul3A_1519, %add3A_1520 : i32
      %dma_start3A_1522 = arith.constant 10240 : i32
      %dma_start3A_1523 = tpu.memref_slice %arg9[%dma_start3A_1522] : memref<16384xf32, #tpu.memory_space<vmem>> -> memref<1024xf32, #tpu.memory_space<vmem>>
      %dma_start3A_1524 = arith.constant 0 : i32
      %dma_start3A_1525 = tpu.memref_slice %arg3[%add3A_1521, %dma_start3A_1524] : memref<16384x1024xf32, #tpu.memory_space<hbm>> -> memref<1x1024xf32, #tpu.memory_space<hbm>>
      %dma_start3A_1526 = tpu.memref_squeeze %dma_start3A_1525 : memref<1x1024xf32, #tpu.memory_space<hbm>> -> memref<1024xf32, #tpu.memory_space<hbm>>
      %dma_start3A_1527 = arith.constant 0 : i32
      %dma_start3A_1528 = tpu.memref_slice %arg3[%add3A_1521, %dma_start3A_1527] : memref<16384x1024xf32, #tpu.memory_space<hbm>> -> memref<1x1024xf32, #tpu.memory_space<hbm>>
      %dma_start3A_1529 = tpu.memref_squeeze %dma_start3A_1528 : memref<1x1024xf32, #tpu.memory_space<hbm>> -> memref<1024xf32, #tpu.memory_space<hbm>>
      %dma_start3A_1530 = arith.constant 10240 : i32
      %dma_start3A_1531 = tpu.memref_slice %arg9[%dma_start3A_1530] : memref<16384xf32, #tpu.memory_space<vmem>> -> memref<1024xf32, #tpu.memory_space<vmem>>
      tpu.enqueue_dma source(%dma_start3A_1531 : memref<1024xf32, #tpu.memory_space<vmem>>) target(%dma_start3A_1529 : memref<1024xf32, #tpu.memory_space<hbm>>) target_semaphore(%arg15 : memref<!tpu.dma_semaphore, #tpu.memory_space<semaphore_mem>>)
      %add3A_1532 = arith.addi %mul3A_2, %add3A_1342 : i32
      %mul3A_1533 = arith.constant 16 : i32
      %mul3A_1534 = arith.muli %add3A_1532, %mul3A_1533 : i32
      %add3A_1535 = arith.constant 11 : i32
      %add3A_1536 = arith.addi %mul3A_1534, %add3A_1535 : i32
      %dma_start3A_1537 = arith.constant 11264 : i32
      %dma_start3A_1538 = tpu.memref_slice %arg9[%dma_start3A_1537] : memref<16384xf32, #tpu.memory_space<vmem>> -> memref<1024xf32, #tpu.memory_space<vmem>>
      %dma_start3A_1539 = arith.constant 0 : i32
      %dma_start3A_1540 = tpu.memref_slice %arg3[%add3A_1536, %dma_start3A_1539] : memref<16384x1024xf32, #tpu.memory_space<hbm>> -> memref<1x1024xf32, #tpu.memory_space<hbm>>
      %dma_start3A_1541 = tpu.memref_squeeze %dma_start3A_1540 : memref<1x1024xf32, #tpu.memory_space<hbm>> -> memref<1024xf32, #tpu.memory_space<hbm>>
      %dma_start3A_1542 = arith.constant 0 : i32
      %dma_start3A_1543 = tpu.memref_slice %arg3[%add3A_1536, %dma_start3A_1542] : memref<16384x1024xf32, #tpu.memory_space<hbm>> -> memref<1x1024xf32, #tpu.memory_space<hbm>>
      %dma_start3A_1544 = tpu.memref_squeeze %dma_start3A_1543 : memref<1x1024xf32, #tpu.memory_space<hbm>> -> memref<1024xf32, #tpu.memory_space<hbm>>
      %dma_start3A_1545 = arith.constant 11264 : i32
      %dma_start3A_1546 = tpu.memref_slice %arg9[%dma_start3A_1545] : memref<16384xf32, #tpu.memory_space<vmem>> -> memref<1024xf32, #tpu.memory_space<vmem>>
      tpu.enqueue_dma source(%dma_start3A_1546 : memref<1024xf32, #tpu.memory_space<vmem>>) target(%dma_start3A_1544 : memref<1024xf32, #tpu.memory_space<hbm>>) target_semaphore(%arg15 : memref<!tpu.dma_semaphore, #tpu.memory_space<semaphore_mem>>)
      %add3A_1547 = arith.addi %mul3A_2, %add3A_1342 : i32
      %mul3A_1548 = arith.constant 16 : i32
      %mul3A_1549 = arith.muli %add3A_1547, %mul3A_1548 : i32
      %add3A_1550 = arith.constant 12 : i32
      %add3A_1551 = arith.addi %mul3A_1549, %add3A_1550 : i32
      %dma_start3A_1552 = arith.constant 12288 : i32
      %dma_start3A_1553 = tpu.memref_slice %arg9[%dma_start3A_1552] : memref<16384xf32, #tpu.memory_space<vmem>> -> memref<1024xf32, #tpu.memory_space<vmem>>
      %dma_start3A_1554 = arith.constant 0 : i32
      %dma_start3A_1555 = tpu.memref_slice %arg3[%add3A_1551, %dma_start3A_1554] : memref<16384x1024xf32, #tpu.memory_space<hbm>> -> memref<1x1024xf32, #tpu.memory_space<hbm>>
      %dma_start3A_1556 = tpu.memref_squeeze %dma_start3A_1555 : memref<1x1024xf32, #tpu.memory_space<hbm>> -> memref<1024xf32, #tpu.memory_space<hbm>>
      %dma_start3A_1557 = arith.constant 0 : i32
      %dma_start3A_1558 = tpu.memref_slice %arg3[%add3A_1551, %dma_start3A_1557] : memref<16384x1024xf32, #tpu.memory_space<hbm>> -> memref<1x1024xf32, #tpu.memory_space<hbm>>
      %dma_start3A_1559 = tpu.memref_squeeze %dma_start3A_1558 : memref<1x1024xf32, #tpu.memory_space<hbm>> -> memref<1024xf32, #tpu.memory_space<hbm>>
      %dma_start3A_1560 = arith.constant 12288 : i32
      %dma_start3A_1561 = tpu.memref_slice %arg9[%dma_start3A_1560] : memref<16384xf32, #tpu.memory_space<vmem>> -> memref<1024xf32, #tpu.memory_space<vmem>>
      tpu.enqueue_dma source(%dma_start3A_1561 : memref<1024xf32, #tpu.memory_space<vmem>>) target(%dma_start3A_1559 : memref<1024xf32, #tpu.memory_space<hbm>>) target_semaphore(%arg15 : memref<!tpu.dma_semaphore, #tpu.memory_space<semaphore_mem>>)
      %add3A_1562 = arith.addi %mul3A_2, %add3A_1342 : i32
      %mul3A_1563 = arith.constant 16 : i32
      %mul3A_1564 = arith.muli %add3A_1562, %mul3A_1563 : i32
      %add3A_1565 = arith.constant 13 : i32
      %add3A_1566 = arith.addi %mul3A_1564, %add3A_1565 : i32
      %dma_start3A_1567 = arith.constant 13312 : i32
      %dma_start3A_1568 = tpu.memref_slice %arg9[%dma_start3A_1567] : memref<16384xf32, #tpu.memory_space<vmem>> -> memref<1024xf32, #tpu.memory_space<vmem>>
      %dma_start3A_1569 = arith.constant 0 : i32
      %dma_start3A_1570 = tpu.memref_slice %arg3[%add3A_1566, %dma_start3A_1569] : memref<16384x1024xf32, #tpu.memory_space<hbm>> -> memref<1x1024xf32, #tpu.memory_space<hbm>>
      %dma_start3A_1571 = tpu.memref_squeeze %dma_start3A_1570 : memref<1x1024xf32, #tpu.memory_space<hbm>> -> memref<1024xf32, #tpu.memory_space<hbm>>
      %dma_start3A_1572 = arith.constant 0 : i32
      %dma_start3A_1573 = tpu.memref_slice %arg3[%add3A_1566, %dma_start3A_1572] : memref<16384x1024xf32, #tpu.memory_space<hbm>> -> memref<1x1024xf32, #tpu.memory_space<hbm>>
      %dma_start3A_1574 = tpu.memref_squeeze %dma_start3A_1573 : memref<1x1024xf32, #tpu.memory_space<hbm>> -> memref<1024xf32, #tpu.memory_space<hbm>>
      %dma_start3A_1575 = arith.constant 13312 : i32
      %dma_start3A_1576 = tpu.memref_slice %arg9[%dma_start3A_1575] : memref<16384xf32, #tpu.memory_space<vmem>> -> memref<1024xf32, #tpu.memory_space<vmem>>
      tpu.enqueue_dma source(%dma_start3A_1576 : memref<1024xf32, #tpu.memory_space<vmem>>) target(%dma_start3A_1574 : memref<1024xf32, #tpu.memory_space<hbm>>) target_semaphore(%arg15 : memref<!tpu.dma_semaphore, #tpu.memory_space<semaphore_mem>>)
      %add3A_1577 = arith.addi %mul3A_2, %add3A_1342 : i32
      %mul3A_1578 = arith.constant 16 : i32
      %mul3A_1579 = arith.muli %add3A_1577, %mul3A_1578 : i32
      %add3A_1580 = arith.constant 14 : i32
      %add3A_1581 = arith.addi %mul3A_1579, %add3A_1580 : i32
      %dma_start3A_1582 = arith.constant 14336 : i32
      %dma_start3A_1583 = tpu.memref_slice %arg9[%dma_start3A_1582] : memref<16384xf32, #tpu.memory_space<vmem>> -> memref<1024xf32, #tpu.memory_space<vmem>>
      %dma_start3A_1584 = arith.constant 0 : i32
      %dma_start3A_1585 = tpu.memref_slice %arg3[%add3A_1581, %dma_start3A_1584] : memref<16384x1024xf32, #tpu.memory_space<hbm>> -> memref<1x1024xf32, #tpu.memory_space<hbm>>
      %dma_start3A_1586 = tpu.memref_squeeze %dma_start3A_1585 : memref<1x1024xf32, #tpu.memory_space<hbm>> -> memref<1024xf32, #tpu.memory_space<hbm>>
      %dma_start3A_1587 = arith.constant 0 : i32
      %dma_start3A_1588 = tpu.memref_slice %arg3[%add3A_1581, %dma_start3A_1587] : memref<16384x1024xf32, #tpu.memory_space<hbm>> -> memref<1x1024xf32, #tpu.memory_space<hbm>>
      %dma_start3A_1589 = tpu.memref_squeeze %dma_start3A_1588 : memref<1x1024xf32, #tpu.memory_space<hbm>> -> memref<1024xf32, #tpu.memory_space<hbm>>
      %dma_start3A_1590 = arith.constant 14336 : i32
      %dma_start3A_1591 = tpu.memref_slice %arg9[%dma_start3A_1590] : memref<16384xf32, #tpu.memory_space<vmem>> -> memref<1024xf32, #tpu.memory_space<vmem>>
      tpu.enqueue_dma source(%dma_start3A_1591 : memref<1024xf32, #tpu.memory_space<vmem>>) target(%dma_start3A_1589 : memref<1024xf32, #tpu.memory_space<hbm>>) target_semaphore(%arg15 : memref<!tpu.dma_semaphore, #tpu.memory_space<semaphore_mem>>)
      %add3A_1592 = arith.addi %mul3A_2, %add3A_1342 : i32
      %mul3A_1593 = arith.constant 16 : i32
      %mul3A_1594 = arith.muli %add3A_1592, %mul3A_1593 : i32
      %add3A_1595 = arith.constant 15 : i32
      %add3A_1596 = arith.addi %mul3A_1594, %add3A_1595 : i32
      %dma_start3A_1597 = arith.constant 15360 : i32
      %dma_start3A_1598 = tpu.memref_slice %arg9[%dma_start3A_1597] : memref<16384xf32, #tpu.memory_space<vmem>> -> memref<1024xf32, #tpu.memory_space<vmem>>
      %dma_start3A_1599 = arith.constant 0 : i32
      %dma_start3A_1600 = tpu.memref_slice %arg3[%add3A_1596, %dma_start3A_1599] : memref<16384x1024xf32, #tpu.memory_space<hbm>> -> memref<1x1024xf32, #tpu.memory_space<hbm>>
      %dma_start3A_1601 = tpu.memref_squeeze %dma_start3A_1600 : memref<1x1024xf32, #tpu.memory_space<hbm>> -> memref<1024xf32, #tpu.memory_space<hbm>>
      %dma_start3A_1602 = arith.constant 0 : i32
      %dma_start3A_1603 = tpu.memref_slice %arg3[%add3A_1596, %dma_start3A_1602] : memref<16384x1024xf32, #tpu.memory_space<hbm>> -> memref<1x1024xf32, #tpu.memory_space<hbm>>
      %dma_start3A_1604 = tpu.memref_squeeze %dma_start3A_1603 : memref<1x1024xf32, #tpu.memory_space<hbm>> -> memref<1024xf32, #tpu.memory_space<hbm>>
      %dma_start3A_1605 = arith.constant 15360 : i32
      %dma_start3A_1606 = tpu.memref_slice %arg9[%dma_start3A_1605] : memref<16384xf32, #tpu.memory_space<vmem>> -> memref<1024xf32, #tpu.memory_space<vmem>>
      tpu.enqueue_dma source(%dma_start3A_1606 : memref<1024xf32, #tpu.memory_space<vmem>>) target(%dma_start3A_1604 : memref<1024xf32, #tpu.memory_space<hbm>>) target_semaphore(%arg15 : memref<!tpu.dma_semaphore, #tpu.memory_space<semaphore_mem>>)
    }
    %scan3A_32 = arith.constant 8 : i32
    %add3A_33 = arith.constant 30 : i32
    %add3A_34 = arith.addi %mul3A_2, %add3A_33 : i32
    %mul3A_35 = arith.constant 16 : i32
    %mul3A_36 = arith.muli %add3A_34, %mul3A_35 : i32
    %add3A_37 = arith.constant 0 : i32
    %add3A_38 = arith.addi %mul3A_36, %add3A_37 : i32
    %dma_wait3A = arith.constant 0 : i32
    %dma_wait3A_39 = tpu.memref_slice %arg8[%dma_wait3A] : memref<16384xf32, #tpu.memory_space<vmem>> -> memref<1024xf32, #tpu.memory_space<vmem>>
    %dma_wait3A_40 = arith.constant 0 : i32
    %dma_wait3A_41 = tpu.memref_slice %arg3[%add3A_38, %dma_wait3A_40] : memref<16384x1024xf32, #tpu.memory_space<hbm>> -> memref<1x1024xf32, #tpu.memory_space<hbm>>
    %dma_wait3A_42 = tpu.memref_squeeze %dma_wait3A_41 : memref<1x1024xf32, #tpu.memory_space<hbm>> -> memref<1024xf32, #tpu.memory_space<hbm>>
    %dma_wait3A_43 = arith.constant 0 : i32
    %dma_wait3A_44 = tpu.memref_slice %arg3[%add3A_38, %dma_wait3A_43] : memref<16384x1024xf32, #tpu.memory_space<hbm>> -> memref<1x1024xf32, #tpu.memory_space<hbm>>
    %dma_wait3A_45 = tpu.memref_squeeze %dma_wait3A_44 : memref<1x1024xf32, #tpu.memory_space<hbm>> -> memref<1024xf32, #tpu.memory_space<hbm>>
    %dma_wait3A_46 = arith.constant 0 : i32
    %dma_wait3A_47 = tpu.memref_slice %arg8[%dma_wait3A_46] : memref<16384xf32, #tpu.memory_space<vmem>> -> memref<1024xf32, #tpu.memory_space<vmem>>
    tpu.wait_dma2 semaphore(%arg14 : memref<!tpu.dma_semaphore, #tpu.memory_space<semaphore_mem>>) src(%dma_wait3A_47 : memref<1024xf32, #tpu.memory_space<vmem>>) dst(%dma_wait3A_45 : memref<1024xf32, #tpu.memory_space<hbm>>)
    %add3A_48 = arith.constant 30 : i32
    %add3A_49 = arith.addi %mul3A_2, %add3A_48 : i32
    %mul3A_50 = arith.constant 16 : i32
    %mul3A_51 = arith.muli %add3A_49, %mul3A_50 : i32
    %add3A_52 = arith.constant 1 : i32
    %add3A_53 = arith.addi %mul3A_51, %add3A_52 : i32
    %dma_wait3A_54 = arith.constant 1024 : i32
    %dma_wait3A_55 = tpu.memref_slice %arg8[%dma_wait3A_54] : memref<16384xf32, #tpu.memory_space<vmem>> -> memref<1024xf32, #tpu.memory_space<vmem>>
    %dma_wait3A_56 = arith.constant 0 : i32
    %dma_wait3A_57 = tpu.memref_slice %arg3[%add3A_53, %dma_wait3A_56] : memref<16384x1024xf32, #tpu.memory_space<hbm>> -> memref<1x1024xf32, #tpu.memory_space<hbm>>
    %dma_wait3A_58 = tpu.memref_squeeze %dma_wait3A_57 : memref<1x1024xf32, #tpu.memory_space<hbm>> -> memref<1024xf32, #tpu.memory_space<hbm>>
    %dma_wait3A_59 = arith.constant 0 : i32
    %dma_wait3A_60 = tpu.memref_slice %arg3[%add3A_53, %dma_wait3A_59] : memref<16384x1024xf32, #tpu.memory_space<hbm>> -> memref<1x1024xf32, #tpu.memory_space<hbm>>
    %dma_wait3A_61 = tpu.memref_squeeze %dma_wait3A_60 : memref<1x1024xf32, #tpu.memory_space<hbm>> -> memref<1024xf32, #tpu.memory_space<hbm>>
    %dma_wait3A_62 = arith.constant 1024 : i32
    %dma_wait3A_63 = tpu.memref_slice %arg8[%dma_wait3A_62] : memref<16384xf32, #tpu.memory_space<vmem>> -> memref<1024xf32, #tpu.memory_space<vmem>>
    tpu.wait_dma2 semaphore(%arg14 : memref<!tpu.dma_semaphore, #tpu.memory_space<semaphore_mem>>) src(%dma_wait3A_63 : memref<1024xf32, #tpu.memory_space<vmem>>) dst(%dma_wait3A_61 : memref<1024xf32, #tpu.memory_space<hbm>>)
    %add3A_64 = arith.constant 30 : i32
    %add3A_65 = arith.addi %mul3A_2, %add3A_64 : i32
    %mul3A_66 = arith.constant 16 : i32
    %mul3A_67 = arith.muli %add3A_65, %mul3A_66 : i32
    %add3A_68 = arith.constant 2 : i32
    %add3A_69 = arith.addi %mul3A_67, %add3A_68 : i32
    %dma_wait3A_70 = arith.constant 2048 : i32
    %dma_wait3A_71 = tpu.memref_slice %arg8[%dma_wait3A_70] : memref<16384xf32, #tpu.memory_space<vmem>> -> memref<1024xf32, #tpu.memory_space<vmem>>
    %dma_wait3A_72 = arith.constant 0 : i32
    %dma_wait3A_73 = tpu.memref_slice %arg3[%add3A_69, %dma_wait3A_72] : memref<16384x1024xf32, #tpu.memory_space<hbm>> -> memref<1x1024xf32, #tpu.memory_space<hbm>>
    %dma_wait3A_74 = tpu.memref_squeeze %dma_wait3A_73 : memref<1x1024xf32, #tpu.memory_space<hbm>> -> memref<1024xf32, #tpu.memory_space<hbm>>
    %dma_wait3A_75 = arith.constant 0 : i32
    %dma_wait3A_76 = tpu.memref_slice %arg3[%add3A_69, %dma_wait3A_75] : memref<16384x1024xf32, #tpu.memory_space<hbm>> -> memref<1x1024xf32, #tpu.memory_space<hbm>>
    %dma_wait3A_77 = tpu.memref_squeeze %dma_wait3A_76 : memref<1x1024xf32, #tpu.memory_space<hbm>> -> memref<1024xf32, #tpu.memory_space<hbm>>
    %dma_wait3A_78 = arith.constant 2048 : i32
    %dma_wait3A_79 = tpu.memref_slice %arg8[%dma_wait3A_78] : memref<16384xf32, #tpu.memory_space<vmem>> -> memref<1024xf32, #tpu.memory_space<vmem>>
    tpu.wait_dma2 semaphore(%arg14 : memref<!tpu.dma_semaphore, #tpu.memory_space<semaphore_mem>>) src(%dma_wait3A_79 : memref<1024xf32, #tpu.memory_space<vmem>>) dst(%dma_wait3A_77 : memref<1024xf32, #tpu.memory_space<hbm>>)
    %add3A_80 = arith.constant 30 : i32
    %add3A_81 = arith.addi %mul3A_2, %add3A_80 : i32
    %mul3A_82 = arith.constant 16 : i32
    %mul3A_83 = arith.muli %add3A_81, %mul3A_82 : i32
    %add3A_84 = arith.constant 3 : i32
    %add3A_85 = arith.addi %mul3A_83, %add3A_84 : i32
    %dma_wait3A_86 = arith.constant 3072 : i32
    %dma_wait3A_87 = tpu.memref_slice %arg8[%dma_wait3A_86] : memref<16384xf32, #tpu.memory_space<vmem>> -> memref<1024xf32, #tpu.memory_space<vmem>>
    %dma_wait3A_88 = arith.constant 0 : i32
    %dma_wait3A_89 = tpu.memref_slice %arg3[%add3A_85, %dma_wait3A_88] : memref<16384x1024xf32, #tpu.memory_space<hbm>> -> memref<1x1024xf32, #tpu.memory_space<hbm>>
    %dma_wait3A_90 = tpu.memref_squeeze %dma_wait3A_89 : memref<1x1024xf32, #tpu.memory_space<hbm>> -> memref<1024xf32, #tpu.memory_space<hbm>>
    %dma_wait3A_91 = arith.constant 0 : i32
    %dma_wait3A_92 = tpu.memref_slice %arg3[%add3A_85, %dma_wait3A_91] : memref<16384x1024xf32, #tpu.memory_space<hbm>> -> memref<1x1024xf32, #tpu.memory_space<hbm>>
    %dma_wait3A_93 = tpu.memref_squeeze %dma_wait3A_92 : memref<1x1024xf32, #tpu.memory_space<hbm>> -> memref<1024xf32, #tpu.memory_space<hbm>>
    %dma_wait3A_94 = arith.constant 3072 : i32
    %dma_wait3A_95 = tpu.memref_slice %arg8[%dma_wait3A_94] : memref<16384xf32, #tpu.memory_space<vmem>> -> memref<1024xf32, #tpu.memory_space<vmem>>
    tpu.wait_dma2 semaphore(%arg14 : memref<!tpu.dma_semaphore, #tpu.memory_space<semaphore_mem>>) src(%dma_wait3A_95 : memref<1024xf32, #tpu.memory_space<vmem>>) dst(%dma_wait3A_93 : memref<1024xf32, #tpu.memory_space<hbm>>)
    %add3A_96 = arith.constant 30 : i32
    %add3A_97 = arith.addi %mul3A_2, %add3A_96 : i32
    %mul3A_98 = arith.constant 16 : i32
    %mul3A_99 = arith.muli %add3A_97, %mul3A_98 : i32
    %add3A_100 = arith.constant 4 : i32
    %add3A_101 = arith.addi %mul3A_99, %add3A_100 : i32
    %dma_wait3A_102 = arith.constant 4096 : i32
    %dma_wait3A_103 = tpu.memref_slice %arg8[%dma_wait3A_102] : memref<16384xf32, #tpu.memory_space<vmem>> -> memref<1024xf32, #tpu.memory_space<vmem>>
    %dma_wait3A_104 = arith.constant 0 : i32
    %dma_wait3A_105 = tpu.memref_slice %arg3[%add3A_101, %dma_wait3A_104] : memref<16384x1024xf32, #tpu.memory_space<hbm>> -> memref<1x1024xf32, #tpu.memory_space<hbm>>
    %dma_wait3A_106 = tpu.memref_squeeze %dma_wait3A_105 : memref<1x1024xf32, #tpu.memory_space<hbm>> -> memref<1024xf32, #tpu.memory_space<hbm>>
    %dma_wait3A_107 = arith.constant 0 : i32
    %dma_wait3A_108 = tpu.memref_slice %arg3[%add3A_101, %dma_wait3A_107] : memref<16384x1024xf32, #tpu.memory_space<hbm>> -> memref<1x1024xf32, #tpu.memory_space<hbm>>
    %dma_wait3A_109 = tpu.memref_squeeze %dma_wait3A_108 : memref<1x1024xf32, #tpu.memory_space<hbm>> -> memref<1024xf32, #tpu.memory_space<hbm>>
    %dma_wait3A_110 = arith.constant 4096 : i32
    %dma_wait3A_111 = tpu.memref_slice %arg8[%dma_wait3A_110] : memref<16384xf32, #tpu.memory_space<vmem>> -> memref<1024xf32, #tpu.memory_space<vmem>>
    tpu.wait_dma2 semaphore(%arg14 : memref<!tpu.dma_semaphore, #tpu.memory_space<semaphore_mem>>) src(%dma_wait3A_111 : memref<1024xf32, #tpu.memory_space<vmem>>) dst(%dma_wait3A_109 : memref<1024xf32, #tpu.memory_space<hbm>>)
    %add3A_112 = arith.constant 30 : i32
    %add3A_113 = arith.addi %mul3A_2, %add3A_112 : i32
    %mul3A_114 = arith.constant 16 : i32
    %mul3A_115 = arith.muli %add3A_113, %mul3A_114 : i32
    %add3A_116 = arith.constant 5 : i32
    %add3A_117 = arith.addi %mul3A_115, %add3A_116 : i32
    %dma_wait3A_118 = arith.constant 5120 : i32
    %dma_wait3A_119 = tpu.memref_slice %arg8[%dma_wait3A_118] : memref<16384xf32, #tpu.memory_space<vmem>> -> memref<1024xf32, #tpu.memory_space<vmem>>
    %dma_wait3A_120 = arith.constant 0 : i32
    %dma_wait3A_121 = tpu.memref_slice %arg3[%add3A_117, %dma_wait3A_120] : memref<16384x1024xf32, #tpu.memory_space<hbm>> -> memref<1x1024xf32, #tpu.memory_space<hbm>>
    %dma_wait3A_122 = tpu.memref_squeeze %dma_wait3A_121 : memref<1x1024xf32, #tpu.memory_space<hbm>> -> memref<1024xf32, #tpu.memory_space<hbm>>
    %dma_wait3A_123 = arith.constant 0 : i32
    %dma_wait3A_124 = tpu.memref_slice %arg3[%add3A_117, %dma_wait3A_123] : memref<16384x1024xf32, #tpu.memory_space<hbm>> -> memref<1x1024xf32, #tpu.memory_space<hbm>>
    %dma_wait3A_125 = tpu.memref_squeeze %dma_wait3A_124 : memref<1x1024xf32, #tpu.memory_space<hbm>> -> memref<1024xf32, #tpu.memory_space<hbm>>
    %dma_wait3A_126 = arith.constant 5120 : i32
    %dma_wait3A_127 = tpu.memref_slice %arg8[%dma_wait3A_126] : memref<16384xf32, #tpu.memory_space<vmem>> -> memref<1024xf32, #tpu.memory_space<vmem>>
    tpu.wait_dma2 semaphore(%arg14 : memref<!tpu.dma_semaphore, #tpu.memory_space<semaphore_mem>>) src(%dma_wait3A_127 : memref<1024xf32, #tpu.memory_space<vmem>>) dst(%dma_wait3A_125 : memref<1024xf32, #tpu.memory_space<hbm>>)
    %add3A_128 = arith.constant 30 : i32
    %add3A_129 = arith.addi %mul3A_2, %add3A_128 : i32
    %mul3A_130 = arith.constant 16 : i32
    %mul3A_131 = arith.muli %add3A_129, %mul3A_130 : i32
    %add3A_132 = arith.constant 6 : i32
    %add3A_133 = arith.addi %mul3A_131, %add3A_132 : i32
    %dma_wait3A_134 = arith.constant 6144 : i32
    %dma_wait3A_135 = tpu.memref_slice %arg8[%dma_wait3A_134] : memref<16384xf32, #tpu.memory_space<vmem>> -> memref<1024xf32, #tpu.memory_space<vmem>>
    %dma_wait3A_136 = arith.constant 0 : i32
    %dma_wait3A_137 = tpu.memref_slice %arg3[%add3A_133, %dma_wait3A_136] : memref<16384x1024xf32, #tpu.memory_space<hbm>> -> memref<1x1024xf32, #tpu.memory_space<hbm>>
    %dma_wait3A_138 = tpu.memref_squeeze %dma_wait3A_137 : memref<1x1024xf32, #tpu.memory_space<hbm>> -> memref<1024xf32, #tpu.memory_space<hbm>>
    %dma_wait3A_139 = arith.constant 0 : i32
    %dma_wait3A_140 = tpu.memref_slice %arg3[%add3A_133, %dma_wait3A_139] : memref<16384x1024xf32, #tpu.memory_space<hbm>> -> memref<1x1024xf32, #tpu.memory_space<hbm>>
    %dma_wait3A_141 = tpu.memref_squeeze %dma_wait3A_140 : memref<1x1024xf32, #tpu.memory_space<hbm>> -> memref<1024xf32, #tpu.memory_space<hbm>>
    %dma_wait3A_142 = arith.constant 6144 : i32
    %dma_wait3A_143 = tpu.memref_slice %arg8[%dma_wait3A_142] : memref<16384xf32, #tpu.memory_space<vmem>> -> memref<1024xf32, #tpu.memory_space<vmem>>
    tpu.wait_dma2 semaphore(%arg14 : memref<!tpu.dma_semaphore, #tpu.memory_space<semaphore_mem>>) src(%dma_wait3A_143 : memref<1024xf32, #tpu.memory_space<vmem>>) dst(%dma_wait3A_141 : memref<1024xf32, #tpu.memory_space<hbm>>)
    %add3A_144 = arith.constant 30 : i32
    %add3A_145 = arith.addi %mul3A_2, %add3A_144 : i32
    %mul3A_146 = arith.constant 16 : i32
    %mul3A_147 = arith.muli %add3A_145, %mul3A_146 : i32
    %add3A_148 = arith.constant 7 : i32
    %add3A_149 = arith.addi %mul3A_147, %add3A_148 : i32
    %dma_wait3A_150 = arith.constant 7168 : i32
    %dma_wait3A_151 = tpu.memref_slice %arg8[%dma_wait3A_150] : memref<16384xf32, #tpu.memory_space<vmem>> -> memref<1024xf32, #tpu.memory_space<vmem>>
    %dma_wait3A_152 = arith.constant 0 : i32
    %dma_wait3A_153 = tpu.memref_slice %arg3[%add3A_149, %dma_wait3A_152] : memref<16384x1024xf32, #tpu.memory_space<hbm>> -> memref<1x1024xf32, #tpu.memory_space<hbm>>
    %dma_wait3A_154 = tpu.memref_squeeze %dma_wait3A_153 : memref<1x1024xf32, #tpu.memory_space<hbm>> -> memref<1024xf32, #tpu.memory_space<hbm>>
    %dma_wait3A_155 = arith.constant 0 : i32
    %dma_wait3A_156 = tpu.memref_slice %arg3[%add3A_149, %dma_wait3A_155] : memref<16384x1024xf32, #tpu.memory_space<hbm>> -> memref<1x1024xf32, #tpu.memory_space<hbm>>
    %dma_wait3A_157 = tpu.memref_squeeze %dma_wait3A_156 : memref<1x1024xf32, #tpu.memory_space<hbm>> -> memref<1024xf32, #tpu.memory_space<hbm>>
    %dma_wait3A_158 = arith.constant 7168 : i32
    %dma_wait3A_159 = tpu.memref_slice %arg8[%dma_wait3A_158] : memref<16384xf32, #tpu.memory_space<vmem>> -> memref<1024xf32, #tpu.memory_space<vmem>>
    tpu.wait_dma2 semaphore(%arg14 : memref<!tpu.dma_semaphore, #tpu.memory_space<semaphore_mem>>) src(%dma_wait3A_159 : memref<1024xf32, #tpu.memory_space<vmem>>) dst(%dma_wait3A_157 : memref<1024xf32, #tpu.memory_space<hbm>>)
    %add3A_160 = arith.constant 30 : i32
    %add3A_161 = arith.addi %mul3A_2, %add3A_160 : i32
    %mul3A_162 = arith.constant 16 : i32
    %mul3A_163 = arith.muli %add3A_161, %mul3A_162 : i32
    %add3A_164 = arith.constant 8 : i32
    %add3A_165 = arith.addi %mul3A_163, %add3A_164 : i32
    %dma_wait3A_166 = arith.constant 8192 : i32
    %dma_wait3A_167 = tpu.memref_slice %arg8[%dma_wait3A_166] : memref<16384xf32, #tpu.memory_space<vmem>> -> memref<1024xf32, #tpu.memory_space<vmem>>
    %dma_wait3A_168 = arith.constant 0 : i32
    %dma_wait3A_169 = tpu.memref_slice %arg3[%add3A_165, %dma_wait3A_168] : memref<16384x1024xf32, #tpu.memory_space<hbm>> -> memref<1x1024xf32, #tpu.memory_space<hbm>>
    %dma_wait3A_170 = tpu.memref_squeeze %dma_wait3A_169 : memref<1x1024xf32, #tpu.memory_space<hbm>> -> memref<1024xf32, #tpu.memory_space<hbm>>
    %dma_wait3A_171 = arith.constant 0 : i32
    %dma_wait3A_172 = tpu.memref_slice %arg3[%add3A_165, %dma_wait3A_171] : memref<16384x1024xf32, #tpu.memory_space<hbm>> -> memref<1x1024xf32, #tpu.memory_space<hbm>>
    %dma_wait3A_173 = tpu.memref_squeeze %dma_wait3A_172 : memref<1x1024xf32, #tpu.memory_space<hbm>> -> memref<1024xf32, #tpu.memory_space<hbm>>
    %dma_wait3A_174 = arith.constant 8192 : i32
    %dma_wait3A_175 = tpu.memref_slice %arg8[%dma_wait3A_174] : memref<16384xf32, #tpu.memory_space<vmem>> -> memref<1024xf32, #tpu.memory_space<vmem>>
    tpu.wait_dma2 semaphore(%arg14 : memref<!tpu.dma_semaphore, #tpu.memory_space<semaphore_mem>>) src(%dma_wait3A_175 : memref<1024xf32, #tpu.memory_space<vmem>>) dst(%dma_wait3A_173 : memref<1024xf32, #tpu.memory_space<hbm>>)
    %add3A_176 = arith.constant 30 : i32
    %add3A_177 = arith.addi %mul3A_2, %add3A_176 : i32
    %mul3A_178 = arith.constant 16 : i32
    %mul3A_179 = arith.muli %add3A_177, %mul3A_178 : i32
    %add3A_180 = arith.constant 9 : i32
    %add3A_181 = arith.addi %mul3A_179, %add3A_180 : i32
    %dma_wait3A_182 = arith.constant 9216 : i32
    %dma_wait3A_183 = tpu.memref_slice %arg8[%dma_wait3A_182] : memref<16384xf32, #tpu.memory_space<vmem>> -> memref<1024xf32, #tpu.memory_space<vmem>>
    %dma_wait3A_184 = arith.constant 0 : i32
    %dma_wait3A_185 = tpu.memref_slice %arg3[%add3A_181, %dma_wait3A_184] : memref<16384x1024xf32, #tpu.memory_space<hbm>> -> memref<1x1024xf32, #tpu.memory_space<hbm>>
    %dma_wait3A_186 = tpu.memref_squeeze %dma_wait3A_185 : memref<1x1024xf32, #tpu.memory_space<hbm>> -> memref<1024xf32, #tpu.memory_space<hbm>>
    %dma_wait3A_187 = arith.constant 0 : i32
    %dma_wait3A_188 = tpu.memref_slice %arg3[%add3A_181, %dma_wait3A_187] : memref<16384x1024xf32, #tpu.memory_space<hbm>> -> memref<1x1024xf32, #tpu.memory_space<hbm>>
    %dma_wait3A_189 = tpu.memref_squeeze %dma_wait3A_188 : memref<1x1024xf32, #tpu.memory_space<hbm>> -> memref<1024xf32, #tpu.memory_space<hbm>>
    %dma_wait3A_190 = arith.constant 9216 : i32
    %dma_wait3A_191 = tpu.memref_slice %arg8[%dma_wait3A_190] : memref<16384xf32, #tpu.memory_space<vmem>> -> memref<1024xf32, #tpu.memory_space<vmem>>
    tpu.wait_dma2 semaphore(%arg14 : memref<!tpu.dma_semaphore, #tpu.memory_space<semaphore_mem>>) src(%dma_wait3A_191 : memref<1024xf32, #tpu.memory_space<vmem>>) dst(%dma_wait3A_189 : memref<1024xf32, #tpu.memory_space<hbm>>)
    %add3A_192 = arith.constant 30 : i32
    %add3A_193 = arith.addi %mul3A_2, %add3A_192 : i32
    %mul3A_194 = arith.constant 16 : i32
    %mul3A_195 = arith.muli %add3A_193, %mul3A_194 : i32
    %add3A_196 = arith.constant 10 : i32
    %add3A_197 = arith.addi %mul3A_195, %add3A_196 : i32
    %dma_wait3A_198 = arith.constant 10240 : i32
    %dma_wait3A_199 = tpu.memref_slice %arg8[%dma_wait3A_198] : memref<16384xf32, #tpu.memory_space<vmem>> -> memref<1024xf32, #tpu.memory_space<vmem>>
    %dma_wait3A_200 = arith.constant 0 : i32
    %dma_wait3A_201 = tpu.memref_slice %arg3[%add3A_197, %dma_wait3A_200] : memref<16384x1024xf32, #tpu.memory_space<hbm>> -> memref<1x1024xf32, #tpu.memory_space<hbm>>
    %dma_wait3A_202 = tpu.memref_squeeze %dma_wait3A_201 : memref<1x1024xf32, #tpu.memory_space<hbm>> -> memref<1024xf32, #tpu.memory_space<hbm>>
    %dma_wait3A_203 = arith.constant 0 : i32
    %dma_wait3A_204 = tpu.memref_slice %arg3[%add3A_197, %dma_wait3A_203] : memref<16384x1024xf32, #tpu.memory_space<hbm>> -> memref<1x1024xf32, #tpu.memory_space<hbm>>
    %dma_wait3A_205 = tpu.memref_squeeze %dma_wait3A_204 : memref<1x1024xf32, #tpu.memory_space<hbm>> -> memref<1024xf32, #tpu.memory_space<hbm>>
    %dma_wait3A_206 = arith.constant 10240 : i32
    %dma_wait3A_207 = tpu.memref_slice %arg8[%dma_wait3A_206] : memref<16384xf32, #tpu.memory_space<vmem>> -> memref<1024xf32, #tpu.memory_space<vmem>>
    tpu.wait_dma2 semaphore(%arg14 : memref<!tpu.dma_semaphore, #tpu.memory_space<semaphore_mem>>) src(%dma_wait3A_207 : memref<1024xf32, #tpu.memory_space<vmem>>) dst(%dma_wait3A_205 : memref<1024xf32, #tpu.memory_space<hbm>>)
    %add3A_208 = arith.constant 30 : i32
    %add3A_209 = arith.addi %mul3A_2, %add3A_208 : i32
    %mul3A_210 = arith.constant 16 : i32
    %mul3A_211 = arith.muli %add3A_209, %mul3A_210 : i32
    %add3A_212 = arith.constant 11 : i32
    %add3A_213 = arith.addi %mul3A_211, %add3A_212 : i32
    %dma_wait3A_214 = arith.constant 11264 : i32
    %dma_wait3A_215 = tpu.memref_slice %arg8[%dma_wait3A_214] : memref<16384xf32, #tpu.memory_space<vmem>> -> memref<1024xf32, #tpu.memory_space<vmem>>
    %dma_wait3A_216 = arith.constant 0 : i32
    %dma_wait3A_217 = tpu.memref_slice %arg3[%add3A_213, %dma_wait3A_216] : memref<16384x1024xf32, #tpu.memory_space<hbm>> -> memref<1x1024xf32, #tpu.memory_space<hbm>>
    %dma_wait3A_218 = tpu.memref_squeeze %dma_wait3A_217 : memref<1x1024xf32, #tpu.memory_space<hbm>> -> memref<1024xf32, #tpu.memory_space<hbm>>
    %dma_wait3A_219 = arith.constant 0 : i32
    %dma_wait3A_220 = tpu.memref_slice %arg3[%add3A_213, %dma_wait3A_219] : memref<16384x1024xf32, #tpu.memory_space<hbm>> -> memref<1x1024xf32, #tpu.memory_space<hbm>>
    %dma_wait3A_221 = tpu.memref_squeeze %dma_wait3A_220 : memref<1x1024xf32, #tpu.memory_space<hbm>> -> memref<1024xf32, #tpu.memory_space<hbm>>
    %dma_wait3A_222 = arith.constant 11264 : i32
    %dma_wait3A_223 = tpu.memref_slice %arg8[%dma_wait3A_222] : memref<16384xf32, #tpu.memory_space<vmem>> -> memref<1024xf32, #tpu.memory_space<vmem>>
    tpu.wait_dma2 semaphore(%arg14 : memref<!tpu.dma_semaphore, #tpu.memory_space<semaphore_mem>>) src(%dma_wait3A_223 : memref<1024xf32, #tpu.memory_space<vmem>>) dst(%dma_wait3A_221 : memref<1024xf32, #tpu.memory_space<hbm>>)
    %add3A_224 = arith.constant 30 : i32
    %add3A_225 = arith.addi %mul3A_2, %add3A_224 : i32
    %mul3A_226 = arith.constant 16 : i32
    %mul3A_227 = arith.muli %add3A_225, %mul3A_226 : i32
    %add3A_228 = arith.constant 12 : i32
    %add3A_229 = arith.addi %mul3A_227, %add3A_228 : i32
    %dma_wait3A_230 = arith.constant 12288 : i32
    %dma_wait3A_231 = tpu.memref_slice %arg8[%dma_wait3A_230] : memref<16384xf32, #tpu.memory_space<vmem>> -> memref<1024xf32, #tpu.memory_space<vmem>>
    %dma_wait3A_232 = arith.constant 0 : i32
    %dma_wait3A_233 = tpu.memref_slice %arg3[%add3A_229, %dma_wait3A_232] : memref<16384x1024xf32, #tpu.memory_space<hbm>> -> memref<1x1024xf32, #tpu.memory_space<hbm>>
    %dma_wait3A_234 = tpu.memref_squeeze %dma_wait3A_233 : memref<1x1024xf32, #tpu.memory_space<hbm>> -> memref<1024xf32, #tpu.memory_space<hbm>>
    %dma_wait3A_235 = arith.constant 0 : i32
    %dma_wait3A_236 = tpu.memref_slice %arg3[%add3A_229, %dma_wait3A_235] : memref<16384x1024xf32, #tpu.memory_space<hbm>> -> memref<1x1024xf32, #tpu.memory_space<hbm>>
    %dma_wait3A_237 = tpu.memref_squeeze %dma_wait3A_236 : memref<1x1024xf32, #tpu.memory_space<hbm>> -> memref<1024xf32, #tpu.memory_space<hbm>>
    %dma_wait3A_238 = arith.constant 12288 : i32
    %dma_wait3A_239 = tpu.memref_slice %arg8[%dma_wait3A_238] : memref<16384xf32, #tpu.memory_space<vmem>> -> memref<1024xf32, #tpu.memory_space<vmem>>
    tpu.wait_dma2 semaphore(%arg14 : memref<!tpu.dma_semaphore, #tpu.memory_space<semaphore_mem>>) src(%dma_wait3A_239 : memref<1024xf32, #tpu.memory_space<vmem>>) dst(%dma_wait3A_237 : memref<1024xf32, #tpu.memory_space<hbm>>)
    %add3A_240 = arith.constant 30 : i32
    %add3A_241 = arith.addi %mul3A_2, %add3A_240 : i32
    %mul3A_242 = arith.constant 16 : i32
    %mul3A_243 = arith.muli %add3A_241, %mul3A_242 : i32
    %add3A_244 = arith.constant 13 : i32
    %add3A_245 = arith.addi %mul3A_243, %add3A_244 : i32
    %dma_wait3A_246 = arith.constant 13312 : i32
    %dma_wait3A_247 = tpu.memref_slice %arg8[%dma_wait3A_246] : memref<16384xf32, #tpu.memory_space<vmem>> -> memref<1024xf32, #tpu.memory_space<vmem>>
    %dma_wait3A_248 = arith.constant 0 : i32
    %dma_wait3A_249 = tpu.memref_slice %arg3[%add3A_245, %dma_wait3A_248] : memref<16384x1024xf32, #tpu.memory_space<hbm>> -> memref<1x1024xf32, #tpu.memory_space<hbm>>
    %dma_wait3A_250 = tpu.memref_squeeze %dma_wait3A_249 : memref<1x1024xf32, #tpu.memory_space<hbm>> -> memref<1024xf32, #tpu.memory_space<hbm>>
    %dma_wait3A_251 = arith.constant 0 : i32
    %dma_wait3A_252 = tpu.memref_slice %arg3[%add3A_245, %dma_wait3A_251] : memref<16384x1024xf32, #tpu.memory_space<hbm>> -> memref<1x1024xf32, #tpu.memory_space<hbm>>
    %dma_wait3A_253 = tpu.memref_squeeze %dma_wait3A_252 : memref<1x1024xf32, #tpu.memory_space<hbm>> -> memref<1024xf32, #tpu.memory_space<hbm>>
    %dma_wait3A_254 = arith.constant 13312 : i32
    %dma_wait3A_255 = tpu.memref_slice %arg8[%dma_wait3A_254] : memref<16384xf32, #tpu.memory_space<vmem>> -> memref<1024xf32, #tpu.memory_space<vmem>>
    tpu.wait_dma2 semaphore(%arg14 : memref<!tpu.dma_semaphore, #tpu.memory_space<semaphore_mem>>) src(%dma_wait3A_255 : memref<1024xf32, #tpu.memory_space<vmem>>) dst(%dma_wait3A_253 : memref<1024xf32, #tpu.memory_space<hbm>>)
    %add3A_256 = arith.constant 30 : i32
    %add3A_257 = arith.addi %mul3A_2, %add3A_256 : i32
    %mul3A_258 = arith.constant 16 : i32
    %mul3A_259 = arith.muli %add3A_257, %mul3A_258 : i32
    %add3A_260 = arith.constant 14 : i32
    %add3A_261 = arith.addi %mul3A_259, %add3A_260 : i32
    %dma_wait3A_262 = arith.constant 14336 : i32
    %dma_wait3A_263 = tpu.memref_slice %arg8[%dma_wait3A_262] : memref<16384xf32, #tpu.memory_space<vmem>> -> memref<1024xf32, #tpu.memory_space<vmem>>
    %dma_wait3A_264 = arith.constant 0 : i32
    %dma_wait3A_265 = tpu.memref_slice %arg3[%add3A_261, %dma_wait3A_264] : memref<16384x1024xf32, #tpu.memory_space<hbm>> -> memref<1x1024xf32, #tpu.memory_space<hbm>>
    %dma_wait3A_266 = tpu.memref_squeeze %dma_wait3A_265 : memref<1x1024xf32, #tpu.memory_space<hbm>> -> memref<1024xf32, #tpu.memory_space<hbm>>
    %dma_wait3A_267 = arith.constant 0 : i32
    %dma_wait3A_268 = tpu.memref_slice %arg3[%add3A_261, %dma_wait3A_267] : memref<16384x1024xf32, #tpu.memory_space<hbm>> -> memref<1x1024xf32, #tpu.memory_space<hbm>>
    %dma_wait3A_269 = tpu.memref_squeeze %dma_wait3A_268 : memref<1x1024xf32, #tpu.memory_space<hbm>> -> memref<1024xf32, #tpu.memory_space<hbm>>
    %dma_wait3A_270 = arith.constant 14336 : i32
    %dma_wait3A_271 = tpu.memref_slice %arg8[%dma_wait3A_270] : memref<16384xf32, #tpu.memory_space<vmem>> -> memref<1024xf32, #tpu.memory_space<vmem>>
    tpu.wait_dma2 semaphore(%arg14 : memref<!tpu.dma_semaphore, #tpu.memory_space<semaphore_mem>>) src(%dma_wait3A_271 : memref<1024xf32, #tpu.memory_space<vmem>>) dst(%dma_wait3A_269 : memref<1024xf32, #tpu.memory_space<hbm>>)
    %add3A_272 = arith.constant 30 : i32
    %add3A_273 = arith.addi %mul3A_2, %add3A_272 : i32
    %mul3A_274 = arith.constant 16 : i32
    %mul3A_275 = arith.muli %add3A_273, %mul3A_274 : i32
    %add3A_276 = arith.constant 15 : i32
    %add3A_277 = arith.addi %mul3A_275, %add3A_276 : i32
    %dma_wait3A_278 = arith.constant 15360 : i32
    %dma_wait3A_279 = tpu.memref_slice %arg8[%dma_wait3A_278] : memref<16384xf32, #tpu.memory_space<vmem>> -> memref<1024xf32, #tpu.memory_space<vmem>>
    %dma_wait3A_280 = arith.constant 0 : i32
    %dma_wait3A_281 = tpu.memref_slice %arg3[%add3A_277, %dma_wait3A_280] : memref<16384x1024xf32, #tpu.memory_space<hbm>> -> memref<1x1024xf32, #tpu.memory_space<hbm>>
    %dma_wait3A_282 = tpu.memref_squeeze %dma_wait3A_281 : memref<1x1024xf32, #tpu.memory_space<hbm>> -> memref<1024xf32, #tpu.memory_space<hbm>>
    %dma_wait3A_283 = arith.constant 0 : i32
    %dma_wait3A_284 = tpu.memref_slice %arg3[%add3A_277, %dma_wait3A_283] : memref<16384x1024xf32, #tpu.memory_space<hbm>> -> memref<1x1024xf32, #tpu.memory_space<hbm>>
    %dma_wait3A_285 = tpu.memref_squeeze %dma_wait3A_284 : memref<1x1024xf32, #tpu.memory_space<hbm>> -> memref<1024xf32, #tpu.memory_space<hbm>>
    %dma_wait3A_286 = arith.constant 15360 : i32
    %dma_wait3A_287 = tpu.memref_slice %arg8[%dma_wait3A_286] : memref<16384xf32, #tpu.memory_space<vmem>> -> memref<1024xf32, #tpu.memory_space<vmem>>
    tpu.wait_dma2 semaphore(%arg14 : memref<!tpu.dma_semaphore, #tpu.memory_space<semaphore_mem>>) src(%dma_wait3A_287 : memref<1024xf32, #tpu.memory_space<vmem>>) dst(%dma_wait3A_285 : memref<1024xf32, #tpu.memory_space<hbm>>)
    %add3A_288 = arith.constant 31 : i32
    %add3A_289 = arith.addi %mul3A_2, %add3A_288 : i32
    %mul3A_290 = arith.constant 16 : i32
    %mul3A_291 = arith.muli %add3A_289, %mul3A_290 : i32
    %add3A_292 = arith.constant 0 : i32
    %add3A_293 = arith.addi %mul3A_291, %add3A_292 : i32
    %dma_wait3A_294 = arith.constant 0 : i32
    %dma_wait3A_295 = tpu.memref_slice %arg9[%dma_wait3A_294] : memref<16384xf32, #tpu.memory_space<vmem>> -> memref<1024xf32, #tpu.memory_space<vmem>>
    %dma_wait3A_296 = arith.constant 0 : i32
    %dma_wait3A_297 = tpu.memref_slice %arg3[%add3A_293, %dma_wait3A_296] : memref<16384x1024xf32, #tpu.memory_space<hbm>> -> memref<1x1024xf32, #tpu.memory_space<hbm>>
    %dma_wait3A_298 = tpu.memref_squeeze %dma_wait3A_297 : memref<1x1024xf32, #tpu.memory_space<hbm>> -> memref<1024xf32, #tpu.memory_space<hbm>>
    %dma_wait3A_299 = arith.constant 0 : i32
    %dma_wait3A_300 = tpu.memref_slice %arg3[%add3A_293, %dma_wait3A_299] : memref<16384x1024xf32, #tpu.memory_space<hbm>> -> memref<1x1024xf32, #tpu.memory_space<hbm>>
    %dma_wait3A_301 = tpu.memref_squeeze %dma_wait3A_300 : memref<1x1024xf32, #tpu.memory_space<hbm>> -> memref<1024xf32, #tpu.memory_space<hbm>>
    %dma_wait3A_302 = arith.constant 0 : i32
    %dma_wait3A_303 = tpu.memref_slice %arg9[%dma_wait3A_302] : memref<16384xf32, #tpu.memory_space<vmem>> -> memref<1024xf32, #tpu.memory_space<vmem>>
    tpu.wait_dma2 semaphore(%arg15 : memref<!tpu.dma_semaphore, #tpu.memory_space<semaphore_mem>>) src(%dma_wait3A_303 : memref<1024xf32, #tpu.memory_space<vmem>>) dst(%dma_wait3A_301 : memref<1024xf32, #tpu.memory_space<hbm>>)
    %add3A_304 = arith.constant 31 : i32
    %add3A_305 = arith.addi %mul3A_2, %add3A_304 : i32
    %mul3A_306 = arith.constant 16 : i32
    %mul3A_307 = arith.muli %add3A_305, %mul3A_306 : i32
    %add3A_308 = arith.constant 1 : i32
    %add3A_309 = arith.addi %mul3A_307, %add3A_308 : i32
    %dma_wait3A_310 = arith.constant 1024 : i32
    %dma_wait3A_311 = tpu.memref_slice %arg9[%dma_wait3A_310] : memref<16384xf32, #tpu.memory_space<vmem>> -> memref<1024xf32, #tpu.memory_space<vmem>>
    %dma_wait3A_312 = arith.constant 0 : i32
    %dma_wait3A_313 = tpu.memref_slice %arg3[%add3A_309, %dma_wait3A_312] : memref<16384x1024xf32, #tpu.memory_space<hbm>> -> memref<1x1024xf32, #tpu.memory_space<hbm>>
    %dma_wait3A_314 = tpu.memref_squeeze %dma_wait3A_313 : memref<1x1024xf32, #tpu.memory_space<hbm>> -> memref<1024xf32, #tpu.memory_space<hbm>>
    %dma_wait3A_315 = arith.constant 0 : i32
    %dma_wait3A_316 = tpu.memref_slice %arg3[%add3A_309, %dma_wait3A_315] : memref<16384x1024xf32, #tpu.memory_space<hbm>> -> memref<1x1024xf32, #tpu.memory_space<hbm>>
    %dma_wait3A_317 = tpu.memref_squeeze %dma_wait3A_316 : memref<1x1024xf32, #tpu.memory_space<hbm>> -> memref<1024xf32, #tpu.memory_space<hbm>>
    %dma_wait3A_318 = arith.constant 1024 : i32
    %dma_wait3A_319 = tpu.memref_slice %arg9[%dma_wait3A_318] : memref<16384xf32, #tpu.memory_space<vmem>> -> memref<1024xf32, #tpu.memory_space<vmem>>
    tpu.wait_dma2 semaphore(%arg15 : memref<!tpu.dma_semaphore, #tpu.memory_space<semaphore_mem>>) src(%dma_wait3A_319 : memref<1024xf32, #tpu.memory_space<vmem>>) dst(%dma_wait3A_317 : memref<1024xf32, #tpu.memory_space<hbm>>)
    %add3A_320 = arith.constant 31 : i32
    %add3A_321 = arith.addi %mul3A_2, %add3A_320 : i32
    %mul3A_322 = arith.constant 16 : i32
    %mul3A_323 = arith.muli %add3A_321, %mul3A_322 : i32
    %add3A_324 = arith.constant 2 : i32
    %add3A_325 = arith.addi %mul3A_323, %add3A_324 : i32
    %dma_wait3A_326 = arith.constant 2048 : i32
    %dma_wait3A_327 = tpu.memref_slice %arg9[%dma_wait3A_326] : memref<16384xf32, #tpu.memory_space<vmem>> -> memref<1024xf32, #tpu.memory_space<vmem>>
    %dma_wait3A_328 = arith.constant 0 : i32
    %dma_wait3A_329 = tpu.memref_slice %arg3[%add3A_325, %dma_wait3A_328] : memref<16384x1024xf32, #tpu.memory_space<hbm>> -> memref<1x1024xf32, #tpu.memory_space<hbm>>
    %dma_wait3A_330 = tpu.memref_squeeze %dma_wait3A_329 : memref<1x1024xf32, #tpu.memory_space<hbm>> -> memref<1024xf32, #tpu.memory_space<hbm>>
    %dma_wait3A_331 = arith.constant 0 : i32
    %dma_wait3A_332 = tpu.memref_slice %arg3[%add3A_325, %dma_wait3A_331] : memref<16384x1024xf32, #tpu.memory_space<hbm>> -> memref<1x1024xf32, #tpu.memory_space<hbm>>
    %dma_wait3A_333 = tpu.memref_squeeze %dma_wait3A_332 : memref<1x1024xf32, #tpu.memory_space<hbm>> -> memref<1024xf32, #tpu.memory_space<hbm>>
    %dma_wait3A_334 = arith.constant 2048 : i32
    %dma_wait3A_335 = tpu.memref_slice %arg9[%dma_wait3A_334] : memref<16384xf32, #tpu.memory_space<vmem>> -> memref<1024xf32, #tpu.memory_space<vmem>>
    tpu.wait_dma2 semaphore(%arg15 : memref<!tpu.dma_semaphore, #tpu.memory_space<semaphore_mem>>) src(%dma_wait3A_335 : memref<1024xf32, #tpu.memory_space<vmem>>) dst(%dma_wait3A_333 : memref<1024xf32, #tpu.memory_space<hbm>>)
    %add3A_336 = arith.constant 31 : i32
    %add3A_337 = arith.addi %mul3A_2, %add3A_336 : i32
    %mul3A_338 = arith.constant 16 : i32
    %mul3A_339 = arith.muli %add3A_337, %mul3A_338 : i32
    %add3A_340 = arith.constant 3 : i32
    %add3A_341 = arith.addi %mul3A_339, %add3A_340 : i32
    %dma_wait3A_342 = arith.constant 3072 : i32
    %dma_wait3A_343 = tpu.memref_slice %arg9[%dma_wait3A_342] : memref<16384xf32, #tpu.memory_space<vmem>> -> memref<1024xf32, #tpu.memory_space<vmem>>
    %dma_wait3A_344 = arith.constant 0 : i32
    %dma_wait3A_345 = tpu.memref_slice %arg3[%add3A_341, %dma_wait3A_344] : memref<16384x1024xf32, #tpu.memory_space<hbm>> -> memref<1x1024xf32, #tpu.memory_space<hbm>>
    %dma_wait3A_346 = tpu.memref_squeeze %dma_wait3A_345 : memref<1x1024xf32, #tpu.memory_space<hbm>> -> memref<1024xf32, #tpu.memory_space<hbm>>
    %dma_wait3A_347 = arith.constant 0 : i32
    %dma_wait3A_348 = tpu.memref_slice %arg3[%add3A_341, %dma_wait3A_347] : memref<16384x1024xf32, #tpu.memory_space<hbm>> -> memref<1x1024xf32, #tpu.memory_space<hbm>>
    %dma_wait3A_349 = tpu.memref_squeeze %dma_wait3A_348 : memref<1x1024xf32, #tpu.memory_space<hbm>> -> memref<1024xf32, #tpu.memory_space<hbm>>
    %dma_wait3A_350 = arith.constant 3072 : i32
    %dma_wait3A_351 = tpu.memref_slice %arg9[%dma_wait3A_350] : memref<16384xf32, #tpu.memory_space<vmem>> -> memref<1024xf32, #tpu.memory_space<vmem>>
    tpu.wait_dma2 semaphore(%arg15 : memref<!tpu.dma_semaphore, #tpu.memory_space<semaphore_mem>>) src(%dma_wait3A_351 : memref<1024xf32, #tpu.memory_space<vmem>>) dst(%dma_wait3A_349 : memref<1024xf32, #tpu.memory_space<hbm>>)
    %add3A_352 = arith.constant 31 : i32
    %add3A_353 = arith.addi %mul3A_2, %add3A_352 : i32
    %mul3A_354 = arith.constant 16 : i32
    %mul3A_355 = arith.muli %add3A_353, %mul3A_354 : i32
    %add3A_356 = arith.constant 4 : i32
    %add3A_357 = arith.addi %mul3A_355, %add3A_356 : i32
    %dma_wait3A_358 = arith.constant 4096 : i32
    %dma_wait3A_359 = tpu.memref_slice %arg9[%dma_wait3A_358] : memref<16384xf32, #tpu.memory_space<vmem>> -> memref<1024xf32, #tpu.memory_space<vmem>>
    %dma_wait3A_360 = arith.constant 0 : i32
    %dma_wait3A_361 = tpu.memref_slice %arg3[%add3A_357, %dma_wait3A_360] : memref<16384x1024xf32, #tpu.memory_space<hbm>> -> memref<1x1024xf32, #tpu.memory_space<hbm>>
    %dma_wait3A_362 = tpu.memref_squeeze %dma_wait3A_361 : memref<1x1024xf32, #tpu.memory_space<hbm>> -> memref<1024xf32, #tpu.memory_space<hbm>>
    %dma_wait3A_363 = arith.constant 0 : i32
    %dma_wait3A_364 = tpu.memref_slice %arg3[%add3A_357, %dma_wait3A_363] : memref<16384x1024xf32, #tpu.memory_space<hbm>> -> memref<1x1024xf32, #tpu.memory_space<hbm>>
    %dma_wait3A_365 = tpu.memref_squeeze %dma_wait3A_364 : memref<1x1024xf32, #tpu.memory_space<hbm>> -> memref<1024xf32, #tpu.memory_space<hbm>>
    %dma_wait3A_366 = arith.constant 4096 : i32
    %dma_wait3A_367 = tpu.memref_slice %arg9[%dma_wait3A_366] : memref<16384xf32, #tpu.memory_space<vmem>> -> memref<1024xf32, #tpu.memory_space<vmem>>
    tpu.wait_dma2 semaphore(%arg15 : memref<!tpu.dma_semaphore, #tpu.memory_space<semaphore_mem>>) src(%dma_wait3A_367 : memref<1024xf32, #tpu.memory_space<vmem>>) dst(%dma_wait3A_365 : memref<1024xf32, #tpu.memory_space<hbm>>)
    %add3A_368 = arith.constant 31 : i32
    %add3A_369 = arith.addi %mul3A_2, %add3A_368 : i32
    %mul3A_370 = arith.constant 16 : i32
    %mul3A_371 = arith.muli %add3A_369, %mul3A_370 : i32
    %add3A_372 = arith.constant 5 : i32
    %add3A_373 = arith.addi %mul3A_371, %add3A_372 : i32
    %dma_wait3A_374 = arith.constant 5120 : i32
    %dma_wait3A_375 = tpu.memref_slice %arg9[%dma_wait3A_374] : memref<16384xf32, #tpu.memory_space<vmem>> -> memref<1024xf32, #tpu.memory_space<vmem>>
    %dma_wait3A_376 = arith.constant 0 : i32
    %dma_wait3A_377 = tpu.memref_slice %arg3[%add3A_373, %dma_wait3A_376] : memref<16384x1024xf32, #tpu.memory_space<hbm>> -> memref<1x1024xf32, #tpu.memory_space<hbm>>
    %dma_wait3A_378 = tpu.memref_squeeze %dma_wait3A_377 : memref<1x1024xf32, #tpu.memory_space<hbm>> -> memref<1024xf32, #tpu.memory_space<hbm>>
    %dma_wait3A_379 = arith.constant 0 : i32
    %dma_wait3A_380 = tpu.memref_slice %arg3[%add3A_373, %dma_wait3A_379] : memref<16384x1024xf32, #tpu.memory_space<hbm>> -> memref<1x1024xf32, #tpu.memory_space<hbm>>
    %dma_wait3A_381 = tpu.memref_squeeze %dma_wait3A_380 : memref<1x1024xf32, #tpu.memory_space<hbm>> -> memref<1024xf32, #tpu.memory_space<hbm>>
    %dma_wait3A_382 = arith.constant 5120 : i32
    %dma_wait3A_383 = tpu.memref_slice %arg9[%dma_wait3A_382] : memref<16384xf32, #tpu.memory_space<vmem>> -> memref<1024xf32, #tpu.memory_space<vmem>>
    tpu.wait_dma2 semaphore(%arg15 : memref<!tpu.dma_semaphore, #tpu.memory_space<semaphore_mem>>) src(%dma_wait3A_383 : memref<1024xf32, #tpu.memory_space<vmem>>) dst(%dma_wait3A_381 : memref<1024xf32, #tpu.memory_space<hbm>>)
    %add3A_384 = arith.constant 31 : i32
    %add3A_385 = arith.addi %mul3A_2, %add3A_384 : i32
    %mul3A_386 = arith.constant 16 : i32
    %mul3A_387 = arith.muli %add3A_385, %mul3A_386 : i32
    %add3A_388 = arith.constant 6 : i32
    %add3A_389 = arith.addi %mul3A_387, %add3A_388 : i32
    %dma_wait3A_390 = arith.constant 6144 : i32
    %dma_wait3A_391 = tpu.memref_slice %arg9[%dma_wait3A_390] : memref<16384xf32, #tpu.memory_space<vmem>> -> memref<1024xf32, #tpu.memory_space<vmem>>
    %dma_wait3A_392 = arith.constant 0 : i32
    %dma_wait3A_393 = tpu.memref_slice %arg3[%add3A_389, %dma_wait3A_392] : memref<16384x1024xf32, #tpu.memory_space<hbm>> -> memref<1x1024xf32, #tpu.memory_space<hbm>>
    %dma_wait3A_394 = tpu.memref_squeeze %dma_wait3A_393 : memref<1x1024xf32, #tpu.memory_space<hbm>> -> memref<1024xf32, #tpu.memory_space<hbm>>
    %dma_wait3A_395 = arith.constant 0 : i32
    %dma_wait3A_396 = tpu.memref_slice %arg3[%add3A_389, %dma_wait3A_395] : memref<16384x1024xf32, #tpu.memory_space<hbm>> -> memref<1x1024xf32, #tpu.memory_space<hbm>>
    %dma_wait3A_397 = tpu.memref_squeeze %dma_wait3A_396 : memref<1x1024xf32, #tpu.memory_space<hbm>> -> memref<1024xf32, #tpu.memory_space<hbm>>
    %dma_wait3A_398 = arith.constant 6144 : i32
    %dma_wait3A_399 = tpu.memref_slice %arg9[%dma_wait3A_398] : memref<16384xf32, #tpu.memory_space<vmem>> -> memref<1024xf32, #tpu.memory_space<vmem>>
    tpu.wait_dma2 semaphore(%arg15 : memref<!tpu.dma_semaphore, #tpu.memory_space<semaphore_mem>>) src(%dma_wait3A_399 : memref<1024xf32, #tpu.memory_space<vmem>>) dst(%dma_wait3A_397 : memref<1024xf32, #tpu.memory_space<hbm>>)
    %add3A_400 = arith.constant 31 : i32
    %add3A_401 = arith.addi %mul3A_2, %add3A_400 : i32
    %mul3A_402 = arith.constant 16 : i32
    %mul3A_403 = arith.muli %add3A_401, %mul3A_402 : i32
    %add3A_404 = arith.constant 7 : i32
    %add3A_405 = arith.addi %mul3A_403, %add3A_404 : i32
    %dma_wait3A_406 = arith.constant 7168 : i32
    %dma_wait3A_407 = tpu.memref_slice %arg9[%dma_wait3A_406] : memref<16384xf32, #tpu.memory_space<vmem>> -> memref<1024xf32, #tpu.memory_space<vmem>>
    %dma_wait3A_408 = arith.constant 0 : i32
    %dma_wait3A_409 = tpu.memref_slice %arg3[%add3A_405, %dma_wait3A_408] : memref<16384x1024xf32, #tpu.memory_space<hbm>> -> memref<1x1024xf32, #tpu.memory_space<hbm>>
    %dma_wait3A_410 = tpu.memref_squeeze %dma_wait3A_409 : memref<1x1024xf32, #tpu.memory_space<hbm>> -> memref<1024xf32, #tpu.memory_space<hbm>>
    %dma_wait3A_411 = arith.constant 0 : i32
    %dma_wait3A_412 = tpu.memref_slice %arg3[%add3A_405, %dma_wait3A_411] : memref<16384x1024xf32, #tpu.memory_space<hbm>> -> memref<1x1024xf32, #tpu.memory_space<hbm>>
    %dma_wait3A_413 = tpu.memref_squeeze %dma_wait3A_412 : memref<1x1024xf32, #tpu.memory_space<hbm>> -> memref<1024xf32, #tpu.memory_space<hbm>>
    %dma_wait3A_414 = arith.constant 7168 : i32
    %dma_wait3A_415 = tpu.memref_slice %arg9[%dma_wait3A_414] : memref<16384xf32, #tpu.memory_space<vmem>> -> memref<1024xf32, #tpu.memory_space<vmem>>
    tpu.wait_dma2 semaphore(%arg15 : memref<!tpu.dma_semaphore, #tpu.memory_space<semaphore_mem>>) src(%dma_wait3A_415 : memref<1024xf32, #tpu.memory_space<vmem>>) dst(%dma_wait3A_413 : memref<1024xf32, #tpu.memory_space<hbm>>)
    %add3A_416 = arith.constant 31 : i32
    %add3A_417 = arith.addi %mul3A_2, %add3A_416 : i32
    %mul3A_418 = arith.constant 16 : i32
    %mul3A_419 = arith.muli %add3A_417, %mul3A_418 : i32
    %add3A_420 = arith.constant 8 : i32
    %add3A_421 = arith.addi %mul3A_419, %add3A_420 : i32
    %dma_wait3A_422 = arith.constant 8192 : i32
    %dma_wait3A_423 = tpu.memref_slice %arg9[%dma_wait3A_422] : memref<16384xf32, #tpu.memory_space<vmem>> -> memref<1024xf32, #tpu.memory_space<vmem>>
    %dma_wait3A_424 = arith.constant 0 : i32
    %dma_wait3A_425 = tpu.memref_slice %arg3[%add3A_421, %dma_wait3A_424] : memref<16384x1024xf32, #tpu.memory_space<hbm>> -> memref<1x1024xf32, #tpu.memory_space<hbm>>
    %dma_wait3A_426 = tpu.memref_squeeze %dma_wait3A_425 : memref<1x1024xf32, #tpu.memory_space<hbm>> -> memref<1024xf32, #tpu.memory_space<hbm>>
    %dma_wait3A_427 = arith.constant 0 : i32
    %dma_wait3A_428 = tpu.memref_slice %arg3[%add3A_421, %dma_wait3A_427] : memref<16384x1024xf32, #tpu.memory_space<hbm>> -> memref<1x1024xf32, #tpu.memory_space<hbm>>
    %dma_wait3A_429 = tpu.memref_squeeze %dma_wait3A_428 : memref<1x1024xf32, #tpu.memory_space<hbm>> -> memref<1024xf32, #tpu.memory_space<hbm>>
    %dma_wait3A_430 = arith.constant 8192 : i32
    %dma_wait3A_431 = tpu.memref_slice %arg9[%dma_wait3A_430] : memref<16384xf32, #tpu.memory_space<vmem>> -> memref<1024xf32, #tpu.memory_space<vmem>>
    tpu.wait_dma2 semaphore(%arg15 : memref<!tpu.dma_semaphore, #tpu.memory_space<semaphore_mem>>) src(%dma_wait3A_431 : memref<1024xf32, #tpu.memory_space<vmem>>) dst(%dma_wait3A_429 : memref<1024xf32, #tpu.memory_space<hbm>>)
    %add3A_432 = arith.constant 31 : i32
    %add3A_433 = arith.addi %mul3A_2, %add3A_432 : i32
    %mul3A_434 = arith.constant 16 : i32
    %mul3A_435 = arith.muli %add3A_433, %mul3A_434 : i32
    %add3A_436 = arith.constant 9 : i32
    %add3A_437 = arith.addi %mul3A_435, %add3A_436 : i32
    %dma_wait3A_438 = arith.constant 9216 : i32
    %dma_wait3A_439 = tpu.memref_slice %arg9[%dma_wait3A_438] : memref<16384xf32, #tpu.memory_space<vmem>> -> memref<1024xf32, #tpu.memory_space<vmem>>
    %dma_wait3A_440 = arith.constant 0 : i32
    %dma_wait3A_441 = tpu.memref_slice %arg3[%add3A_437, %dma_wait3A_440] : memref<16384x1024xf32, #tpu.memory_space<hbm>> -> memref<1x1024xf32, #tpu.memory_space<hbm>>
    %dma_wait3A_442 = tpu.memref_squeeze %dma_wait3A_441 : memref<1x1024xf32, #tpu.memory_space<hbm>> -> memref<1024xf32, #tpu.memory_space<hbm>>
    %dma_wait3A_443 = arith.constant 0 : i32
    %dma_wait3A_444 = tpu.memref_slice %arg3[%add3A_437, %dma_wait3A_443] : memref<16384x1024xf32, #tpu.memory_space<hbm>> -> memref<1x1024xf32, #tpu.memory_space<hbm>>
    %dma_wait3A_445 = tpu.memref_squeeze %dma_wait3A_444 : memref<1x1024xf32, #tpu.memory_space<hbm>> -> memref<1024xf32, #tpu.memory_space<hbm>>
    %dma_wait3A_446 = arith.constant 9216 : i32
    %dma_wait3A_447 = tpu.memref_slice %arg9[%dma_wait3A_446] : memref<16384xf32, #tpu.memory_space<vmem>> -> memref<1024xf32, #tpu.memory_space<vmem>>
    tpu.wait_dma2 semaphore(%arg15 : memref<!tpu.dma_semaphore, #tpu.memory_space<semaphore_mem>>) src(%dma_wait3A_447 : memref<1024xf32, #tpu.memory_space<vmem>>) dst(%dma_wait3A_445 : memref<1024xf32, #tpu.memory_space<hbm>>)
    %add3A_448 = arith.constant 31 : i32
    %add3A_449 = arith.addi %mul3A_2, %add3A_448 : i32
    %mul3A_450 = arith.constant 16 : i32
    %mul3A_451 = arith.muli %add3A_449, %mul3A_450 : i32
    %add3A_452 = arith.constant 10 : i32
    %add3A_453 = arith.addi %mul3A_451, %add3A_452 : i32
    %dma_wait3A_454 = arith.constant 10240 : i32
    %dma_wait3A_455 = tpu.memref_slice %arg9[%dma_wait3A_454] : memref<16384xf32, #tpu.memory_space<vmem>> -> memref<1024xf32, #tpu.memory_space<vmem>>
    %dma_wait3A_456 = arith.constant 0 : i32
    %dma_wait3A_457 = tpu.memref_slice %arg3[%add3A_453, %dma_wait3A_456] : memref<16384x1024xf32, #tpu.memory_space<hbm>> -> memref<1x1024xf32, #tpu.memory_space<hbm>>
    %dma_wait3A_458 = tpu.memref_squeeze %dma_wait3A_457 : memref<1x1024xf32, #tpu.memory_space<hbm>> -> memref<1024xf32, #tpu.memory_space<hbm>>
    %dma_wait3A_459 = arith.constant 0 : i32
    %dma_wait3A_460 = tpu.memref_slice %arg3[%add3A_453, %dma_wait3A_459] : memref<16384x1024xf32, #tpu.memory_space<hbm>> -> memref<1x1024xf32, #tpu.memory_space<hbm>>
    %dma_wait3A_461 = tpu.memref_squeeze %dma_wait3A_460 : memref<1x1024xf32, #tpu.memory_space<hbm>> -> memref<1024xf32, #tpu.memory_space<hbm>>
    %dma_wait3A_462 = arith.constant 10240 : i32
    %dma_wait3A_463 = tpu.memref_slice %arg9[%dma_wait3A_462] : memref<16384xf32, #tpu.memory_space<vmem>> -> memref<1024xf32, #tpu.memory_space<vmem>>
    tpu.wait_dma2 semaphore(%arg15 : memref<!tpu.dma_semaphore, #tpu.memory_space<semaphore_mem>>) src(%dma_wait3A_463 : memref<1024xf32, #tpu.memory_space<vmem>>) dst(%dma_wait3A_461 : memref<1024xf32, #tpu.memory_space<hbm>>)
    %add3A_464 = arith.constant 31 : i32
    %add3A_465 = arith.addi %mul3A_2, %add3A_464 : i32
    %mul3A_466 = arith.constant 16 : i32
    %mul3A_467 = arith.muli %add3A_465, %mul3A_466 : i32
    %add3A_468 = arith.constant 11 : i32
    %add3A_469 = arith.addi %mul3A_467, %add3A_468 : i32
    %dma_wait3A_470 = arith.constant 11264 : i32
    %dma_wait3A_471 = tpu.memref_slice %arg9[%dma_wait3A_470] : memref<16384xf32, #tpu.memory_space<vmem>> -> memref<1024xf32, #tpu.memory_space<vmem>>
    %dma_wait3A_472 = arith.constant 0 : i32
    %dma_wait3A_473 = tpu.memref_slice %arg3[%add3A_469, %dma_wait3A_472] : memref<16384x1024xf32, #tpu.memory_space<hbm>> -> memref<1x1024xf32, #tpu.memory_space<hbm>>
    %dma_wait3A_474 = tpu.memref_squeeze %dma_wait3A_473 : memref<1x1024xf32, #tpu.memory_space<hbm>> -> memref<1024xf32, #tpu.memory_space<hbm>>
    %dma_wait3A_475 = arith.constant 0 : i32
    %dma_wait3A_476 = tpu.memref_slice %arg3[%add3A_469, %dma_wait3A_475] : memref<16384x1024xf32, #tpu.memory_space<hbm>> -> memref<1x1024xf32, #tpu.memory_space<hbm>>
    %dma_wait3A_477 = tpu.memref_squeeze %dma_wait3A_476 : memref<1x1024xf32, #tpu.memory_space<hbm>> -> memref<1024xf32, #tpu.memory_space<hbm>>
    %dma_wait3A_478 = arith.constant 11264 : i32
    %dma_wait3A_479 = tpu.memref_slice %arg9[%dma_wait3A_478] : memref<16384xf32, #tpu.memory_space<vmem>> -> memref<1024xf32, #tpu.memory_space<vmem>>
    tpu.wait_dma2 semaphore(%arg15 : memref<!tpu.dma_semaphore, #tpu.memory_space<semaphore_mem>>) src(%dma_wait3A_479 : memref<1024xf32, #tpu.memory_space<vmem>>) dst(%dma_wait3A_477 : memref<1024xf32, #tpu.memory_space<hbm>>)
    %add3A_480 = arith.constant 31 : i32
    %add3A_481 = arith.addi %mul3A_2, %add3A_480 : i32
    %mul3A_482 = arith.constant 16 : i32
    %mul3A_483 = arith.muli %add3A_481, %mul3A_482 : i32
    %add3A_484 = arith.constant 12 : i32
    %add3A_485 = arith.addi %mul3A_483, %add3A_484 : i32
    %dma_wait3A_486 = arith.constant 12288 : i32
    %dma_wait3A_487 = tpu.memref_slice %arg9[%dma_wait3A_486] : memref<16384xf32, #tpu.memory_space<vmem>> -> memref<1024xf32, #tpu.memory_space<vmem>>
    %dma_wait3A_488 = arith.constant 0 : i32
    %dma_wait3A_489 = tpu.memref_slice %arg3[%add3A_485, %dma_wait3A_488] : memref<16384x1024xf32, #tpu.memory_space<hbm>> -> memref<1x1024xf32, #tpu.memory_space<hbm>>
    %dma_wait3A_490 = tpu.memref_squeeze %dma_wait3A_489 : memref<1x1024xf32, #tpu.memory_space<hbm>> -> memref<1024xf32, #tpu.memory_space<hbm>>
    %dma_wait3A_491 = arith.constant 0 : i32
    %dma_wait3A_492 = tpu.memref_slice %arg3[%add3A_485, %dma_wait3A_491] : memref<16384x1024xf32, #tpu.memory_space<hbm>> -> memref<1x1024xf32, #tpu.memory_space<hbm>>
    %dma_wait3A_493 = tpu.memref_squeeze %dma_wait3A_492 : memref<1x1024xf32, #tpu.memory_space<hbm>> -> memref<1024xf32, #tpu.memory_space<hbm>>
    %dma_wait3A_494 = arith.constant 12288 : i32
    %dma_wait3A_495 = tpu.memref_slice %arg9[%dma_wait3A_494] : memref<16384xf32, #tpu.memory_space<vmem>> -> memref<1024xf32, #tpu.memory_space<vmem>>
    tpu.wait_dma2 semaphore(%arg15 : memref<!tpu.dma_semaphore, #tpu.memory_space<semaphore_mem>>) src(%dma_wait3A_495 : memref<1024xf32, #tpu.memory_space<vmem>>) dst(%dma_wait3A_493 : memref<1024xf32, #tpu.memory_space<hbm>>)
    %add3A_496 = arith.constant 31 : i32
    %add3A_497 = arith.addi %mul3A_2, %add3A_496 : i32
    %mul3A_498 = arith.constant 16 : i32
    %mul3A_499 = arith.muli %add3A_497, %mul3A_498 : i32
    %add3A_500 = arith.constant 13 : i32
    %add3A_501 = arith.addi %mul3A_499, %add3A_500 : i32
    %dma_wait3A_502 = arith.constant 13312 : i32
    %dma_wait3A_503 = tpu.memref_slice %arg9[%dma_wait3A_502] : memref<16384xf32, #tpu.memory_space<vmem>> -> memref<1024xf32, #tpu.memory_space<vmem>>
    %dma_wait3A_504 = arith.constant 0 : i32
    %dma_wait3A_505 = tpu.memref_slice %arg3[%add3A_501, %dma_wait3A_504] : memref<16384x1024xf32, #tpu.memory_space<hbm>> -> memref<1x1024xf32, #tpu.memory_space<hbm>>
    %dma_wait3A_506 = tpu.memref_squeeze %dma_wait3A_505 : memref<1x1024xf32, #tpu.memory_space<hbm>> -> memref<1024xf32, #tpu.memory_space<hbm>>
    %dma_wait3A_507 = arith.constant 0 : i32
    %dma_wait3A_508 = tpu.memref_slice %arg3[%add3A_501, %dma_wait3A_507] : memref<16384x1024xf32, #tpu.memory_space<hbm>> -> memref<1x1024xf32, #tpu.memory_space<hbm>>
    %dma_wait3A_509 = tpu.memref_squeeze %dma_wait3A_508 : memref<1x1024xf32, #tpu.memory_space<hbm>> -> memref<1024xf32, #tpu.memory_space<hbm>>
    %dma_wait3A_510 = arith.constant 13312 : i32
    %dma_wait3A_511 = tpu.memref_slice %arg9[%dma_wait3A_510] : memref<16384xf32, #tpu.memory_space<vmem>> -> memref<1024xf32, #tpu.memory_space<vmem>>
    tpu.wait_dma2 semaphore(%arg15 : memref<!tpu.dma_semaphore, #tpu.memory_space<semaphore_mem>>) src(%dma_wait3A_511 : memref<1024xf32, #tpu.memory_space<vmem>>) dst(%dma_wait3A_509 : memref<1024xf32, #tpu.memory_space<hbm>>)
    %add3A_512 = arith.constant 31 : i32
    %add3A_513 = arith.addi %mul3A_2, %add3A_512 : i32
    %mul3A_514 = arith.constant 16 : i32
    %mul3A_515 = arith.muli %add3A_513, %mul3A_514 : i32
    %add3A_516 = arith.constant 14 : i32
    %add3A_517 = arith.addi %mul3A_515, %add3A_516 : i32
    %dma_wait3A_518 = arith.constant 14336 : i32
    %dma_wait3A_519 = tpu.memref_slice %arg9[%dma_wait3A_518] : memref<16384xf32, #tpu.memory_space<vmem>> -> memref<1024xf32, #tpu.memory_space<vmem>>
    %dma_wait3A_520 = arith.constant 0 : i32
    %dma_wait3A_521 = tpu.memref_slice %arg3[%add3A_517, %dma_wait3A_520] : memref<16384x1024xf32, #tpu.memory_space<hbm>> -> memref<1x1024xf32, #tpu.memory_space<hbm>>
    %dma_wait3A_522 = tpu.memref_squeeze %dma_wait3A_521 : memref<1x1024xf32, #tpu.memory_space<hbm>> -> memref<1024xf32, #tpu.memory_space<hbm>>
    %dma_wait3A_523 = arith.constant 0 : i32
    %dma_wait3A_524 = tpu.memref_slice %arg3[%add3A_517, %dma_wait3A_523] : memref<16384x1024xf32, #tpu.memory_space<hbm>> -> memref<1x1024xf32, #tpu.memory_space<hbm>>
    %dma_wait3A_525 = tpu.memref_squeeze %dma_wait3A_524 : memref<1x1024xf32, #tpu.memory_space<hbm>> -> memref<1024xf32, #tpu.memory_space<hbm>>
    %dma_wait3A_526 = arith.constant 14336 : i32
    %dma_wait3A_527 = tpu.memref_slice %arg9[%dma_wait3A_526] : memref<16384xf32, #tpu.memory_space<vmem>> -> memref<1024xf32, #tpu.memory_space<vmem>>
    tpu.wait_dma2 semaphore(%arg15 : memref<!tpu.dma_semaphore, #tpu.memory_space<semaphore_mem>>) src(%dma_wait3A_527 : memref<1024xf32, #tpu.memory_space<vmem>>) dst(%dma_wait3A_525 : memref<1024xf32, #tpu.memory_space<hbm>>)
    %add3A_528 = arith.constant 31 : i32
    %add3A_529 = arith.addi %mul3A_2, %add3A_528 : i32
    %mul3A_530 = arith.constant 16 : i32
    %mul3A_531 = arith.muli %add3A_529, %mul3A_530 : i32
    %add3A_532 = arith.constant 15 : i32
    %add3A_533 = arith.addi %mul3A_531, %add3A_532 : i32
    %dma_wait3A_534 = arith.constant 15360 : i32
    %dma_wait3A_535 = tpu.memref_slice %arg9[%dma_wait3A_534] : memref<16384xf32, #tpu.memory_space<vmem>> -> memref<1024xf32, #tpu.memory_space<vmem>>
    %dma_wait3A_536 = arith.constant 0 : i32
    %dma_wait3A_537 = tpu.memref_slice %arg3[%add3A_533, %dma_wait3A_536] : memref<16384x1024xf32, #tpu.memory_space<hbm>> -> memref<1x1024xf32, #tpu.memory_space<hbm>>
    %dma_wait3A_538 = tpu.memref_squeeze %dma_wait3A_537 : memref<1x1024xf32, #tpu.memory_space<hbm>> -> memref<1024xf32, #tpu.memory_space<hbm>>
    %dma_wait3A_539 = arith.constant 0 : i32
    %dma_wait3A_540 = tpu.memref_slice %arg3[%add3A_533, %dma_wait3A_539] : memref<16384x1024xf32, #tpu.memory_space<hbm>> -> memref<1x1024xf32, #tpu.memory_space<hbm>>
    %dma_wait3A_541 = tpu.memref_squeeze %dma_wait3A_540 : memref<1x1024xf32, #tpu.memory_space<hbm>> -> memref<1024xf32, #tpu.memory_space<hbm>>
    %dma_wait3A_542 = arith.constant 15360 : i32
    %dma_wait3A_543 = tpu.memref_slice %arg9[%dma_wait3A_542] : memref<16384xf32, #tpu.memory_space<vmem>> -> memref<1024xf32, #tpu.memory_space<vmem>>
    tpu.wait_dma2 semaphore(%arg15 : memref<!tpu.dma_semaphore, #tpu.memory_space<semaphore_mem>>) src(%dma_wait3A_543 : memref<1024xf32, #tpu.memory_space<vmem>>) dst(%dma_wait3A_541 : memref<1024xf32, #tpu.memory_space<hbm>>)
    return
  }
}

module attributes {stable_mosaic.version = 14 : i64} {
  func.func @_mm_body(%arg0: i32, %arg1: memref<1024x1024xf32, #tpu.memory_space<vmem>>, %arg2: memref<1024x128xbf16, #tpu.memory_space<vmem>>, %arg3: memref<1024x128xbf16, #tpu.memory_space<vmem>>, %arg4: memref<1024x128xf32, #tpu.memory_space<vmem>>) attributes {dimension_semantics = [#tpu.dimension_semantics<arbitrary>], iteration_bounds = array<i64: 16>, scalar_prefetch = 0 : i64, scratch_operands = 0 : i64, tpu.core_type = #tpu.core_type<tc>, window_params = [{transform_indices = @transform_0, window_bounds = array<i64: 1024, 1024>}, {pipeline_mode = #tpu.pipeline_mode<synchronous>, transform_indices = @transform_1, window_bounds = array<i64: 1024, 128>}, {pipeline_mode = #tpu.pipeline_mode<synchronous>, transform_indices = @transform_2, window_bounds = array<i64: 1024, 128>}, {transform_indices = @transform_3, window_bounds = array<i64: 1024, 128>}]} {
    %get3A = arith.constant 0 : index
    %get3A_0 = arith.constant 0 : index
    %get3A_1 = vector.load %arg1[%get3A, %get3A_0] : memref<1024x1024xf32, #tpu.memory_space<vmem>>, vector<1024x1024xf32>
    %convert_element_type3A = arith.truncf %get3A_1 : vector<1024x1024xf32> to vector<1024x1024xbf16>
    %get3A_2 = arith.constant 0 : index
    %get3A_3 = arith.constant 0 : index
    %get3A_4 = vector.load %arg2[%get3A_2, %get3A_3] : memref<1024x128xbf16, #tpu.memory_space<vmem>>, vector<1024x128xbf16>
    %dot_general3A = arith.constant dense<0.000000e+00> : vector<1024x128xf32>
    %dot_general3A_5 = tpu.matmul %convert_element_type3A, %get3A_4, %dot_general3A {dimension_numbers = #tpu.dot_dimension_numbers<[1], [0], [0], [1], [0, 0, 1, 1], [], []>, transpose_lhs_hint = false} : vector<1024x1024xbf16>, vector<1024x128xbf16>, vector<1024x128xf32> -> vector<1024x128xf32>
    %get3A_6 = arith.constant 0 : index
    %get3A_7 = arith.constant 0 : index
    %get3A_8 = vector.load %arg3[%get3A_6, %get3A_7] : memref<1024x128xbf16, #tpu.memory_space<vmem>>, vector<1024x128xbf16>
    %dot_general3A_9 = arith.constant dense<0.000000e+00> : vector<1024x128xf32>
    %dot_general3A_10 = tpu.matmul %convert_element_type3A, %get3A_8, %dot_general3A_9 {dimension_numbers = #tpu.dot_dimension_numbers<[1], [0], [0], [1], [0, 0, 1, 1], [], []>, transpose_lhs_hint = false} : vector<1024x1024xbf16>, vector<1024x128xbf16>, vector<1024x128xf32> -> vector<1024x128xf32>
    %add3A = arith.addf %dot_general3A_5, %dot_general3A_10 : vector<1024x128xf32>
    %mul3A = arith.constant 5.000000e-03 : f32
    %mul3A_11 = vector.broadcast %mul3A : f32 to vector<1024x128xf32>
    %mul3A_12 = arith.mulf %add3A, %mul3A_11 : vector<1024x128xf32>
    %max3A = arith.constant 0.000000e+00 : f32
    %max3A_13 = vector.broadcast %max3A : f32 to vector<1024x128xf32>
    %max3A_14 = arith.maximumf %mul3A_12, %max3A_13 : vector<1024x128xf32>
    %swap3A = arith.constant 0 : index
    %swap3A_15 = arith.constant 0 : index
    %swap3A_16 = vector.load %arg4[%swap3A, %swap3A_15] : memref<1024x128xf32, #tpu.memory_space<vmem>>, vector<1024x128xf32>
    tpu.vector_store %arg4[%swap3A, %swap3A_15], %max3A_14 {strides = array<i32>} : memref<1024x128xf32, #tpu.memory_space<vmem>>, vector<1024x128xf32>,
    return
  }
  func.func @transform_0(%arg0: i32) -> (i32, i32) {
    %c0_i32 = arith.constant 0 : i32
    %c0_i32_0 = arith.constant 0 : i32
    return %arg0, %c0_i32 : i32, i32
  }
  func.func @transform_1(%arg0: i32) -> (i32, i32) {
    %c0_i32 = arith.constant 0 : i32
    %c0_i32_0 = arith.constant 0 : i32
    %c0_i32_1 = arith.constant 0 : i32
    return %c0_i32, %c0_i32_0 : i32, i32
  }
  func.func @transform_2(%arg0: i32) -> (i32, i32) {
    %c0_i32 = arith.constant 0 : i32
    %c0_i32_0 = arith.constant 0 : i32
    %c0_i32_1 = arith.constant 0 : i32
    return %c0_i32, %c0_i32_0 : i32, i32
  }
  func.func @transform_3(%arg0: i32) -> (i32, i32) {
    %c0_i32 = arith.constant 0 : i32
    %c0_i32_0 = arith.constant 0 : i32
    return %arg0, %c0_i32 : i32, i32
  }
}

</mosaic_0001>

<sc_bundles>
// kernel: kernel.4.cloned.1.call-start
scs
__scs_entry_jumppad:
0x0: {  	(pc) =	sbr.rel $0x88, $3  }
0x1: {  	(tag) =	ssettag $0x0;
	lr =	simm.s32 $0x1  }
0x2: {  	[smem:$0x3F9F] =	sst lr;
	_ =	strace $0xD0000000  }
0x3: {  	_ = 	snop  }
0x4: {  	_ = 	snop  }
0x5: {  	_ = 	snop  }
0x6: {  	_ = 	snop  }
0x7: {  	_ = 	snop  }
__scs_overlays_trampoline_lowered:
0x8: {  	[smem:$0x3FAE] =	sst s0  }
0x9: {  	[smem:$0x3FAF] =	sst s1  }
0xa: {  	[smem:$0x3FB0] =	sst s2  }
0xb: {  	[smem:$0x3FB1] =	sst s3  }
0xc: {  	[smem:$0x3FB2] =	sst s4  }
0xd: {  	[smem:$0x3FB3] =	sst s5  }
0xe: {  	[smem:$0x3FB4] =	sst s6  }
0xf: {  	[smem:$0x3FB5] =	sst s7  }
0x10: {  	[smem:$0x3FB6] =	sst s8  }
0x11: {  	[smem:$0x3FB7] =	sst s9;
	s0 =	simm.s32 @!p0 $0x0  }
0x12: {  	s1 =	sld [smem:$0x3F9D];
	s0 =	simm.s32 @p0 $0x1  }
0x13: {  	[smem:$0x3FB8] =	sst s0;
	s0 =	simm.s32 @!p1 $0x0  }
0x14: {  	s2 =	sld [smem:$0x3F9C];
	s0 =	simm.s32 @p1 $0x1  }
0x15: {  	[smem:$0x3FB9] =	sst s0;
	s0 =	simm.s32 @!p2 $0x0  }
0x16: {  	s3 =	sld [smem:$0x3FDB];
	s0 =	simm.s32 @p2 $0x1  }
0x17: {  	s4 =	simm.s32 $0x1BF5;
	[smem:$0x3FBB] =	sst s0  }
0x18: {  	s0 =	sld [smem:$0x3F9E];
	_ =	swait.ge [sflag:s4], $0x0  }
0x19: {  	s7 =	sld [smem:$0x3F9F]  }
0x1a: {  	s8 =	sadd.s32 $0xFFFFE003, lr  }
0x1b: {  	s9 =	sadd.s32 $0xFFFFFEF7, lr;
	s5 =	simm.s32 $0xFFFFFFFF;
	p2 =	slt.u32 s8, $0xFFFFF086  }
0x1c: {  	p1 =	slt.u32 s9, $0xF7A;
	s5 =	simm.s32 @!p2 $0x0  }
0x1d: {  	s5 =	simm.s32 @p1 $0x1;
	p0 =	seq.s32 s7, s2  }
0x1e: {  	s7 =	smul.u32 @!p0 $0xF7A, s2;
	p2 =	seq.s32 @!p0 s5, $0x0  }
0x1f: {  	s9 =	smul.u32 $0xF7A, s1;
	s8 =	simm.s32 @!p0 $0x1BF5;
	p2 =	por !p2, p0  }
0x20: {  	[sflag:s8] =	ssyncset.s32 @!p0 $0xFFFFF086;
	s6 =	sadd.s32 @!p0 s3, s7;
	s7 =	simm.s32 @!p0 $0x108  }
0x21: {  	s3 =	sadd.s32 s3, s9;
	s6 =	sadd.s32 @!p0 $0x88, s6;
	s7 =	simm.s32 @p2 $0x1082  }
0x22: {  	[simem:s7], [sflag:s8] =	dma.local @!p0 [hbm:s6], $0xF7A  }
0x23: {  	s9 =	sor.u32 $0xD0000000, s2;
	s6 =	simm.s32 $0x108;
	_ =	swait.ge @!p0 [sflag:s8], $0x0  }
0x24: {  	s3 =	sadd.s32 $0x88, s3;
	s6 =	simm.s32 @!p1 $0x1082;
	[sflag:s4] =	ssyncset.s32 $0xFFFFF086  }
0x25: {  	[simem:s6], [sflag:s4] =	dma.local [hbm:s3], $0xF7A  }
0x26: {  	[smem:$0x3F9F] =	sst s1;
	(tag) =	ssettag s2;
	_ =	strace s9  }
0x27: {  	s1 =	sld [smem:$0x3FAF]  }
0x28: {  	s2 =	sld [smem:$0x3FB0]  }
0x29: {  	s4 =	sld [smem:$0x3FB2]  }
0x2a: {  	p0 =	seq.s32 s5, $0x0;
	s5 =	sld [smem:$0x3FB3]  }
0x2b: {  	s6 =	sld [smem:$0x3FB4]  }
0x2c: {  	s7 =	sld [smem:$0x3FB5]  }
0x2d: {  	s3 =	simm.s32 $0x108;
	s8 =	sld [smem:$0x3FB6]  }
0x2e: {  	s3 =	simm.s32 @!p0 $0x1082;
	s9 =	sld [smem:$0x3FB7]  }
0x2f: {  	lr =	sadd.s32 s0, s3;
	s0 =	sld [smem:$0x3FAE]  }
0x30: {  	s3 =	sld [smem:$0x3FB1]  }
0x31: {  	[smem:$0x3FBA] =	sst s10  }
0x32: {  	s10 =	sld [smem:$0x3FB8];
	_ =	sdelay $0x3  }
0x33: {  	p0 =	seq.s32 s10, $0x1;
	s10 =	sld [smem:$0x3FBA];
	_ =	sdelay $0x3  }
0x34: {  	[smem:$0x3FBA] =	sst s10  }
0x35: {  	s10 =	sld [smem:$0x3FB9];
	_ =	sdelay $0x3  }
0x36: {  	p1 =	seq.s32 s10, $0x1;
	s10 =	sld [smem:$0x3FBA];
	_ =	sdelay $0x3  }
0x37: {  	[smem:$0x3FBA] =	sst s10  }
0x38: {  	s10 =	sld [smem:$0x3FBB]  }
0x39: {  	_ = 	snop;
	(pc) =	sbr.ind lr, $3  }
0x3a: {  	_ = 	snop  }
0x3b: {  	_ = 	snop  }
0x3c: {  	p2 =	seq.s32 s10, $0x1;
	s10 =	sld [smem:$0x3FBA]  }
0x3d: {  	_ =	shalt  }
0x3e: {  	_ =	shalt  }
0x3f: {  	_ =	shalt  }
0x40: {  	_ =	shalt  }
0x41: {  	_ =	shalt  }
0x42: {  	_ =	shalt  }
0x43: {  	_ =	shalt  }
0x44: {  	_ =	shalt  }
0x45: {  	_ =	shalt  }
0x46: {  	_ =	shalt  }
0x47: {  	_ =	shalt  }
0x48: {  	_ =	shalt  }
0x49: {  	_ =	shalt  }
0x4a: {  	_ =	shalt  }
0x4b: {  	_ =	shalt  }
0x4c: {  	_ =	shalt  }
0x4d: {  	_ =	shalt  }
0x4e: {  	_ =	shalt  }
0x4f: {  	_ =	shalt  }
0x50: {  	_ =	shalt  }
0x51: {  	_ =	shalt  }
0x52: {  	_ =	shalt  }
0x53: {  	_ =	shalt  }
0x54: {  	_ =	shalt  }
0x55: {  	_ =	shalt  }
0x56: {  	_ =	shalt  }
0x57: {  	_ =	shalt  }
0x58: {  	_ =	shalt  }
0x59: {  	_ =	shalt  }
0x5a: {  	_ =	shalt  }
0x5b: {  	_ =	shalt  }
0x5c: {  	_ =	shalt  }
0x5d: {  	_ =	shalt  }
0x5e: {  	_ =	shalt  }
0x5f: {  	_ =	shalt  }
0x60: {  	_ =	shalt  }
0x61: {  	_ =	shalt  }
0x62: {  	_ =	shalt  }
0x63: {  	_ =	shalt  }
0x64: {  	_ =	shalt  }
0x65: {  	_ =	shalt  }
0x66: {  	_ =	shalt  }
0x67: {  	_ =	shalt  }
0x68: {  	_ =	shalt  }
0x69: {  	_ =	shalt  }
0x6a: {  	_ =	shalt  }
0x6b: {  	_ =	shalt  }
0x6c: {  	_ =	shalt  }
0x6d: {  	_ =	shalt  }
0x6e: {  	_ =	shalt  }
0x6f: {  	_ =	shalt  }
0x70: {  	_ =	shalt  }
0x71: {  	_ =	shalt  }
0x72: {  	_ =	shalt  }
0x73: {  	_ =	shalt  }
0x74: {  	_ =	shalt  }
0x75: {  	_ =	shalt  }
0x76: {  	_ =	shalt  }
0x77: {  	_ =	shalt  }
0x78: {  	_ =	shalt  }
0x79: {  	_ =	shalt  }
0x7a: {  	_ =	shalt  }
0x7b: {  	_ =	shalt  }
0x7c: {  	_ =	shalt  }
0x7d: {  	_ =	shalt  }
0x7e: {  	_ =	shalt  }
0x7f: {  	_ =	shalt  }
0x80: {  	_ =	shalt  }
0x81: {  	_ =	shalt  }
0x82: {  	_ =	shalt  }
0x83: {  	_ =	shalt  }
0x84: {  	_ =	shalt  }
0x85: {  	_ =	shalt  }
0x86: {  	_ =	shalt  }
0x87: {  	_ =	shalt  }
.Lfunc_end0:
.L_simem_size_0:
called_computation_lowered:
.L_overlay_start_0:
0x88: {  	s2 =	sld [smem:$0x3FD9]  }
0x89: {  	s3 =	sld [smem:$0x3FFE];
	_ =	sdelay $0x1  }
0x8a: {  	s1 =	srdreg.scid  }
0x8b: {  	s0 =	sand.u32 $0x1, s1  }
0x8c: {  	s16 =	sshll.u32 s0, $0xA;
	s2 =	sadd.s32 s3, s2  }
0x8d: {  	s2 =	sadd.s32 s2, s16  }
0x8e: {  	[smem:$0x3FC6] =	sst s2  }
0x8f: {  	_ = 	snop  }
0x90: {  	(tm) =	ssettm $0x1  }
0x91: {  	s17 =	sld [smem:$0x3FFB];
	_ =	sdelay $0x3  }
0x92: {  	_ =	strace s17  }
0x93: {  	s2 =	sld [smem:$0x3FFC];
	_ =	sdelay $0x3  }
0x94: {  	_ =	strace s2  }
0x95: {  	s2 =	sld [smem:$0x3FFD];
	_ =	sdelay $0x3  }
0x96: {  	_ =	strace s2  }
0x97: {  	_ =	strace $0x8FFFFFFF  }
0x98: {  	s18 =	sld [smem:$0x3FDB];
	_ =	sdelay $0x1  }
0x99: {  	s19 =	simm.s32 $_scs_section_size  }
0x9a: {  	s4 =	simm.s32 $_size__tile_overlayer_lowered;
	s5 =	simm.s32 $_tile_overlayer_lowered  }
0x9b: {  	s22 =	simm.s32 $0x1BFF;
	s21 =	sshll.u32 s5, $0x1;
	s2 =	sadd.s32 s19, s18  }
0x9c: {  	s6 =	simm.s32 $0x0;
	s20 =	sshll.u32 s4, $0x1;
	s4 =	sadd.s32 s21, s2  }
0x9d: {  	[timem:s6], [sflag:s22] =	dma.local [hbm:s4], s20  }
0x9e: {  	_ =	swait.ge [sflag:s22], s20  }
0x9f: {  	s3 =	ssub.s32 $0x0, s20;
	[sflag:s22] =	ssyncset.done $0x0  }
0xa0: {  	[sflag:s22] =	ssyncadd.s32 s3;
	_ =	sdelay $0x1  }
0xa1: {  	s23 =	simm.s32 $0x1B8B  }
0xa2: {  	_ =	swait.ge [sflag:s23], $0x1  }
0xa3: {  	[sflag:s23] =	ssyncset.done $0x0  }
0xa4: {  	s25 =	simm.s32 $0x1B8E;
	s24 =	sld [smem:$0x3FFE];
	[sflag:s23] =	ssyncadd.s32 $0xFFFFFFFF  }
0xa5: {  	s26 =	simm.s32 $execute0_lowered;
	[smem:$0x3FD2] =	sst s25  }
0xa6: {  	s4 =	sshll.u32 s26, $0x1;
	_ =	strace $0x80000046;
	[dreg:$0x1] =	wrdreg $0xFFFFFFFF  }
0xa7: {  	s28 =	simm.s32 $_size_execute0_lowered;
	s2 =	sadd.s32 s2, s4;
	[dreg:$0x0] =	wrdreg $0x0  }
0xa8: {  	s4 =	sshll.u32 s28, $0x1;
	[dreg:$0x2] =	wrdreg s2  }
0xa9: {  	[dreg:$0x3] =	wrdreg s4  }
0xaa: {  	[dreg:$0x4] =	wrdreg $0xC0  }
0xab: {  	_ =	task [dreg:s6], $0x5FFFF  }
0xac: {  	[dreg:$0x1] =	wrdreg $0xFFFFFFFF  }
0xad: {  	[dreg:$0x0] =	wrdreg $0x60  }
0xae: {  	[dreg:$0x2] =	wrdreg s24  }
0xaf: {  	[dreg:$0x3] =	wrdreg $0x9  }
0xb0: {  	_ =	task.clear_ibuf [dreg:s6], $0x4FFFF;
	_ =	strace $0x90000046  }
0xb1: {  	s29 =	simm.s32 $0x9;
	_ =	strace $0x80000048  }
0xb2: {  	_ =	swait.ge [sflag:s29], $0x1  }
0xb3: {  	[sflag:s29] =	ssyncadd.s32 $0xFFFFFFFF  }
0xb4: {  	_ =	strace $0x90000048  }
0xb5: {  	_ =	sfence  }
0xb6: {  	s30 =	sld [smem:$0x0];
	_ =	sdelay $0x2  }
0xb7: {  	s31 =	sshll.u32 s1, $0xD;
	s1 =	sshrl.u32 s1, $0x2  }
0xb8: {  	s3 =	sand.u32 $0x4000, s31;
	s1 =	sadd.s32 s1, s30  }
0xb9: {  	s0 =	sor.u32 s3, s0;
	s1 =	sshll.u32 s1, $0x11  }
0xba: {  	s0 =	sor.u32 s1, s0  }
0xbb: {  	s0 =	sadd.s32 $0x8F2B, s0  }
0xbc: {  	[sflag:s0] =	ssyncadd.remote.s32 $0x1  }
0xbd: {  	_ =	sfence.sel $0xFFFF  }
0xbe: {  	[dreg:$0x0] =	wrdreg $0xFFFFFFFF;
	(pc) =	sbr.abs _section_cstart, $3  }
0xbf: {  	[dreg:$0x1] =	wrdreg $0xFFFFFFFF  }
0xc0: {  	_ =	task.clear_ibuf [dreg:s6], $0x2FFFF;
	_ =	strace $0x9FFFFFFF  }
0xc1: {  	(tm) =	ssettm $0x7FFFFFFF  }
tec
execute0_lowered:
.L_overlay_start_1:
0x0: {  	(tag) =	ssettag $0x1  }
0x1: {  	s0 =	srdreg.scid  }
0x2: {  	s1 =	stileid.u32;
	s3 =	rddreg [dreg:$0x0]  }
0x3: {  	s7 =	simm.s32 $0x0;
	s24 =	simm.s32 $0x80;
	s25 =	simm.s32 $0x400  }
0x4: {  	s30 =	simm.s32 $0x3200;
	s26 =	simm.s32 $0x7600;
	s31 =	simm.s32 $0x5  }
0x5: {  	s0 =	sand.u32 $0x1, s0;
	s1 =	sshll.u32 s1, $0x6;
	[smem:$0x7FF] =	sst s7  }
0x6: {  	s4 =	sadd.s32 $0x600, s3;
	s5 =	sadd.s32 $0x64600, s3;
	s8 =	sadd.s32 $0x64610, s3  }
0x7: {  	s9 =	sadd.s32 $0x64620, s3;
	s10 =	sadd.s32 $0x64630, s3;
	s11 =	sadd.s32 $0x64640, s3  }
0x8: {  	s12 =	sadd.s32 $0x64650, s3;
	s13 =	sadd.s32 $0x64660, s3;
	s14 =	sadd.s32 $0x64670, s3  }
0x9: {  	s15 =	sadd.s32 $0x64A00, s3;
	s16 =	sadd.s32 $0x64A10, s3;
	s2 =	sshll.u32 s0, $0x5  }
0xa: {  	s17 =	sadd.s32 $0x64A20, s3;
	s0 =	ssub.s32 $0x2, s0;
	s2 =	sor.u32 s2, s1  }
0xb: {  	s18 =	sadd.s32 $0x64A30, s3;
	s6 =	sshrl.u32 s0, $0x1;
	s1 =	sshrl.u32 s2, $0x3  }
0xc: {  	s19 =	sadd.s32 $0x64A40, s3;
	s0 =	ssub.s32 s0, s6;
	s1 =	smul.u32 $0xC80, s1  }
0xd: {  	s20 =	sadd.s32 $0x64A50, s3;
	s21 =	sadd.s32 $0x64A60, s3;
	s0 =	smax.u32 s0, $0x1  }
0xe: {  	_ =	strace $0x80000047;
	[dreg:$0x5] =	wrdreg s0;
	s1 =	sadd.s32 s4, s1  }
0xf: {  	s22 =	sadd.s32 $0x64A70, s3;
	[dreg:$0x3] =	wrdreg s1;
	s1 =	sadd.s32 $0x10, s1  }
0x10: {  	v0 =	vimm.f32 $0.0e+00;
	v1 =	vimm.f32 $1.000000000e+00;
	s3 =	simm.s32 $0x7200;
	s0 =	simm.s32 $0x6;
	[dreg:$0x4] =	wrdreg s1  }
.LBB2_1:
0x11: {  	s23 =	simm.s32 $0x3240  }
0x12: {  	[tilespmem:s23+$0xFFFFFFC0] =	vst v0  }
0x13: {  	[tilespmem:s23+$0x30] =	vst v0  }
0x14: {  	[tilespmem:s23+$0x20] =	vst v0  }
0x15: {  	[tilespmem:s23+$0x10] =	vst v0  }
0x16: {  	[tilespmem:s23+$0x0] =	vst v0  }
0x17: {  	[tilespmem:s23+$0xFFFFFFF0] =	vst v0  }
0x18: {  	[dreg:$0x2] =	wrdreg s7;
	s28 =	simm.s32 $0x0;
	[tilespmem:s23+$0xFFFFFFE0] =	vst v0  }
.LBB2_2:
0x19: {  	s28 =	sadd.s32 $0x8, s28;
	[tilespmem:s23+$0xFFFFFFD0] =	vst v0;
	s23 =	sadd.s32 $0x80, s23;
	s7 =	simm.s32 $0x7240  }
0x1a: {  	[tilespmem:s23+$0xFFFFFFC0] =	vst v0;
	p0 =	slt.u32 s28, $0x3F8  }
0x1b: {  	[tilespmem:s23+$0x30] =	vst v0  }
.Ltmp0:
0x1c: {  	[tilespmem:s23+$0x20] =	vst v0;
	(pc) =	sbr.rel @p0 .LBB2_2-.Ltmp0, $4  }
0x1d: {  	[tilespmem:s23+$0x10] =	vst v0  }
0x1e: {  	[tilespmem:s23+$0x0] =	vst v0  }
0x1f: {  	[tilespmem:s23+$0xFFFFFFF0] =	vst v0  }
0x20: {  	[tilespmem:s23+$0xFFFFFFE0] =	vst v0  }
0x21: {  	[tilespmem:s23+$0xFFFFFFD0] =	vst v0  }
0x22: {  	[tilespmem:s7+$0xFFFFFFC0] =	vst v0  }
0x23: {  	[tilespmem:s7+$0x30] =	vst v0  }
0x24: {  	[tilespmem:s7+$0x20] =	vst v0  }
0x25: {  	[tilespmem:s7+$0x10] =	vst v0  }
0x26: {  	[tilespmem:s7+$0x0] =	vst v0  }
0x27: {  	[tilespmem:s7+$0xFFFFFFF0] =	vst v0  }
0x28: {  	s23 =	simm.s32 $0x0;
	[tilespmem:s7+$0xFFFFFFE0] =	vst v0  }
.LBB2_4:
0x29: {  	s23 =	sadd.s32 $0x8, s23;
	[tilespmem:s7+$0xFFFFFFD0] =	vst v0;
	s7 =	sadd.s32 $0x80, s7  }
0x2a: {  	[tilespmem:s7+$0xFFFFFFC0] =	vst v0;
	p0 =	slt.u32 s23, $0x3F8  }
0x2b: {  	[tilespmem:s7+$0x30] =	vst v0  }
.Ltmp1:
0x2c: {  	[tilespmem:s7+$0x20] =	vst v0;
	(pc) =	sbr.rel @p0 .LBB2_4-.Ltmp1, $4  }
0x2d: {  	[tilespmem:s7+$0x10] =	vst v0  }
0x2e: {  	[tilespmem:s7+$0x0] =	vst v0  }
0x2f: {  	[tilespmem:s7+$0xFFFFFFF0] =	vst v0  }
0x30: {  	[tilespmem:s7+$0xFFFFFFE0] =	vst v0  }
0x31: {  	[tilespmem:s7+$0xFFFFFFD0] =	vst v0;
	s7 =	simm.s32 $0x0;
	s1 =	rddreg [dreg:$0x3]  }
0x32: {  	[tilespmem:s7], [sflag:$0x1] =	stream.strided.gather [hbm4b:s1+s24], $0xC80, s25, s24, $0x38;
	[tilespmem:$0xB200] =	vst v63  }
0x33: {  	s29 =	rddreg [dreg:$0x4];
	s6 =	simm.s32 $0xC80  }
0x34: {  	[tilespmem:s6], [sflag:$0x2] =	stream.strided.gather [hbm4b:s29+s24], $0xC80, s25, s24, $0x38;
	[tilespmem:$0xB200] =	vst v63  }
.LBB2_6:
0x35: {  	p0 =	seq.s32 s7, $0x0  }
.Ltmp2:
0x36: {  	_ = 	snop;
	(pc) =	sbr.rel @p0 .LBB2_9-.Ltmp2, $1  }
0x37: {  	_ =	sdelay $0x3  }
0x38: {  	_ =	swait.ge [sflag:s31], $0x400  }
0x39: {  	[sflag:s31] =	ssyncset.done $0x0  }
0x3a: {  	[sflag:s31] =	ssyncadd.s32 $0xFFFFFC00  }
0x3b: {  	_ =	swait.ge [sflag:s31], $0x400  }
0x3c: {  	[sflag:s31] =	ssyncset.done $0x0  }
0x3d: {  	[sflag:s31] =	ssyncadd.s32 $0xFFFFFC00  }
0x3e: {  	_ =	swait.ge [sflag:s31], $0x400  }
0x3f: {  	[sflag:s31] =	ssyncset.done $0x0  }
0x40: {  	[sflag:s31] =	ssyncadd.s32 $0xFFFFFC00  }
0x41: {  	_ =	swait.ge [sflag:s31], $0x400  }
0x42: {  	[sflag:s31] =	ssyncset.done $0x0  }
0x43: {  	[sflag:s31] =	ssyncadd.s32 $0xFFFFFC00  }
0x44: {  	_ =	swait.ge [sflag:s31], $0x400  }
0x45: {  	[sflag:s31] =	ssyncset.done $0x0  }
0x46: {  	[sflag:s31] =	ssyncadd.s32 $0xFFFFFC00  }
0x47: {  	_ =	swait.ge [sflag:s31], $0x400  }
0x48: {  	[sflag:s31] =	ssyncset.done $0x0  }
0x49: {  	[sflag:s31] =	ssyncadd.s32 $0xFFFFFC00  }
0x4a: {  	_ =	swait.ge [sflag:s31], $0x400  }
0x4b: {  	[sflag:s31] =	ssyncset.done $0x0  }
0x4c: {  	[sflag:s31] =	ssyncadd.s32 $0xFFFFFC00  }
0x4d: {  	_ =	swait.ge [sflag:s31], $0x400  }
0x4e: {  	[sflag:s31] =	ssyncset.done $0x0  }
0x4f: {  	[sflag:s31] =	ssyncadd.s32 $0xFFFFFC00  }
0x50: {  	_ =	swait.ge [sflag:s31], $0x400  }
0x51: {  	[sflag:s31] =	ssyncset.done $0x0  }
0x52: {  	[sflag:s31] =	ssyncadd.s32 $0xFFFFFC00  }
0x53: {  	_ =	swait.ge [sflag:s31], $0x400  }
0x54: {  	[sflag:s31] =	ssyncset.done $0x0  }
0x55: {  	[sflag:s31] =	ssyncadd.s32 $0xFFFFFC00  }
0x56: {  	_ =	swait.ge [sflag:s31], $0x400  }
0x57: {  	[sflag:s31] =	ssyncset.done $0x0  }
0x58: {  	[sflag:s31] =	ssyncadd.s32 $0xFFFFFC00  }
0x59: {  	_ =	swait.ge [sflag:s31], $0x400  }
0x5a: {  	[sflag:s31] =	ssyncset.done $0x0  }
0x5b: {  	[sflag:s31] =	ssyncadd.s32 $0xFFFFFC00  }
0x5c: {  	_ =	swait.ge [sflag:s31], $0x400  }
0x5d: {  	[sflag:s31] =	ssyncset.done $0x0  }
0x5e: {  	[sflag:s31] =	ssyncadd.s32 $0xFFFFFC00  }
0x5f: {  	_ =	swait.ge [sflag:s31], $0x400  }
0x60: {  	[sflag:s31] =	ssyncset.done $0x0  }
0x61: {  	[sflag:s31] =	ssyncadd.s32 $0xFFFFFC00  }
0x62: {  	_ =	swait.ge [sflag:s31], $0x400  }
0x63: {  	[sflag:s31] =	ssyncset.done $0x0  }
0x64: {  	[sflag:s31] =	ssyncadd.s32 $0xFFFFFC00  }
0x65: {  	_ =	swait.ge [sflag:s31], $0x400  }
0x66: {  	[sflag:s31] =	ssyncset.done $0x0  }
0x67: {  	s23 =	simm.s32 $0xFFFFFFF8;
	s6 =	simm.s32 $0x1940;
	[sflag:s31] =	ssyncadd.s32 $0xFFFFFC00  }
.LBB2_8:
0x68: {  	v2 =	vld [tilespmem:s6+$0xFFFFFFC0];
	_ =	sdelay $0x7  }
0x69: {  	[tilespmem:v2+s30+$0x0] =	vst.idx.msk $0xffff, v0  }
0x6a: {  	v2 =	vld [tilespmem:s6+$0xFFFFFFD0];
	_ =	sdelay $0x7  }
0x6b: {  	[tilespmem:v2+s30+$0x0] =	vst.idx.msk $0xffff, v0  }
0x6c: {  	v2 =	vld [tilespmem:s6+$0xFFFFFFE0];
	_ =	sdelay $0x7  }
0x6d: {  	[tilespmem:v2+s30+$0x0] =	vst.idx.msk $0xffff, v0  }
0x6e: {  	v2 =	vld [tilespmem:s6+$0xFFFFFFF0];
	_ =	sdelay $0x7  }
0x6f: {  	[tilespmem:v2+s30+$0x0] =	vst.idx.msk $0xffff, v0  }
0x70: {  	v2 =	vld [tilespmem:s6+$0x0];
	_ =	sdelay $0x7  }
0x71: {  	[tilespmem:v2+s30+$0x0] =	vst.idx.msk $0xffff, v0  }
0x72: {  	v2 =	vld [tilespmem:s6+$0x10];
	_ =	sdelay $0x7  }
0x73: {  	[tilespmem:v2+s30+$0x0] =	vst.idx.msk $0xffff, v0  }
0x74: {  	v2 =	vld [tilespmem:s6+$0x20];
	_ =	sdelay $0x7  }
0x75: {  	[tilespmem:v2+s30+$0x0] =	vst.idx.msk $0xffff, v0  }
0x76: {  	v2 =	vld [tilespmem:s6+$0x30];
	_ =	sdelay $0x1  }
0x77: {  	s23 =	sadd.s32 $0x8, s23  }
0x78: {  	p1 =	slt.u32 s23, $0xC0  }
.Ltmp3:
0x79: {  	_ = 	snop;
	(pc) =	sbr.rel @p1 .LBB2_8-.Ltmp3, $2  }
0x7a: {  	_ =	sdelay $0x2  }
0x7b: {  	s6 =	sadd.s32 $0x80, s6;
	[tilespmem:v2+s30+$0x0] =	vst.idx.msk $0xffff, v0  }
.LBB2_9:
0x7c: {  	s23 =	sshll.u32 s7, $0x2  }
0x7d: {  	s29 =	sor.u32 s2, s23  }
0x7e: {  	s1 =	sshrl.u32 s29, $0x3  }
0x7f: {  	s6 =	sshll.u32 s7, $0x9;
	s1 =	smul.u32 $0x6400, s1  }
0x80: {  	s6 =	sand.u32 $0x200, s6  }
0x81: {  	s1 =	sor.u32 s6, s1  }
0x82: {  	s1 =	sshrl.u32 s1, $0x3  }
0x83: {  	s28 =	sadd.s32 s1, s4  }
0x84: {  	s6 =	simm.s32 $0x1900;
	s1 =	sadd.s32 $0x20, s28  }
0x85: {  	[tilespmem:s6], [sflag:$0x3] =	stream.strided.gather [hbm4b:s1+s24], $0xC80, s25, s24, $0x38;
	[tilespmem:$0xB200] =	vst v63  }
0x86: {  	s6 =	simm.s32 $0x1  }
0x87: {  	_ =	swait.ge [sflag:s6], $0xC80  }
0x88: {  	[sflag:s6] =	ssyncset.done $0x0  }
0x89: {  	s1 =	simm.s32 $0x40;
	[sflag:s6] =	ssyncadd.s32 $0xFFFFF380;
	s6 =	simm.s32 $0xFFFFFFF8  }
.LBB2_10:
0x8a: {  	v2 =	vld [tilespmem:s1+$0xFFFFFFC0];
	_ =	sdelay $0x7  }
0x8b: {  	[tilespmem:v2+s30+$0x0] =	vst.idx.add.f32.msk $0xffff, v1  }
0x8c: {  	v2 =	vld [tilespmem:s1+$0xFFFFFFD0];
	_ =	sdelay $0x7  }
0x8d: {  	[tilespmem:v2+s30+$0x0] =	vst.idx.add.f32.msk $0xffff, v1  }
0x8e: {  	v2 =	vld [tilespmem:s1+$0xFFFFFFE0];
	_ =	sdelay $0x7  }
0x8f: {  	[tilespmem:v2+s30+$0x0] =	vst.idx.add.f32.msk $0xffff, v1  }
0x90: {  	v2 =	vld [tilespmem:s1+$0xFFFFFFF0];
	_ =	sdelay $0x7  }
0x91: {  	[tilespmem:v2+s30+$0x0] =	vst.idx.add.f32.msk $0xffff, v1  }
0x92: {  	v2 =	vld [tilespmem:s1+$0x0];
	_ =	sdelay $0x7  }
0x93: {  	[tilespmem:v2+s30+$0x0] =	vst.idx.add.f32.msk $0xffff, v1  }
0x94: {  	v2 =	vld [tilespmem:s1+$0x10];
	_ =	sdelay $0x7  }
0x95: {  	[tilespmem:v2+s30+$0x0] =	vst.idx.add.f32.msk $0xffff, v1  }
0x96: {  	v2 =	vld [tilespmem:s1+$0x20];
	_ =	sdelay $0x7  }
0x97: {  	[tilespmem:v2+s30+$0x0] =	vst.idx.add.f32.msk $0xffff, v1  }
0x98: {  	v2 =	vld [tilespmem:s1+$0x30];
	_ =	sdelay $0x1  }
0x99: {  	s6 =	sadd.s32 $0x8, s6  }
0x9a: {  	p1 =	slt.u32 s6, $0xC0  }
.Ltmp4:
0x9b: {  	_ = 	snop;
	(pc) =	sbr.rel @p1 .LBB2_10-.Ltmp4, $2  }
0x9c: {  	_ =	sdelay $0x2  }
0x9d: {  	s1 =	sadd.s32 $0x80, s1;
	[tilespmem:v2+s30+$0x0] =	vst.idx.add.f32.msk $0xffff, v1  }
0x9e: {  	s29 =	sshll.u32 s29, $0xB  }
0x9f: {  	s1 =	sadd.s32 s5, s29  }
0xa0: {  	[hbm4b:s1+s24] =	stream.strided.scatter [tilespmem:s30], [sflag:$0x5], $0x400, s25, s24, $0x38;
	[tilespmem:$0xB200] =	vst v63  }
0xa1: {  	s6 =	simm.s32 $0x3600;
	s1 =	sadd.s32 s29, s8  }
0xa2: {  	[hbm4b:s1+s24] =	stream.strided.scatter [tilespmem:s6], [sflag:$0x5], $0x400, s25, s24, $0x38;
	[tilespmem:$0xB200] =	vst v63  }
0xa3: {  	s1 =	sadd.s32 s29, s9;
	s6 =	simm.s32 $0x3A00  }
0xa4: {  	[hbm4b:s1+s24] =	stream.strided.scatter [tilespmem:s6], [sflag:$0x5], $0x400, s25, s24, $0x38;
	[tilespmem:$0xB200] =	vst v63  }
0xa5: {  	s1 =	sadd.s32 s29, s10;
	s6 =	simm.s32 $0x3E00  }
0xa6: {  	[hbm4b:s1+s24] =	stream.strided.scatter [tilespmem:s6], [sflag:$0x5], $0x400, s25, s24, $0x38;
	[tilespmem:$0xB200] =	vst v63  }
0xa7: {  	s1 =	sadd.s32 s29, s11;
	s6 =	simm.s32 $0x4200  }
0xa8: {  	[hbm4b:s1+s24] =	stream.strided.scatter [tilespmem:s6], [sflag:$0x5], $0x400, s25, s24, $0x38;
	[tilespmem:$0xB200] =	vst v63  }
0xa9: {  	s1 =	sadd.s32 s29, s12;
	s6 =	simm.s32 $0x4600  }
0xaa: {  	[hbm4b:s1+s24] =	stream.strided.scatter [tilespmem:s6], [sflag:$0x5], $0x400, s25, s24, $0x38;
	[tilespmem:$0xB200] =	vst v63  }
0xab: {  	s1 =	sadd.s32 s29, s13;
	s6 =	simm.s32 $0x4A00  }
0xac: {  	[hbm4b:s1+s24] =	stream.strided.scatter [tilespmem:s6], [sflag:$0x5], $0x400, s25, s24, $0x38;
	[tilespmem:$0xB200] =	vst v63  }
0xad: {  	s1 =	sadd.s32 s29, s14;
	s6 =	simm.s32 $0x4E00  }
0xae: {  	[hbm4b:s1+s24] =	stream.strided.scatter [tilespmem:s6], [sflag:$0x5], $0x400, s25, s24, $0x38;
	[tilespmem:$0xB200] =	vst v63  }
0xaf: {  	s1 =	sadd.s32 s29, s15;
	s6 =	simm.s32 $0x5200  }
0xb0: {  	[hbm4b:s1+s24] =	stream.strided.scatter [tilespmem:s6], [sflag:$0x5], $0x400, s25, s24, $0x38;
	[tilespmem:$0xB200] =	vst v63  }
0xb1: {  	s1 =	sadd.s32 s29, s16;
	s6 =	simm.s32 $0x5600  }
0xb2: {  	[hbm4b:s1+s24] =	stream.strided.scatter [tilespmem:s6], [sflag:$0x5], $0x400, s25, s24, $0x38;
	[tilespmem:$0xB200] =	vst v63  }
0xb3: {  	s1 =	sadd.s32 s29, s17;
	s6 =	simm.s32 $0x5A00  }
0xb4: {  	[hbm4b:s1+s24] =	stream.strided.scatter [tilespmem:s6], [sflag:$0x5], $0x400, s25, s24, $0x38;
	[tilespmem:$0xB200] =	vst v63  }
0xb5: {  	s1 =	sadd.s32 s29, s18;
	s6 =	simm.s32 $0x5E00  }
0xb6: {  	[hbm4b:s1+s24] =	stream.strided.scatter [tilespmem:s6], [sflag:$0x5], $0x400, s25, s24, $0x38;
	[tilespmem:$0xB200] =	vst v63  }
0xb7: {  	s1 =	sadd.s32 s29, s19;
	s6 =	simm.s32 $0x6200  }
0xb8: {  	[hbm4b:s1+s24] =	stream.strided.scatter [tilespmem:s6], [sflag:$0x5], $0x400, s25, s24, $0x38;
	[tilespmem:$0xB200] =	vst v63  }
0xb9: {  	s1 =	sadd.s32 s29, s20;
	s6 =	simm.s32 $0x6600  }
0xba: {  	[hbm4b:s1+s24] =	stream.strided.scatter [tilespmem:s6], [sflag:$0x5], $0x400, s25, s24, $0x38;
	[tilespmem:$0xB200] =	vst v63  }
.Ltmp5:
0xbb: {  	_ = 	snop;
	(pc) =	sbr.rel @p0 .LBB2_14-.Ltmp5, $4  }
0xbc: {  	s1 =	sadd.s32 s29, s21;
	s6 =	simm.s32 $0x6A00  }
0xbd: {  	[hbm4b:s1+s24] =	stream.strided.scatter [tilespmem:s6], [sflag:$0x5], $0x400, s25, s24, $0x38;
	[tilespmem:$0xB200] =	vst v63  }
0xbe: {  	s1 =	sadd.s32 s29, s22;
	s6 =	simm.s32 $0x6E00  }
0xbf: {  	[hbm4b:s1+s24] =	stream.strided.scatter [tilespmem:s6], [sflag:$0x5], $0x400, s25, s24, $0x38;
	[tilespmem:$0xB200] =	vst v63  }
0xc0: {  	_ =	swait.ge [sflag:s0], $0x400  }
0xc1: {  	[sflag:s0] =	ssyncset.done $0x0  }
0xc2: {  	[sflag:s0] =	ssyncadd.s32 $0xFFFFFC00  }
0xc3: {  	_ =	swait.ge [sflag:s0], $0x400  }
0xc4: {  	[sflag:s0] =	ssyncset.done $0x0  }
0xc5: {  	[sflag:s0] =	ssyncadd.s32 $0xFFFFFC00  }
0xc6: {  	_ =	swait.ge [sflag:s0], $0x400  }
0xc7: {  	[sflag:s0] =	ssyncset.done $0x0  }
0xc8: {  	[sflag:s0] =	ssyncadd.s32 $0xFFFFFC00  }
0xc9: {  	_ =	swait.ge [sflag:s0], $0x400  }
0xca: {  	[sflag:s0] =	ssyncset.done $0x0  }
0xcb: {  	[sflag:s0] =	ssyncadd.s32 $0xFFFFFC00  }
0xcc: {  	_ =	swait.ge [sflag:s0], $0x400  }
0xcd: {  	[sflag:s0] =	ssyncset.done $0x0  }
0xce: {  	[sflag:s0] =	ssyncadd.s32 $0xFFFFFC00  }
0xcf: {  	_ =	swait.ge [sflag:s0], $0x400  }
0xd0: {  	[sflag:s0] =	ssyncset.done $0x0  }
0xd1: {  	[sflag:s0] =	ssyncadd.s32 $0xFFFFFC00  }
0xd2: {  	_ =	swait.ge [sflag:s0], $0x400  }
0xd3: {  	[sflag:s0] =	ssyncset.done $0x0  }
0xd4: {  	[sflag:s0] =	ssyncadd.s32 $0xFFFFFC00  }
0xd5: {  	_ =	swait.ge [sflag:s0], $0x400  }
0xd6: {  	[sflag:s0] =	ssyncset.done $0x0  }
0xd7: {  	[sflag:s0] =	ssyncadd.s32 $0xFFFFFC00  }
0xd8: {  	_ =	swait.ge [sflag:s0], $0x400  }
0xd9: {  	[sflag:s0] =	ssyncset.done $0x0  }
0xda: {  	[sflag:s0] =	ssyncadd.s32 $0xFFFFFC00  }
0xdb: {  	_ =	swait.ge [sflag:s0], $0x400  }
0xdc: {  	[sflag:s0] =	ssyncset.done $0x0  }
0xdd: {  	[sflag:s0] =	ssyncadd.s32 $0xFFFFFC00  }
0xde: {  	_ =	swait.ge [sflag:s0], $0x400  }
0xdf: {  	[sflag:s0] =	ssyncset.done $0x0  }
0xe0: {  	[sflag:s0] =	ssyncadd.s32 $0xFFFFFC00  }
0xe1: {  	_ =	swait.ge [sflag:s0], $0x400  }
0xe2: {  	[sflag:s0] =	ssyncset.done $0x0  }
0xe3: {  	[sflag:s0] =	ssyncadd.s32 $0xFFFFFC00  }
0xe4: {  	_ =	swait.ge [sflag:s0], $0x400  }
0xe5: {  	[sflag:s0] =	ssyncset.done $0x0  }
0xe6: {  	[sflag:s0] =	ssyncadd.s32 $0xFFFFFC00  }
0xe7: {  	_ =	swait.ge [sflag:s0], $0x400  }
0xe8: {  	[sflag:s0] =	ssyncset.done $0x0  }
0xe9: {  	[sflag:s0] =	ssyncadd.s32 $0xFFFFFC00  }
0xea: {  	_ =	swait.ge [sflag:s0], $0x400  }
0xeb: {  	[sflag:s0] =	ssyncset.done $0x0  }
0xec: {  	[sflag:s0] =	ssyncadd.s32 $0xFFFFFC00  }
0xed: {  	_ =	swait.ge [sflag:s0], $0x400  }
0xee: {  	[sflag:s0] =	ssyncset.done $0x0  }
0xef: {  	s6 =	simm.s32 $0xFFFFFFF8;
	s1 =	simm.s32 $0x25C0;
	[sflag:s0] =	ssyncadd.s32 $0xFFFFFC00  }
.LBB2_13:
0xf0: {  	v2 =	vld [tilespmem:s1+$0xFFFFFFC0];
	_ =	sdelay $0x7  }
0xf1: {  	[tilespmem:v2+s3+$0x0] =	vst.idx.msk $0xffff, v0  }
0xf2: {  	v2 =	vld [tilespmem:s1+$0xFFFFFFD0];
	_ =	sdelay $0x7  }
0xf3: {  	[tilespmem:v2+s3+$0x0] =	vst.idx.msk $0xffff, v0  }
0xf4: {  	v2 =	vld [tilespmem:s1+$0xFFFFFFE0];
	_ =	sdelay $0x7  }
0xf5: {  	[tilespmem:v2+s3+$0x0] =	vst.idx.msk $0xffff, v0  }
0xf6: {  	v2 =	vld [tilespmem:s1+$0xFFFFFFF0];
	_ =	sdelay $0x7  }
0xf7: {  	[tilespmem:v2+s3+$0x0] =	vst.idx.msk $0xffff, v0  }
0xf8: {  	v2 =	vld [tilespmem:s1+$0x0];
	_ =	sdelay $0x7  }
0xf9: {  	[tilespmem:v2+s3+$0x0] =	vst.idx.msk $0xffff, v0  }
0xfa: {  	v2 =	vld [tilespmem:s1+$0x10];
	_ =	sdelay $0x7  }
0xfb: {  	[tilespmem:v2+s3+$0x0] =	vst.idx.msk $0xffff, v0  }
0xfc: {  	v2 =	vld [tilespmem:s1+$0x20];
	_ =	sdelay $0x7  }
0xfd: {  	[tilespmem:v2+s3+$0x0] =	vst.idx.msk $0xffff, v0  }
0xfe: {  	v2 =	vld [tilespmem:s1+$0x30];
	_ =	sdelay $0x1  }
0xff: {  	s6 =	sadd.s32 $0x8, s6  }
0x100: {  	p0 =	slt.u32 s6, $0xC0  }
.Ltmp6:
0x101: {  	_ = 	snop;
	(pc) =	sbr.rel @p0 .LBB2_13-.Ltmp6, $2  }
0x102: {  	_ =	sdelay $0x2  }
0x103: {  	s1 =	sadd.s32 $0x80, s1;
	[tilespmem:v2+s3+$0x0] =	vst.idx.msk $0xffff, v0  }
.LBB2_14:
0x104: {  	s1 =	sadd.s32 $0x30, s28;
	s6 =	simm.s32 $0x2580  }
0x105: {  	[tilespmem:s6], [sflag:$0x4] =	stream.strided.gather [hbm4b:s1+s24], $0xC80, s25, s24, $0x38;
	[tilespmem:$0xB200] =	vst v63  }
0x106: {  	s6 =	simm.s32 $0x2  }
0x107: {  	_ =	swait.ge [sflag:s6], $0xC80  }
0x108: {  	s28 =	sor.u32 $0x2, s23;
	[sflag:s6] =	ssyncset.done $0x0  }
0x109: {  	s1 =	simm.s32 $0xCC0;
	[sflag:s6] =	ssyncadd.s32 $0xFFFFF380;
	s6 =	simm.s32 $0xFFFFFFF8  }
.LBB2_15:
0x10a: {  	v2 =	vld [tilespmem:s1+$0xFFFFFFC0];
	_ =	sdelay $0x7  }
0x10b: {  	[tilespmem:v2+s3+$0x0] =	vst.idx.add.f32.msk $0xffff, v1  }
0x10c: {  	v2 =	vld [tilespmem:s1+$0xFFFFFFD0];
	_ =	sdelay $0x7  }
0x10d: {  	[tilespmem:v2+s3+$0x0] =	vst.idx.add.f32.msk $0xffff, v1  }
0x10e: {  	v2 =	vld [tilespmem:s1+$0xFFFFFFE0];
	_ =	sdelay $0x7  }
0x10f: {  	[tilespmem:v2+s3+$0x0] =	vst.idx.add.f32.msk $0xffff, v1  }
0x110: {  	v2 =	vld [tilespmem:s1+$0xFFFFFFF0];
	_ =	sdelay $0x7  }
0x111: {  	[tilespmem:v2+s3+$0x0] =	vst.idx.add.f32.msk $0xffff, v1  }
0x112: {  	v2 =	vld [tilespmem:s1+$0x0];
	_ =	sdelay $0x7  }
0x113: {  	[tilespmem:v2+s3+$0x0] =	vst.idx.add.f32.msk $0xffff, v1  }
0x114: {  	v2 =	vld [tilespmem:s1+$0x10];
	_ =	sdelay $0x7  }
0x115: {  	[tilespmem:v2+s3+$0x0] =	vst.idx.add.f32.msk $0xffff, v1  }
0x116: {  	v2 =	vld [tilespmem:s1+$0x20];
	_ =	sdelay $0x7  }
0x117: {  	[tilespmem:v2+s3+$0x0] =	vst.idx.add.f32.msk $0xffff, v1  }
0x118: {  	v2 =	vld [tilespmem:s1+$0x30];
	_ =	sdelay $0x1  }
0x119: {  	s6 =	sadd.s32 $0x8, s6  }
0x11a: {  	p0 =	slt.u32 s6, $0xC0  }
.Ltmp7:
0x11b: {  	_ = 	snop;
	(pc) =	sbr.rel @p0 .LBB2_15-.Ltmp7, $2  }
0x11c: {  	_ =	sdelay $0x2  }
0x11d: {  	s1 =	sadd.s32 $0x80, s1;
	[tilespmem:v2+s3+$0x0] =	vst.idx.add.f32.msk $0xffff, v1  }
0x11e: {  	s1 =	sor.u32 $0x800, s29  }
0x11f: {  	s6 =	sadd.s32 s5, s1  }
0x120: {  	[hbm4b:s6+s24] =	stream.strided.scatter [tilespmem:s3], [sflag:$0x6], $0x400, s25, s24, $0x38;
	[tilespmem:$0xB200] =	vst v63  }
0x121: {  	s29 =	sadd.s32 s1, s8  }
0x122: {  	[hbm4b:s29+s24] =	stream.strided.scatter [tilespmem:s26], [sflag:$0x6], $0x400, s25, s24, $0x38;
	[tilespmem:$0xB200] =	vst v63  }
0x123: {  	s26 =	sadd.s32 s1, s9;
	s29 =	simm.s32 $0x7A00  }
0x124: {  	[hbm4b:s26+s24] =	stream.strided.scatter [tilespmem:s29], [sflag:$0x6], $0x400, s25, s24, $0x38;
	[tilespmem:$0xB200] =	vst v63  }
0x125: {  	s26 =	sadd.s32 s1, s10;
	s29 =	simm.s32 $0x7E00  }
0x126: {  	[hbm4b:s26+s24] =	stream.strided.scatter [tilespmem:s29], [sflag:$0x6], $0x400, s25, s24, $0x38;
	[tilespmem:$0xB200] =	vst v63  }
0x127: {  	s26 =	sadd.s32 s1, s11;
	s29 =	simm.s32 $0x8200  }
0x128: {  	[hbm4b:s26+s24] =	stream.strided.scatter [tilespmem:s29], [sflag:$0x6], $0x400, s25, s24, $0x38;
	[tilespmem:$0xB200] =	vst v63  }
0x129: {  	s26 =	sadd.s32 s1, s12;
	s29 =	simm.s32 $0x8600  }
0x12a: {  	[hbm4b:s26+s24] =	stream.strided.scatter [tilespmem:s29], [sflag:$0x6], $0x400, s25, s24, $0x38;
	[tilespmem:$0xB200] =	vst v63  }
0x12b: {  	s26 =	sadd.s32 s1, s13;
	s29 =	simm.s32 $0x8A00  }
0x12c: {  	[hbm4b:s26+s24] =	stream.strided.scatter [tilespmem:s29], [sflag:$0x6], $0x400, s25, s24, $0x38;
	[tilespmem:$0xB200] =	vst v63  }
0x12d: {  	s26 =	sadd.s32 s1, s14;
	s29 =	simm.s32 $0x8E00  }
0x12e: {  	[hbm4b:s26+s24] =	stream.strided.scatter [tilespmem:s29], [sflag:$0x6], $0x400, s25, s24, $0x38;
	[tilespmem:$0xB200] =	vst v63  }
0x12f: {  	s26 =	sadd.s32 s1, s15;
	s29 =	simm.s32 $0x9200  }
0x130: {  	[hbm4b:s26+s24] =	stream.strided.scatter [tilespmem:s29], [sflag:$0x6], $0x400, s25, s24, $0x38;
	[tilespmem:$0xB200] =	vst v63  }
0x131: {  	s26 =	sadd.s32 s1, s16;
	s29 =	simm.s32 $0x9600  }
0x132: {  	[hbm4b:s26+s24] =	stream.strided.scatter [tilespmem:s29], [sflag:$0x6], $0x400, s25, s24, $0x38;
	[tilespmem:$0xB200] =	vst v63  }
0x133: {  	s26 =	sadd.s32 s1, s17;
	s29 =	simm.s32 $0x9A00  }
0x134: {  	[hbm4b:s26+s24] =	stream.strided.scatter [tilespmem:s29], [sflag:$0x6], $0x400, s25, s24, $0x38;
	[tilespmem:$0xB200] =	vst v63  }
0x135: {  	s26 =	sadd.s32 s1, s18;
	s29 =	simm.s32 $0x9E00  }
0x136: {  	[hbm4b:s26+s24] =	stream.strided.scatter [tilespmem:s29], [sflag:$0x6], $0x400, s25, s24, $0x38;
	[tilespmem:$0xB200] =	vst v63  }
0x137: {  	s26 =	sadd.s32 s1, s19;
	s29 =	simm.s32 $0xA200  }
0x138: {  	[hbm4b:s26+s24] =	stream.strided.scatter [tilespmem:s29], [sflag:$0x6], $0x400, s25, s24, $0x38;
	[tilespmem:$0xB200] =	vst v63  }
0x139: {  	s26 =	sadd.s32 s1, s20;
	s29 =	simm.s32 $0xA600  }
0x13a: {  	[hbm4b:s26+s24] =	stream.strided.scatter [tilespmem:s29], [sflag:$0x6], $0x400, s25, s24, $0x38;
	[tilespmem:$0xB200] =	vst v63  }
0x13b: {  	s26 =	sadd.s32 s1, s21;
	s29 =	simm.s32 $0xAA00  }
0x13c: {  	[hbm4b:s26+s24] =	stream.strided.scatter [tilespmem:s29], [sflag:$0x6], $0x400, s25, s24, $0x38;
	[tilespmem:$0xB200] =	vst v63  }
0x13d: {  	s1 =	sadd.s32 s1, s22;
	s29 =	simm.s32 $0xAE00  }
0x13e: {  	[hbm4b:s1+s24] =	stream.strided.scatter [tilespmem:s29], [sflag:$0x6], $0x400, s25, s24, $0x38;
	[tilespmem:$0xB200] =	vst v63  }
0x13f: {  	_ =	swait.ge [sflag:s31], $0x400  }
0x140: {  	[sflag:s31] =	ssyncset.done $0x0  }
0x141: {  	[sflag:s31] =	ssyncadd.s32 $0xFFFFFC00  }
0x142: {  	_ =	swait.ge [sflag:s31], $0x400  }
0x143: {  	[sflag:s31] =	ssyncset.done $0x0  }
0x144: {  	[sflag:s31] =	ssyncadd.s32 $0xFFFFFC00  }
0x145: {  	_ =	swait.ge [sflag:s31], $0x400  }
0x146: {  	[sflag:s31] =	ssyncset.done $0x0  }
0x147: {  	[sflag:s31] =	ssyncadd.s32 $0xFFFFFC00  }
0x148: {  	_ =	swait.ge [sflag:s31], $0x400  }
0x149: {  	[sflag:s31] =	ssyncset.done $0x0  }
0x14a: {  	[sflag:s31] =	ssyncadd.s32 $0xFFFFFC00  }
0x14b: {  	_ =	swait.ge [sflag:s31], $0x400  }
0x14c: {  	[sflag:s31] =	ssyncset.done $0x0  }
0x14d: {  	[sflag:s31] =	ssyncadd.s32 $0xFFFFFC00  }
0x14e: {  	_ =	swait.ge [sflag:s31], $0x400  }
0x14f: {  	[sflag:s31] =	ssyncset.done $0x0  }
0x150: {  	[sflag:s31] =	ssyncadd.s32 $0xFFFFFC00  }
0x151: {  	_ =	swait.ge [sflag:s31], $0x400  }
0x152: {  	[sflag:s31] =	ssyncset.done $0x0  }
0x153: {  	[sflag:s31] =	ssyncadd.s32 $0xFFFFFC00  }
0x154: {  	_ =	swait.ge [sflag:s31], $0x400  }
0x155: {  	[sflag:s31] =	ssyncset.done $0x0  }
0x156: {  	[sflag:s31] =	ssyncadd.s32 $0xFFFFFC00  }
0x157: {  	_ =	swait.ge [sflag:s31], $0x400  }
0x158: {  	[sflag:s31] =	ssyncset.done $0x0  }
0x159: {  	[sflag:s31] =	ssyncadd.s32 $0xFFFFFC00  }
0x15a: {  	_ =	swait.ge [sflag:s31], $0x400  }
0x15b: {  	[sflag:s31] =	ssyncset.done $0x0  }
0x15c: {  	[sflag:s31] =	ssyncadd.s32 $0xFFFFFC00  }
0x15d: {  	_ =	swait.ge [sflag:s31], $0x400  }
0x15e: {  	[sflag:s31] =	ssyncset.done $0x0  }
0x15f: {  	[sflag:s31] =	ssyncadd.s32 $0xFFFFFC00  }
0x160: {  	_ =	swait.ge [sflag:s31], $0x400  }
0x161: {  	[sflag:s31] =	ssyncset.done $0x0  }
0x162: {  	[sflag:s31] =	ssyncadd.s32 $0xFFFFFC00  }
0x163: {  	_ =	swait.ge [sflag:s31], $0x400  }
0x164: {  	[sflag:s31] =	ssyncset.done $0x0  }
0x165: {  	[sflag:s31] =	ssyncadd.s32 $0xFFFFFC00  }
0x166: {  	_ =	swait.ge [sflag:s31], $0x400  }
0x167: {  	[sflag:s31] =	ssyncset.done $0x0  }
0x168: {  	[sflag:s31] =	ssyncadd.s32 $0xFFFFFC00  }
0x169: {  	_ =	swait.ge [sflag:s31], $0x400  }
0x16a: {  	[sflag:s31] =	ssyncset.done $0x0  }
0x16b: {  	[sflag:s31] =	ssyncadd.s32 $0xFFFFFC00  }
0x16c: {  	_ =	swait.ge [sflag:s31], $0x400  }
0x16d: {  	[sflag:s31] =	ssyncset.done $0x0  }
0x16e: {  	s6 =	simm.s32 $0xFFFFFFF8;
	s1 =	simm.s32 $0x40;
	[sflag:s31] =	ssyncadd.s32 $0xFFFFFC00  }
.LBB2_17:
0x16f: {  	v2 =	vld [tilespmem:s1+$0xFFFFFFC0];
	_ =	sdelay $0x7  }
0x170: {  	[tilespmem:v2+s30+$0x0] =	vst.idx.msk $0xffff, v0  }
0x171: {  	v2 =	vld [tilespmem:s1+$0xFFFFFFD0];
	_ =	sdelay $0x7  }
0x172: {  	[tilespmem:v2+s30+$0x0] =	vst.idx.msk $0xffff, v0  }
0x173: {  	v2 =	vld [tilespmem:s1+$0xFFFFFFE0];
	_ =	sdelay $0x7  }
0x174: {  	[tilespmem:v2+s30+$0x0] =	vst.idx.msk $0xffff, v0  }
0x175: {  	v2 =	vld [tilespmem:s1+$0xFFFFFFF0];
	_ =	sdelay $0x7  }
0x176: {  	[tilespmem:v2+s30+$0x0] =	vst.idx.msk $0xffff, v0  }
0x177: {  	v2 =	vld [tilespmem:s1+$0x0];
	_ =	sdelay $0x7  }
0x178: {  	[tilespmem:v2+s30+$0x0] =	vst.idx.msk $0xffff, v0  }
0x179: {  	v2 =	vld [tilespmem:s1+$0x10];
	_ =	sdelay $0x7  }
0x17a: {  	[tilespmem:v2+s30+$0x0] =	vst.idx.msk $0xffff, v0  }
0x17b: {  	v2 =	vld [tilespmem:s1+$0x20];
	_ =	sdelay $0x7  }
0x17c: {  	[tilespmem:v2+s30+$0x0] =	vst.idx.msk $0xffff, v0  }
0x17d: {  	v2 =	vld [tilespmem:s1+$0x30];
	_ =	sdelay $0x1  }
0x17e: {  	s6 =	sadd.s32 $0x8, s6  }
0x17f: {  	p0 =	slt.u32 s6, $0xC0  }
.Ltmp8:
0x180: {  	_ = 	snop;
	(pc) =	sbr.rel @p0 .LBB2_17-.Ltmp8, $2  }
0x181: {  	_ =	sdelay $0x2  }
0x182: {  	s1 =	sadd.s32 $0x80, s1;
	[tilespmem:v2+s30+$0x0] =	vst.idx.msk $0xffff, v0  }
0x183: {  	p0 =	seq.s32 s7, $0x7  }
0x184: {  	s1 =	sor.u32 @!p0 s2, s28  }
0x185: {  	s1 =	sadd.s32 @!p0 $0x2, s1  }
0x186: {  	s6 =	sshrl.u32 @!p0 s1, $0x3  }
0x187: {  	s1 =	sshll.u32 @!p0 s1, $0x7;
	s6 =	smul.u32 @!p0 $0x6400, s6  }
0x188: {  	s1 =	sand.u32 @!p0 $0x200, s1  }
0x189: {  	s1 =	sor.u32 @!p0 s1, s6  }
0x18a: {  	s29 =	simm.s32 @!p0 $0x400;
	s1 =	sshrl.u32 @!p0 s1, $0x3  }
0x18b: {  	s26 =	simm.s32 @!p0 $0x0;
	s6 =	simm.s32 @!p0 $0x80;
	s1 =	sadd.s32 @!p0 s4, s1  }
0x18c: {  	[tilespmem:s26], [sflag:$0x1] =	stream.strided.gather @!p0 [hbm4b:s1+s6], $0xC80, s29, s6, $0x38;
	[tilespmem:$0xB200] =	vst v63  }
0x18d: {  	s29 =	simm.s32 $0x3  }
0x18e: {  	_ =	swait.ge [sflag:s29], $0xC80  }
0x18f: {  	s23 =	sor.u32 $0x3, s23;
	[sflag:s29] =	ssyncset.done $0x0  }
0x190: {  	s6 =	simm.s32 $0xFFFFFFF8;
	s1 =	simm.s32 $0x1940;
	[sflag:s29] =	ssyncadd.s32 $0xFFFFF380  }
.LBB2_19:
0x191: {  	v2 =	vld [tilespmem:s1+$0xFFFFFFC0];
	_ =	sdelay $0x7  }
0x192: {  	[tilespmem:v2+s30+$0x0] =	vst.idx.add.f32.msk $0xffff, v1  }
0x193: {  	v2 =	vld [tilespmem:s1+$0xFFFFFFD0];
	_ =	sdelay $0x7  }
0x194: {  	[tilespmem:v2+s30+$0x0] =	vst.idx.add.f32.msk $0xffff, v1  }
0x195: {  	v2 =	vld [tilespmem:s1+$0xFFFFFFE0];
	_ =	sdelay $0x7  }
0x196: {  	[tilespmem:v2+s30+$0x0] =	vst.idx.add.f32.msk $0xffff, v1  }
0x197: {  	v2 =	vld [tilespmem:s1+$0xFFFFFFF0];
	_ =	sdelay $0x7  }
0x198: {  	[tilespmem:v2+s30+$0x0] =	vst.idx.add.f32.msk $0xffff, v1  }
0x199: {  	v2 =	vld [tilespmem:s1+$0x0];
	_ =	sdelay $0x7  }
0x19a: {  	[tilespmem:v2+s30+$0x0] =	vst.idx.add.f32.msk $0xffff, v1  }
0x19b: {  	v2 =	vld [tilespmem:s1+$0x10];
	_ =	sdelay $0x7  }
0x19c: {  	[tilespmem:v2+s30+$0x0] =	vst.idx.add.f32.msk $0xffff, v1  }
0x19d: {  	v2 =	vld [tilespmem:s1+$0x20];
	_ =	sdelay $0x7  }
0x19e: {  	[tilespmem:v2+s30+$0x0] =	vst.idx.add.f32.msk $0xffff, v1  }
0x19f: {  	v2 =	vld [tilespmem:s1+$0x30];
	_ =	sdelay $0x1  }
0x1a0: {  	s6 =	sadd.s32 $0x8, s6  }
0x1a1: {  	p1 =	slt.u32 s6, $0xC0  }
.Ltmp9:
0x1a2: {  	_ = 	snop;
	(pc) =	sbr.rel @p1 .LBB2_19-.Ltmp9, $2  }
0x1a3: {  	_ =	sdelay $0x2  }
0x1a4: {  	s1 =	sadd.s32 $0x80, s1;
	[tilespmem:v2+s30+$0x0] =	vst.idx.add.f32.msk $0xffff, v1  }
0x1a5: {  	s1 =	sor.u32 s2, s28  }
0x1a6: {  	s1 =	sshll.u32 s1, $0xB  }
0x1a7: {  	s6 =	sadd.s32 s5, s1  }
0x1a8: {  	[hbm4b:s6+s24] =	stream.strided.scatter [tilespmem:s30], [sflag:$0x5], $0x400, s25, s24, $0x38;
	[tilespmem:$0xB200] =	vst v63  }
0x1a9: {  	s26 =	simm.s32 $0x3600;
	s29 =	sadd.s32 s1, s8  }
0x1aa: {  	[hbm4b:s29+s24] =	stream.strided.scatter [tilespmem:s26], [sflag:$0x5], $0x400, s25, s24, $0x38;
	[tilespmem:$0xB200] =	vst v63  }
0x1ab: {  	s28 =	sadd.s32 s1, s9;
	s29 =	simm.s32 $0x3A00  }
0x1ac: {  	[hbm4b:s28+s24] =	stream.strided.scatter [tilespmem:s29], [sflag:$0x5], $0x400, s25, s24, $0x38;
	[tilespmem:$0xB200] =	vst v63  }
0x1ad: {  	s28 =	sadd.s32 s1, s10;
	s29 =	simm.s32 $0x3E00  }
0x1ae: {  	[hbm4b:s28+s24] =	stream.strided.scatter [tilespmem:s29], [sflag:$0x5], $0x400, s25, s24, $0x38;
	[tilespmem:$0xB200] =	vst v63  }
0x1af: {  	s28 =	sadd.s32 s1, s11;
	s29 =	simm.s32 $0x4200  }
0x1b0: {  	[hbm4b:s28+s24] =	stream.strided.scatter [tilespmem:s29], [sflag:$0x5], $0x400, s25, s24, $0x38;
	[tilespmem:$0xB200] =	vst v63  }
0x1b1: {  	s28 =	sadd.s32 s1, s12;
	s29 =	simm.s32 $0x4600  }
0x1b2: {  	[hbm4b:s28+s24] =	stream.strided.scatter [tilespmem:s29], [sflag:$0x5], $0x400, s25, s24, $0x38;
	[tilespmem:$0xB200] =	vst v63  }
0x1b3: {  	s28 =	sadd.s32 s1, s13;
	s29 =	simm.s32 $0x4A00  }
0x1b4: {  	[hbm4b:s28+s24] =	stream.strided.scatter [tilespmem:s29], [sflag:$0x5], $0x400, s25, s24, $0x38;
	[tilespmem:$0xB200] =	vst v63  }
0x1b5: {  	s28 =	sadd.s32 s1, s14;
	s29 =	simm.s32 $0x4E00  }
0x1b6: {  	[hbm4b:s28+s24] =	stream.strided.scatter [tilespmem:s29], [sflag:$0x5], $0x400, s25, s24, $0x38;
	[tilespmem:$0xB200] =	vst v63  }
0x1b7: {  	s28 =	sadd.s32 s1, s15;
	s29 =	simm.s32 $0x5200  }
0x1b8: {  	[hbm4b:s28+s24] =	stream.strided.scatter [tilespmem:s29], [sflag:$0x5], $0x400, s25, s24, $0x38;
	[tilespmem:$0xB200] =	vst v63  }
0x1b9: {  	s28 =	sadd.s32 s1, s16;
	s29 =	simm.s32 $0x5600  }
0x1ba: {  	[hbm4b:s28+s24] =	stream.strided.scatter [tilespmem:s29], [sflag:$0x5], $0x400, s25, s24, $0x38;
	[tilespmem:$0xB200] =	vst v63  }
0x1bb: {  	s28 =	sadd.s32 s1, s17;
	s29 =	simm.s32 $0x5A00  }
0x1bc: {  	[hbm4b:s28+s24] =	stream.strided.scatter [tilespmem:s29], [sflag:$0x5], $0x400, s25, s24, $0x38;
	[tilespmem:$0xB200] =	vst v63  }
0x1bd: {  	s28 =	sadd.s32 s1, s18;
	s29 =	simm.s32 $0x5E00  }
0x1be: {  	[hbm4b:s28+s24] =	stream.strided.scatter [tilespmem:s29], [sflag:$0x5], $0x400, s25, s24, $0x38;
	[tilespmem:$0xB200] =	vst v63  }
0x1bf: {  	s28 =	sadd.s32 s1, s19;
	s29 =	simm.s32 $0x6200  }
0x1c0: {  	[hbm4b:s28+s24] =	stream.strided.scatter [tilespmem:s29], [sflag:$0x5], $0x400, s25, s24, $0x38;
	[tilespmem:$0xB200] =	vst v63  }
0x1c1: {  	s28 =	sadd.s32 s1, s20;
	s29 =	simm.s32 $0x6600  }
0x1c2: {  	[hbm4b:s28+s24] =	stream.strided.scatter [tilespmem:s29], [sflag:$0x5], $0x400, s25, s24, $0x38;
	[tilespmem:$0xB200] =	vst v63  }
0x1c3: {  	s26 =	sadd.s32 s1, s21;
	s28 =	simm.s32 $0x6A00  }
0x1c4: {  	[hbm4b:s26+s24] =	stream.strided.scatter [tilespmem:s28], [sflag:$0x5], $0x400, s25, s24, $0x38;
	[tilespmem:$0xB200] =	vst v63  }
0x1c5: {  	s1 =	sadd.s32 s1, s22;
	s29 =	simm.s32 $0x6E00  }
0x1c6: {  	[hbm4b:s1+s24] =	stream.strided.scatter [tilespmem:s29], [sflag:$0x5], $0x400, s25, s24, $0x38;
	[tilespmem:$0xB200] =	vst v63  }
0x1c7: {  	_ =	swait.ge [sflag:s0], $0x400  }
0x1c8: {  	[sflag:s0] =	ssyncset.done $0x0  }
0x1c9: {  	[sflag:s0] =	ssyncadd.s32 $0xFFFFFC00  }
0x1ca: {  	_ =	swait.ge [sflag:s0], $0x400  }
0x1cb: {  	[sflag:s0] =	ssyncset.done $0x0  }
0x1cc: {  	[sflag:s0] =	ssyncadd.s32 $0xFFFFFC00  }
0x1cd: {  	_ =	swait.ge [sflag:s0], $0x400  }
0x1ce: {  	[sflag:s0] =	ssyncset.done $0x0  }
0x1cf: {  	[sflag:s0] =	ssyncadd.s32 $0xFFFFFC00  }
0x1d0: {  	_ =	swait.ge [sflag:s0], $0x400  }
0x1d1: {  	[sflag:s0] =	ssyncset.done $0x0  }
0x1d2: {  	[sflag:s0] =	ssyncadd.s32 $0xFFFFFC00  }
0x1d3: {  	_ =	swait.ge [sflag:s0], $0x400  }
0x1d4: {  	[sflag:s0] =	ssyncset.done $0x0  }
0x1d5: {  	[sflag:s0] =	ssyncadd.s32 $0xFFFFFC00  }
0x1d6: {  	_ =	swait.ge [sflag:s0], $0x400  }
0x1d7: {  	[sflag:s0] =	ssyncset.done $0x0  }
0x1d8: {  	[sflag:s0] =	ssyncadd.s32 $0xFFFFFC00  }
0x1d9: {  	_ =	swait.ge [sflag:s0], $0x400  }
0x1da: {  	[sflag:s0] =	ssyncset.done $0x0  }
0x1db: {  	[sflag:s0] =	ssyncadd.s32 $0xFFFFFC00  }
0x1dc: {  	_ =	swait.ge [sflag:s0], $0x400  }
0x1dd: {  	[sflag:s0] =	ssyncset.done $0x0  }
0x1de: {  	[sflag:s0] =	ssyncadd.s32 $0xFFFFFC00  }
0x1df: {  	_ =	swait.ge [sflag:s0], $0x400  }
0x1e0: {  	[sflag:s0] =	ssyncset.done $0x0  }
0x1e1: {  	[sflag:s0] =	ssyncadd.s32 $0xFFFFFC00  }
0x1e2: {  	_ =	swait.ge [sflag:s0], $0x400  }
0x1e3: {  	[sflag:s0] =	ssyncset.done $0x0  }
0x1e4: {  	[sflag:s0] =	ssyncadd.s32 $0xFFFFFC00  }
0x1e5: {  	_ =	swait.ge [sflag:s0], $0x400  }
0x1e6: {  	[sflag:s0] =	ssyncset.done $0x0  }
0x1e7: {  	[sflag:s0] =	ssyncadd.s32 $0xFFFFFC00  }
0x1e8: {  	_ =	swait.ge [sflag:s0], $0x400  }
0x1e9: {  	[sflag:s0] =	ssyncset.done $0x0  }
0x1ea: {  	[sflag:s0] =	ssyncadd.s32 $0xFFFFFC00  }
0x1eb: {  	_ =	swait.ge [sflag:s0], $0x400  }
0x1ec: {  	[sflag:s0] =	ssyncset.done $0x0  }
0x1ed: {  	[sflag:s0] =	ssyncadd.s32 $0xFFFFFC00  }
0x1ee: {  	_ =	swait.ge [sflag:s0], $0x400  }
0x1ef: {  	[sflag:s0] =	ssyncset.done $0x0  }
0x1f0: {  	[sflag:s0] =	ssyncadd.s32 $0xFFFFFC00  }
0x1f1: {  	_ =	swait.ge [sflag:s0], $0x400  }
0x1f2: {  	[sflag:s0] =	ssyncset.done $0x0  }
0x1f3: {  	[sflag:s0] =	ssyncadd.s32 $0xFFFFFC00  }
0x1f4: {  	_ =	swait.ge [sflag:s0], $0x400  }
0x1f5: {  	[sflag:s0] =	ssyncset.done $0x0  }
0x1f6: {  	s6 =	simm.s32 $0xFFFFFFF8;
	s1 =	simm.s32 $0xCC0;
	[sflag:s0] =	ssyncadd.s32 $0xFFFFFC00  }
.LBB2_21:
0x1f7: {  	v2 =	vld [tilespmem:s1+$0xFFFFFFC0];
	_ =	sdelay $0x7  }
0x1f8: {  	[tilespmem:v2+s3+$0x0] =	vst.idx.msk $0xffff, v0  }
0x1f9: {  	v2 =	vld [tilespmem:s1+$0xFFFFFFD0];
	_ =	sdelay $0x7  }
0x1fa: {  	[tilespmem:v2+s3+$0x0] =	vst.idx.msk $0xffff, v0  }
0x1fb: {  	v2 =	vld [tilespmem:s1+$0xFFFFFFE0];
	_ =	sdelay $0x7  }
0x1fc: {  	[tilespmem:v2+s3+$0x0] =	vst.idx.msk $0xffff, v0  }
0x1fd: {  	v2 =	vld [tilespmem:s1+$0xFFFFFFF0];
	_ =	sdelay $0x7  }
0x1fe: {  	[tilespmem:v2+s3+$0x0] =	vst.idx.msk $0xffff, v0  }
0x1ff: {  	v2 =	vld [tilespmem:s1+$0x0];
	_ =	sdelay $0x7  }
0x200: {  	[tilespmem:v2+s3+$0x0] =	vst.idx.msk $0xffff, v0  }
0x201: {  	v2 =	vld [tilespmem:s1+$0x10];
	_ =	sdelay $0x7  }
0x202: {  	[tilespmem:v2+s3+$0x0] =	vst.idx.msk $0xffff, v0  }
0x203: {  	v2 =	vld [tilespmem:s1+$0x20];
	_ =	sdelay $0x7  }
0x204: {  	[tilespmem:v2+s3+$0x0] =	vst.idx.msk $0xffff, v0  }
0x205: {  	v2 =	vld [tilespmem:s1+$0x30];
	_ =	sdelay $0x1  }
0x206: {  	s6 =	sadd.s32 $0x8, s6  }
0x207: {  	p1 =	slt.u32 s6, $0xC0  }
.Ltmp10:
0x208: {  	_ = 	snop;
	(pc) =	sbr.rel @p1 .LBB2_21-.Ltmp10, $2  }
0x209: {  	_ =	sdelay $0x2  }
0x20a: {  	s1 =	sadd.s32 $0x80, s1;
	[tilespmem:v2+s3+$0x0] =	vst.idx.msk $0xffff, v0  }
0x20b: {  	s1 =	sor.u32 @!p0 s2, s23  }
0x20c: {  	s1 =	sadd.s32 @!p0 $0x2, s1  }
0x20d: {  	s6 =	sshrl.u32 @!p0 s1, $0x3  }
0x20e: {  	s1 =	sshll.u32 @!p0 s1, $0x7;
	s6 =	smul.u32 @!p0 $0x6400, s6  }
0x20f: {  	s1 =	sand.u32 @!p0 $0x280, s1  }
0x210: {  	s1 =	sor.u32 @!p0 s1, s6  }
0x211: {  	s26 =	simm.s32 @!p0 $0x400;
	s28 =	simm.s32 @!p0 $0xC80;
	s1 =	sshrl.u32 @!p0 s1, $0x3  }
0x212: {  	s29 =	simm.s32 $0x4;
	s6 =	simm.s32 @!p0 $0x80;
	s1 =	sadd.s32 @!p0 s4, s1  }
0x213: {  	[tilespmem:s28], [sflag:$0x2] =	stream.strided.gather @!p0 [hbm4b:s1+s6], $0xC80, s26, s6, $0x38;
	[tilespmem:$0xB200] =	vst v63  }
0x214: {  	_ =	swait.ge [sflag:s29], $0xC80  }
0x215: {  	[sflag:s29] =	ssyncset.done $0x0  }
0x216: {  	s6 =	simm.s32 $0xFFFFFFF8;
	s1 =	simm.s32 $0x25C0;
	[sflag:s29] =	ssyncadd.s32 $0xFFFFF380  }
.LBB2_23:
0x217: {  	v2 =	vld [tilespmem:s1+$0xFFFFFFC0];
	_ =	sdelay $0x7  }
0x218: {  	[tilespmem:v2+s3+$0x0] =	vst.idx.add.f32.msk $0xffff, v1  }
0x219: {  	v2 =	vld [tilespmem:s1+$0xFFFFFFD0];
	_ =	sdelay $0x7  }
0x21a: {  	[tilespmem:v2+s3+$0x0] =	vst.idx.add.f32.msk $0xffff, v1  }
0x21b: {  	v2 =	vld [tilespmem:s1+$0xFFFFFFE0];
	_ =	sdelay $0x7  }
0x21c: {  	[tilespmem:v2+s3+$0x0] =	vst.idx.add.f32.msk $0xffff, v1  }
0x21d: {  	v2 =	vld [tilespmem:s1+$0xFFFFFFF0];
	_ =	sdelay $0x7  }
0x21e: {  	[tilespmem:v2+s3+$0x0] =	vst.idx.add.f32.msk $0xffff, v1  }
0x21f: {  	v2 =	vld [tilespmem:s1+$0x0];
	_ =	sdelay $0x7  }
0x220: {  	[tilespmem:v2+s3+$0x0] =	vst.idx.add.f32.msk $0xffff, v1  }
0x221: {  	v2 =	vld [tilespmem:s1+$0x10];
	_ =	sdelay $0x7  }
0x222: {  	[tilespmem:v2+s3+$0x0] =	vst.idx.add.f32.msk $0xffff, v1  }
0x223: {  	v2 =	vld [tilespmem:s1+$0x20];
	_ =	sdelay $0x7  }
0x224: {  	[tilespmem:v2+s3+$0x0] =	vst.idx.add.f32.msk $0xffff, v1  }
0x225: {  	v2 =	vld [tilespmem:s1+$0x30];
	_ =	sdelay $0x1  }
0x226: {  	s6 =	sadd.s32 $0x8, s6  }
0x227: {  	p0 =	slt.u32 s6, $0xC0  }
.Ltmp11:
0x228: {  	_ = 	snop;
	(pc) =	sbr.rel @p0 .LBB2_23-.Ltmp11, $2  }
0x229: {  	_ =	sdelay $0x2  }
0x22a: {  	s1 =	sadd.s32 $0x80, s1;
	[tilespmem:v2+s3+$0x0] =	vst.idx.add.f32.msk $0xffff, v1  }
0x22b: {  	s1 =	sor.u32 s2, s23  }
0x22c: {  	s1 =	sshll.u32 s1, $0xB  }
0x22d: {  	s6 =	sadd.s32 s5, s1  }
0x22e: {  	[hbm4b:s6+s24] =	stream.strided.scatter [tilespmem:s3], [sflag:$0x6], $0x400, s25, s24, $0x38;
	[tilespmem:$0xB200] =	vst v63  }
0x22f: {  	s26 =	simm.s32 $0x7600;
	s23 =	sadd.s32 s1, s8  }
0x230: {  	[hbm4b:s23+s24] =	stream.strided.scatter [tilespmem:s26], [sflag:$0x6], $0x400, s25, s24, $0x38;
	[tilespmem:$0xB200] =	vst v63  }
0x231: {  	s29 =	simm.s32 $0x7A00;
	s28 =	sadd.s32 s1, s9  }
0x232: {  	[hbm4b:s28+s24] =	stream.strided.scatter [tilespmem:s29], [sflag:$0x6], $0x400, s25, s24, $0x38;
	[tilespmem:$0xB200] =	vst v63  }
0x233: {  	s28 =	sadd.s32 s1, s10;
	s29 =	simm.s32 $0x7E00  }
0x234: {  	[hbm4b:s28+s24] =	stream.strided.scatter [tilespmem:s29], [sflag:$0x6], $0x400, s25, s24, $0x38;
	[tilespmem:$0xB200] =	vst v63  }
0x235: {  	s28 =	sadd.s32 s1, s11;
	s29 =	simm.s32 $0x8200  }
0x236: {  	[hbm4b:s28+s24] =	stream.strided.scatter [tilespmem:s29], [sflag:$0x6], $0x400, s25, s24, $0x38;
	[tilespmem:$0xB200] =	vst v63  }
0x237: {  	s28 =	sadd.s32 s1, s12;
	s29 =	simm.s32 $0x8600  }
0x238: {  	[hbm4b:s28+s24] =	stream.strided.scatter [tilespmem:s29], [sflag:$0x6], $0x400, s25, s24, $0x38;
	[tilespmem:$0xB200] =	vst v63  }
0x239: {  	s28 =	sadd.s32 s1, s13;
	s29 =	simm.s32 $0x8A00  }
0x23a: {  	[hbm4b:s28+s24] =	stream.strided.scatter [tilespmem:s29], [sflag:$0x6], $0x400, s25, s24, $0x38;
	[tilespmem:$0xB200] =	vst v63  }
0x23b: {  	s28 =	sadd.s32 s1, s14;
	s29 =	simm.s32 $0x8E00  }
0x23c: {  	[hbm4b:s28+s24] =	stream.strided.scatter [tilespmem:s29], [sflag:$0x6], $0x400, s25, s24, $0x38;
	[tilespmem:$0xB200] =	vst v63  }
0x23d: {  	s28 =	sadd.s32 s1, s15;
	s29 =	simm.s32 $0x9200  }
0x23e: {  	[hbm4b:s28+s24] =	stream.strided.scatter [tilespmem:s29], [sflag:$0x6], $0x400, s25, s24, $0x38;
	[tilespmem:$0xB200] =	vst v63  }
0x23f: {  	s28 =	sadd.s32 s1, s16;
	s29 =	simm.s32 $0x9600  }
0x240: {  	[hbm4b:s28+s24] =	stream.strided.scatter [tilespmem:s29], [sflag:$0x6], $0x400, s25, s24, $0x38;
	[tilespmem:$0xB200] =	vst v63  }
0x241: {  	s28 =	sadd.s32 s1, s17;
	s29 =	simm.s32 $0x9A00  }
0x242: {  	[hbm4b:s28+s24] =	stream.strided.scatter [tilespmem:s29], [sflag:$0x6], $0x400, s25, s24, $0x38;
	[tilespmem:$0xB200] =	vst v63  }
0x243: {  	s28 =	sadd.s32 s1, s18;
	s29 =	simm.s32 $0x9E00  }
0x244: {  	[hbm4b:s28+s24] =	stream.strided.scatter [tilespmem:s29], [sflag:$0x6], $0x400, s25, s24, $0x38;
	[tilespmem:$0xB200] =	vst v63  }
0x245: {  	s7 =	sadd.s32 $0x1, s7;
	s28 =	sadd.s32 s1, s19;
	s29 =	simm.s32 $0xA200  }
0x246: {  	[hbm4b:s28+s24] =	stream.strided.scatter [tilespmem:s29], [sflag:$0x6], $0x400, s25, s24, $0x38;
	[tilespmem:$0xB200] =	vst v63  }
0x247: {  	p0 =	sne.s32 s7, $0x8;
	s28 =	sadd.s32 s1, s20;
	s29 =	simm.s32 $0xA600  }
0x248: {  	[hbm4b:s28+s24] =	stream.strided.scatter [tilespmem:s29], [sflag:$0x6], $0x400, s25, s24, $0x38;
	[tilespmem:$0xB200] =	vst v63  }
.Ltmp12:
0x249: {  	_ = 	snop;
	(pc) =	sbr.rel @p0 .LBB2_6-.Ltmp12, $4  }
0x24a: {  	s23 =	sadd.s32 s1, s21;
	s28 =	simm.s32 $0xAA00  }
0x24b: {  	[hbm4b:s23+s24] =	stream.strided.scatter [tilespmem:s28], [sflag:$0x6], $0x400, s25, s24, $0x38;
	[tilespmem:$0xB200] =	vst v63  }
0x24c: {  	s1 =	sadd.s32 s1, s22;
	s29 =	simm.s32 $0xAE00  }
0x24d: {  	[hbm4b:s1+s24] =	stream.strided.scatter [tilespmem:s29], [sflag:$0x6], $0x400, s25, s24, $0x38;
	[tilespmem:$0xB200] =	vst v63  }
0x24e: {  	_ =	swait.ge [sflag:s31], $0x400  }
0x24f: {  	[sflag:s31] =	ssyncset.done $0x0  }
0x250: {  	[sflag:s31] =	ssyncadd.s32 $0xFFFFFC00  }
0x251: {  	_ =	swait.ge [sflag:s31], $0x400  }
0x252: {  	[sflag:s31] =	ssyncset.done $0x0  }
0x253: {  	[sflag:s31] =	ssyncadd.s32 $0xFFFFFC00  }
0x254: {  	_ =	swait.ge [sflag:s31], $0x400  }
0x255: {  	[sflag:s31] =	ssyncset.done $0x0  }
0x256: {  	[sflag:s31] =	ssyncadd.s32 $0xFFFFFC00  }
0x257: {  	_ =	swait.ge [sflag:s31], $0x400  }
0x258: {  	[sflag:s31] =	ssyncset.done $0x0  }
0x259: {  	[sflag:s31] =	ssyncadd.s32 $0xFFFFFC00  }
0x25a: {  	_ =	swait.ge [sflag:s31], $0x400  }
0x25b: {  	[sflag:s31] =	ssyncset.done $0x0  }
0x25c: {  	[sflag:s31] =	ssyncadd.s32 $0xFFFFFC00  }
0x25d: {  	_ =	swait.ge [sflag:s31], $0x400  }
0x25e: {  	[sflag:s31] =	ssyncset.done $0x0  }
0x25f: {  	[sflag:s31] =	ssyncadd.s32 $0xFFFFFC00  }
0x260: {  	_ =	swait.ge [sflag:s31], $0x400  }
0x261: {  	[sflag:s31] =	ssyncset.done $0x0  }
0x262: {  	[sflag:s31] =	ssyncadd.s32 $0xFFFFFC00  }
0x263: {  	_ =	swait.ge [sflag:s31], $0x400  }
0x264: {  	[sflag:s31] =	ssyncset.done $0x0  }
0x265: {  	[sflag:s31] =	ssyncadd.s32 $0xFFFFFC00  }
0x266: {  	_ =	swait.ge [sflag:s31], $0x400  }
0x267: {  	[sflag:s31] =	ssyncset.done $0x0  }
0x268: {  	[sflag:s31] =	ssyncadd.s32 $0xFFFFFC00  }
0x269: {  	_ =	swait.ge [sflag:s31], $0x400  }
0x26a: {  	[sflag:s31] =	ssyncset.done $0x0  }
0x26b: {  	[sflag:s31] =	ssyncadd.s32 $0xFFFFFC00  }
0x26c: {  	_ =	swait.ge [sflag:s31], $0x400  }
0x26d: {  	[sflag:s31] =	ssyncset.done $0x0  }
0x26e: {  	[sflag:s31] =	ssyncadd.s32 $0xFFFFFC00  }
0x26f: {  	_ =	swait.ge [sflag:s31], $0x400  }
0x270: {  	[sflag:s31] =	ssyncset.done $0x0  }
0x271: {  	[sflag:s31] =	ssyncadd.s32 $0xFFFFFC00  }
0x272: {  	_ =	swait.ge [sflag:s31], $0x400  }
0x273: {  	[sflag:s31] =	ssyncset.done $0x0  }
0x274: {  	[sflag:s31] =	ssyncadd.s32 $0xFFFFFC00  }
0x275: {  	_ =	swait.ge [sflag:s31], $0x400  }
0x276: {  	[sflag:s31] =	ssyncset.done $0x0  }
0x277: {  	[sflag:s31] =	ssyncadd.s32 $0xFFFFFC00  }
0x278: {  	_ =	swait.ge [sflag:s31], $0x400  }
0x279: {  	[sflag:s31] =	ssyncset.done $0x0  }
0x27a: {  	[sflag:s31] =	ssyncadd.s32 $0xFFFFFC00  }
0x27b: {  	_ =	swait.ge [sflag:s31], $0x400  }
0x27c: {  	[sflag:s31] =	ssyncset.done $0x0  }
0x27d: {  	[sflag:s31] =	ssyncadd.s32 $0xFFFFFC00  }
0x27e: {  	_ =	swait.ge [sflag:s0], $0x400  }
0x27f: {  	[sflag:s0] =	ssyncset.done $0x0  }
0x280: {  	[sflag:s0] =	ssyncadd.s32 $0xFFFFFC00  }
0x281: {  	_ =	swait.ge [sflag:s0], $0x400  }
0x282: {  	[sflag:s0] =	ssyncset.done $0x0  }
0x283: {  	[sflag:s0] =	ssyncadd.s32 $0xFFFFFC00  }
0x284: {  	_ =	swait.ge [sflag:s0], $0x400  }
0x285: {  	[sflag:s0] =	ssyncset.done $0x0  }
0x286: {  	[sflag:s0] =	ssyncadd.s32 $0xFFFFFC00  }
0x287: {  	_ =	swait.ge [sflag:s0], $0x400  }
0x288: {  	[sflag:s0] =	ssyncset.done $0x0  }
0x289: {  	[sflag:s0] =	ssyncadd.s32 $0xFFFFFC00  }
0x28a: {  	_ =	swait.ge [sflag:s0], $0x400  }
0x28b: {  	[sflag:s0] =	ssyncset.done $0x0  }
0x28c: {  	[sflag:s0] =	ssyncadd.s32 $0xFFFFFC00  }
0x28d: {  	_ =	swait.ge [sflag:s0], $0x400  }
0x28e: {  	[sflag:s0] =	ssyncset.done $0x0  }
0x28f: {  	[sflag:s0] =	ssyncadd.s32 $0xFFFFFC00  }
0x290: {  	_ =	swait.ge [sflag:s0], $0x400  }
0x291: {  	[sflag:s0] =	ssyncset.done $0x0  }
0x292: {  	[sflag:s0] =	ssyncadd.s32 $0xFFFFFC00  }
0x293: {  	_ =	swait.ge [sflag:s0], $0x400  }
0x294: {  	[sflag:s0] =	ssyncset.done $0x0  }
0x295: {  	[sflag:s0] =	ssyncadd.s32 $0xFFFFFC00  }
0x296: {  	_ =	swait.ge [sflag:s0], $0x400  }
0x297: {  	[sflag:s0] =	ssyncset.done $0x0  }
0x298: {  	[sflag:s0] =	ssyncadd.s32 $0xFFFFFC00  }
0x299: {  	_ =	swait.ge [sflag:s0], $0x400  }
0x29a: {  	[sflag:s0] =	ssyncset.done $0x0  }
0x29b: {  	[sflag:s0] =	ssyncadd.s32 $0xFFFFFC00  }
0x29c: {  	_ =	swait.ge [sflag:s0], $0x400  }
0x29d: {  	[sflag:s0] =	ssyncset.done $0x0  }
0x29e: {  	[sflag:s0] =	ssyncadd.s32 $0xFFFFFC00  }
0x29f: {  	_ =	swait.ge [sflag:s0], $0x400  }
0x2a0: {  	[sflag:s0] =	ssyncset.done $0x0  }
0x2a1: {  	[sflag:s0] =	ssyncadd.s32 $0xFFFFFC00  }
0x2a2: {  	_ =	swait.ge [sflag:s0], $0x400  }
0x2a3: {  	[sflag:s0] =	ssyncset.done $0x0  }
0x2a4: {  	[sflag:s0] =	ssyncadd.s32 $0xFFFFFC00  }
0x2a5: {  	_ =	swait.ge [sflag:s0], $0x400  }
0x2a6: {  	[sflag:s0] =	ssyncset.done $0x0  }
0x2a7: {  	[sflag:s0] =	ssyncadd.s32 $0xFFFFFC00  }
0x2a8: {  	_ =	swait.ge [sflag:s0], $0x400  }
0x2a9: {  	[sflag:s0] =	ssyncset.done $0x0  }
0x2aa: {  	[sflag:s0] =	ssyncadd.s32 $0xFFFFFC00  }
0x2ab: {  	_ =	swait.ge [sflag:s0], $0x400  }
0x2ac: {  	s7 =	rddreg [dreg:$0x2]  }
0x2ad: {  	s1 =	rddreg [dreg:$0x5];
	s7 =	sadd.s32 $0x1, s7  }
0x2ae: {  	p0 =	sne.s32 s7, s1  }
.Ltmp13:
0x2af: {  	_ = 	snop;
	(pc) =	sbr.rel @p0 .LBB2_1-.Ltmp13, $3  }
0x2b0: {  	_ =	sdelay $0x1  }
0x2b1: {  	[sflag:s0] =	ssyncset.done $0x0  }
0x2b2: {  	[sflag:s0] =	ssyncadd.s32 $0xFFFFFC00  }
0x2b3: {  	_ =	sfence.sel $0x180000  }
0x2b4: {  	[bflag:$0x0] =	sbarrier.arrive $0xFFFF  }
0x2b5: {  	_ =	strace $0x90000047  }
0x2b6: {  	s0 =	stileid.u32;
	[bflag:$0x2] =	sbarrier.arrive $0xFFFF  }
0x2b7: {  	p0 =	sne.s32 s0, $0x0;
	s0 =	rddreg [dreg:$0x1]  }
0x2b8: {  	s0 =	sadd.s32 @!p0 $0x100000, s0  }
0x2b9: {  	[sflag:s0] =	ssyncadd.tile.s32 @!p0 $0x1;
	_ =	shalt  }
.Lfunc_end2:
_tile_overlayer_lowered:
.L_overlay_start_2:
0x2ba: {  	(tag) =	ssettag $0x2  }
0x2bb: {  	s0 =	rddreg [dreg:$0x0];
	s2 =	stileid.u32  }
0x2bc: {  	s1 =	rddreg [dreg:$0x1];
	p0 =	sne.s32 s2, $0x0  }
0x2bd: {  	s3 =	rddreg [dreg:$0x2];
	[bflag:$0x3] =	sbarrier.arrive $0xFFFF;
	s2 =	simm.s32 @!p0 $0x1C07  }
0x2be: {  	[timem:s3], [sflag:s2] =	dma.local @!p0 [hbm:s0], s1  }
0x2bf: {  	s0 =	simm.s32 @!p0 $0x7  }
0x2c0: {  	_ =	swait.ge @!p0 [sflag:s0], s1  }
0x2c1: {  	s1 =	ssub.s32 @!p0 $0x0, s1;
	[sflag:s0] =	ssyncset.done @!p0 $0x0  }
0x2c2: {  	[sflag:s0] =	ssyncadd.s32 @!p0 s1  }
0x2c3: {  	[bflag:$0x3] =	sbarrier.arrive $0xFFFF  }
0x2c4: {  	_ =	shalt  }

</sc_bundles>
